<compile_context>
chip_gen: v7x
topology: tpu7x:2x2x1
jax: 0.10.2.dev20260603
libtpu: 0.0.44.dev20260713+nightly
codegen_flags: <defaults>
</compile_context>

<pallas_src>
import functools

import jax
import jax.numpy as jnp
from jax import lax
from jax.experimental import pallas as pl
from jax.experimental.pallas import tpu as pltpu
from jax.experimental.pallas import tpu_sc as plsc

NB = 4096
W = 8192
NBH = 2 * W
HI = 8.0
SCALE = NB / HI
KC = W + NB
L = 16
CH = 8192
ROWS = CH // 512
N_HALF = 131072
N_CHUNKS = N_HALF // CH
UNROLL = 8
SH_PER = 3 * NB + W


def _lovasz_sc_kernel(logits_hbm, labels_hbm, out_hbm,
                      lg0, lg1, lb0, lb1, h2, se2, part,
                      obuf, shared, sem0, sem1):
    c_ax = lax.axis_index("c")
    s_ax = lax.axis_index("s")
    img = c_ax * 8 + s_ax // 2
    half = s_ax % 2

    zeros = jnp.zeros((L,), jnp.float32)
    ones = jnp.full((L,), 1.0, jnp.float32)

    row_base = half * (N_HALF // 512)
    lg = (lg0, lg1)
    lb = (lb0, lb1)
    sems = (sem0, sem1)

    def issue(ci, slot):
        r0 = row_base + ci * ROWS
        pltpu.async_copy(logits_hbm.at[img, 0, pl.ds(r0, ROWS), :],
                         lg[slot], sems[slot])
        pltpu.async_copy(labels_hbm.at[img, 0, pl.ds(r0, ROWS), :],
                         lb[slot], sems[slot])

    def wait(slot):
        pltpu.make_async_copy(logits_hbm.at[img, 0, pl.ds(0, ROWS), :],
                              lg[slot], sems[slot]).wait()
        pltpu.make_async_copy(labels_hbm.at[img, 0, pl.ds(0, ROWS), :],
                              lb[slot], sems[slot]).wait()

    issue(0, 0)

    def zero_body(i, _):
        sl = pl.ds(i * L, L)
        h2[sl] = zeros
        se2[sl] = zeros
        return 0
    lax.fori_loop(0, NBH // L, zero_body, 0)

    def chunk_compute(slot):
        lgb, lbb = lg[slot], lb[slot]

        def vec_body(v):
            r = lax.shift_right_logical(v, 5)
            cc = lax.shift_left(jnp.bitwise_and(v, 31), 4)
            sl = pl.ds(cc, L)
            x = lgb[r, sl]
            t = lbb[r, sl]
            a = x * SCALE + (SCALE + 1.0 + W)
            b = x * (2.0 * SCALE) + float(W)
            k3 = a - t * b
            idx = KC - k3.astype(jnp.int32)
            plsc.addupdate_scatter(h2, [idx], ones)
            plsc.addupdate_scatter(se2, [idx], k3)
        plsc.parallel_loop(0, CH // L, 1, unroll=UNROLL)(vec_body)

    for ci in range(N_CHUNKS):
        slot = ci % 2
        wait(slot)
        if ci + 1 < N_CHUNKS:
            issue(ci + 1, 1 - slot)
        chunk_compute(slot)

    srow = s_ax * SH_PER
    pltpu.sync_copy(h2.at[pl.ds(0, NB)], shared.at[pl.ds(srow, NB)])
    pltpu.sync_copy(h2.at[pl.ds(W, W)], shared.at[pl.ds(srow + NB, W)])
    pltpu.sync_copy(se2.at[pl.ds(0, NB)],
                    shared.at[pl.ds(srow + NB + W, NB)])
    pltpu.sync_copy(se2.at[pl.ds(W, NB)],
                    shared.at[pl.ds(srow + 2 * NB + W, NB)])
    plsc.subcore_barrier()

    @pl.when(half == 0)
    def _():
        prow = (s_ax + 1) * SH_PER
        pltpu.sync_copy(shared.at[pl.ds(prow, SH_PER)], part)

        def gsum_body(i, g):
            return (g + h2[pl.ds(W + i * L, L)]
                    + part[pl.ds(NB + i * L, L)])
        G = jnp.sum(lax.fori_loop(0, W // L, gsum_body, zeros))

        def scan_body(i, carry):
            i_run, p_run, acc = carry
            sl = i * L
            c0 = h2[pl.ds(sl, L)] + part[pl.ds(sl, L)]
            c1 = h2[pl.ds(W + sl, L)] + part[pl.ds(NB + sl, L)]
            s0 = se2[pl.ds(sl, L)] + part[pl.ds(NB + W + sl, L)]
            s1 = se2[pl.ds(W + sl, L)] + part[pl.ds(2 * NB + W + sl, L)]
            c = c0 + c1
            s = ((s0 + s1) - (float(W) + 1.0) * c0 - c1) * (1.0 / SCALE)
            I = plsc.cumsum(c) + i_run
            P = plsc.cumsum(c1) + p_run
            I0 = I - c
            P0 = P - c1
            J1 = jnp.where(I > 0.0,
                           1.0 - (G - P) / jnp.maximum(G + I - P, 1.0), 0.0)
            J0 = jnp.where(I0 > 0.0,
                           1.0 - (G - P0) / jnp.maximum(G + I0 - P0, 1.0), 0.0)
            acc = acc + (s / jnp.maximum(c, 1.0)) * (J1 - J0)
            return (i_run + jnp.sum(c), p_run + jnp.sum(c1), acc)

        init = (jnp.float32(0.0), jnp.float32(0.0), zeros)
        _, _, acc = lax.fori_loop(0, NB // L, scan_body, init)
        loss = jnp.sum(acc)
        obuf[pl.ds(0, L)] = jnp.broadcast_to(loss, (L,))
        pltpu.sync_copy(obuf, out_hbm.at[pl.ds(img * L, L)])


@jax.jit
def _lovasz_sc(logits, labels):
    mesh = plsc.VectorSubcoreMesh(core_axis_name="c", subcore_axis_name="s")
    f = functools.partial(
        pl.kernel,
        out_type=jax.ShapeDtypeStruct((16 * L,), jnp.float32),
        mesh=mesh,
        compiler_params=pltpu.CompilerParams(needs_layout_passes=False),
        scratch_types=[
            pltpu.VMEM((ROWS, 512), jnp.float32),
            pltpu.VMEM((ROWS, 512), jnp.float32),
            pltpu.VMEM((ROWS, 512), jnp.float32),
            pltpu.VMEM((ROWS, 512), jnp.float32),
            pltpu.VMEM((NBH,), jnp.float32),
            pltpu.VMEM((NBH,), jnp.float32),
            pltpu.VMEM((SH_PER,), jnp.float32),
            pltpu.VMEM((L,), jnp.float32),
            pltpu.VMEM_SHARED((16 * SH_PER,), jnp.float32),
            pltpu.SemaphoreType.DMA,
            pltpu.SemaphoreType.DMA,
        ],
    )(_lovasz_sc_kernel)
    return f(logits, labels)


def kernel(y_pred, y_true):
    out = _lovasz_sc(y_pred.astype(jnp.float32), y_true.astype(jnp.float32))
    return jnp.mean(out.reshape(16, L)[:, 0])

# --- scband reference (transcript-rebuilt; emitter-appended) ---
"""Pipeline reference for scband-lovasz-hinge-loss-16595753632466 (READ-ONLY COPY).

The authoritative reference and input builder live on the scoring server;
editing this copy changes nothing except your own understanding.
"""

import jax, jax.numpy as jnp
import numpy as np


def lovasz_grad(gt_sorted):
    gts = jnp.sum(gt_sorted)
    intersection = gts - jnp.cumsum(gt_sorted)
    union = gts + jnp.cumsum(1.0 - gt_sorted)
    jaccard = 1.0 - intersection / union
    jaccard = jnp.concatenate([jaccard[:1], jaccard[1:] - jaccard[:-1]])
    return jaccard


def lovasz_hinge_flat(logits, labels):
    signs = 2.0 * labels - 1.0
    errors = 1.0 - logits * signs
    perm = jnp.argsort(-errors)
    errors_sorted = errors[perm]
    gt_sorted = labels[perm]
    grad = lovasz_grad(gt_sorted)
    return jnp.dot(jax.nn.relu(errors_sorted), grad)


def setup_inputs(seed: int = 0) -> dict:
    key = jax.random.key(seed)
    k1, k2 = jax.random.split(key)
    y_pred = jax.random.normal(k1, (16, 1, 512, 512), dtype=jnp.float32)
    y_true = jax.random.randint(k2, (16, 1, 512, 512), 0, 2).astype(jnp.float32)
    return {"y_pred": y_pred, "y_true": y_true}


def reference(y_pred, y_true):
    inp = jnp.squeeze(y_pred, axis=1).astype(jnp.float32)
    tgt = jnp.squeeze(y_true, axis=1).astype(jnp.float32)
    B = inp.shape[0]
    flat_logits = inp.reshape(B, -1)
    flat_labels = tgt.reshape(B, -1)
    losses = jax.vmap(lovasz_hinge_flat)(flat_logits, flat_labels)
    return jnp.mean(losses)

if __name__ == "__main__":
    import jax
    _d = setup_inputs()
    print(jax.jit(kernel)(*tuple(_d.values())))

</pallas_src>

<mosaic_0001>
#map = affine_map<(d0, d1) -> (0, 0, 0, 0)>
#map1 = affine_map<(d0, d1) -> (0)>
module attributes {stable_mosaic.version = 14 : i64} {
  func.func @_lovasz_sc_kernel(%arg0: i32, %arg1: i32, %arg2: memref<16x1x512x512xf32, #tpu.memory_space<hbm>>, %arg3: memref<16x1x512x512xf32, #tpu.memory_space<hbm>>, %arg4: memref<256xf32, #tpu.memory_space<hbm>>, %arg5: memref<16x512xf32, #tpu.memory_space<vmem>>, %arg6: memref<16x512xf32, #tpu.memory_space<vmem>>, %arg7: memref<16x512xf32, #tpu.memory_space<vmem>>, %arg8: memref<16x512xf32, #tpu.memory_space<vmem>>, %arg9: memref<16384xf32, #tpu.memory_space<vmem>>, %arg10: memref<16384xf32, #tpu.memory_space<vmem>>, %arg11: memref<20480xf32, #tpu.memory_space<vmem>>, %arg12: memref<16xf32, #tpu.memory_space<vmem>>, %arg13: memref<327680xf32, #tpu.memory_space<vmem_shared>>, %arg14: memref<!tpu.dma_semaphore, #tpu.memory_space<semaphore_mem>>, %arg15: memref<!tpu.dma_semaphore, #tpu.memory_space<semaphore_mem>>) attributes {dimension_semantics = [#tpu.dimension_semantics<core_parallel>, #tpu.dimension_semantics<subcore_parallel>], iteration_bounds = array<i64: 2, 16>, scalar_prefetch = 0 : i64, scratch_operands = 11 : i64, tpu.core_type = #tpu.core_type<sc_vector_subcore>, window_params = [{transform_indices = #map}, {transform_indices = #map}, {transform_indices = #map1}]} {
    %mul3A = arith.constant 8 : i32
    %mul3A_0 = arith.muli %arg0, %mul3A : i32
    %jit3A = arith.constant 2 : i32
    %div3A = arith.divsi %arg1, %jit3A : i32
    %sign3A = arith.constant 0 : i32
    %sign3A_1 = arith.cmpi sgt, %arg1, %sign3A : i32
    %sign3A_2 = arith.extui %sign3A_1 : i1 to i32
    %sign3A_3 = arith.constant 0 : i32
    %sign3A_4 = arith.cmpi slt, %arg1, %sign3A_3 : i32
    %sign3A_5 = arith.extui %sign3A_4 : i1 to i32
    %sign3A_6 = arith.subi %sign3A_2, %sign3A_5 : i32
    %sign3A_7 = arith.constant 0 : i32
    %sign3A_8 = arith.cmpi sgt, %jit3A, %sign3A_7 : i32
    %sign3A_9 = arith.extui %sign3A_8 : i1 to i32
    %sign3A_10 = arith.constant 0 : i32
    %sign3A_11 = arith.cmpi slt, %jit3A, %sign3A_10 : i32
    %sign3A_12 = arith.extui %sign3A_11 : i1 to i32
    %sign3A_13 = arith.subi %sign3A_9, %sign3A_12 : i32
    %ne3A = arith.cmpi ne, %sign3A_6, %sign3A_13 : i32
    %rem3A = arith.remsi %arg1, %jit3A : i32
    %ne3A_14 = arith.constant 0 : i32
    %ne3A_15 = arith.cmpi ne, %rem3A, %ne3A_14 : i32
    %and3A = arith.andi %ne3A, %ne3A_15 : i1
    %sub3A = arith.constant 1 : i32
    %sub3A_16 = arith.subi %div3A, %sub3A : i32
    %select_n3A = arith.select %and3A, %sub3A_16, %div3A : i32
    %add3A = arith.addi %mul3A_0, %select_n3A : i32
    %jit3A_17 = arith.constant 2 : i32
    %eq3A = arith.constant 0 : i32
    %eq3A_18 = arith.cmpi eq, %jit3A_17, %eq3A : i32
    %jit3A_19 = arith.constant 1 : i32
    %select_n3A_20 = arith.select %eq3A_18, %jit3A_19, %jit3A_17 : i32
    %rem3A_21 = arith.remsi %arg1, %select_n3A_20 : i32
    %ne3A_22 = arith.constant 0 : i32
    %ne3A_23 = arith.cmpi ne, %rem3A_21, %ne3A_22 : i32
    %lt3A = arith.constant 0 : i32
    %lt3A_24 = arith.cmpi slt, %rem3A_21, %lt3A : i32
    %lt3A_25 = arith.constant 0 : i32
    %lt3A_26 = arith.cmpi slt, %select_n3A_20, %lt3A_25 : i32
    %ne3A_27 = arith.xori %lt3A_24, %lt3A_26 : i1
    %and3A_28 = arith.andi %ne3A_27, %ne3A_23 : i1
    %add3A_29 = arith.addi %rem3A_21, %select_n3A_20 : i32
    %select_n3A_30 = arith.select %and3A_28, %add3A_29, %rem3A_21 : i32
    %broadcast_in_dim3A = arith.constant 0.000000e+00 : f32
    %broadcast_in_dim3A_31 = vector.broadcast %broadcast_in_dim3A : f32 to vector<16xf32>
    %broadcast_in_dim3A_32 = arith.constant 1.000000e+00 : f32
    %broadcast_in_dim3A_33 = vector.broadcast %broadcast_in_dim3A_32 : f32 to vector<16xf32>
    %mul3A_34 = arith.constant 256 : i32
    %mul3A_35 = arith.muli %select_n3A_30, %mul3A_34 : i32
    %add3A_36 = arith.constant 0 : i32
    %add3A_37 = arith.addi %mul3A_35, %add3A_36 : i32
    %dma_start3A = arith.constant 0 : i32
    %dma_start3A_38 = arith.constant 0 : i32
    %dma_start3A_39 = tpu.memref_slice %arg2[%add3A, %dma_start3A, %add3A_37, %dma_start3A_38] : memref<16x1x512x512xf32, #tpu.memory_space<hbm>> -> memref<1x1x16x512xf32, #tpu.memory_space<hbm>>
    %dma_start3A_40 = tpu.memref_squeeze %dma_start3A_39 : memref<1x1x16x512xf32, #tpu.memory_space<hbm>> -> memref<16x512xf32, #tpu.memory_space<hbm>>
    %dma_start3A_41 = arith.constant 0 : i32
    %dma_start3A_42 = tpu.memref_slice %arg2[%add3A, %dma_start3A, %add3A_37, %dma_start3A_41] : memref<16x1x512x512xf32, #tpu.memory_space<hbm>> -> memref<1x1x16x512xf32, #tpu.memory_space<hbm>>
    %dma_start3A_43 = tpu.memref_squeeze %dma_start3A_42 : memref<1x1x16x512xf32, #tpu.memory_space<hbm>> -> memref<16x512xf32, #tpu.memory_space<hbm>>
    tpu.enqueue_dma source(%dma_start3A_43 : memref<16x512xf32, #tpu.memory_space<hbm>>) target(%arg5 : memref<16x512xf32, #tpu.memory_space<vmem>>) target_semaphore(%arg14 : memref<!tpu.dma_semaphore, #tpu.memory_space<semaphore_mem>>)
    %dma_start3A_44 = arith.constant 0 : i32
    %dma_start3A_45 = arith.constant 0 : i32
    %dma_start3A_46 = tpu.memref_slice %arg3[%add3A, %dma_start3A_44, %add3A_37, %dma_start3A_45] : memref<16x1x512x512xf32, #tpu.memory_space<hbm>> -> memref<1x1x16x512xf32, #tpu.memory_space<hbm>>
    %dma_start3A_47 = tpu.memref_squeeze %dma_start3A_46 : memref<1x1x16x512xf32, #tpu.memory_space<hbm>> -> memref<16x512xf32, #tpu.memory_space<hbm>>
    %dma_start3A_48 = arith.constant 0 : i32
    %dma_start3A_49 = tpu.memref_slice %arg3[%add3A, %dma_start3A_44, %add3A_37, %dma_start3A_48] : memref<16x1x512x512xf32, #tpu.memory_space<hbm>> -> memref<1x1x16x512xf32, #tpu.memory_space<hbm>>
    %dma_start3A_50 = tpu.memref_squeeze %dma_start3A_49 : memref<1x1x16x512xf32, #tpu.memory_space<hbm>> -> memref<16x512xf32, #tpu.memory_space<hbm>>
    tpu.enqueue_dma source(%dma_start3A_50 : memref<16x512xf32, #tpu.memory_space<hbm>>) target(%arg7 : memref<16x512xf32, #tpu.memory_space<vmem>>) target_semaphore(%arg14 : memref<!tpu.dma_semaphore, #tpu.memory_space<semaphore_mem>>)
    %scan3A = arith.constant 0 : i32
    %scan3A_51 = arith.constant 0 : i32
    %scan3A_52 = arith.constant 1024 : i32
    %scan3A_53 = arith.addi %scan3A_51, %scan3A_52 : i32
    %scan3A_54 = arith.constant 1 : i32
    %scan3A_55 = scf.for %scan3A_646 = %scan3A_51 to %scan3A_53 step %scan3A_54 iter_args(%scan3A_647 = %scan3A) -> (i32)  : i32 {
      %mul3A_648 = arith.constant 16 : i32
      %mul3A_649 = arith.muli %scan3A_646, %mul3A_648 : i32
      %swap3A = arith.index_cast %mul3A_649 : i32 to index
      %swap3A_650 = tpu.vector_load %arg9[%swap3A] {strides = array<i32>} : memref<16384xf32, #tpu.memory_space<vmem>>, vector<16xf32>,
      tpu.vector_store %arg9[%swap3A], %broadcast_in_dim3A_31 {strides = array<i32>} : memref<16384xf32, #tpu.memory_space<vmem>>, vector<16xf32>,
      %swap3A_651 = arith.index_cast %mul3A_649 : i32 to index
      %swap3A_652 = tpu.vector_load %arg10[%swap3A_651] {strides = array<i32>} : memref<16384xf32, #tpu.memory_space<vmem>>, vector<16xf32>,
      tpu.vector_store %arg10[%swap3A_651], %broadcast_in_dim3A_31 {strides = array<i32>} : memref<16384xf32, #tpu.memory_space<vmem>>, vector<16xf32>,
      %scan3A_653 = arith.constant 0 : i32
      scf.yield %scan3A_653 : i32
    }
    %scan3A_56 = arith.constant 1024 : i32
    %dma_wait3A = arith.constant 0 : i32
    %dma_wait3A_57 = arith.constant 0 : i32
    %dma_wait3A_58 = arith.constant 0 : i32
    %dma_wait3A_59 = tpu.memref_slice %arg2[%add3A, %dma_wait3A, %dma_wait3A_57, %dma_wait3A_58] : memref<16x1x512x512xf32, #tpu.memory_space<hbm>> -> memref<1x1x16x512xf32, #tpu.memory_space<hbm>>
    %dma_wait3A_60 = tpu.memref_squeeze %dma_wait3A_59 : memref<1x1x16x512xf32, #tpu.memory_space<hbm>> -> memref<16x512xf32, #tpu.memory_space<hbm>>
    %dma_wait3A_61 = arith.constant 0 : i32
    %dma_wait3A_62 = arith.constant 0 : i32
    %dma_wait3A_63 = tpu.memref_slice %arg2[%add3A, %dma_wait3A, %dma_wait3A_61, %dma_wait3A_62] : memref<16x1x512x512xf32, #tpu.memory_space<hbm>> -> memref<1x1x16x512xf32, #tpu.memory_space<hbm>>
    %dma_wait3A_64 = tpu.memref_squeeze %dma_wait3A_63 : memref<1x1x16x512xf32, #tpu.memory_space<hbm>> -> memref<16x512xf32, #tpu.memory_space<hbm>>
    tpu.wait_dma2 semaphore(%arg14 : memref<!tpu.dma_semaphore, #tpu.memory_space<semaphore_mem>>) src(%dma_wait3A_64 : memref<16x512xf32, #tpu.memory_space<hbm>>) dst(%arg5 : memref<16x512xf32, #tpu.memory_space<vmem>>)
    %dma_wait3A_65 = arith.constant 0 : i32
    %dma_wait3A_66 = arith.constant 0 : i32
    %dma_wait3A_67 = arith.constant 0 : i32
    %dma_wait3A_68 = tpu.memref_slice %arg3[%add3A, %dma_wait3A_65, %dma_wait3A_66, %dma_wait3A_67] : memref<16x1x512x512xf32, #tpu.memory_space<hbm>> -> memref<1x1x16x512xf32, #tpu.memory_space<hbm>>
    %dma_wait3A_69 = tpu.memref_squeeze %dma_wait3A_68 : memref<1x1x16x512xf32, #tpu.memory_space<hbm>> -> memref<16x512xf32, #tpu.memory_space<hbm>>
    %dma_wait3A_70 = arith.constant 0 : i32
    %dma_wait3A_71 = arith.constant 0 : i32
    %dma_wait3A_72 = tpu.memref_slice %arg3[%add3A, %dma_wait3A_65, %dma_wait3A_70, %dma_wait3A_71] : memref<16x1x512x512xf32, #tpu.memory_space<hbm>> -> memref<1x1x16x512xf32, #tpu.memory_space<hbm>>
    %dma_wait3A_73 = tpu.memref_squeeze %dma_wait3A_72 : memref<1x1x16x512xf32, #tpu.memory_space<hbm>> -> memref<16x512xf32, #tpu.memory_space<hbm>>
    tpu.wait_dma2 semaphore(%arg14 : memref<!tpu.dma_semaphore, #tpu.memory_space<semaphore_mem>>) src(%dma_wait3A_73 : memref<16x512xf32, #tpu.memory_space<hbm>>) dst(%arg7 : memref<16x512xf32, #tpu.memory_space<vmem>>)
    %add3A_74 = arith.constant 16 : i32
    %add3A_75 = arith.addi %mul3A_35, %add3A_74 : i32
    %dma_start3A_76 = arith.constant 0 : i32
    %dma_start3A_77 = arith.constant 0 : i32
    %dma_start3A_78 = tpu.memref_slice %arg2[%add3A, %dma_start3A_76, %add3A_75, %dma_start3A_77] : memref<16x1x512x512xf32, #tpu.memory_space<hbm>> -> memref<1x1x16x512xf32, #tpu.memory_space<hbm>>
    %dma_start3A_79 = tpu.memref_squeeze %dma_start3A_78 : memref<1x1x16x512xf32, #tpu.memory_space<hbm>> -> memref<16x512xf32, #tpu.memory_space<hbm>>
    %dma_start3A_80 = arith.constant 0 : i32
    %dma_start3A_81 = tpu.memref_slice %arg2[%add3A, %dma_start3A_76, %add3A_75, %dma_start3A_80] : memref<16x1x512x512xf32, #tpu.memory_space<hbm>> -> memref<1x1x16x512xf32, #tpu.memory_space<hbm>>
    %dma_start3A_82 = tpu.memref_squeeze %dma_start3A_81 : memref<1x1x16x512xf32, #tpu.memory_space<hbm>> -> memref<16x512xf32, #tpu.memory_space<hbm>>
    tpu.enqueue_dma source(%dma_start3A_82 : memref<16x512xf32, #tpu.memory_space<hbm>>) target(%arg6 : memref<16x512xf32, #tpu.memory_space<vmem>>) target_semaphore(%arg15 : memref<!tpu.dma_semaphore, #tpu.memory_space<semaphore_mem>>)
    %dma_start3A_83 = arith.constant 0 : i32
    %dma_start3A_84 = arith.constant 0 : i32
    %dma_start3A_85 = tpu.memref_slice %arg3[%add3A, %dma_start3A_83, %add3A_75, %dma_start3A_84] : memref<16x1x512x512xf32, #tpu.memory_space<hbm>> -> memref<1x1x16x512xf32, #tpu.memory_space<hbm>>
    %dma_start3A_86 = tpu.memref_squeeze %dma_start3A_85 : memref<1x1x16x512xf32, #tpu.memory_space<hbm>> -> memref<16x512xf32, #tpu.memory_space<hbm>>
    %dma_start3A_87 = arith.constant 0 : i32
    %dma_start3A_88 = tpu.memref_slice %arg3[%add3A, %dma_start3A_83, %add3A_75, %dma_start3A_87] : memref<16x1x512x512xf32, #tpu.memory_space<hbm>> -> memref<1x1x16x512xf32, #tpu.memory_space<hbm>>
    %dma_start3A_89 = tpu.memref_squeeze %dma_start3A_88 : memref<1x1x16x512xf32, #tpu.memory_space<hbm>> -> memref<16x512xf32, #tpu.memory_space<hbm>>
    tpu.enqueue_dma source(%dma_start3A_89 : memref<16x512xf32, #tpu.memory_space<hbm>>) target(%arg8 : memref<16x512xf32, #tpu.memory_space<vmem>>) target_semaphore(%arg15 : memref<!tpu.dma_semaphore, #tpu.memory_space<semaphore_mem>>)
    %parallel_loop3A = arith.constant 0 : i32
    %parallel_loop3A_90 = arith.constant 512 : i32
    %parallel_loop3A_91 = arith.constant 1 : i32
    scf.for %parallel_loop3A_646 = %parallel_loop3A to %parallel_loop3A_90 step %parallel_loop3A_91  : i32 {
      %parallel_loop3A_647 = arith.constant 5 : i32
      %parallel_loop3A_648 = arith.shrui %parallel_loop3A_646, %parallel_loop3A_647 : i32
      %parallel_loop3A_649 = arith.constant 31 : i32
      %parallel_loop3A_650 = arith.andi %parallel_loop3A_646, %parallel_loop3A_649 : i32
      %parallel_loop3A_651 = arith.constant 4 : i32
      %parallel_loop3A_652 = arith.shli %parallel_loop3A_650, %parallel_loop3A_651 : i32
      %parallel_loop3A_653 = arith.index_cast %parallel_loop3A_648 : i32 to index
      %parallel_loop3A_654 = arith.index_cast %parallel_loop3A_652 : i32 to index
      %parallel_loop3A_655 = tpu.vector_load %arg5[%parallel_loop3A_653, %parallel_loop3A_654] {strides = array<i32>} : memref<16x512xf32, #tpu.memory_space<vmem>>, vector<16xf32>,
      %parallel_loop3A_656 = arith.index_cast %parallel_loop3A_648 : i32 to index
      %parallel_loop3A_657 = arith.index_cast %parallel_loop3A_652 : i32 to index
      %parallel_loop3A_658 = tpu.vector_load %arg7[%parallel_loop3A_656, %parallel_loop3A_657] {strides = array<i32>} : memref<16x512xf32, #tpu.memory_space<vmem>>, vector<16xf32>,
      %parallel_loop3A_659 = arith.constant 5.120000e+02 : f32
      %parallel_loop3A_660 = vector.broadcast %parallel_loop3A_659 : f32 to vector<16xf32>
      %parallel_loop3A_661 = arith.mulf %parallel_loop3A_655, %parallel_loop3A_660 : vector<16xf32>
      %parallel_loop3A_662 = arith.constant 8.705000e+03 : f32
      %parallel_loop3A_663 = vector.broadcast %parallel_loop3A_662 : f32 to vector<16xf32>
      %parallel_loop3A_664 = arith.addf %parallel_loop3A_661, %parallel_loop3A_663 : vector<16xf32>
      %parallel_loop3A_665 = arith.constant 1.024000e+03 : f32
      %parallel_loop3A_666 = vector.broadcast %parallel_loop3A_665 : f32 to vector<16xf32>
      %parallel_loop3A_667 = arith.mulf %parallel_loop3A_655, %parallel_loop3A_666 : vector<16xf32>
      %parallel_loop3A_668 = arith.constant 8.192000e+03 : f32
      %parallel_loop3A_669 = vector.broadcast %parallel_loop3A_668 : f32 to vector<16xf32>
      %parallel_loop3A_670 = arith.addf %parallel_loop3A_667, %parallel_loop3A_669 : vector<16xf32>
      %parallel_loop3A_671 = arith.mulf %parallel_loop3A_658, %parallel_loop3A_670 : vector<16xf32>
      %parallel_loop3A_672 = arith.subf %parallel_loop3A_664, %parallel_loop3A_671 : vector<16xf32>
      %parallel_loop3A_673 = arith.fptosi %parallel_loop3A_672 : vector<16xf32> to vector<16xi32>
      %parallel_loop3A_674 = arith.constant 12288 : i32
      %parallel_loop3A_675 = vector.broadcast %parallel_loop3A_674 : i32 to vector<16xi32>
      %parallel_loop3A_676 = arith.subi %parallel_loop3A_675, %parallel_loop3A_673 : vector<16xi32>
      tpu.vector_store_idx %arg9[%parallel_loop3A_676], %broadcast_in_dim3A_33 {add = true} : memref<16384xf32, #tpu.memory_space<vmem>>[vector<16xi32>], vector<16xf32>,
      tpu.vector_store_idx %arg10[%parallel_loop3A_676], %parallel_loop3A_672 {add = true} : memref<16384xf32, #tpu.memory_space<vmem>>[vector<16xi32>], vector<16xf32>,
    } {sc.loop_unroll_factor = 8 : i64, sc.parallel_access}
    %dma_wait3A_92 = arith.constant 0 : i32
    %dma_wait3A_93 = arith.constant 0 : i32
    %dma_wait3A_94 = arith.constant 0 : i32
    %dma_wait3A_95 = tpu.memref_slice %arg2[%add3A, %dma_wait3A_92, %dma_wait3A_93, %dma_wait3A_94] : memref<16x1x512x512xf32, #tpu.memory_space<hbm>> -> memref<1x1x16x512xf32, #tpu.memory_space<hbm>>
    %dma_wait3A_96 = tpu.memref_squeeze %dma_wait3A_95 : memref<1x1x16x512xf32, #tpu.memory_space<hbm>> -> memref<16x512xf32, #tpu.memory_space<hbm>>
    %dma_wait3A_97 = arith.constant 0 : i32
    %dma_wait3A_98 = arith.constant 0 : i32
    %dma_wait3A_99 = tpu.memref_slice %arg2[%add3A, %dma_wait3A_92, %dma_wait3A_97, %dma_wait3A_98] : memref<16x1x512x512xf32, #tpu.memory_space<hbm>> -> memref<1x1x16x512xf32, #tpu.memory_space<hbm>>
    %dma_wait3A_100 = tpu.memref_squeeze %dma_wait3A_99 : memref<1x1x16x512xf32, #tpu.memory_space<hbm>> -> memref<16x512xf32, #tpu.memory_space<hbm>>
    tpu.wait_dma2 semaphore(%arg15 : memref<!tpu.dma_semaphore, #tpu.memory_space<semaphore_mem>>) src(%dma_wait3A_100 : memref<16x512xf32, #tpu.memory_space<hbm>>) dst(%arg6 : memref<16x512xf32, #tpu.memory_space<vmem>>)
    %dma_wait3A_101 = arith.constant 0 : i32
    %dma_wait3A_102 = arith.constant 0 : i32
    %dma_wait3A_103 = arith.constant 0 : i32
    %dma_wait3A_104 = tpu.memref_slice %arg3[%add3A, %dma_wait3A_101, %dma_wait3A_102, %dma_wait3A_103] : memref<16x1x512x512xf32, #tpu.memory_space<hbm>> -> memref<1x1x16x512xf32, #tpu.memory_space<hbm>>
    %dma_wait3A_105 = tpu.memref_squeeze %dma_wait3A_104 : memref<1x1x16x512xf32, #tpu.memory_space<hbm>> -> memref<16x512xf32, #tpu.memory_space<hbm>>
    %dma_wait3A_106 = arith.constant 0 : i32
    %dma_wait3A_107 = arith.constant 0 : i32
    %dma_wait3A_108 = tpu.memref_slice %arg3[%add3A, %dma_wait3A_101, %dma_wait3A_106, %dma_wait3A_107] : memref<16x1x512x512xf32, #tpu.memory_space<hbm>> -> memref<1x1x16x512xf32, #tpu.memory_space<hbm>>
    %dma_wait3A_109 = tpu.memref_squeeze %dma_wait3A_108 : memref<1x1x16x512xf32, #tpu.memory_space<hbm>> -> memref<16x512xf32, #tpu.memory_space<hbm>>
    tpu.wait_dma2 semaphore(%arg15 : memref<!tpu.dma_semaphore, #tpu.memory_space<semaphore_mem>>) src(%dma_wait3A_109 : memref<16x512xf32, #tpu.memory_space<hbm>>) dst(%arg8 : memref<16x512xf32, #tpu.memory_space<vmem>>)
    %add3A_110 = arith.constant 32 : i32
    %add3A_111 = arith.addi %mul3A_35, %add3A_110 : i32
    %dma_start3A_112 = arith.constant 0 : i32
    %dma_start3A_113 = arith.constant 0 : i32
    %dma_start3A_114 = tpu.memref_slice %arg2[%add3A, %dma_start3A_112, %add3A_111, %dma_start3A_113] : memref<16x1x512x512xf32, #tpu.memory_space<hbm>> -> memref<1x1x16x512xf32, #tpu.memory_space<hbm>>
    %dma_start3A_115 = tpu.memref_squeeze %dma_start3A_114 : memref<1x1x16x512xf32, #tpu.memory_space<hbm>> -> memref<16x512xf32, #tpu.memory_space<hbm>>
    %dma_start3A_116 = arith.constant 0 : i32
    %dma_start3A_117 = tpu.memref_slice %arg2[%add3A, %dma_start3A_112, %add3A_111, %dma_start3A_116] : memref<16x1x512x512xf32, #tpu.memory_space<hbm>> -> memref<1x1x16x512xf32, #tpu.memory_space<hbm>>
    %dma_start3A_118 = tpu.memref_squeeze %dma_start3A_117 : memref<1x1x16x512xf32, #tpu.memory_space<hbm>> -> memref<16x512xf32, #tpu.memory_space<hbm>>
    tpu.enqueue_dma source(%dma_start3A_118 : memref<16x512xf32, #tpu.memory_space<hbm>>) target(%arg5 : memref<16x512xf32, #tpu.memory_space<vmem>>) target_semaphore(%arg14 : memref<!tpu.dma_semaphore, #tpu.memory_space<semaphore_mem>>)
    %dma_start3A_119 = arith.constant 0 : i32
    %dma_start3A_120 = arith.constant 0 : i32
    %dma_start3A_121 = tpu.memref_slice %arg3[%add3A, %dma_start3A_119, %add3A_111, %dma_start3A_120] : memref<16x1x512x512xf32, #tpu.memory_space<hbm>> -> memref<1x1x16x512xf32, #tpu.memory_space<hbm>>
    %dma_start3A_122 = tpu.memref_squeeze %dma_start3A_121 : memref<1x1x16x512xf32, #tpu.memory_space<hbm>> -> memref<16x512xf32, #tpu.memory_space<hbm>>
    %dma_start3A_123 = arith.constant 0 : i32
    %dma_start3A_124 = tpu.memref_slice %arg3[%add3A, %dma_start3A_119, %add3A_111, %dma_start3A_123] : memref<16x1x512x512xf32, #tpu.memory_space<hbm>> -> memref<1x1x16x512xf32, #tpu.memory_space<hbm>>
    %dma_start3A_125 = tpu.memref_squeeze %dma_start3A_124 : memref<1x1x16x512xf32, #tpu.memory_space<hbm>> -> memref<16x512xf32, #tpu.memory_space<hbm>>
    tpu.enqueue_dma source(%dma_start3A_125 : memref<16x512xf32, #tpu.memory_space<hbm>>) target(%arg7 : memref<16x512xf32, #tpu.memory_space<vmem>>) target_semaphore(%arg14 : memref<!tpu.dma_semaphore, #tpu.memory_space<semaphore_mem>>)
    %parallel_loop3A_126 = arith.constant 0 : i32
    %parallel_loop3A_127 = arith.constant 512 : i32
    %parallel_loop3A_128 = arith.constant 1 : i32
    scf.for %parallel_loop3A_646 = %parallel_loop3A_126 to %parallel_loop3A_127 step %parallel_loop3A_128  : i32 {
      %parallel_loop3A_647 = arith.constant 5 : i32
      %parallel_loop3A_648 = arith.shrui %parallel_loop3A_646, %parallel_loop3A_647 : i32
      %parallel_loop3A_649 = arith.constant 31 : i32
      %parallel_loop3A_650 = arith.andi %parallel_loop3A_646, %parallel_loop3A_649 : i32
      %parallel_loop3A_651 = arith.constant 4 : i32
      %parallel_loop3A_652 = arith.shli %parallel_loop3A_650, %parallel_loop3A_651 : i32
      %parallel_loop3A_653 = arith.index_cast %parallel_loop3A_648 : i32 to index
      %parallel_loop3A_654 = arith.index_cast %parallel_loop3A_652 : i32 to index
      %parallel_loop3A_655 = tpu.vector_load %arg6[%parallel_loop3A_653, %parallel_loop3A_654] {strides = array<i32>} : memref<16x512xf32, #tpu.memory_space<vmem>>, vector<16xf32>,
      %parallel_loop3A_656 = arith.index_cast %parallel_loop3A_648 : i32 to index
      %parallel_loop3A_657 = arith.index_cast %parallel_loop3A_652 : i32 to index
      %parallel_loop3A_658 = tpu.vector_load %arg8[%parallel_loop3A_656, %parallel_loop3A_657] {strides = array<i32>} : memref<16x512xf32, #tpu.memory_space<vmem>>, vector<16xf32>,
      %parallel_loop3A_659 = arith.constant 5.120000e+02 : f32
      %parallel_loop3A_660 = vector.broadcast %parallel_loop3A_659 : f32 to vector<16xf32>
      %parallel_loop3A_661 = arith.mulf %parallel_loop3A_655, %parallel_loop3A_660 : vector<16xf32>
      %parallel_loop3A_662 = arith.constant 8.705000e+03 : f32
      %parallel_loop3A_663 = vector.broadcast %parallel_loop3A_662 : f32 to vector<16xf32>
      %parallel_loop3A_664 = arith.addf %parallel_loop3A_661, %parallel_loop3A_663 : vector<16xf32>
      %parallel_loop3A_665 = arith.constant 1.024000e+03 : f32
      %parallel_loop3A_666 = vector.broadcast %parallel_loop3A_665 : f32 to vector<16xf32>
      %parallel_loop3A_667 = arith.mulf %parallel_loop3A_655, %parallel_loop3A_666 : vector<16xf32>
      %parallel_loop3A_668 = arith.constant 8.192000e+03 : f32
      %parallel_loop3A_669 = vector.broadcast %parallel_loop3A_668 : f32 to vector<16xf32>
      %parallel_loop3A_670 = arith.addf %parallel_loop3A_667, %parallel_loop3A_669 : vector<16xf32>
      %parallel_loop3A_671 = arith.mulf %parallel_loop3A_658, %parallel_loop3A_670 : vector<16xf32>
      %parallel_loop3A_672 = arith.subf %parallel_loop3A_664, %parallel_loop3A_671 : vector<16xf32>
      %parallel_loop3A_673 = arith.fptosi %parallel_loop3A_672 : vector<16xf32> to vector<16xi32>
      %parallel_loop3A_674 = arith.constant 12288 : i32
      %parallel_loop3A_675 = vector.broadcast %parallel_loop3A_674 : i32 to vector<16xi32>
      %parallel_loop3A_676 = arith.subi %parallel_loop3A_675, %parallel_loop3A_673 : vector<16xi32>
      tpu.vector_store_idx %arg9[%parallel_loop3A_676], %broadcast_in_dim3A_33 {add = true} : memref<16384xf32, #tpu.memory_space<vmem>>[vector<16xi32>], vector<16xf32>,
      tpu.vector_store_idx %arg10[%parallel_loop3A_676], %parallel_loop3A_672 {add = true} : memref<16384xf32, #tpu.memory_space<vmem>>[vector<16xi32>], vector<16xf32>,
    } {sc.loop_unroll_factor = 8 : i64, sc.parallel_access}
    %dma_wait3A_129 = arith.constant 0 : i32
    %dma_wait3A_130 = arith.constant 0 : i32
    %dma_wait3A_131 = arith.constant 0 : i32
    %dma_wait3A_132 = tpu.memref_slice %arg2[%add3A, %dma_wait3A_129, %dma_wait3A_130, %dma_wait3A_131] : memref<16x1x512x512xf32, #tpu.memory_space<hbm>> -> memref<1x1x16x512xf32, #tpu.memory_space<hbm>>
    %dma_wait3A_133 = tpu.memref_squeeze %dma_wait3A_132 : memref<1x1x16x512xf32, #tpu.memory_space<hbm>> -> memref<16x512xf32, #tpu.memory_space<hbm>>
    %dma_wait3A_134 = arith.constant 0 : i32
    %dma_wait3A_135 = arith.constant 0 : i32
    %dma_wait3A_136 = tpu.memref_slice %arg2[%add3A, %dma_wait3A_129, %dma_wait3A_134, %dma_wait3A_135] : memref<16x1x512x512xf32, #tpu.memory_space<hbm>> -> memref<1x1x16x512xf32, #tpu.memory_space<hbm>>
    %dma_wait3A_137 = tpu.memref_squeeze %dma_wait3A_136 : memref<1x1x16x512xf32, #tpu.memory_space<hbm>> -> memref<16x512xf32, #tpu.memory_space<hbm>>
    tpu.wait_dma2 semaphore(%arg14 : memref<!tpu.dma_semaphore, #tpu.memory_space<semaphore_mem>>) src(%dma_wait3A_137 : memref<16x512xf32, #tpu.memory_space<hbm>>) dst(%arg5 : memref<16x512xf32, #tpu.memory_space<vmem>>)
    %dma_wait3A_138 = arith.constant 0 : i32
    %dma_wait3A_139 = arith.constant 0 : i32
    %dma_wait3A_140 = arith.constant 0 : i32
    %dma_wait3A_141 = tpu.memref_slice %arg3[%add3A, %dma_wait3A_138, %dma_wait3A_139, %dma_wait3A_140] : memref<16x1x512x512xf32, #tpu.memory_space<hbm>> -> memref<1x1x16x512xf32, #tpu.memory_space<hbm>>
    %dma_wait3A_142 = tpu.memref_squeeze %dma_wait3A_141 : memref<1x1x16x512xf32, #tpu.memory_space<hbm>> -> memref<16x512xf32, #tpu.memory_space<hbm>>
    %dma_wait3A_143 = arith.constant 0 : i32
    %dma_wait3A_144 = arith.constant 0 : i32
    %dma_wait3A_145 = tpu.memref_slice %arg3[%add3A, %dma_wait3A_138, %dma_wait3A_143, %dma_wait3A_144] : memref<16x1x512x512xf32, #tpu.memory_space<hbm>> -> memref<1x1x16x512xf32, #tpu.memory_space<hbm>>
    %dma_wait3A_146 = tpu.memref_squeeze %dma_wait3A_145 : memref<1x1x16x512xf32, #tpu.memory_space<hbm>> -> memref<16x512xf32, #tpu.memory_space<hbm>>
    tpu.wait_dma2 semaphore(%arg14 : memref<!tpu.dma_semaphore, #tpu.memory_space<semaphore_mem>>) src(%dma_wait3A_146 : memref<16x512xf32, #tpu.memory_space<hbm>>) dst(%arg7 : memref<16x512xf32, #tpu.memory_space<vmem>>)
    %add3A_147 = arith.constant 48 : i32
    %add3A_148 = arith.addi %mul3A_35, %add3A_147 : i32
    %dma_start3A_149 = arith.constant 0 : i32
    %dma_start3A_150 = arith.constant 0 : i32
    %dma_start3A_151 = tpu.memref_slice %arg2[%add3A, %dma_start3A_149, %add3A_148, %dma_start3A_150] : memref<16x1x512x512xf32, #tpu.memory_space<hbm>> -> memref<1x1x16x512xf32, #tpu.memory_space<hbm>>
    %dma_start3A_152 = tpu.memref_squeeze %dma_start3A_151 : memref<1x1x16x512xf32, #tpu.memory_space<hbm>> -> memref<16x512xf32, #tpu.memory_space<hbm>>
    %dma_start3A_153 = arith.constant 0 : i32
    %dma_start3A_154 = tpu.memref_slice %arg2[%add3A, %dma_start3A_149, %add3A_148, %dma_start3A_153] : memref<16x1x512x512xf32, #tpu.memory_space<hbm>> -> memref<1x1x16x512xf32, #tpu.memory_space<hbm>>
    %dma_start3A_155 = tpu.memref_squeeze %dma_start3A_154 : memref<1x1x16x512xf32, #tpu.memory_space<hbm>> -> memref<16x512xf32, #tpu.memory_space<hbm>>
    tpu.enqueue_dma source(%dma_start3A_155 : memref<16x512xf32, #tpu.memory_space<hbm>>) target(%arg6 : memref<16x512xf32, #tpu.memory_space<vmem>>) target_semaphore(%arg15 : memref<!tpu.dma_semaphore, #tpu.memory_space<semaphore_mem>>)
    %dma_start3A_156 = arith.constant 0 : i32
    %dma_start3A_157 = arith.constant 0 : i32
    %dma_start3A_158 = tpu.memref_slice %arg3[%add3A, %dma_start3A_156, %add3A_148, %dma_start3A_157] : memref<16x1x512x512xf32, #tpu.memory_space<hbm>> -> memref<1x1x16x512xf32, #tpu.memory_space<hbm>>
    %dma_start3A_159 = tpu.memref_squeeze %dma_start3A_158 : memref<1x1x16x512xf32, #tpu.memory_space<hbm>> -> memref<16x512xf32, #tpu.memory_space<hbm>>
    %dma_start3A_160 = arith.constant 0 : i32
    %dma_start3A_161 = tpu.memref_slice %arg3[%add3A, %dma_start3A_156, %add3A_148, %dma_start3A_160] : memref<16x1x512x512xf32, #tpu.memory_space<hbm>> -> memref<1x1x16x512xf32, #tpu.memory_space<hbm>>
    %dma_start3A_162 = tpu.memref_squeeze %dma_start3A_161 : memref<1x1x16x512xf32, #tpu.memory_space<hbm>> -> memref<16x512xf32, #tpu.memory_space<hbm>>
    tpu.enqueue_dma source(%dma_start3A_162 : memref<16x512xf32, #tpu.memory_space<hbm>>) target(%arg8 : memref<16x512xf32, #tpu.memory_space<vmem>>) target_semaphore(%arg15 : memref<!tpu.dma_semaphore, #tpu.memory_space<semaphore_mem>>)
    %parallel_loop3A_163 = arith.constant 0 : i32
    %parallel_loop3A_164 = arith.constant 512 : i32
    %parallel_loop3A_165 = arith.constant 1 : i32
    scf.for %parallel_loop3A_646 = %parallel_loop3A_163 to %parallel_loop3A_164 step %parallel_loop3A_165  : i32 {
      %parallel_loop3A_647 = arith.constant 5 : i32
      %parallel_loop3A_648 = arith.shrui %parallel_loop3A_646, %parallel_loop3A_647 : i32
      %parallel_loop3A_649 = arith.constant 31 : i32
      %parallel_loop3A_650 = arith.andi %parallel_loop3A_646, %parallel_loop3A_649 : i32
      %parallel_loop3A_651 = arith.constant 4 : i32
      %parallel_loop3A_652 = arith.shli %parallel_loop3A_650, %parallel_loop3A_651 : i32
      %parallel_loop3A_653 = arith.index_cast %parallel_loop3A_648 : i32 to index
      %parallel_loop3A_654 = arith.index_cast %parallel_loop3A_652 : i32 to index
      %parallel_loop3A_655 = tpu.vector_load %arg5[%parallel_loop3A_653, %parallel_loop3A_654] {strides = array<i32>} : memref<16x512xf32, #tpu.memory_space<vmem>>, vector<16xf32>,
      %parallel_loop3A_656 = arith.index_cast %parallel_loop3A_648 : i32 to index
      %parallel_loop3A_657 = arith.index_cast %parallel_loop3A_652 : i32 to index
      %parallel_loop3A_658 = tpu.vector_load %arg7[%parallel_loop3A_656, %parallel_loop3A_657] {strides = array<i32>} : memref<16x512xf32, #tpu.memory_space<vmem>>, vector<16xf32>,
      %parallel_loop3A_659 = arith.constant 5.120000e+02 : f32
      %parallel_loop3A_660 = vector.broadcast %parallel_loop3A_659 : f32 to vector<16xf32>
      %parallel_loop3A_661 = arith.mulf %parallel_loop3A_655, %parallel_loop3A_660 : vector<16xf32>
      %parallel_loop3A_662 = arith.constant 8.705000e+03 : f32
      %parallel_loop3A_663 = vector.broadcast %parallel_loop3A_662 : f32 to vector<16xf32>
      %parallel_loop3A_664 = arith.addf %parallel_loop3A_661, %parallel_loop3A_663 : vector<16xf32>
      %parallel_loop3A_665 = arith.constant 1.024000e+03 : f32
      %parallel_loop3A_666 = vector.broadcast %parallel_loop3A_665 : f32 to vector<16xf32>
      %parallel_loop3A_667 = arith.mulf %parallel_loop3A_655, %parallel_loop3A_666 : vector<16xf32>
      %parallel_loop3A_668 = arith.constant 8.192000e+03 : f32
      %parallel_loop3A_669 = vector.broadcast %parallel_loop3A_668 : f32 to vector<16xf32>
      %parallel_loop3A_670 = arith.addf %parallel_loop3A_667, %parallel_loop3A_669 : vector<16xf32>
      %parallel_loop3A_671 = arith.mulf %parallel_loop3A_658, %parallel_loop3A_670 : vector<16xf32>
      %parallel_loop3A_672 = arith.subf %parallel_loop3A_664, %parallel_loop3A_671 : vector<16xf32>
      %parallel_loop3A_673 = arith.fptosi %parallel_loop3A_672 : vector<16xf32> to vector<16xi32>
      %parallel_loop3A_674 = arith.constant 12288 : i32
      %parallel_loop3A_675 = vector.broadcast %parallel_loop3A_674 : i32 to vector<16xi32>
      %parallel_loop3A_676 = arith.subi %parallel_loop3A_675, %parallel_loop3A_673 : vector<16xi32>
      tpu.vector_store_idx %arg9[%parallel_loop3A_676], %broadcast_in_dim3A_33 {add = true} : memref<16384xf32, #tpu.memory_space<vmem>>[vector<16xi32>], vector<16xf32>,
      tpu.vector_store_idx %arg10[%parallel_loop3A_676], %parallel_loop3A_672 {add = true} : memref<16384xf32, #tpu.memory_space<vmem>>[vector<16xi32>], vector<16xf32>,
    } {sc.loop_unroll_factor = 8 : i64, sc.parallel_access}
    %dma_wait3A_166 = arith.constant 0 : i32
    %dma_wait3A_167 = arith.constant 0 : i32
    %dma_wait3A_168 = arith.constant 0 : i32
    %dma_wait3A_169 = tpu.memref_slice %arg2[%add3A, %dma_wait3A_166, %dma_wait3A_167, %dma_wait3A_168] : memref<16x1x512x512xf32, #tpu.memory_space<hbm>> -> memref<1x1x16x512xf32, #tpu.memory_space<hbm>>
    %dma_wait3A_170 = tpu.memref_squeeze %dma_wait3A_169 : memref<1x1x16x512xf32, #tpu.memory_space<hbm>> -> memref<16x512xf32, #tpu.memory_space<hbm>>
    %dma_wait3A_171 = arith.constant 0 : i32
    %dma_wait3A_172 = arith.constant 0 : i32
    %dma_wait3A_173 = tpu.memref_slice %arg2[%add3A, %dma_wait3A_166, %dma_wait3A_171, %dma_wait3A_172] : memref<16x1x512x512xf32, #tpu.memory_space<hbm>> -> memref<1x1x16x512xf32, #tpu.memory_space<hbm>>
    %dma_wait3A_174 = tpu.memref_squeeze %dma_wait3A_173 : memref<1x1x16x512xf32, #tpu.memory_space<hbm>> -> memref<16x512xf32, #tpu.memory_space<hbm>>
    tpu.wait_dma2 semaphore(%arg15 : memref<!tpu.dma_semaphore, #tpu.memory_space<semaphore_mem>>) src(%dma_wait3A_174 : memref<16x512xf32, #tpu.memory_space<hbm>>) dst(%arg6 : memref<16x512xf32, #tpu.memory_space<vmem>>)
    %dma_wait3A_175 = arith.constant 0 : i32
    %dma_wait3A_176 = arith.constant 0 : i32
    %dma_wait3A_177 = arith.constant 0 : i32
    %dma_wait3A_178 = tpu.memref_slice %arg3[%add3A, %dma_wait3A_175, %dma_wait3A_176, %dma_wait3A_177] : memref<16x1x512x512xf32, #tpu.memory_space<hbm>> -> memref<1x1x16x512xf32, #tpu.memory_space<hbm>>
    %dma_wait3A_179 = tpu.memref_squeeze %dma_wait3A_178 : memref<1x1x16x512xf32, #tpu.memory_space<hbm>> -> memref<16x512xf32, #tpu.memory_space<hbm>>
    %dma_wait3A_180 = arith.constant 0 : i32
    %dma_wait3A_181 = arith.constant 0 : i32
    %dma_wait3A_182 = tpu.memref_slice %arg3[%add3A, %dma_wait3A_175, %dma_wait3A_180, %dma_wait3A_181] : memref<16x1x512x512xf32, #tpu.memory_space<hbm>> -> memref<1x1x16x512xf32, #tpu.memory_space<hbm>>
    %dma_wait3A_183 = tpu.memref_squeeze %dma_wait3A_182 : memref<1x1x16x512xf32, #tpu.memory_space<hbm>> -> memref<16x512xf32, #tpu.memory_space<hbm>>
    tpu.wait_dma2 semaphore(%arg15 : memref<!tpu.dma_semaphore, #tpu.memory_space<semaphore_mem>>) src(%dma_wait3A_183 : memref<16x512xf32, #tpu.memory_space<hbm>>) dst(%arg8 : memref<16x512xf32, #tpu.memory_space<vmem>>)
    %add3A_184 = arith.constant 64 : i32
    %add3A_185 = arith.addi %mul3A_35, %add3A_184 : i32
    %dma_start3A_186 = arith.constant 0 : i32
    %dma_start3A_187 = arith.constant 0 : i32
    %dma_start3A_188 = tpu.memref_slice %arg2[%add3A, %dma_start3A_186, %add3A_185, %dma_start3A_187] : memref<16x1x512x512xf32, #tpu.memory_space<hbm>> -> memref<1x1x16x512xf32, #tpu.memory_space<hbm>>
    %dma_start3A_189 = tpu.memref_squeeze %dma_start3A_188 : memref<1x1x16x512xf32, #tpu.memory_space<hbm>> -> memref<16x512xf32, #tpu.memory_space<hbm>>
    %dma_start3A_190 = arith.constant 0 : i32
    %dma_start3A_191 = tpu.memref_slice %arg2[%add3A, %dma_start3A_186, %add3A_185, %dma_start3A_190] : memref<16x1x512x512xf32, #tpu.memory_space<hbm>> -> memref<1x1x16x512xf32, #tpu.memory_space<hbm>>
    %dma_start3A_192 = tpu.memref_squeeze %dma_start3A_191 : memref<1x1x16x512xf32, #tpu.memory_space<hbm>> -> memref<16x512xf32, #tpu.memory_space<hbm>>
    tpu.enqueue_dma source(%dma_start3A_192 : memref<16x512xf32, #tpu.memory_space<hbm>>) target(%arg5 : memref<16x512xf32, #tpu.memory_space<vmem>>) target_semaphore(%arg14 : memref<!tpu.dma_semaphore, #tpu.memory_space<semaphore_mem>>)
    %dma_start3A_193 = arith.constant 0 : i32
    %dma_start3A_194 = arith.constant 0 : i32
    %dma_start3A_195 = tpu.memref_slice %arg3[%add3A, %dma_start3A_193, %add3A_185, %dma_start3A_194] : memref<16x1x512x512xf32, #tpu.memory_space<hbm>> -> memref<1x1x16x512xf32, #tpu.memory_space<hbm>>
    %dma_start3A_196 = tpu.memref_squeeze %dma_start3A_195 : memref<1x1x16x512xf32, #tpu.memory_space<hbm>> -> memref<16x512xf32, #tpu.memory_space<hbm>>
    %dma_start3A_197 = arith.constant 0 : i32
    %dma_start3A_198 = tpu.memref_slice %arg3[%add3A, %dma_start3A_193, %add3A_185, %dma_start3A_197] : memref<16x1x512x512xf32, #tpu.memory_space<hbm>> -> memref<1x1x16x512xf32, #tpu.memory_space<hbm>>
    %dma_start3A_199 = tpu.memref_squeeze %dma_start3A_198 : memref<1x1x16x512xf32, #tpu.memory_space<hbm>> -> memref<16x512xf32, #tpu.memory_space<hbm>>
    tpu.enqueue_dma source(%dma_start3A_199 : memref<16x512xf32, #tpu.memory_space<hbm>>) target(%arg7 : memref<16x512xf32, #tpu.memory_space<vmem>>) target_semaphore(%arg14 : memref<!tpu.dma_semaphore, #tpu.memory_space<semaphore_mem>>)
    %parallel_loop3A_200 = arith.constant 0 : i32
    %parallel_loop3A_201 = arith.constant 512 : i32
    %parallel_loop3A_202 = arith.constant 1 : i32
    scf.for %parallel_loop3A_646 = %parallel_loop3A_200 to %parallel_loop3A_201 step %parallel_loop3A_202  : i32 {
      %parallel_loop3A_647 = arith.constant 5 : i32
      %parallel_loop3A_648 = arith.shrui %parallel_loop3A_646, %parallel_loop3A_647 : i32
      %parallel_loop3A_649 = arith.constant 31 : i32
      %parallel_loop3A_650 = arith.andi %parallel_loop3A_646, %parallel_loop3A_649 : i32
      %parallel_loop3A_651 = arith.constant 4 : i32
      %parallel_loop3A_652 = arith.shli %parallel_loop3A_650, %parallel_loop3A_651 : i32
      %parallel_loop3A_653 = arith.index_cast %parallel_loop3A_648 : i32 to index
      %parallel_loop3A_654 = arith.index_cast %parallel_loop3A_652 : i32 to index
      %parallel_loop3A_655 = tpu.vector_load %arg6[%parallel_loop3A_653, %parallel_loop3A_654] {strides = array<i32>} : memref<16x512xf32, #tpu.memory_space<vmem>>, vector<16xf32>,
      %parallel_loop3A_656 = arith.index_cast %parallel_loop3A_648 : i32 to index
      %parallel_loop3A_657 = arith.index_cast %parallel_loop3A_652 : i32 to index
      %parallel_loop3A_658 = tpu.vector_load %arg8[%parallel_loop3A_656, %parallel_loop3A_657] {strides = array<i32>} : memref<16x512xf32, #tpu.memory_space<vmem>>, vector<16xf32>,
      %parallel_loop3A_659 = arith.constant 5.120000e+02 : f32
      %parallel_loop3A_660 = vector.broadcast %parallel_loop3A_659 : f32 to vector<16xf32>
      %parallel_loop3A_661 = arith.mulf %parallel_loop3A_655, %parallel_loop3A_660 : vector<16xf32>
      %parallel_loop3A_662 = arith.constant 8.705000e+03 : f32
      %parallel_loop3A_663 = vector.broadcast %parallel_loop3A_662 : f32 to vector<16xf32>
      %parallel_loop3A_664 = arith.addf %parallel_loop3A_661, %parallel_loop3A_663 : vector<16xf32>
      %parallel_loop3A_665 = arith.constant 1.024000e+03 : f32
      %parallel_loop3A_666 = vector.broadcast %parallel_loop3A_665 : f32 to vector<16xf32>
      %parallel_loop3A_667 = arith.mulf %parallel_loop3A_655, %parallel_loop3A_666 : vector<16xf32>
      %parallel_loop3A_668 = arith.constant 8.192000e+03 : f32
      %parallel_loop3A_669 = vector.broadcast %parallel_loop3A_668 : f32 to vector<16xf32>
      %parallel_loop3A_670 = arith.addf %parallel_loop3A_667, %parallel_loop3A_669 : vector<16xf32>
      %parallel_loop3A_671 = arith.mulf %parallel_loop3A_658, %parallel_loop3A_670 : vector<16xf32>
      %parallel_loop3A_672 = arith.subf %parallel_loop3A_664, %parallel_loop3A_671 : vector<16xf32>
      %parallel_loop3A_673 = arith.fptosi %parallel_loop3A_672 : vector<16xf32> to vector<16xi32>
      %parallel_loop3A_674 = arith.constant 12288 : i32
      %parallel_loop3A_675 = vector.broadcast %parallel_loop3A_674 : i32 to vector<16xi32>
      %parallel_loop3A_676 = arith.subi %parallel_loop3A_675, %parallel_loop3A_673 : vector<16xi32>
      tpu.vector_store_idx %arg9[%parallel_loop3A_676], %broadcast_in_dim3A_33 {add = true} : memref<16384xf32, #tpu.memory_space<vmem>>[vector<16xi32>], vector<16xf32>,
      tpu.vector_store_idx %arg10[%parallel_loop3A_676], %parallel_loop3A_672 {add = true} : memref<16384xf32, #tpu.memory_space<vmem>>[vector<16xi32>], vector<16xf32>,
    } {sc.loop_unroll_factor = 8 : i64, sc.parallel_access}
    %dma_wait3A_203 = arith.constant 0 : i32
    %dma_wait3A_204 = arith.constant 0 : i32
    %dma_wait3A_205 = arith.constant 0 : i32
    %dma_wait3A_206 = tpu.memref_slice %arg2[%add3A, %dma_wait3A_203, %dma_wait3A_204, %dma_wait3A_205] : memref<16x1x512x512xf32, #tpu.memory_space<hbm>> -> memref<1x1x16x512xf32, #tpu.memory_space<hbm>>
    %dma_wait3A_207 = tpu.memref_squeeze %dma_wait3A_206 : memref<1x1x16x512xf32, #tpu.memory_space<hbm>> -> memref<16x512xf32, #tpu.memory_space<hbm>>
    %dma_wait3A_208 = arith.constant 0 : i32
    %dma_wait3A_209 = arith.constant 0 : i32
    %dma_wait3A_210 = tpu.memref_slice %arg2[%add3A, %dma_wait3A_203, %dma_wait3A_208, %dma_wait3A_209] : memref<16x1x512x512xf32, #tpu.memory_space<hbm>> -> memref<1x1x16x512xf32, #tpu.memory_space<hbm>>
    %dma_wait3A_211 = tpu.memref_squeeze %dma_wait3A_210 : memref<1x1x16x512xf32, #tpu.memory_space<hbm>> -> memref<16x512xf32, #tpu.memory_space<hbm>>
    tpu.wait_dma2 semaphore(%arg14 : memref<!tpu.dma_semaphore, #tpu.memory_space<semaphore_mem>>) src(%dma_wait3A_211 : memref<16x512xf32, #tpu.memory_space<hbm>>) dst(%arg5 : memref<16x512xf32, #tpu.memory_space<vmem>>)
    %dma_wait3A_212 = arith.constant 0 : i32
    %dma_wait3A_213 = arith.constant 0 : i32
    %dma_wait3A_214 = arith.constant 0 : i32
    %dma_wait3A_215 = tpu.memref_slice %arg3[%add3A, %dma_wait3A_212, %dma_wait3A_213, %dma_wait3A_214] : memref<16x1x512x512xf32, #tpu.memory_space<hbm>> -> memref<1x1x16x512xf32, #tpu.memory_space<hbm>>
    %dma_wait3A_216 = tpu.memref_squeeze %dma_wait3A_215 : memref<1x1x16x512xf32, #tpu.memory_space<hbm>> -> memref<16x512xf32, #tpu.memory_space<hbm>>
    %dma_wait3A_217 = arith.constant 0 : i32
    %dma_wait3A_218 = arith.constant 0 : i32
    %dma_wait3A_219 = tpu.memref_slice %arg3[%add3A, %dma_wait3A_212, %dma_wait3A_217, %dma_wait3A_218] : memref<16x1x512x512xf32, #tpu.memory_space<hbm>> -> memref<1x1x16x512xf32, #tpu.memory_space<hbm>>
    %dma_wait3A_220 = tpu.memref_squeeze %dma_wait3A_219 : memref<1x1x16x512xf32, #tpu.memory_space<hbm>> -> memref<16x512xf32, #tpu.memory_space<hbm>>
    tpu.wait_dma2 semaphore(%arg14 : memref<!tpu.dma_semaphore, #tpu.memory_space<semaphore_mem>>) src(%dma_wait3A_220 : memref<16x512xf32, #tpu.memory_space<hbm>>) dst(%arg7 : memref<16x512xf32, #tpu.memory_space<vmem>>)
    %add3A_221 = arith.constant 80 : i32
    %add3A_222 = arith.addi %mul3A_35, %add3A_221 : i32
    %dma_start3A_223 = arith.constant 0 : i32
    %dma_start3A_224 = arith.constant 0 : i32
    %dma_start3A_225 = tpu.memref_slice %arg2[%add3A, %dma_start3A_223, %add3A_222, %dma_start3A_224] : memref<16x1x512x512xf32, #tpu.memory_space<hbm>> -> memref<1x1x16x512xf32, #tpu.memory_space<hbm>>
    %dma_start3A_226 = tpu.memref_squeeze %dma_start3A_225 : memref<1x1x16x512xf32, #tpu.memory_space<hbm>> -> memref<16x512xf32, #tpu.memory_space<hbm>>
    %dma_start3A_227 = arith.constant 0 : i32
    %dma_start3A_228 = tpu.memref_slice %arg2[%add3A, %dma_start3A_223, %add3A_222, %dma_start3A_227] : memref<16x1x512x512xf32, #tpu.memory_space<hbm>> -> memref<1x1x16x512xf32, #tpu.memory_space<hbm>>
    %dma_start3A_229 = tpu.memref_squeeze %dma_start3A_228 : memref<1x1x16x512xf32, #tpu.memory_space<hbm>> -> memref<16x512xf32, #tpu.memory_space<hbm>>
    tpu.enqueue_dma source(%dma_start3A_229 : memref<16x512xf32, #tpu.memory_space<hbm>>) target(%arg6 : memref<16x512xf32, #tpu.memory_space<vmem>>) target_semaphore(%arg15 : memref<!tpu.dma_semaphore, #tpu.memory_space<semaphore_mem>>)
    %dma_start3A_230 = arith.constant 0 : i32
    %dma_start3A_231 = arith.constant 0 : i32
    %dma_start3A_232 = tpu.memref_slice %arg3[%add3A, %dma_start3A_230, %add3A_222, %dma_start3A_231] : memref<16x1x512x512xf32, #tpu.memory_space<hbm>> -> memref<1x1x16x512xf32, #tpu.memory_space<hbm>>
    %dma_start3A_233 = tpu.memref_squeeze %dma_start3A_232 : memref<1x1x16x512xf32, #tpu.memory_space<hbm>> -> memref<16x512xf32, #tpu.memory_space<hbm>>
    %dma_start3A_234 = arith.constant 0 : i32
    %dma_start3A_235 = tpu.memref_slice %arg3[%add3A, %dma_start3A_230, %add3A_222, %dma_start3A_234] : memref<16x1x512x512xf32, #tpu.memory_space<hbm>> -> memref<1x1x16x512xf32, #tpu.memory_space<hbm>>
    %dma_start3A_236 = tpu.memref_squeeze %dma_start3A_235 : memref<1x1x16x512xf32, #tpu.memory_space<hbm>> -> memref<16x512xf32, #tpu.memory_space<hbm>>
    tpu.enqueue_dma source(%dma_start3A_236 : memref<16x512xf32, #tpu.memory_space<hbm>>) target(%arg8 : memref<16x512xf32, #tpu.memory_space<vmem>>) target_semaphore(%arg15 : memref<!tpu.dma_semaphore, #tpu.memory_space<semaphore_mem>>)
    %parallel_loop3A_237 = arith.constant 0 : i32
    %parallel_loop3A_238 = arith.constant 512 : i32
    %parallel_loop3A_239 = arith.constant 1 : i32
    scf.for %parallel_loop3A_646 = %parallel_loop3A_237 to %parallel_loop3A_238 step %parallel_loop3A_239  : i32 {
      %parallel_loop3A_647 = arith.constant 5 : i32
      %parallel_loop3A_648 = arith.shrui %parallel_loop3A_646, %parallel_loop3A_647 : i32
      %parallel_loop3A_649 = arith.constant 31 : i32
      %parallel_loop3A_650 = arith.andi %parallel_loop3A_646, %parallel_loop3A_649 : i32
      %parallel_loop3A_651 = arith.constant 4 : i32
      %parallel_loop3A_652 = arith.shli %parallel_loop3A_650, %parallel_loop3A_651 : i32
      %parallel_loop3A_653 = arith.index_cast %parallel_loop3A_648 : i32 to index
      %parallel_loop3A_654 = arith.index_cast %parallel_loop3A_652 : i32 to index
      %parallel_loop3A_655 = tpu.vector_load %arg5[%parallel_loop3A_653, %parallel_loop3A_654] {strides = array<i32>} : memref<16x512xf32, #tpu.memory_space<vmem>>, vector<16xf32>,
      %parallel_loop3A_656 = arith.index_cast %parallel_loop3A_648 : i32 to index
      %parallel_loop3A_657 = arith.index_cast %parallel_loop3A_652 : i32 to index
      %parallel_loop3A_658 = tpu.vector_load %arg7[%parallel_loop3A_656, %parallel_loop3A_657] {strides = array<i32>} : memref<16x512xf32, #tpu.memory_space<vmem>>, vector<16xf32>,
      %parallel_loop3A_659 = arith.constant 5.120000e+02 : f32
      %parallel_loop3A_660 = vector.broadcast %parallel_loop3A_659 : f32 to vector<16xf32>
      %parallel_loop3A_661 = arith.mulf %parallel_loop3A_655, %parallel_loop3A_660 : vector<16xf32>
      %parallel_loop3A_662 = arith.constant 8.705000e+03 : f32
      %parallel_loop3A_663 = vector.broadcast %parallel_loop3A_662 : f32 to vector<16xf32>
      %parallel_loop3A_664 = arith.addf %parallel_loop3A_661, %parallel_loop3A_663 : vector<16xf32>
      %parallel_loop3A_665 = arith.constant 1.024000e+03 : f32
      %parallel_loop3A_666 = vector.broadcast %parallel_loop3A_665 : f32 to vector<16xf32>
      %parallel_loop3A_667 = arith.mulf %parallel_loop3A_655, %parallel_loop3A_666 : vector<16xf32>
      %parallel_loop3A_668 = arith.constant 8.192000e+03 : f32
      %parallel_loop3A_669 = vector.broadcast %parallel_loop3A_668 : f32 to vector<16xf32>
      %parallel_loop3A_670 = arith.addf %parallel_loop3A_667, %parallel_loop3A_669 : vector<16xf32>
      %parallel_loop3A_671 = arith.mulf %parallel_loop3A_658, %parallel_loop3A_670 : vector<16xf32>
      %parallel_loop3A_672 = arith.subf %parallel_loop3A_664, %parallel_loop3A_671 : vector<16xf32>
      %parallel_loop3A_673 = arith.fptosi %parallel_loop3A_672 : vector<16xf32> to vector<16xi32>
      %parallel_loop3A_674 = arith.constant 12288 : i32
      %parallel_loop3A_675 = vector.broadcast %parallel_loop3A_674 : i32 to vector<16xi32>
      %parallel_loop3A_676 = arith.subi %parallel_loop3A_675, %parallel_loop3A_673 : vector<16xi32>
      tpu.vector_store_idx %arg9[%parallel_loop3A_676], %broadcast_in_dim3A_33 {add = true} : memref<16384xf32, #tpu.memory_space<vmem>>[vector<16xi32>], vector<16xf32>,
      tpu.vector_store_idx %arg10[%parallel_loop3A_676], %parallel_loop3A_672 {add = true} : memref<16384xf32, #tpu.memory_space<vmem>>[vector<16xi32>], vector<16xf32>,
    } {sc.loop_unroll_factor = 8 : i64, sc.parallel_access}
    %dma_wait3A_240 = arith.constant 0 : i32
    %dma_wait3A_241 = arith.constant 0 : i32
    %dma_wait3A_242 = arith.constant 0 : i32
    %dma_wait3A_243 = tpu.memref_slice %arg2[%add3A, %dma_wait3A_240, %dma_wait3A_241, %dma_wait3A_242] : memref<16x1x512x512xf32, #tpu.memory_space<hbm>> -> memref<1x1x16x512xf32, #tpu.memory_space<hbm>>
    %dma_wait3A_244 = tpu.memref_squeeze %dma_wait3A_243 : memref<1x1x16x512xf32, #tpu.memory_space<hbm>> -> memref<16x512xf32, #tpu.memory_space<hbm>>
    %dma_wait3A_245 = arith.constant 0 : i32
    %dma_wait3A_246 = arith.constant 0 : i32
    %dma_wait3A_247 = tpu.memref_slice %arg2[%add3A, %dma_wait3A_240, %dma_wait3A_245, %dma_wait3A_246] : memref<16x1x512x512xf32, #tpu.memory_space<hbm>> -> memref<1x1x16x512xf32, #tpu.memory_space<hbm>>
    %dma_wait3A_248 = tpu.memref_squeeze %dma_wait3A_247 : memref<1x1x16x512xf32, #tpu.memory_space<hbm>> -> memref<16x512xf32, #tpu.memory_space<hbm>>
    tpu.wait_dma2 semaphore(%arg15 : memref<!tpu.dma_semaphore, #tpu.memory_space<semaphore_mem>>) src(%dma_wait3A_248 : memref<16x512xf32, #tpu.memory_space<hbm>>) dst(%arg6 : memref<16x512xf32, #tpu.memory_space<vmem>>)
    %dma_wait3A_249 = arith.constant 0 : i32
    %dma_wait3A_250 = arith.constant 0 : i32
    %dma_wait3A_251 = arith.constant 0 : i32
    %dma_wait3A_252 = tpu.memref_slice %arg3[%add3A, %dma_wait3A_249, %dma_wait3A_250, %dma_wait3A_251] : memref<16x1x512x512xf32, #tpu.memory_space<hbm>> -> memref<1x1x16x512xf32, #tpu.memory_space<hbm>>
    %dma_wait3A_253 = tpu.memref_squeeze %dma_wait3A_252 : memref<1x1x16x512xf32, #tpu.memory_space<hbm>> -> memref<16x512xf32, #tpu.memory_space<hbm>>
    %dma_wait3A_254 = arith.constant 0 : i32
    %dma_wait3A_255 = arith.constant 0 : i32
    %dma_wait3A_256 = tpu.memref_slice %arg3[%add3A, %dma_wait3A_249, %dma_wait3A_254, %dma_wait3A_255] : memref<16x1x512x512xf32, #tpu.memory_space<hbm>> -> memref<1x1x16x512xf32, #tpu.memory_space<hbm>>
    %dma_wait3A_257 = tpu.memref_squeeze %dma_wait3A_256 : memref<1x1x16x512xf32, #tpu.memory_space<hbm>> -> memref<16x512xf32, #tpu.memory_space<hbm>>
    tpu.wait_dma2 semaphore(%arg15 : memref<!tpu.dma_semaphore, #tpu.memory_space<semaphore_mem>>) src(%dma_wait3A_257 : memref<16x512xf32, #tpu.memory_space<hbm>>) dst(%arg8 : memref<16x512xf32, #tpu.memory_space<vmem>>)
    %add3A_258 = arith.constant 96 : i32
    %add3A_259 = arith.addi %mul3A_35, %add3A_258 : i32
    %dma_start3A_260 = arith.constant 0 : i32
    %dma_start3A_261 = arith.constant 0 : i32
    %dma_start3A_262 = tpu.memref_slice %arg2[%add3A, %dma_start3A_260, %add3A_259, %dma_start3A_261] : memref<16x1x512x512xf32, #tpu.memory_space<hbm>> -> memref<1x1x16x512xf32, #tpu.memory_space<hbm>>
    %dma_start3A_263 = tpu.memref_squeeze %dma_start3A_262 : memref<1x1x16x512xf32, #tpu.memory_space<hbm>> -> memref<16x512xf32, #tpu.memory_space<hbm>>
    %dma_start3A_264 = arith.constant 0 : i32
    %dma_start3A_265 = tpu.memref_slice %arg2[%add3A, %dma_start3A_260, %add3A_259, %dma_start3A_264] : memref<16x1x512x512xf32, #tpu.memory_space<hbm>> -> memref<1x1x16x512xf32, #tpu.memory_space<hbm>>
    %dma_start3A_266 = tpu.memref_squeeze %dma_start3A_265 : memref<1x1x16x512xf32, #tpu.memory_space<hbm>> -> memref<16x512xf32, #tpu.memory_space<hbm>>
    tpu.enqueue_dma source(%dma_start3A_266 : memref<16x512xf32, #tpu.memory_space<hbm>>) target(%arg5 : memref<16x512xf32, #tpu.memory_space<vmem>>) target_semaphore(%arg14 : memref<!tpu.dma_semaphore, #tpu.memory_space<semaphore_mem>>)
    %dma_start3A_267 = arith.constant 0 : i32
    %dma_start3A_268 = arith.constant 0 : i32
    %dma_start3A_269 = tpu.memref_slice %arg3[%add3A, %dma_start3A_267, %add3A_259, %dma_start3A_268] : memref<16x1x512x512xf32, #tpu.memory_space<hbm>> -> memref<1x1x16x512xf32, #tpu.memory_space<hbm>>
    %dma_start3A_270 = tpu.memref_squeeze %dma_start3A_269 : memref<1x1x16x512xf32, #tpu.memory_space<hbm>> -> memref<16x512xf32, #tpu.memory_space<hbm>>
    %dma_start3A_271 = arith.constant 0 : i32
    %dma_start3A_272 = tpu.memref_slice %arg3[%add3A, %dma_start3A_267, %add3A_259, %dma_start3A_271] : memref<16x1x512x512xf32, #tpu.memory_space<hbm>> -> memref<1x1x16x512xf32, #tpu.memory_space<hbm>>
    %dma_start3A_273 = tpu.memref_squeeze %dma_start3A_272 : memref<1x1x16x512xf32, #tpu.memory_space<hbm>> -> memref<16x512xf32, #tpu.memory_space<hbm>>
    tpu.enqueue_dma source(%dma_start3A_273 : memref<16x512xf32, #tpu.memory_space<hbm>>) target(%arg7 : memref<16x512xf32, #tpu.memory_space<vmem>>) target_semaphore(%arg14 : memref<!tpu.dma_semaphore, #tpu.memory_space<semaphore_mem>>)
    %parallel_loop3A_274 = arith.constant 0 : i32
    %parallel_loop3A_275 = arith.constant 512 : i32
    %parallel_loop3A_276 = arith.constant 1 : i32
    scf.for %parallel_loop3A_646 = %parallel_loop3A_274 to %parallel_loop3A_275 step %parallel_loop3A_276  : i32 {
      %parallel_loop3A_647 = arith.constant 5 : i32
      %parallel_loop3A_648 = arith.shrui %parallel_loop3A_646, %parallel_loop3A_647 : i32
      %parallel_loop3A_649 = arith.constant 31 : i32
      %parallel_loop3A_650 = arith.andi %parallel_loop3A_646, %parallel_loop3A_649 : i32
      %parallel_loop3A_651 = arith.constant 4 : i32
      %parallel_loop3A_652 = arith.shli %parallel_loop3A_650, %parallel_loop3A_651 : i32
      %parallel_loop3A_653 = arith.index_cast %parallel_loop3A_648 : i32 to index
      %parallel_loop3A_654 = arith.index_cast %parallel_loop3A_652 : i32 to index
      %parallel_loop3A_655 = tpu.vector_load %arg6[%parallel_loop3A_653, %parallel_loop3A_654] {strides = array<i32>} : memref<16x512xf32, #tpu.memory_space<vmem>>, vector<16xf32>,
      %parallel_loop3A_656 = arith.index_cast %parallel_loop3A_648 : i32 to index
      %parallel_loop3A_657 = arith.index_cast %parallel_loop3A_652 : i32 to index
      %parallel_loop3A_658 = tpu.vector_load %arg8[%parallel_loop3A_656, %parallel_loop3A_657] {strides = array<i32>} : memref<16x512xf32, #tpu.memory_space<vmem>>, vector<16xf32>,
      %parallel_loop3A_659 = arith.constant 5.120000e+02 : f32
      %parallel_loop3A_660 = vector.broadcast %parallel_loop3A_659 : f32 to vector<16xf32>
      %parallel_loop3A_661 = arith.mulf %parallel_loop3A_655, %parallel_loop3A_660 : vector<16xf32>
      %parallel_loop3A_662 = arith.constant 8.705000e+03 : f32
      %parallel_loop3A_663 = vector.broadcast %parallel_loop3A_662 : f32 to vector<16xf32>
      %parallel_loop3A_664 = arith.addf %parallel_loop3A_661, %parallel_loop3A_663 : vector<16xf32>
      %parallel_loop3A_665 = arith.constant 1.024000e+03 : f32
      %parallel_loop3A_666 = vector.broadcast %parallel_loop3A_665 : f32 to vector<16xf32>
      %parallel_loop3A_667 = arith.mulf %parallel_loop3A_655, %parallel_loop3A_666 : vector<16xf32>
      %parallel_loop3A_668 = arith.constant 8.192000e+03 : f32
      %parallel_loop3A_669 = vector.broadcast %parallel_loop3A_668 : f32 to vector<16xf32>
      %parallel_loop3A_670 = arith.addf %parallel_loop3A_667, %parallel_loop3A_669 : vector<16xf32>
      %parallel_loop3A_671 = arith.mulf %parallel_loop3A_658, %parallel_loop3A_670 : vector<16xf32>
      %parallel_loop3A_672 = arith.subf %parallel_loop3A_664, %parallel_loop3A_671 : vector<16xf32>
      %parallel_loop3A_673 = arith.fptosi %parallel_loop3A_672 : vector<16xf32> to vector<16xi32>
      %parallel_loop3A_674 = arith.constant 12288 : i32
      %parallel_loop3A_675 = vector.broadcast %parallel_loop3A_674 : i32 to vector<16xi32>
      %parallel_loop3A_676 = arith.subi %parallel_loop3A_675, %parallel_loop3A_673 : vector<16xi32>
      tpu.vector_store_idx %arg9[%parallel_loop3A_676], %broadcast_in_dim3A_33 {add = true} : memref<16384xf32, #tpu.memory_space<vmem>>[vector<16xi32>], vector<16xf32>,
      tpu.vector_store_idx %arg10[%parallel_loop3A_676], %parallel_loop3A_672 {add = true} : memref<16384xf32, #tpu.memory_space<vmem>>[vector<16xi32>], vector<16xf32>,
    } {sc.loop_unroll_factor = 8 : i64, sc.parallel_access}
    %dma_wait3A_277 = arith.constant 0 : i32
    %dma_wait3A_278 = arith.constant 0 : i32
    %dma_wait3A_279 = arith.constant 0 : i32
    %dma_wait3A_280 = tpu.memref_slice %arg2[%add3A, %dma_wait3A_277, %dma_wait3A_278, %dma_wait3A_279] : memref<16x1x512x512xf32, #tpu.memory_space<hbm>> -> memref<1x1x16x512xf32, #tpu.memory_space<hbm>>
    %dma_wait3A_281 = tpu.memref_squeeze %dma_wait3A_280 : memref<1x1x16x512xf32, #tpu.memory_space<hbm>> -> memref<16x512xf32, #tpu.memory_space<hbm>>
    %dma_wait3A_282 = arith.constant 0 : i32
    %dma_wait3A_283 = arith.constant 0 : i32
    %dma_wait3A_284 = tpu.memref_slice %arg2[%add3A, %dma_wait3A_277, %dma_wait3A_282, %dma_wait3A_283] : memref<16x1x512x512xf32, #tpu.memory_space<hbm>> -> memref<1x1x16x512xf32, #tpu.memory_space<hbm>>
    %dma_wait3A_285 = tpu.memref_squeeze %dma_wait3A_284 : memref<1x1x16x512xf32, #tpu.memory_space<hbm>> -> memref<16x512xf32, #tpu.memory_space<hbm>>
    tpu.wait_dma2 semaphore(%arg14 : memref<!tpu.dma_semaphore, #tpu.memory_space<semaphore_mem>>) src(%dma_wait3A_285 : memref<16x512xf32, #tpu.memory_space<hbm>>) dst(%arg5 : memref<16x512xf32, #tpu.memory_space<vmem>>)
    %dma_wait3A_286 = arith.constant 0 : i32
    %dma_wait3A_287 = arith.constant 0 : i32
    %dma_wait3A_288 = arith.constant 0 : i32
    %dma_wait3A_289 = tpu.memref_slice %arg3[%add3A, %dma_wait3A_286, %dma_wait3A_287, %dma_wait3A_288] : memref<16x1x512x512xf32, #tpu.memory_space<hbm>> -> memref<1x1x16x512xf32, #tpu.memory_space<hbm>>
    %dma_wait3A_290 = tpu.memref_squeeze %dma_wait3A_289 : memref<1x1x16x512xf32, #tpu.memory_space<hbm>> -> memref<16x512xf32, #tpu.memory_space<hbm>>
    %dma_wait3A_291 = arith.constant 0 : i32
    %dma_wait3A_292 = arith.constant 0 : i32
    %dma_wait3A_293 = tpu.memref_slice %arg3[%add3A, %dma_wait3A_286, %dma_wait3A_291, %dma_wait3A_292] : memref<16x1x512x512xf32, #tpu.memory_space<hbm>> -> memref<1x1x16x512xf32, #tpu.memory_space<hbm>>
    %dma_wait3A_294 = tpu.memref_squeeze %dma_wait3A_293 : memref<1x1x16x512xf32, #tpu.memory_space<hbm>> -> memref<16x512xf32, #tpu.memory_space<hbm>>
    tpu.wait_dma2 semaphore(%arg14 : memref<!tpu.dma_semaphore, #tpu.memory_space<semaphore_mem>>) src(%dma_wait3A_294 : memref<16x512xf32, #tpu.memory_space<hbm>>) dst(%arg7 : memref<16x512xf32, #tpu.memory_space<vmem>>)
    %add3A_295 = arith.constant 112 : i32
    %add3A_296 = arith.addi %mul3A_35, %add3A_295 : i32
    %dma_start3A_297 = arith.constant 0 : i32
    %dma_start3A_298 = arith.constant 0 : i32
    %dma_start3A_299 = tpu.memref_slice %arg2[%add3A, %dma_start3A_297, %add3A_296, %dma_start3A_298] : memref<16x1x512x512xf32, #tpu.memory_space<hbm>> -> memref<1x1x16x512xf32, #tpu.memory_space<hbm>>
    %dma_start3A_300 = tpu.memref_squeeze %dma_start3A_299 : memref<1x1x16x512xf32, #tpu.memory_space<hbm>> -> memref<16x512xf32, #tpu.memory_space<hbm>>
    %dma_start3A_301 = arith.constant 0 : i32
    %dma_start3A_302 = tpu.memref_slice %arg2[%add3A, %dma_start3A_297, %add3A_296, %dma_start3A_301] : memref<16x1x512x512xf32, #tpu.memory_space<hbm>> -> memref<1x1x16x512xf32, #tpu.memory_space<hbm>>
    %dma_start3A_303 = tpu.memref_squeeze %dma_start3A_302 : memref<1x1x16x512xf32, #tpu.memory_space<hbm>> -> memref<16x512xf32, #tpu.memory_space<hbm>>
    tpu.enqueue_dma source(%dma_start3A_303 : memref<16x512xf32, #tpu.memory_space<hbm>>) target(%arg6 : memref<16x512xf32, #tpu.memory_space<vmem>>) target_semaphore(%arg15 : memref<!tpu.dma_semaphore, #tpu.memory_space<semaphore_mem>>)
    %dma_start3A_304 = arith.constant 0 : i32
    %dma_start3A_305 = arith.constant 0 : i32
    %dma_start3A_306 = tpu.memref_slice %arg3[%add3A, %dma_start3A_304, %add3A_296, %dma_start3A_305] : memref<16x1x512x512xf32, #tpu.memory_space<hbm>> -> memref<1x1x16x512xf32, #tpu.memory_space<hbm>>
    %dma_start3A_307 = tpu.memref_squeeze %dma_start3A_306 : memref<1x1x16x512xf32, #tpu.memory_space<hbm>> -> memref<16x512xf32, #tpu.memory_space<hbm>>
    %dma_start3A_308 = arith.constant 0 : i32
    %dma_start3A_309 = tpu.memref_slice %arg3[%add3A, %dma_start3A_304, %add3A_296, %dma_start3A_308] : memref<16x1x512x512xf32, #tpu.memory_space<hbm>> -> memref<1x1x16x512xf32, #tpu.memory_space<hbm>>
    %dma_start3A_310 = tpu.memref_squeeze %dma_start3A_309 : memref<1x1x16x512xf32, #tpu.memory_space<hbm>> -> memref<16x512xf32, #tpu.memory_space<hbm>>
    tpu.enqueue_dma source(%dma_start3A_310 : memref<16x512xf32, #tpu.memory_space<hbm>>) target(%arg8 : memref<16x512xf32, #tpu.memory_space<vmem>>) target_semaphore(%arg15 : memref<!tpu.dma_semaphore, #tpu.memory_space<semaphore_mem>>)
    %parallel_loop3A_311 = arith.constant 0 : i32
    %parallel_loop3A_312 = arith.constant 512 : i32
    %parallel_loop3A_313 = arith.constant 1 : i32
    scf.for %parallel_loop3A_646 = %parallel_loop3A_311 to %parallel_loop3A_312 step %parallel_loop3A_313  : i32 {
      %parallel_loop3A_647 = arith.constant 5 : i32
      %parallel_loop3A_648 = arith.shrui %parallel_loop3A_646, %parallel_loop3A_647 : i32
      %parallel_loop3A_649 = arith.constant 31 : i32
      %parallel_loop3A_650 = arith.andi %parallel_loop3A_646, %parallel_loop3A_649 : i32
      %parallel_loop3A_651 = arith.constant 4 : i32
      %parallel_loop3A_652 = arith.shli %parallel_loop3A_650, %parallel_loop3A_651 : i32
      %parallel_loop3A_653 = arith.index_cast %parallel_loop3A_648 : i32 to index
      %parallel_loop3A_654 = arith.index_cast %parallel_loop3A_652 : i32 to index
      %parallel_loop3A_655 = tpu.vector_load %arg5[%parallel_loop3A_653, %parallel_loop3A_654] {strides = array<i32>} : memref<16x512xf32, #tpu.memory_space<vmem>>, vector<16xf32>,
      %parallel_loop3A_656 = arith.index_cast %parallel_loop3A_648 : i32 to index
      %parallel_loop3A_657 = arith.index_cast %parallel_loop3A_652 : i32 to index
      %parallel_loop3A_658 = tpu.vector_load %arg7[%parallel_loop3A_656, %parallel_loop3A_657] {strides = array<i32>} : memref<16x512xf32, #tpu.memory_space<vmem>>, vector<16xf32>,
      %parallel_loop3A_659 = arith.constant 5.120000e+02 : f32
      %parallel_loop3A_660 = vector.broadcast %parallel_loop3A_659 : f32 to vector<16xf32>
      %parallel_loop3A_661 = arith.mulf %parallel_loop3A_655, %parallel_loop3A_660 : vector<16xf32>
      %parallel_loop3A_662 = arith.constant 8.705000e+03 : f32
      %parallel_loop3A_663 = vector.broadcast %parallel_loop3A_662 : f32 to vector<16xf32>
      %parallel_loop3A_664 = arith.addf %parallel_loop3A_661, %parallel_loop3A_663 : vector<16xf32>
      %parallel_loop3A_665 = arith.constant 1.024000e+03 : f32
      %parallel_loop3A_666 = vector.broadcast %parallel_loop3A_665 : f32 to vector<16xf32>
      %parallel_loop3A_667 = arith.mulf %parallel_loop3A_655, %parallel_loop3A_666 : vector<16xf32>
      %parallel_loop3A_668 = arith.constant 8.192000e+03 : f32
      %parallel_loop3A_669 = vector.broadcast %parallel_loop3A_668 : f32 to vector<16xf32>
      %parallel_loop3A_670 = arith.addf %parallel_loop3A_667, %parallel_loop3A_669 : vector<16xf32>
      %parallel_loop3A_671 = arith.mulf %parallel_loop3A_658, %parallel_loop3A_670 : vector<16xf32>
      %parallel_loop3A_672 = arith.subf %parallel_loop3A_664, %parallel_loop3A_671 : vector<16xf32>
      %parallel_loop3A_673 = arith.fptosi %parallel_loop3A_672 : vector<16xf32> to vector<16xi32>
      %parallel_loop3A_674 = arith.constant 12288 : i32
      %parallel_loop3A_675 = vector.broadcast %parallel_loop3A_674 : i32 to vector<16xi32>
      %parallel_loop3A_676 = arith.subi %parallel_loop3A_675, %parallel_loop3A_673 : vector<16xi32>
      tpu.vector_store_idx %arg9[%parallel_loop3A_676], %broadcast_in_dim3A_33 {add = true} : memref<16384xf32, #tpu.memory_space<vmem>>[vector<16xi32>], vector<16xf32>,
      tpu.vector_store_idx %arg10[%parallel_loop3A_676], %parallel_loop3A_672 {add = true} : memref<16384xf32, #tpu.memory_space<vmem>>[vector<16xi32>], vector<16xf32>,
    } {sc.loop_unroll_factor = 8 : i64, sc.parallel_access}
    %dma_wait3A_314 = arith.constant 0 : i32
    %dma_wait3A_315 = arith.constant 0 : i32
    %dma_wait3A_316 = arith.constant 0 : i32
    %dma_wait3A_317 = tpu.memref_slice %arg2[%add3A, %dma_wait3A_314, %dma_wait3A_315, %dma_wait3A_316] : memref<16x1x512x512xf32, #tpu.memory_space<hbm>> -> memref<1x1x16x512xf32, #tpu.memory_space<hbm>>
    %dma_wait3A_318 = tpu.memref_squeeze %dma_wait3A_317 : memref<1x1x16x512xf32, #tpu.memory_space<hbm>> -> memref<16x512xf32, #tpu.memory_space<hbm>>
    %dma_wait3A_319 = arith.constant 0 : i32
    %dma_wait3A_320 = arith.constant 0 : i32
    %dma_wait3A_321 = tpu.memref_slice %arg2[%add3A, %dma_wait3A_314, %dma_wait3A_319, %dma_wait3A_320] : memref<16x1x512x512xf32, #tpu.memory_space<hbm>> -> memref<1x1x16x512xf32, #tpu.memory_space<hbm>>
    %dma_wait3A_322 = tpu.memref_squeeze %dma_wait3A_321 : memref<1x1x16x512xf32, #tpu.memory_space<hbm>> -> memref<16x512xf32, #tpu.memory_space<hbm>>
    tpu.wait_dma2 semaphore(%arg15 : memref<!tpu.dma_semaphore, #tpu.memory_space<semaphore_mem>>) src(%dma_wait3A_322 : memref<16x512xf32, #tpu.memory_space<hbm>>) dst(%arg6 : memref<16x512xf32, #tpu.memory_space<vmem>>)
    %dma_wait3A_323 = arith.constant 0 : i32
    %dma_wait3A_324 = arith.constant 0 : i32
    %dma_wait3A_325 = arith.constant 0 : i32
    %dma_wait3A_326 = tpu.memref_slice %arg3[%add3A, %dma_wait3A_323, %dma_wait3A_324, %dma_wait3A_325] : memref<16x1x512x512xf32, #tpu.memory_space<hbm>> -> memref<1x1x16x512xf32, #tpu.memory_space<hbm>>
    %dma_wait3A_327 = tpu.memref_squeeze %dma_wait3A_326 : memref<1x1x16x512xf32, #tpu.memory_space<hbm>> -> memref<16x512xf32, #tpu.memory_space<hbm>>
    %dma_wait3A_328 = arith.constant 0 : i32
    %dma_wait3A_329 = arith.constant 0 : i32
    %dma_wait3A_330 = tpu.memref_slice %arg3[%add3A, %dma_wait3A_323, %dma_wait3A_328, %dma_wait3A_329] : memref<16x1x512x512xf32, #tpu.memory_space<hbm>> -> memref<1x1x16x512xf32, #tpu.memory_space<hbm>>
    %dma_wait3A_331 = tpu.memref_squeeze %dma_wait3A_330 : memref<1x1x16x512xf32, #tpu.memory_space<hbm>> -> memref<16x512xf32, #tpu.memory_space<hbm>>
    tpu.wait_dma2 semaphore(%arg15 : memref<!tpu.dma_semaphore, #tpu.memory_space<semaphore_mem>>) src(%dma_wait3A_331 : memref<16x512xf32, #tpu.memory_space<hbm>>) dst(%arg8 : memref<16x512xf32, #tpu.memory_space<vmem>>)
    %add3A_332 = arith.constant 128 : i32
    %add3A_333 = arith.addi %mul3A_35, %add3A_332 : i32
    %dma_start3A_334 = arith.constant 0 : i32
    %dma_start3A_335 = arith.constant 0 : i32
    %dma_start3A_336 = tpu.memref_slice %arg2[%add3A, %dma_start3A_334, %add3A_333, %dma_start3A_335] : memref<16x1x512x512xf32, #tpu.memory_space<hbm>> -> memref<1x1x16x512xf32, #tpu.memory_space<hbm>>
    %dma_start3A_337 = tpu.memref_squeeze %dma_start3A_336 : memref<1x1x16x512xf32, #tpu.memory_space<hbm>> -> memref<16x512xf32, #tpu.memory_space<hbm>>
    %dma_start3A_338 = arith.constant 0 : i32
    %dma_start3A_339 = tpu.memref_slice %arg2[%add3A, %dma_start3A_334, %add3A_333, %dma_start3A_338] : memref<16x1x512x512xf32, #tpu.memory_space<hbm>> -> memref<1x1x16x512xf32, #tpu.memory_space<hbm>>
    %dma_start3A_340 = tpu.memref_squeeze %dma_start3A_339 : memref<1x1x16x512xf32, #tpu.memory_space<hbm>> -> memref<16x512xf32, #tpu.memory_space<hbm>>
    tpu.enqueue_dma source(%dma_start3A_340 : memref<16x512xf32, #tpu.memory_space<hbm>>) target(%arg5 : memref<16x512xf32, #tpu.memory_space<vmem>>) target_semaphore(%arg14 : memref<!tpu.dma_semaphore, #tpu.memory_space<semaphore_mem>>)
    %dma_start3A_341 = arith.constant 0 : i32
    %dma_start3A_342 = arith.constant 0 : i32
    %dma_start3A_343 = tpu.memref_slice %arg3[%add3A, %dma_start3A_341, %add3A_333, %dma_start3A_342] : memref<16x1x512x512xf32, #tpu.memory_space<hbm>> -> memref<1x1x16x512xf32, #tpu.memory_space<hbm>>
    %dma_start3A_344 = tpu.memref_squeeze %dma_start3A_343 : memref<1x1x16x512xf32, #tpu.memory_space<hbm>> -> memref<16x512xf32, #tpu.memory_space<hbm>>
    %dma_start3A_345 = arith.constant 0 : i32
    %dma_start3A_346 = tpu.memref_slice %arg3[%add3A, %dma_start3A_341, %add3A_333, %dma_start3A_345] : memref<16x1x512x512xf32, #tpu.memory_space<hbm>> -> memref<1x1x16x512xf32, #tpu.memory_space<hbm>>
    %dma_start3A_347 = tpu.memref_squeeze %dma_start3A_346 : memref<1x1x16x512xf32, #tpu.memory_space<hbm>> -> memref<16x512xf32, #tpu.memory_space<hbm>>
    tpu.enqueue_dma source(%dma_start3A_347 : memref<16x512xf32, #tpu.memory_space<hbm>>) target(%arg7 : memref<16x512xf32, #tpu.memory_space<vmem>>) target_semaphore(%arg14 : memref<!tpu.dma_semaphore, #tpu.memory_space<semaphore_mem>>)
    %parallel_loop3A_348 = arith.constant 0 : i32
    %parallel_loop3A_349 = arith.constant 512 : i32
    %parallel_loop3A_350 = arith.constant 1 : i32
    scf.for %parallel_loop3A_646 = %parallel_loop3A_348 to %parallel_loop3A_349 step %parallel_loop3A_350  : i32 {
      %parallel_loop3A_647 = arith.constant 5 : i32
      %parallel_loop3A_648 = arith.shrui %parallel_loop3A_646, %parallel_loop3A_647 : i32
      %parallel_loop3A_649 = arith.constant 31 : i32
      %parallel_loop3A_650 = arith.andi %parallel_loop3A_646, %parallel_loop3A_649 : i32
      %parallel_loop3A_651 = arith.constant 4 : i32
      %parallel_loop3A_652 = arith.shli %parallel_loop3A_650, %parallel_loop3A_651 : i32
      %parallel_loop3A_653 = arith.index_cast %parallel_loop3A_648 : i32 to index
      %parallel_loop3A_654 = arith.index_cast %parallel_loop3A_652 : i32 to index
      %parallel_loop3A_655 = tpu.vector_load %arg6[%parallel_loop3A_653, %parallel_loop3A_654] {strides = array<i32>} : memref<16x512xf32, #tpu.memory_space<vmem>>, vector<16xf32>,
      %parallel_loop3A_656 = arith.index_cast %parallel_loop3A_648 : i32 to index
      %parallel_loop3A_657 = arith.index_cast %parallel_loop3A_652 : i32 to index
      %parallel_loop3A_658 = tpu.vector_load %arg8[%parallel_loop3A_656, %parallel_loop3A_657] {strides = array<i32>} : memref<16x512xf32, #tpu.memory_space<vmem>>, vector<16xf32>,
      %parallel_loop3A_659 = arith.constant 5.120000e+02 : f32
      %parallel_loop3A_660 = vector.broadcast %parallel_loop3A_659 : f32 to vector<16xf32>
      %parallel_loop3A_661 = arith.mulf %parallel_loop3A_655, %parallel_loop3A_660 : vector<16xf32>
      %parallel_loop3A_662 = arith.constant 8.705000e+03 : f32
      %parallel_loop3A_663 = vector.broadcast %parallel_loop3A_662 : f32 to vector<16xf32>
      %parallel_loop3A_664 = arith.addf %parallel_loop3A_661, %parallel_loop3A_663 : vector<16xf32>
      %parallel_loop3A_665 = arith.constant 1.024000e+03 : f32
      %parallel_loop3A_666 = vector.broadcast %parallel_loop3A_665 : f32 to vector<16xf32>
      %parallel_loop3A_667 = arith.mulf %parallel_loop3A_655, %parallel_loop3A_666 : vector<16xf32>
      %parallel_loop3A_668 = arith.constant 8.192000e+03 : f32
      %parallel_loop3A_669 = vector.broadcast %parallel_loop3A_668 : f32 to vector<16xf32>
      %parallel_loop3A_670 = arith.addf %parallel_loop3A_667, %parallel_loop3A_669 : vector<16xf32>
      %parallel_loop3A_671 = arith.mulf %parallel_loop3A_658, %parallel_loop3A_670 : vector<16xf32>
      %parallel_loop3A_672 = arith.subf %parallel_loop3A_664, %parallel_loop3A_671 : vector<16xf32>
      %parallel_loop3A_673 = arith.fptosi %parallel_loop3A_672 : vector<16xf32> to vector<16xi32>
      %parallel_loop3A_674 = arith.constant 12288 : i32
      %parallel_loop3A_675 = vector.broadcast %parallel_loop3A_674 : i32 to vector<16xi32>
      %parallel_loop3A_676 = arith.subi %parallel_loop3A_675, %parallel_loop3A_673 : vector<16xi32>
      tpu.vector_store_idx %arg9[%parallel_loop3A_676], %broadcast_in_dim3A_33 {add = true} : memref<16384xf32, #tpu.memory_space<vmem>>[vector<16xi32>], vector<16xf32>,
      tpu.vector_store_idx %arg10[%parallel_loop3A_676], %parallel_loop3A_672 {add = true} : memref<16384xf32, #tpu.memory_space<vmem>>[vector<16xi32>], vector<16xf32>,
    } {sc.loop_unroll_factor = 8 : i64, sc.parallel_access}
    %dma_wait3A_351 = arith.constant 0 : i32
    %dma_wait3A_352 = arith.constant 0 : i32
    %dma_wait3A_353 = arith.constant 0 : i32
    %dma_wait3A_354 = tpu.memref_slice %arg2[%add3A, %dma_wait3A_351, %dma_wait3A_352, %dma_wait3A_353] : memref<16x1x512x512xf32, #tpu.memory_space<hbm>> -> memref<1x1x16x512xf32, #tpu.memory_space<hbm>>
    %dma_wait3A_355 = tpu.memref_squeeze %dma_wait3A_354 : memref<1x1x16x512xf32, #tpu.memory_space<hbm>> -> memref<16x512xf32, #tpu.memory_space<hbm>>
    %dma_wait3A_356 = arith.constant 0 : i32
    %dma_wait3A_357 = arith.constant 0 : i32
    %dma_wait3A_358 = tpu.memref_slice %arg2[%add3A, %dma_wait3A_351, %dma_wait3A_356, %dma_wait3A_357] : memref<16x1x512x512xf32, #tpu.memory_space<hbm>> -> memref<1x1x16x512xf32, #tpu.memory_space<hbm>>
    %dma_wait3A_359 = tpu.memref_squeeze %dma_wait3A_358 : memref<1x1x16x512xf32, #tpu.memory_space<hbm>> -> memref<16x512xf32, #tpu.memory_space<hbm>>
    tpu.wait_dma2 semaphore(%arg14 : memref<!tpu.dma_semaphore, #tpu.memory_space<semaphore_mem>>) src(%dma_wait3A_359 : memref<16x512xf32, #tpu.memory_space<hbm>>) dst(%arg5 : memref<16x512xf32, #tpu.memory_space<vmem>>)
    %dma_wait3A_360 = arith.constant 0 : i32
    %dma_wait3A_361 = arith.constant 0 : i32
    %dma_wait3A_362 = arith.constant 0 : i32
    %dma_wait3A_363 = tpu.memref_slice %arg3[%add3A, %dma_wait3A_360, %dma_wait3A_361, %dma_wait3A_362] : memref<16x1x512x512xf32, #tpu.memory_space<hbm>> -> memref<1x1x16x512xf32, #tpu.memory_space<hbm>>
    %dma_wait3A_364 = tpu.memref_squeeze %dma_wait3A_363 : memref<1x1x16x512xf32, #tpu.memory_space<hbm>> -> memref<16x512xf32, #tpu.memory_space<hbm>>
    %dma_wait3A_365 = arith.constant 0 : i32
    %dma_wait3A_366 = arith.constant 0 : i32
    %dma_wait3A_367 = tpu.memref_slice %arg3[%add3A, %dma_wait3A_360, %dma_wait3A_365, %dma_wait3A_366] : memref<16x1x512x512xf32, #tpu.memory_space<hbm>> -> memref<1x1x16x512xf32, #tpu.memory_space<hbm>>
    %dma_wait3A_368 = tpu.memref_squeeze %dma_wait3A_367 : memref<1x1x16x512xf32, #tpu.memory_space<hbm>> -> memref<16x512xf32, #tpu.memory_space<hbm>>
    tpu.wait_dma2 semaphore(%arg14 : memref<!tpu.dma_semaphore, #tpu.memory_space<semaphore_mem>>) src(%dma_wait3A_368 : memref<16x512xf32, #tpu.memory_space<hbm>>) dst(%arg7 : memref<16x512xf32, #tpu.memory_space<vmem>>)
    %add3A_369 = arith.constant 144 : i32
    %add3A_370 = arith.addi %mul3A_35, %add3A_369 : i32
    %dma_start3A_371 = arith.constant 0 : i32
    %dma_start3A_372 = arith.constant 0 : i32
    %dma_start3A_373 = tpu.memref_slice %arg2[%add3A, %dma_start3A_371, %add3A_370, %dma_start3A_372] : memref<16x1x512x512xf32, #tpu.memory_space<hbm>> -> memref<1x1x16x512xf32, #tpu.memory_space<hbm>>
    %dma_start3A_374 = tpu.memref_squeeze %dma_start3A_373 : memref<1x1x16x512xf32, #tpu.memory_space<hbm>> -> memref<16x512xf32, #tpu.memory_space<hbm>>
    %dma_start3A_375 = arith.constant 0 : i32
    %dma_start3A_376 = tpu.memref_slice %arg2[%add3A, %dma_start3A_371, %add3A_370, %dma_start3A_375] : memref<16x1x512x512xf32, #tpu.memory_space<hbm>> -> memref<1x1x16x512xf32, #tpu.memory_space<hbm>>
    %dma_start3A_377 = tpu.memref_squeeze %dma_start3A_376 : memref<1x1x16x512xf32, #tpu.memory_space<hbm>> -> memref<16x512xf32, #tpu.memory_space<hbm>>
    tpu.enqueue_dma source(%dma_start3A_377 : memref<16x512xf32, #tpu.memory_space<hbm>>) target(%arg6 : memref<16x512xf32, #tpu.memory_space<vmem>>) target_semaphore(%arg15 : memref<!tpu.dma_semaphore, #tpu.memory_space<semaphore_mem>>)
    %dma_start3A_378 = arith.constant 0 : i32
    %dma_start3A_379 = arith.constant 0 : i32
    %dma_start3A_380 = tpu.memref_slice %arg3[%add3A, %dma_start3A_378, %add3A_370, %dma_start3A_379] : memref<16x1x512x512xf32, #tpu.memory_space<hbm>> -> memref<1x1x16x512xf32, #tpu.memory_space<hbm>>
    %dma_start3A_381 = tpu.memref_squeeze %dma_start3A_380 : memref<1x1x16x512xf32, #tpu.memory_space<hbm>> -> memref<16x512xf32, #tpu.memory_space<hbm>>
    %dma_start3A_382 = arith.constant 0 : i32
    %dma_start3A_383 = tpu.memref_slice %arg3[%add3A, %dma_start3A_378, %add3A_370, %dma_start3A_382] : memref<16x1x512x512xf32, #tpu.memory_space<hbm>> -> memref<1x1x16x512xf32, #tpu.memory_space<hbm>>
    %dma_start3A_384 = tpu.memref_squeeze %dma_start3A_383 : memref<1x1x16x512xf32, #tpu.memory_space<hbm>> -> memref<16x512xf32, #tpu.memory_space<hbm>>
    tpu.enqueue_dma source(%dma_start3A_384 : memref<16x512xf32, #tpu.memory_space<hbm>>) target(%arg8 : memref<16x512xf32, #tpu.memory_space<vmem>>) target_semaphore(%arg15 : memref<!tpu.dma_semaphore, #tpu.memory_space<semaphore_mem>>)
    %parallel_loop3A_385 = arith.constant 0 : i32
    %parallel_loop3A_386 = arith.constant 512 : i32
    %parallel_loop3A_387 = arith.constant 1 : i32
    scf.for %parallel_loop3A_646 = %parallel_loop3A_385 to %parallel_loop3A_386 step %parallel_loop3A_387  : i32 {
      %parallel_loop3A_647 = arith.constant 5 : i32
      %parallel_loop3A_648 = arith.shrui %parallel_loop3A_646, %parallel_loop3A_647 : i32
      %parallel_loop3A_649 = arith.constant 31 : i32
      %parallel_loop3A_650 = arith.andi %parallel_loop3A_646, %parallel_loop3A_649 : i32
      %parallel_loop3A_651 = arith.constant 4 : i32
      %parallel_loop3A_652 = arith.shli %parallel_loop3A_650, %parallel_loop3A_651 : i32
      %parallel_loop3A_653 = arith.index_cast %parallel_loop3A_648 : i32 to index
      %parallel_loop3A_654 = arith.index_cast %parallel_loop3A_652 : i32 to index
      %parallel_loop3A_655 = tpu.vector_load %arg5[%parallel_loop3A_653, %parallel_loop3A_654] {strides = array<i32>} : memref<16x512xf32, #tpu.memory_space<vmem>>, vector<16xf32>,
      %parallel_loop3A_656 = arith.index_cast %parallel_loop3A_648 : i32 to index
      %parallel_loop3A_657 = arith.index_cast %parallel_loop3A_652 : i32 to index
      %parallel_loop3A_658 = tpu.vector_load %arg7[%parallel_loop3A_656, %parallel_loop3A_657] {strides = array<i32>} : memref<16x512xf32, #tpu.memory_space<vmem>>, vector<16xf32>,
      %parallel_loop3A_659 = arith.constant 5.120000e+02 : f32
      %parallel_loop3A_660 = vector.broadcast %parallel_loop3A_659 : f32 to vector<16xf32>
      %parallel_loop3A_661 = arith.mulf %parallel_loop3A_655, %parallel_loop3A_660 : vector<16xf32>
      %parallel_loop3A_662 = arith.constant 8.705000e+03 : f32
      %parallel_loop3A_663 = vector.broadcast %parallel_loop3A_662 : f32 to vector<16xf32>
      %parallel_loop3A_664 = arith.addf %parallel_loop3A_661, %parallel_loop3A_663 : vector<16xf32>
      %parallel_loop3A_665 = arith.constant 1.024000e+03 : f32
      %parallel_loop3A_666 = vector.broadcast %parallel_loop3A_665 : f32 to vector<16xf32>
      %parallel_loop3A_667 = arith.mulf %parallel_loop3A_655, %parallel_loop3A_666 : vector<16xf32>
      %parallel_loop3A_668 = arith.constant 8.192000e+03 : f32
      %parallel_loop3A_669 = vector.broadcast %parallel_loop3A_668 : f32 to vector<16xf32>
      %parallel_loop3A_670 = arith.addf %parallel_loop3A_667, %parallel_loop3A_669 : vector<16xf32>
      %parallel_loop3A_671 = arith.mulf %parallel_loop3A_658, %parallel_loop3A_670 : vector<16xf32>
      %parallel_loop3A_672 = arith.subf %parallel_loop3A_664, %parallel_loop3A_671 : vector<16xf32>
      %parallel_loop3A_673 = arith.fptosi %parallel_loop3A_672 : vector<16xf32> to vector<16xi32>
      %parallel_loop3A_674 = arith.constant 12288 : i32
      %parallel_loop3A_675 = vector.broadcast %parallel_loop3A_674 : i32 to vector<16xi32>
      %parallel_loop3A_676 = arith.subi %parallel_loop3A_675, %parallel_loop3A_673 : vector<16xi32>
      tpu.vector_store_idx %arg9[%parallel_loop3A_676], %broadcast_in_dim3A_33 {add = true} : memref<16384xf32, #tpu.memory_space<vmem>>[vector<16xi32>], vector<16xf32>,
      tpu.vector_store_idx %arg10[%parallel_loop3A_676], %parallel_loop3A_672 {add = true} : memref<16384xf32, #tpu.memory_space<vmem>>[vector<16xi32>], vector<16xf32>,
    } {sc.loop_unroll_factor = 8 : i64, sc.parallel_access}
    %dma_wait3A_388 = arith.constant 0 : i32
    %dma_wait3A_389 = arith.constant 0 : i32
    %dma_wait3A_390 = arith.constant 0 : i32
    %dma_wait3A_391 = tpu.memref_slice %arg2[%add3A, %dma_wait3A_388, %dma_wait3A_389, %dma_wait3A_390] : memref<16x1x512x512xf32, #tpu.memory_space<hbm>> -> memref<1x1x16x512xf32, #tpu.memory_space<hbm>>
    %dma_wait3A_392 = tpu.memref_squeeze %dma_wait3A_391 : memref<1x1x16x512xf32, #tpu.memory_space<hbm>> -> memref<16x512xf32, #tpu.memory_space<hbm>>
    %dma_wait3A_393 = arith.constant 0 : i32
    %dma_wait3A_394 = arith.constant 0 : i32
    %dma_wait3A_395 = tpu.memref_slice %arg2[%add3A, %dma_wait3A_388, %dma_wait3A_393, %dma_wait3A_394] : memref<16x1x512x512xf32, #tpu.memory_space<hbm>> -> memref<1x1x16x512xf32, #tpu.memory_space<hbm>>
    %dma_wait3A_396 = tpu.memref_squeeze %dma_wait3A_395 : memref<1x1x16x512xf32, #tpu.memory_space<hbm>> -> memref<16x512xf32, #tpu.memory_space<hbm>>
    tpu.wait_dma2 semaphore(%arg15 : memref<!tpu.dma_semaphore, #tpu.memory_space<semaphore_mem>>) src(%dma_wait3A_396 : memref<16x512xf32, #tpu.memory_space<hbm>>) dst(%arg6 : memref<16x512xf32, #tpu.memory_space<vmem>>)
    %dma_wait3A_397 = arith.constant 0 : i32
    %dma_wait3A_398 = arith.constant 0 : i32
    %dma_wait3A_399 = arith.constant 0 : i32
    %dma_wait3A_400 = tpu.memref_slice %arg3[%add3A, %dma_wait3A_397, %dma_wait3A_398, %dma_wait3A_399] : memref<16x1x512x512xf32, #tpu.memory_space<hbm>> -> memref<1x1x16x512xf32, #tpu.memory_space<hbm>>
    %dma_wait3A_401 = tpu.memref_squeeze %dma_wait3A_400 : memref<1x1x16x512xf32, #tpu.memory_space<hbm>> -> memref<16x512xf32, #tpu.memory_space<hbm>>
    %dma_wait3A_402 = arith.constant 0 : i32
    %dma_wait3A_403 = arith.constant 0 : i32
    %dma_wait3A_404 = tpu.memref_slice %arg3[%add3A, %dma_wait3A_397, %dma_wait3A_402, %dma_wait3A_403] : memref<16x1x512x512xf32, #tpu.memory_space<hbm>> -> memref<1x1x16x512xf32, #tpu.memory_space<hbm>>
    %dma_wait3A_405 = tpu.memref_squeeze %dma_wait3A_404 : memref<1x1x16x512xf32, #tpu.memory_space<hbm>> -> memref<16x512xf32, #tpu.memory_space<hbm>>
    tpu.wait_dma2 semaphore(%arg15 : memref<!tpu.dma_semaphore, #tpu.memory_space<semaphore_mem>>) src(%dma_wait3A_405 : memref<16x512xf32, #tpu.memory_space<hbm>>) dst(%arg8 : memref<16x512xf32, #tpu.memory_space<vmem>>)
    %add3A_406 = arith.constant 160 : i32
    %add3A_407 = arith.addi %mul3A_35, %add3A_406 : i32
    %dma_start3A_408 = arith.constant 0 : i32
    %dma_start3A_409 = arith.constant 0 : i32
    %dma_start3A_410 = tpu.memref_slice %arg2[%add3A, %dma_start3A_408, %add3A_407, %dma_start3A_409] : memref<16x1x512x512xf32, #tpu.memory_space<hbm>> -> memref<1x1x16x512xf32, #tpu.memory_space<hbm>>
    %dma_start3A_411 = tpu.memref_squeeze %dma_start3A_410 : memref<1x1x16x512xf32, #tpu.memory_space<hbm>> -> memref<16x512xf32, #tpu.memory_space<hbm>>
    %dma_start3A_412 = arith.constant 0 : i32
    %dma_start3A_413 = tpu.memref_slice %arg2[%add3A, %dma_start3A_408, %add3A_407, %dma_start3A_412] : memref<16x1x512x512xf32, #tpu.memory_space<hbm>> -> memref<1x1x16x512xf32, #tpu.memory_space<hbm>>
    %dma_start3A_414 = tpu.memref_squeeze %dma_start3A_413 : memref<1x1x16x512xf32, #tpu.memory_space<hbm>> -> memref<16x512xf32, #tpu.memory_space<hbm>>
    tpu.enqueue_dma source(%dma_start3A_414 : memref<16x512xf32, #tpu.memory_space<hbm>>) target(%arg5 : memref<16x512xf32, #tpu.memory_space<vmem>>) target_semaphore(%arg14 : memref<!tpu.dma_semaphore, #tpu.memory_space<semaphore_mem>>)
    %dma_start3A_415 = arith.constant 0 : i32
    %dma_start3A_416 = arith.constant 0 : i32
    %dma_start3A_417 = tpu.memref_slice %arg3[%add3A, %dma_start3A_415, %add3A_407, %dma_start3A_416] : memref<16x1x512x512xf32, #tpu.memory_space<hbm>> -> memref<1x1x16x512xf32, #tpu.memory_space<hbm>>
    %dma_start3A_418 = tpu.memref_squeeze %dma_start3A_417 : memref<1x1x16x512xf32, #tpu.memory_space<hbm>> -> memref<16x512xf32, #tpu.memory_space<hbm>>
    %dma_start3A_419 = arith.constant 0 : i32
    %dma_start3A_420 = tpu.memref_slice %arg3[%add3A, %dma_start3A_415, %add3A_407, %dma_start3A_419] : memref<16x1x512x512xf32, #tpu.memory_space<hbm>> -> memref<1x1x16x512xf32, #tpu.memory_space<hbm>>
    %dma_start3A_421 = tpu.memref_squeeze %dma_start3A_420 : memref<1x1x16x512xf32, #tpu.memory_space<hbm>> -> memref<16x512xf32, #tpu.memory_space<hbm>>
    tpu.enqueue_dma source(%dma_start3A_421 : memref<16x512xf32, #tpu.memory_space<hbm>>) target(%arg7 : memref<16x512xf32, #tpu.memory_space<vmem>>) target_semaphore(%arg14 : memref<!tpu.dma_semaphore, #tpu.memory_space<semaphore_mem>>)
    %parallel_loop3A_422 = arith.constant 0 : i32
    %parallel_loop3A_423 = arith.constant 512 : i32
    %parallel_loop3A_424 = arith.constant 1 : i32
    scf.for %parallel_loop3A_646 = %parallel_loop3A_422 to %parallel_loop3A_423 step %parallel_loop3A_424  : i32 {
      %parallel_loop3A_647 = arith.constant 5 : i32
      %parallel_loop3A_648 = arith.shrui %parallel_loop3A_646, %parallel_loop3A_647 : i32
      %parallel_loop3A_649 = arith.constant 31 : i32
      %parallel_loop3A_650 = arith.andi %parallel_loop3A_646, %parallel_loop3A_649 : i32
      %parallel_loop3A_651 = arith.constant 4 : i32
      %parallel_loop3A_652 = arith.shli %parallel_loop3A_650, %parallel_loop3A_651 : i32
      %parallel_loop3A_653 = arith.index_cast %parallel_loop3A_648 : i32 to index
      %parallel_loop3A_654 = arith.index_cast %parallel_loop3A_652 : i32 to index
      %parallel_loop3A_655 = tpu.vector_load %arg6[%parallel_loop3A_653, %parallel_loop3A_654] {strides = array<i32>} : memref<16x512xf32, #tpu.memory_space<vmem>>, vector<16xf32>,
      %parallel_loop3A_656 = arith.index_cast %parallel_loop3A_648 : i32 to index
      %parallel_loop3A_657 = arith.index_cast %parallel_loop3A_652 : i32 to index
      %parallel_loop3A_658 = tpu.vector_load %arg8[%parallel_loop3A_656, %parallel_loop3A_657] {strides = array<i32>} : memref<16x512xf32, #tpu.memory_space<vmem>>, vector<16xf32>,
      %parallel_loop3A_659 = arith.constant 5.120000e+02 : f32
      %parallel_loop3A_660 = vector.broadcast %parallel_loop3A_659 : f32 to vector<16xf32>
      %parallel_loop3A_661 = arith.mulf %parallel_loop3A_655, %parallel_loop3A_660 : vector<16xf32>
      %parallel_loop3A_662 = arith.constant 8.705000e+03 : f32
      %parallel_loop3A_663 = vector.broadcast %parallel_loop3A_662 : f32 to vector<16xf32>
      %parallel_loop3A_664 = arith.addf %parallel_loop3A_661, %parallel_loop3A_663 : vector<16xf32>
      %parallel_loop3A_665 = arith.constant 1.024000e+03 : f32
      %parallel_loop3A_666 = vector.broadcast %parallel_loop3A_665 : f32 to vector<16xf32>
      %parallel_loop3A_667 = arith.mulf %parallel_loop3A_655, %parallel_loop3A_666 : vector<16xf32>
      %parallel_loop3A_668 = arith.constant 8.192000e+03 : f32
      %parallel_loop3A_669 = vector.broadcast %parallel_loop3A_668 : f32 to vector<16xf32>
      %parallel_loop3A_670 = arith.addf %parallel_loop3A_667, %parallel_loop3A_669 : vector<16xf32>
      %parallel_loop3A_671 = arith.mulf %parallel_loop3A_658, %parallel_loop3A_670 : vector<16xf32>
      %parallel_loop3A_672 = arith.subf %parallel_loop3A_664, %parallel_loop3A_671 : vector<16xf32>
      %parallel_loop3A_673 = arith.fptosi %parallel_loop3A_672 : vector<16xf32> to vector<16xi32>
      %parallel_loop3A_674 = arith.constant 12288 : i32
      %parallel_loop3A_675 = vector.broadcast %parallel_loop3A_674 : i32 to vector<16xi32>
      %parallel_loop3A_676 = arith.subi %parallel_loop3A_675, %parallel_loop3A_673 : vector<16xi32>
      tpu.vector_store_idx %arg9[%parallel_loop3A_676], %broadcast_in_dim3A_33 {add = true} : memref<16384xf32, #tpu.memory_space<vmem>>[vector<16xi32>], vector<16xf32>,
      tpu.vector_store_idx %arg10[%parallel_loop3A_676], %parallel_loop3A_672 {add = true} : memref<16384xf32, #tpu.memory_space<vmem>>[vector<16xi32>], vector<16xf32>,
    } {sc.loop_unroll_factor = 8 : i64, sc.parallel_access}
    %dma_wait3A_425 = arith.constant 0 : i32
    %dma_wait3A_426 = arith.constant 0 : i32
    %dma_wait3A_427 = arith.constant 0 : i32
    %dma_wait3A_428 = tpu.memref_slice %arg2[%add3A, %dma_wait3A_425, %dma_wait3A_426, %dma_wait3A_427] : memref<16x1x512x512xf32, #tpu.memory_space<hbm>> -> memref<1x1x16x512xf32, #tpu.memory_space<hbm>>
    %dma_wait3A_429 = tpu.memref_squeeze %dma_wait3A_428 : memref<1x1x16x512xf32, #tpu.memory_space<hbm>> -> memref<16x512xf32, #tpu.memory_space<hbm>>
    %dma_wait3A_430 = arith.constant 0 : i32
    %dma_wait3A_431 = arith.constant 0 : i32
    %dma_wait3A_432 = tpu.memref_slice %arg2[%add3A, %dma_wait3A_425, %dma_wait3A_430, %dma_wait3A_431] : memref<16x1x512x512xf32, #tpu.memory_space<hbm>> -> memref<1x1x16x512xf32, #tpu.memory_space<hbm>>
    %dma_wait3A_433 = tpu.memref_squeeze %dma_wait3A_432 : memref<1x1x16x512xf32, #tpu.memory_space<hbm>> -> memref<16x512xf32, #tpu.memory_space<hbm>>
    tpu.wait_dma2 semaphore(%arg14 : memref<!tpu.dma_semaphore, #tpu.memory_space<semaphore_mem>>) src(%dma_wait3A_433 : memref<16x512xf32, #tpu.memory_space<hbm>>) dst(%arg5 : memref<16x512xf32, #tpu.memory_space<vmem>>)
    %dma_wait3A_434 = arith.constant 0 : i32
    %dma_wait3A_435 = arith.constant 0 : i32
    %dma_wait3A_436 = arith.constant 0 : i32
    %dma_wait3A_437 = tpu.memref_slice %arg3[%add3A, %dma_wait3A_434, %dma_wait3A_435, %dma_wait3A_436] : memref<16x1x512x512xf32, #tpu.memory_space<hbm>> -> memref<1x1x16x512xf32, #tpu.memory_space<hbm>>
    %dma_wait3A_438 = tpu.memref_squeeze %dma_wait3A_437 : memref<1x1x16x512xf32, #tpu.memory_space<hbm>> -> memref<16x512xf32, #tpu.memory_space<hbm>>
    %dma_wait3A_439 = arith.constant 0 : i32
    %dma_wait3A_440 = arith.constant 0 : i32
    %dma_wait3A_441 = tpu.memref_slice %arg3[%add3A, %dma_wait3A_434, %dma_wait3A_439, %dma_wait3A_440] : memref<16x1x512x512xf32, #tpu.memory_space<hbm>> -> memref<1x1x16x512xf32, #tpu.memory_space<hbm>>
    %dma_wait3A_442 = tpu.memref_squeeze %dma_wait3A_441 : memref<1x1x16x512xf32, #tpu.memory_space<hbm>> -> memref<16x512xf32, #tpu.memory_space<hbm>>
    tpu.wait_dma2 semaphore(%arg14 : memref<!tpu.dma_semaphore, #tpu.memory_space<semaphore_mem>>) src(%dma_wait3A_442 : memref<16x512xf32, #tpu.memory_space<hbm>>) dst(%arg7 : memref<16x512xf32, #tpu.memory_space<vmem>>)
    %add3A_443 = arith.constant 176 : i32
    %add3A_444 = arith.addi %mul3A_35, %add3A_443 : i32
    %dma_start3A_445 = arith.constant 0 : i32
    %dma_start3A_446 = arith.constant 0 : i32
    %dma_start3A_447 = tpu.memref_slice %arg2[%add3A, %dma_start3A_445, %add3A_444, %dma_start3A_446] : memref<16x1x512x512xf32, #tpu.memory_space<hbm>> -> memref<1x1x16x512xf32, #tpu.memory_space<hbm>>
    %dma_start3A_448 = tpu.memref_squeeze %dma_start3A_447 : memref<1x1x16x512xf32, #tpu.memory_space<hbm>> -> memref<16x512xf32, #tpu.memory_space<hbm>>
    %dma_start3A_449 = arith.constant 0 : i32
    %dma_start3A_450 = tpu.memref_slice %arg2[%add3A, %dma_start3A_445, %add3A_444, %dma_start3A_449] : memref<16x1x512x512xf32, #tpu.memory_space<hbm>> -> memref<1x1x16x512xf32, #tpu.memory_space<hbm>>
    %dma_start3A_451 = tpu.memref_squeeze %dma_start3A_450 : memref<1x1x16x512xf32, #tpu.memory_space<hbm>> -> memref<16x512xf32, #tpu.memory_space<hbm>>
    tpu.enqueue_dma source(%dma_start3A_451 : memref<16x512xf32, #tpu.memory_space<hbm>>) target(%arg6 : memref<16x512xf32, #tpu.memory_space<vmem>>) target_semaphore(%arg15 : memref<!tpu.dma_semaphore, #tpu.memory_space<semaphore_mem>>)
    %dma_start3A_452 = arith.constant 0 : i32
    %dma_start3A_453 = arith.constant 0 : i32
    %dma_start3A_454 = tpu.memref_slice %arg3[%add3A, %dma_start3A_452, %add3A_444, %dma_start3A_453] : memref<16x1x512x512xf32, #tpu.memory_space<hbm>> -> memref<1x1x16x512xf32, #tpu.memory_space<hbm>>
    %dma_start3A_455 = tpu.memref_squeeze %dma_start3A_454 : memref<1x1x16x512xf32, #tpu.memory_space<hbm>> -> memref<16x512xf32, #tpu.memory_space<hbm>>
    %dma_start3A_456 = arith.constant 0 : i32
    %dma_start3A_457 = tpu.memref_slice %arg3[%add3A, %dma_start3A_452, %add3A_444, %dma_start3A_456] : memref<16x1x512x512xf32, #tpu.memory_space<hbm>> -> memref<1x1x16x512xf32, #tpu.memory_space<hbm>>
    %dma_start3A_458 = tpu.memref_squeeze %dma_start3A_457 : memref<1x1x16x512xf32, #tpu.memory_space<hbm>> -> memref<16x512xf32, #tpu.memory_space<hbm>>
    tpu.enqueue_dma source(%dma_start3A_458 : memref<16x512xf32, #tpu.memory_space<hbm>>) target(%arg8 : memref<16x512xf32, #tpu.memory_space<vmem>>) target_semaphore(%arg15 : memref<!tpu.dma_semaphore, #tpu.memory_space<semaphore_mem>>)
    %parallel_loop3A_459 = arith.constant 0 : i32
    %parallel_loop3A_460 = arith.constant 512 : i32
    %parallel_loop3A_461 = arith.constant 1 : i32
    scf.for %parallel_loop3A_646 = %parallel_loop3A_459 to %parallel_loop3A_460 step %parallel_loop3A_461  : i32 {
      %parallel_loop3A_647 = arith.constant 5 : i32
      %parallel_loop3A_648 = arith.shrui %parallel_loop3A_646, %parallel_loop3A_647 : i32
      %parallel_loop3A_649 = arith.constant 31 : i32
      %parallel_loop3A_650 = arith.andi %parallel_loop3A_646, %parallel_loop3A_649 : i32
      %parallel_loop3A_651 = arith.constant 4 : i32
      %parallel_loop3A_652 = arith.shli %parallel_loop3A_650, %parallel_loop3A_651 : i32
      %parallel_loop3A_653 = arith.index_cast %parallel_loop3A_648 : i32 to index
      %parallel_loop3A_654 = arith.index_cast %parallel_loop3A_652 : i32 to index
      %parallel_loop3A_655 = tpu.vector_load %arg5[%parallel_loop3A_653, %parallel_loop3A_654] {strides = array<i32>} : memref<16x512xf32, #tpu.memory_space<vmem>>, vector<16xf32>,
      %parallel_loop3A_656 = arith.index_cast %parallel_loop3A_648 : i32 to index
      %parallel_loop3A_657 = arith.index_cast %parallel_loop3A_652 : i32 to index
      %parallel_loop3A_658 = tpu.vector_load %arg7[%parallel_loop3A_656, %parallel_loop3A_657] {strides = array<i32>} : memref<16x512xf32, #tpu.memory_space<vmem>>, vector<16xf32>,
      %parallel_loop3A_659 = arith.constant 5.120000e+02 : f32
      %parallel_loop3A_660 = vector.broadcast %parallel_loop3A_659 : f32 to vector<16xf32>
      %parallel_loop3A_661 = arith.mulf %parallel_loop3A_655, %parallel_loop3A_660 : vector<16xf32>
      %parallel_loop3A_662 = arith.constant 8.705000e+03 : f32
      %parallel_loop3A_663 = vector.broadcast %parallel_loop3A_662 : f32 to vector<16xf32>
      %parallel_loop3A_664 = arith.addf %parallel_loop3A_661, %parallel_loop3A_663 : vector<16xf32>
      %parallel_loop3A_665 = arith.constant 1.024000e+03 : f32
      %parallel_loop3A_666 = vector.broadcast %parallel_loop3A_665 : f32 to vector<16xf32>
      %parallel_loop3A_667 = arith.mulf %parallel_loop3A_655, %parallel_loop3A_666 : vector<16xf32>
      %parallel_loop3A_668 = arith.constant 8.192000e+03 : f32
      %parallel_loop3A_669 = vector.broadcast %parallel_loop3A_668 : f32 to vector<16xf32>
      %parallel_loop3A_670 = arith.addf %parallel_loop3A_667, %parallel_loop3A_669 : vector<16xf32>
      %parallel_loop3A_671 = arith.mulf %parallel_loop3A_658, %parallel_loop3A_670 : vector<16xf32>
      %parallel_loop3A_672 = arith.subf %parallel_loop3A_664, %parallel_loop3A_671 : vector<16xf32>
      %parallel_loop3A_673 = arith.fptosi %parallel_loop3A_672 : vector<16xf32> to vector<16xi32>
      %parallel_loop3A_674 = arith.constant 12288 : i32
      %parallel_loop3A_675 = vector.broadcast %parallel_loop3A_674 : i32 to vector<16xi32>
      %parallel_loop3A_676 = arith.subi %parallel_loop3A_675, %parallel_loop3A_673 : vector<16xi32>
      tpu.vector_store_idx %arg9[%parallel_loop3A_676], %broadcast_in_dim3A_33 {add = true} : memref<16384xf32, #tpu.memory_space<vmem>>[vector<16xi32>], vector<16xf32>,
      tpu.vector_store_idx %arg10[%parallel_loop3A_676], %parallel_loop3A_672 {add = true} : memref<16384xf32, #tpu.memory_space<vmem>>[vector<16xi32>], vector<16xf32>,
    } {sc.loop_unroll_factor = 8 : i64, sc.parallel_access}
    %dma_wait3A_462 = arith.constant 0 : i32
    %dma_wait3A_463 = arith.constant 0 : i32
    %dma_wait3A_464 = arith.constant 0 : i32
    %dma_wait3A_465 = tpu.memref_slice %arg2[%add3A, %dma_wait3A_462, %dma_wait3A_463, %dma_wait3A_464] : memref<16x1x512x512xf32, #tpu.memory_space<hbm>> -> memref<1x1x16x512xf32, #tpu.memory_space<hbm>>
    %dma_wait3A_466 = tpu.memref_squeeze %dma_wait3A_465 : memref<1x1x16x512xf32, #tpu.memory_space<hbm>> -> memref<16x512xf32, #tpu.memory_space<hbm>>
    %dma_wait3A_467 = arith.constant 0 : i32
    %dma_wait3A_468 = arith.constant 0 : i32
    %dma_wait3A_469 = tpu.memref_slice %arg2[%add3A, %dma_wait3A_462, %dma_wait3A_467, %dma_wait3A_468] : memref<16x1x512x512xf32, #tpu.memory_space<hbm>> -> memref<1x1x16x512xf32, #tpu.memory_space<hbm>>
    %dma_wait3A_470 = tpu.memref_squeeze %dma_wait3A_469 : memref<1x1x16x512xf32, #tpu.memory_space<hbm>> -> memref<16x512xf32, #tpu.memory_space<hbm>>
    tpu.wait_dma2 semaphore(%arg15 : memref<!tpu.dma_semaphore, #tpu.memory_space<semaphore_mem>>) src(%dma_wait3A_470 : memref<16x512xf32, #tpu.memory_space<hbm>>) dst(%arg6 : memref<16x512xf32, #tpu.memory_space<vmem>>)
    %dma_wait3A_471 = arith.constant 0 : i32
    %dma_wait3A_472 = arith.constant 0 : i32
    %dma_wait3A_473 = arith.constant 0 : i32
    %dma_wait3A_474 = tpu.memref_slice %arg3[%add3A, %dma_wait3A_471, %dma_wait3A_472, %dma_wait3A_473] : memref<16x1x512x512xf32, #tpu.memory_space<hbm>> -> memref<1x1x16x512xf32, #tpu.memory_space<hbm>>
    %dma_wait3A_475 = tpu.memref_squeeze %dma_wait3A_474 : memref<1x1x16x512xf32, #tpu.memory_space<hbm>> -> memref<16x512xf32, #tpu.memory_space<hbm>>
    %dma_wait3A_476 = arith.constant 0 : i32
    %dma_wait3A_477 = arith.constant 0 : i32
    %dma_wait3A_478 = tpu.memref_slice %arg3[%add3A, %dma_wait3A_471, %dma_wait3A_476, %dma_wait3A_477] : memref<16x1x512x512xf32, #tpu.memory_space<hbm>> -> memref<1x1x16x512xf32, #tpu.memory_space<hbm>>
    %dma_wait3A_479 = tpu.memref_squeeze %dma_wait3A_478 : memref<1x1x16x512xf32, #tpu.memory_space<hbm>> -> memref<16x512xf32, #tpu.memory_space<hbm>>
    tpu.wait_dma2 semaphore(%arg15 : memref<!tpu.dma_semaphore, #tpu.memory_space<semaphore_mem>>) src(%dma_wait3A_479 : memref<16x512xf32, #tpu.memory_space<hbm>>) dst(%arg8 : memref<16x512xf32, #tpu.memory_space<vmem>>)
    %add3A_480 = arith.constant 192 : i32
    %add3A_481 = arith.addi %mul3A_35, %add3A_480 : i32
    %dma_start3A_482 = arith.constant 0 : i32
    %dma_start3A_483 = arith.constant 0 : i32
    %dma_start3A_484 = tpu.memref_slice %arg2[%add3A, %dma_start3A_482, %add3A_481, %dma_start3A_483] : memref<16x1x512x512xf32, #tpu.memory_space<hbm>> -> memref<1x1x16x512xf32, #tpu.memory_space<hbm>>
    %dma_start3A_485 = tpu.memref_squeeze %dma_start3A_484 : memref<1x1x16x512xf32, #tpu.memory_space<hbm>> -> memref<16x512xf32, #tpu.memory_space<hbm>>
    %dma_start3A_486 = arith.constant 0 : i32
    %dma_start3A_487 = tpu.memref_slice %arg2[%add3A, %dma_start3A_482, %add3A_481, %dma_start3A_486] : memref<16x1x512x512xf32, #tpu.memory_space<hbm>> -> memref<1x1x16x512xf32, #tpu.memory_space<hbm>>
    %dma_start3A_488 = tpu.memref_squeeze %dma_start3A_487 : memref<1x1x16x512xf32, #tpu.memory_space<hbm>> -> memref<16x512xf32, #tpu.memory_space<hbm>>
    tpu.enqueue_dma source(%dma_start3A_488 : memref<16x512xf32, #tpu.memory_space<hbm>>) target(%arg5 : memref<16x512xf32, #tpu.memory_space<vmem>>) target_semaphore(%arg14 : memref<!tpu.dma_semaphore, #tpu.memory_space<semaphore_mem>>)
    %dma_start3A_489 = arith.constant 0 : i32
    %dma_start3A_490 = arith.constant 0 : i32
    %dma_start3A_491 = tpu.memref_slice %arg3[%add3A, %dma_start3A_489, %add3A_481, %dma_start3A_490] : memref<16x1x512x512xf32, #tpu.memory_space<hbm>> -> memref<1x1x16x512xf32, #tpu.memory_space<hbm>>
    %dma_start3A_492 = tpu.memref_squeeze %dma_start3A_491 : memref<1x1x16x512xf32, #tpu.memory_space<hbm>> -> memref<16x512xf32, #tpu.memory_space<hbm>>
    %dma_start3A_493 = arith.constant 0 : i32
    %dma_start3A_494 = tpu.memref_slice %arg3[%add3A, %dma_start3A_489, %add3A_481, %dma_start3A_493] : memref<16x1x512x512xf32, #tpu.memory_space<hbm>> -> memref<1x1x16x512xf32, #tpu.memory_space<hbm>>
    %dma_start3A_495 = tpu.memref_squeeze %dma_start3A_494 : memref<1x1x16x512xf32, #tpu.memory_space<hbm>> -> memref<16x512xf32, #tpu.memory_space<hbm>>
    tpu.enqueue_dma source(%dma_start3A_495 : memref<16x512xf32, #tpu.memory_space<hbm>>) target(%arg7 : memref<16x512xf32, #tpu.memory_space<vmem>>) target_semaphore(%arg14 : memref<!tpu.dma_semaphore, #tpu.memory_space<semaphore_mem>>)
    %parallel_loop3A_496 = arith.constant 0 : i32
    %parallel_loop3A_497 = arith.constant 512 : i32
    %parallel_loop3A_498 = arith.constant 1 : i32
    scf.for %parallel_loop3A_646 = %parallel_loop3A_496 to %parallel_loop3A_497 step %parallel_loop3A_498  : i32 {
      %parallel_loop3A_647 = arith.constant 5 : i32
      %parallel_loop3A_648 = arith.shrui %parallel_loop3A_646, %parallel_loop3A_647 : i32
      %parallel_loop3A_649 = arith.constant 31 : i32
      %parallel_loop3A_650 = arith.andi %parallel_loop3A_646, %parallel_loop3A_649 : i32
      %parallel_loop3A_651 = arith.constant 4 : i32
      %parallel_loop3A_652 = arith.shli %parallel_loop3A_650, %parallel_loop3A_651 : i32
      %parallel_loop3A_653 = arith.index_cast %parallel_loop3A_648 : i32 to index
      %parallel_loop3A_654 = arith.index_cast %parallel_loop3A_652 : i32 to index
      %parallel_loop3A_655 = tpu.vector_load %arg6[%parallel_loop3A_653, %parallel_loop3A_654] {strides = array<i32>} : memref<16x512xf32, #tpu.memory_space<vmem>>, vector<16xf32>,
      %parallel_loop3A_656 = arith.index_cast %parallel_loop3A_648 : i32 to index
      %parallel_loop3A_657 = arith.index_cast %parallel_loop3A_652 : i32 to index
      %parallel_loop3A_658 = tpu.vector_load %arg8[%parallel_loop3A_656, %parallel_loop3A_657] {strides = array<i32>} : memref<16x512xf32, #tpu.memory_space<vmem>>, vector<16xf32>,
      %parallel_loop3A_659 = arith.constant 5.120000e+02 : f32
      %parallel_loop3A_660 = vector.broadcast %parallel_loop3A_659 : f32 to vector<16xf32>
      %parallel_loop3A_661 = arith.mulf %parallel_loop3A_655, %parallel_loop3A_660 : vector<16xf32>
      %parallel_loop3A_662 = arith.constant 8.705000e+03 : f32
      %parallel_loop3A_663 = vector.broadcast %parallel_loop3A_662 : f32 to vector<16xf32>
      %parallel_loop3A_664 = arith.addf %parallel_loop3A_661, %parallel_loop3A_663 : vector<16xf32>
      %parallel_loop3A_665 = arith.constant 1.024000e+03 : f32
      %parallel_loop3A_666 = vector.broadcast %parallel_loop3A_665 : f32 to vector<16xf32>
      %parallel_loop3A_667 = arith.mulf %parallel_loop3A_655, %parallel_loop3A_666 : vector<16xf32>
      %parallel_loop3A_668 = arith.constant 8.192000e+03 : f32
      %parallel_loop3A_669 = vector.broadcast %parallel_loop3A_668 : f32 to vector<16xf32>
      %parallel_loop3A_670 = arith.addf %parallel_loop3A_667, %parallel_loop3A_669 : vector<16xf32>
      %parallel_loop3A_671 = arith.mulf %parallel_loop3A_658, %parallel_loop3A_670 : vector<16xf32>
      %parallel_loop3A_672 = arith.subf %parallel_loop3A_664, %parallel_loop3A_671 : vector<16xf32>
      %parallel_loop3A_673 = arith.fptosi %parallel_loop3A_672 : vector<16xf32> to vector<16xi32>
      %parallel_loop3A_674 = arith.constant 12288 : i32
      %parallel_loop3A_675 = vector.broadcast %parallel_loop3A_674 : i32 to vector<16xi32>
      %parallel_loop3A_676 = arith.subi %parallel_loop3A_675, %parallel_loop3A_673 : vector<16xi32>
      tpu.vector_store_idx %arg9[%parallel_loop3A_676], %broadcast_in_dim3A_33 {add = true} : memref<16384xf32, #tpu.memory_space<vmem>>[vector<16xi32>], vector<16xf32>,
      tpu.vector_store_idx %arg10[%parallel_loop3A_676], %parallel_loop3A_672 {add = true} : memref<16384xf32, #tpu.memory_space<vmem>>[vector<16xi32>], vector<16xf32>,
    } {sc.loop_unroll_factor = 8 : i64, sc.parallel_access}
    %dma_wait3A_499 = arith.constant 0 : i32
    %dma_wait3A_500 = arith.constant 0 : i32
    %dma_wait3A_501 = arith.constant 0 : i32
    %dma_wait3A_502 = tpu.memref_slice %arg2[%add3A, %dma_wait3A_499, %dma_wait3A_500, %dma_wait3A_501] : memref<16x1x512x512xf32, #tpu.memory_space<hbm>> -> memref<1x1x16x512xf32, #tpu.memory_space<hbm>>
    %dma_wait3A_503 = tpu.memref_squeeze %dma_wait3A_502 : memref<1x1x16x512xf32, #tpu.memory_space<hbm>> -> memref<16x512xf32, #tpu.memory_space<hbm>>
    %dma_wait3A_504 = arith.constant 0 : i32
    %dma_wait3A_505 = arith.constant 0 : i32
    %dma_wait3A_506 = tpu.memref_slice %arg2[%add3A, %dma_wait3A_499, %dma_wait3A_504, %dma_wait3A_505] : memref<16x1x512x512xf32, #tpu.memory_space<hbm>> -> memref<1x1x16x512xf32, #tpu.memory_space<hbm>>
    %dma_wait3A_507 = tpu.memref_squeeze %dma_wait3A_506 : memref<1x1x16x512xf32, #tpu.memory_space<hbm>> -> memref<16x512xf32, #tpu.memory_space<hbm>>
    tpu.wait_dma2 semaphore(%arg14 : memref<!tpu.dma_semaphore, #tpu.memory_space<semaphore_mem>>) src(%dma_wait3A_507 : memref<16x512xf32, #tpu.memory_space<hbm>>) dst(%arg5 : memref<16x512xf32, #tpu.memory_space<vmem>>)
    %dma_wait3A_508 = arith.constant 0 : i32
    %dma_wait3A_509 = arith.constant 0 : i32
    %dma_wait3A_510 = arith.constant 0 : i32
    %dma_wait3A_511 = tpu.memref_slice %arg3[%add3A, %dma_wait3A_508, %dma_wait3A_509, %dma_wait3A_510] : memref<16x1x512x512xf32, #tpu.memory_space<hbm>> -> memref<1x1x16x512xf32, #tpu.memory_space<hbm>>
    %dma_wait3A_512 = tpu.memref_squeeze %dma_wait3A_511 : memref<1x1x16x512xf32, #tpu.memory_space<hbm>> -> memref<16x512xf32, #tpu.memory_space<hbm>>
    %dma_wait3A_513 = arith.constant 0 : i32
    %dma_wait3A_514 = arith.constant 0 : i32
    %dma_wait3A_515 = tpu.memref_slice %arg3[%add3A, %dma_wait3A_508, %dma_wait3A_513, %dma_wait3A_514] : memref<16x1x512x512xf32, #tpu.memory_space<hbm>> -> memref<1x1x16x512xf32, #tpu.memory_space<hbm>>
    %dma_wait3A_516 = tpu.memref_squeeze %dma_wait3A_515 : memref<1x1x16x512xf32, #tpu.memory_space<hbm>> -> memref<16x512xf32, #tpu.memory_space<hbm>>
    tpu.wait_dma2 semaphore(%arg14 : memref<!tpu.dma_semaphore, #tpu.memory_space<semaphore_mem>>) src(%dma_wait3A_516 : memref<16x512xf32, #tpu.memory_space<hbm>>) dst(%arg7 : memref<16x512xf32, #tpu.memory_space<vmem>>)
    %add3A_517 = arith.constant 208 : i32
    %add3A_518 = arith.addi %mul3A_35, %add3A_517 : i32
    %dma_start3A_519 = arith.constant 0 : i32
    %dma_start3A_520 = arith.constant 0 : i32
    %dma_start3A_521 = tpu.memref_slice %arg2[%add3A, %dma_start3A_519, %add3A_518, %dma_start3A_520] : memref<16x1x512x512xf32, #tpu.memory_space<hbm>> -> memref<1x1x16x512xf32, #tpu.memory_space<hbm>>
    %dma_start3A_522 = tpu.memref_squeeze %dma_start3A_521 : memref<1x1x16x512xf32, #tpu.memory_space<hbm>> -> memref<16x512xf32, #tpu.memory_space<hbm>>
    %dma_start3A_523 = arith.constant 0 : i32
    %dma_start3A_524 = tpu.memref_slice %arg2[%add3A, %dma_start3A_519, %add3A_518, %dma_start3A_523] : memref<16x1x512x512xf32, #tpu.memory_space<hbm>> -> memref<1x1x16x512xf32, #tpu.memory_space<hbm>>
    %dma_start3A_525 = tpu.memref_squeeze %dma_start3A_524 : memref<1x1x16x512xf32, #tpu.memory_space<hbm>> -> memref<16x512xf32, #tpu.memory_space<hbm>>
    tpu.enqueue_dma source(%dma_start3A_525 : memref<16x512xf32, #tpu.memory_space<hbm>>) target(%arg6 : memref<16x512xf32, #tpu.memory_space<vmem>>) target_semaphore(%arg15 : memref<!tpu.dma_semaphore, #tpu.memory_space<semaphore_mem>>)
    %dma_start3A_526 = arith.constant 0 : i32
    %dma_start3A_527 = arith.constant 0 : i32
    %dma_start3A_528 = tpu.memref_slice %arg3[%add3A, %dma_start3A_526, %add3A_518, %dma_start3A_527] : memref<16x1x512x512xf32, #tpu.memory_space<hbm>> -> memref<1x1x16x512xf32, #tpu.memory_space<hbm>>
    %dma_start3A_529 = tpu.memref_squeeze %dma_start3A_528 : memref<1x1x16x512xf32, #tpu.memory_space<hbm>> -> memref<16x512xf32, #tpu.memory_space<hbm>>
    %dma_start3A_530 = arith.constant 0 : i32
    %dma_start3A_531 = tpu.memref_slice %arg3[%add3A, %dma_start3A_526, %add3A_518, %dma_start3A_530] : memref<16x1x512x512xf32, #tpu.memory_space<hbm>> -> memref<1x1x16x512xf32, #tpu.memory_space<hbm>>
    %dma_start3A_532 = tpu.memref_squeeze %dma_start3A_531 : memref<1x1x16x512xf32, #tpu.memory_space<hbm>> -> memref<16x512xf32, #tpu.memory_space<hbm>>
    tpu.enqueue_dma source(%dma_start3A_532 : memref<16x512xf32, #tpu.memory_space<hbm>>) target(%arg8 : memref<16x512xf32, #tpu.memory_space<vmem>>) target_semaphore(%arg15 : memref<!tpu.dma_semaphore, #tpu.memory_space<semaphore_mem>>)
    %parallel_loop3A_533 = arith.constant 0 : i32
    %parallel_loop3A_534 = arith.constant 512 : i32
    %parallel_loop3A_535 = arith.constant 1 : i32
    scf.for %parallel_loop3A_646 = %parallel_loop3A_533 to %parallel_loop3A_534 step %parallel_loop3A_535  : i32 {
      %parallel_loop3A_647 = arith.constant 5 : i32
      %parallel_loop3A_648 = arith.shrui %parallel_loop3A_646, %parallel_loop3A_647 : i32
      %parallel_loop3A_649 = arith.constant 31 : i32
      %parallel_loop3A_650 = arith.andi %parallel_loop3A_646, %parallel_loop3A_649 : i32
      %parallel_loop3A_651 = arith.constant 4 : i32
      %parallel_loop3A_652 = arith.shli %parallel_loop3A_650, %parallel_loop3A_651 : i32
      %parallel_loop3A_653 = arith.index_cast %parallel_loop3A_648 : i32 to index
      %parallel_loop3A_654 = arith.index_cast %parallel_loop3A_652 : i32 to index
      %parallel_loop3A_655 = tpu.vector_load %arg5[%parallel_loop3A_653, %parallel_loop3A_654] {strides = array<i32>} : memref<16x512xf32, #tpu.memory_space<vmem>>, vector<16xf32>,
      %parallel_loop3A_656 = arith.index_cast %parallel_loop3A_648 : i32 to index
      %parallel_loop3A_657 = arith.index_cast %parallel_loop3A_652 : i32 to index
      %parallel_loop3A_658 = tpu.vector_load %arg7[%parallel_loop3A_656, %parallel_loop3A_657] {strides = array<i32>} : memref<16x512xf32, #tpu.memory_space<vmem>>, vector<16xf32>,
      %parallel_loop3A_659 = arith.constant 5.120000e+02 : f32
      %parallel_loop3A_660 = vector.broadcast %parallel_loop3A_659 : f32 to vector<16xf32>
      %parallel_loop3A_661 = arith.mulf %parallel_loop3A_655, %parallel_loop3A_660 : vector<16xf32>
      %parallel_loop3A_662 = arith.constant 8.705000e+03 : f32
      %parallel_loop3A_663 = vector.broadcast %parallel_loop3A_662 : f32 to vector<16xf32>
      %parallel_loop3A_664 = arith.addf %parallel_loop3A_661, %parallel_loop3A_663 : vector<16xf32>
      %parallel_loop3A_665 = arith.constant 1.024000e+03 : f32
      %parallel_loop3A_666 = vector.broadcast %parallel_loop3A_665 : f32 to vector<16xf32>
      %parallel_loop3A_667 = arith.mulf %parallel_loop3A_655, %parallel_loop3A_666 : vector<16xf32>
      %parallel_loop3A_668 = arith.constant 8.192000e+03 : f32
      %parallel_loop3A_669 = vector.broadcast %parallel_loop3A_668 : f32 to vector<16xf32>
      %parallel_loop3A_670 = arith.addf %parallel_loop3A_667, %parallel_loop3A_669 : vector<16xf32>
      %parallel_loop3A_671 = arith.mulf %parallel_loop3A_658, %parallel_loop3A_670 : vector<16xf32>
      %parallel_loop3A_672 = arith.subf %parallel_loop3A_664, %parallel_loop3A_671 : vector<16xf32>
      %parallel_loop3A_673 = arith.fptosi %parallel_loop3A_672 : vector<16xf32> to vector<16xi32>
      %parallel_loop3A_674 = arith.constant 12288 : i32
      %parallel_loop3A_675 = vector.broadcast %parallel_loop3A_674 : i32 to vector<16xi32>
      %parallel_loop3A_676 = arith.subi %parallel_loop3A_675, %parallel_loop3A_673 : vector<16xi32>
      tpu.vector_store_idx %arg9[%parallel_loop3A_676], %broadcast_in_dim3A_33 {add = true} : memref<16384xf32, #tpu.memory_space<vmem>>[vector<16xi32>], vector<16xf32>,
      tpu.vector_store_idx %arg10[%parallel_loop3A_676], %parallel_loop3A_672 {add = true} : memref<16384xf32, #tpu.memory_space<vmem>>[vector<16xi32>], vector<16xf32>,
    } {sc.loop_unroll_factor = 8 : i64, sc.parallel_access}
    %dma_wait3A_536 = arith.constant 0 : i32
    %dma_wait3A_537 = arith.constant 0 : i32
    %dma_wait3A_538 = arith.constant 0 : i32
    %dma_wait3A_539 = tpu.memref_slice %arg2[%add3A, %dma_wait3A_536, %dma_wait3A_537, %dma_wait3A_538] : memref<16x1x512x512xf32, #tpu.memory_space<hbm>> -> memref<1x1x16x512xf32, #tpu.memory_space<hbm>>
    %dma_wait3A_540 = tpu.memref_squeeze %dma_wait3A_539 : memref<1x1x16x512xf32, #tpu.memory_space<hbm>> -> memref<16x512xf32, #tpu.memory_space<hbm>>
    %dma_wait3A_541 = arith.constant 0 : i32
    %dma_wait3A_542 = arith.constant 0 : i32
    %dma_wait3A_543 = tpu.memref_slice %arg2[%add3A, %dma_wait3A_536, %dma_wait3A_541, %dma_wait3A_542] : memref<16x1x512x512xf32, #tpu.memory_space<hbm>> -> memref<1x1x16x512xf32, #tpu.memory_space<hbm>>
    %dma_wait3A_544 = tpu.memref_squeeze %dma_wait3A_543 : memref<1x1x16x512xf32, #tpu.memory_space<hbm>> -> memref<16x512xf32, #tpu.memory_space<hbm>>
    tpu.wait_dma2 semaphore(%arg15 : memref<!tpu.dma_semaphore, #tpu.memory_space<semaphore_mem>>) src(%dma_wait3A_544 : memref<16x512xf32, #tpu.memory_space<hbm>>) dst(%arg6 : memref<16x512xf32, #tpu.memory_space<vmem>>)
    %dma_wait3A_545 = arith.constant 0 : i32
    %dma_wait3A_546 = arith.constant 0 : i32
    %dma_wait3A_547 = arith.constant 0 : i32
    %dma_wait3A_548 = tpu.memref_slice %arg3[%add3A, %dma_wait3A_545, %dma_wait3A_546, %dma_wait3A_547] : memref<16x1x512x512xf32, #tpu.memory_space<hbm>> -> memref<1x1x16x512xf32, #tpu.memory_space<hbm>>
    %dma_wait3A_549 = tpu.memref_squeeze %dma_wait3A_548 : memref<1x1x16x512xf32, #tpu.memory_space<hbm>> -> memref<16x512xf32, #tpu.memory_space<hbm>>
    %dma_wait3A_550 = arith.constant 0 : i32
    %dma_wait3A_551 = arith.constant 0 : i32
    %dma_wait3A_552 = tpu.memref_slice %arg3[%add3A, %dma_wait3A_545, %dma_wait3A_550, %dma_wait3A_551] : memref<16x1x512x512xf32, #tpu.memory_space<hbm>> -> memref<1x1x16x512xf32, #tpu.memory_space<hbm>>
    %dma_wait3A_553 = tpu.memref_squeeze %dma_wait3A_552 : memref<1x1x16x512xf32, #tpu.memory_space<hbm>> -> memref<16x512xf32, #tpu.memory_space<hbm>>
    tpu.wait_dma2 semaphore(%arg15 : memref<!tpu.dma_semaphore, #tpu.memory_space<semaphore_mem>>) src(%dma_wait3A_553 : memref<16x512xf32, #tpu.memory_space<hbm>>) dst(%arg8 : memref<16x512xf32, #tpu.memory_space<vmem>>)
    %add3A_554 = arith.constant 224 : i32
    %add3A_555 = arith.addi %mul3A_35, %add3A_554 : i32
    %dma_start3A_556 = arith.constant 0 : i32
    %dma_start3A_557 = arith.constant 0 : i32
    %dma_start3A_558 = tpu.memref_slice %arg2[%add3A, %dma_start3A_556, %add3A_555, %dma_start3A_557] : memref<16x1x512x512xf32, #tpu.memory_space<hbm>> -> memref<1x1x16x512xf32, #tpu.memory_space<hbm>>
    %dma_start3A_559 = tpu.memref_squeeze %dma_start3A_558 : memref<1x1x16x512xf32, #tpu.memory_space<hbm>> -> memref<16x512xf32, #tpu.memory_space<hbm>>
    %dma_start3A_560 = arith.constant 0 : i32
    %dma_start3A_561 = tpu.memref_slice %arg2[%add3A, %dma_start3A_556, %add3A_555, %dma_start3A_560] : memref<16x1x512x512xf32, #tpu.memory_space<hbm>> -> memref<1x1x16x512xf32, #tpu.memory_space<hbm>>
    %dma_start3A_562 = tpu.memref_squeeze %dma_start3A_561 : memref<1x1x16x512xf32, #tpu.memory_space<hbm>> -> memref<16x512xf32, #tpu.memory_space<hbm>>
    tpu.enqueue_dma source(%dma_start3A_562 : memref<16x512xf32, #tpu.memory_space<hbm>>) target(%arg5 : memref<16x512xf32, #tpu.memory_space<vmem>>) target_semaphore(%arg14 : memref<!tpu.dma_semaphore, #tpu.memory_space<semaphore_mem>>)
    %dma_start3A_563 = arith.constant 0 : i32
    %dma_start3A_564 = arith.constant 0 : i32
    %dma_start3A_565 = tpu.memref_slice %arg3[%add3A, %dma_start3A_563, %add3A_555, %dma_start3A_564] : memref<16x1x512x512xf32, #tpu.memory_space<hbm>> -> memref<1x1x16x512xf32, #tpu.memory_space<hbm>>
    %dma_start3A_566 = tpu.memref_squeeze %dma_start3A_565 : memref<1x1x16x512xf32, #tpu.memory_space<hbm>> -> memref<16x512xf32, #tpu.memory_space<hbm>>
    %dma_start3A_567 = arith.constant 0 : i32
    %dma_start3A_568 = tpu.memref_slice %arg3[%add3A, %dma_start3A_563, %add3A_555, %dma_start3A_567] : memref<16x1x512x512xf32, #tpu.memory_space<hbm>> -> memref<1x1x16x512xf32, #tpu.memory_space<hbm>>
    %dma_start3A_569 = tpu.memref_squeeze %dma_start3A_568 : memref<1x1x16x512xf32, #tpu.memory_space<hbm>> -> memref<16x512xf32, #tpu.memory_space<hbm>>
    tpu.enqueue_dma source(%dma_start3A_569 : memref<16x512xf32, #tpu.memory_space<hbm>>) target(%arg7 : memref<16x512xf32, #tpu.memory_space<vmem>>) target_semaphore(%arg14 : memref<!tpu.dma_semaphore, #tpu.memory_space<semaphore_mem>>)
    %parallel_loop3A_570 = arith.constant 0 : i32
    %parallel_loop3A_571 = arith.constant 512 : i32
    %parallel_loop3A_572 = arith.constant 1 : i32
    scf.for %parallel_loop3A_646 = %parallel_loop3A_570 to %parallel_loop3A_571 step %parallel_loop3A_572  : i32 {
      %parallel_loop3A_647 = arith.constant 5 : i32
      %parallel_loop3A_648 = arith.shrui %parallel_loop3A_646, %parallel_loop3A_647 : i32
      %parallel_loop3A_649 = arith.constant 31 : i32
      %parallel_loop3A_650 = arith.andi %parallel_loop3A_646, %parallel_loop3A_649 : i32
      %parallel_loop3A_651 = arith.constant 4 : i32
      %parallel_loop3A_652 = arith.shli %parallel_loop3A_650, %parallel_loop3A_651 : i32
      %parallel_loop3A_653 = arith.index_cast %parallel_loop3A_648 : i32 to index
      %parallel_loop3A_654 = arith.index_cast %parallel_loop3A_652 : i32 to index
      %parallel_loop3A_655 = tpu.vector_load %arg6[%parallel_loop3A_653, %parallel_loop3A_654] {strides = array<i32>} : memref<16x512xf32, #tpu.memory_space<vmem>>, vector<16xf32>,
      %parallel_loop3A_656 = arith.index_cast %parallel_loop3A_648 : i32 to index
      %parallel_loop3A_657 = arith.index_cast %parallel_loop3A_652 : i32 to index
      %parallel_loop3A_658 = tpu.vector_load %arg8[%parallel_loop3A_656, %parallel_loop3A_657] {strides = array<i32>} : memref<16x512xf32, #tpu.memory_space<vmem>>, vector<16xf32>,
      %parallel_loop3A_659 = arith.constant 5.120000e+02 : f32
      %parallel_loop3A_660 = vector.broadcast %parallel_loop3A_659 : f32 to vector<16xf32>
      %parallel_loop3A_661 = arith.mulf %parallel_loop3A_655, %parallel_loop3A_660 : vector<16xf32>
      %parallel_loop3A_662 = arith.constant 8.705000e+03 : f32
      %parallel_loop3A_663 = vector.broadcast %parallel_loop3A_662 : f32 to vector<16xf32>
      %parallel_loop3A_664 = arith.addf %parallel_loop3A_661, %parallel_loop3A_663 : vector<16xf32>
      %parallel_loop3A_665 = arith.constant 1.024000e+03 : f32
      %parallel_loop3A_666 = vector.broadcast %parallel_loop3A_665 : f32 to vector<16xf32>
      %parallel_loop3A_667 = arith.mulf %parallel_loop3A_655, %parallel_loop3A_666 : vector<16xf32>
      %parallel_loop3A_668 = arith.constant 8.192000e+03 : f32
      %parallel_loop3A_669 = vector.broadcast %parallel_loop3A_668 : f32 to vector<16xf32>
      %parallel_loop3A_670 = arith.addf %parallel_loop3A_667, %parallel_loop3A_669 : vector<16xf32>
      %parallel_loop3A_671 = arith.mulf %parallel_loop3A_658, %parallel_loop3A_670 : vector<16xf32>
      %parallel_loop3A_672 = arith.subf %parallel_loop3A_664, %parallel_loop3A_671 : vector<16xf32>
      %parallel_loop3A_673 = arith.fptosi %parallel_loop3A_672 : vector<16xf32> to vector<16xi32>
      %parallel_loop3A_674 = arith.constant 12288 : i32
      %parallel_loop3A_675 = vector.broadcast %parallel_loop3A_674 : i32 to vector<16xi32>
      %parallel_loop3A_676 = arith.subi %parallel_loop3A_675, %parallel_loop3A_673 : vector<16xi32>
      tpu.vector_store_idx %arg9[%parallel_loop3A_676], %broadcast_in_dim3A_33 {add = true} : memref<16384xf32, #tpu.memory_space<vmem>>[vector<16xi32>], vector<16xf32>,
      tpu.vector_store_idx %arg10[%parallel_loop3A_676], %parallel_loop3A_672 {add = true} : memref<16384xf32, #tpu.memory_space<vmem>>[vector<16xi32>], vector<16xf32>,
    } {sc.loop_unroll_factor = 8 : i64, sc.parallel_access}
    %dma_wait3A_573 = arith.constant 0 : i32
    %dma_wait3A_574 = arith.constant 0 : i32
    %dma_wait3A_575 = arith.constant 0 : i32
    %dma_wait3A_576 = tpu.memref_slice %arg2[%add3A, %dma_wait3A_573, %dma_wait3A_574, %dma_wait3A_575] : memref<16x1x512x512xf32, #tpu.memory_space<hbm>> -> memref<1x1x16x512xf32, #tpu.memory_space<hbm>>
    %dma_wait3A_577 = tpu.memref_squeeze %dma_wait3A_576 : memref<1x1x16x512xf32, #tpu.memory_space<hbm>> -> memref<16x512xf32, #tpu.memory_space<hbm>>
    %dma_wait3A_578 = arith.constant 0 : i32
    %dma_wait3A_579 = arith.constant 0 : i32
    %dma_wait3A_580 = tpu.memref_slice %arg2[%add3A, %dma_wait3A_573, %dma_wait3A_578, %dma_wait3A_579] : memref<16x1x512x512xf32, #tpu.memory_space<hbm>> -> memref<1x1x16x512xf32, #tpu.memory_space<hbm>>
    %dma_wait3A_581 = tpu.memref_squeeze %dma_wait3A_580 : memref<1x1x16x512xf32, #tpu.memory_space<hbm>> -> memref<16x512xf32, #tpu.memory_space<hbm>>
    tpu.wait_dma2 semaphore(%arg14 : memref<!tpu.dma_semaphore, #tpu.memory_space<semaphore_mem>>) src(%dma_wait3A_581 : memref<16x512xf32, #tpu.memory_space<hbm>>) dst(%arg5 : memref<16x512xf32, #tpu.memory_space<vmem>>)
    %dma_wait3A_582 = arith.constant 0 : i32
    %dma_wait3A_583 = arith.constant 0 : i32
    %dma_wait3A_584 = arith.constant 0 : i32
    %dma_wait3A_585 = tpu.memref_slice %arg3[%add3A, %dma_wait3A_582, %dma_wait3A_583, %dma_wait3A_584] : memref<16x1x512x512xf32, #tpu.memory_space<hbm>> -> memref<1x1x16x512xf32, #tpu.memory_space<hbm>>
    %dma_wait3A_586 = tpu.memref_squeeze %dma_wait3A_585 : memref<1x1x16x512xf32, #tpu.memory_space<hbm>> -> memref<16x512xf32, #tpu.memory_space<hbm>>
    %dma_wait3A_587 = arith.constant 0 : i32
    %dma_wait3A_588 = arith.constant 0 : i32
    %dma_wait3A_589 = tpu.memref_slice %arg3[%add3A, %dma_wait3A_582, %dma_wait3A_587, %dma_wait3A_588] : memref<16x1x512x512xf32, #tpu.memory_space<hbm>> -> memref<1x1x16x512xf32, #tpu.memory_space<hbm>>
    %dma_wait3A_590 = tpu.memref_squeeze %dma_wait3A_589 : memref<1x1x16x512xf32, #tpu.memory_space<hbm>> -> memref<16x512xf32, #tpu.memory_space<hbm>>
    tpu.wait_dma2 semaphore(%arg14 : memref<!tpu.dma_semaphore, #tpu.memory_space<semaphore_mem>>) src(%dma_wait3A_590 : memref<16x512xf32, #tpu.memory_space<hbm>>) dst(%arg7 : memref<16x512xf32, #tpu.memory_space<vmem>>)
    %add3A_591 = arith.constant 240 : i32
    %add3A_592 = arith.addi %mul3A_35, %add3A_591 : i32
    %dma_start3A_593 = arith.constant 0 : i32
    %dma_start3A_594 = arith.constant 0 : i32
    %dma_start3A_595 = tpu.memref_slice %arg2[%add3A, %dma_start3A_593, %add3A_592, %dma_start3A_594] : memref<16x1x512x512xf32, #tpu.memory_space<hbm>> -> memref<1x1x16x512xf32, #tpu.memory_space<hbm>>
    %dma_start3A_596 = tpu.memref_squeeze %dma_start3A_595 : memref<1x1x16x512xf32, #tpu.memory_space<hbm>> -> memref<16x512xf32, #tpu.memory_space<hbm>>
    %dma_start3A_597 = arith.constant 0 : i32
    %dma_start3A_598 = tpu.memref_slice %arg2[%add3A, %dma_start3A_593, %add3A_592, %dma_start3A_597] : memref<16x1x512x512xf32, #tpu.memory_space<hbm>> -> memref<1x1x16x512xf32, #tpu.memory_space<hbm>>
    %dma_start3A_599 = tpu.memref_squeeze %dma_start3A_598 : memref<1x1x16x512xf32, #tpu.memory_space<hbm>> -> memref<16x512xf32, #tpu.memory_space<hbm>>
    tpu.enqueue_dma source(%dma_start3A_599 : memref<16x512xf32, #tpu.memory_space<hbm>>) target(%arg6 : memref<16x512xf32, #tpu.memory_space<vmem>>) target_semaphore(%arg15 : memref<!tpu.dma_semaphore, #tpu.memory_space<semaphore_mem>>)
    %dma_start3A_600 = arith.constant 0 : i32
    %dma_start3A_601 = arith.constant 0 : i32
    %dma_start3A_602 = tpu.memref_slice %arg3[%add3A, %dma_start3A_600, %add3A_592, %dma_start3A_601] : memref<16x1x512x512xf32, #tpu.memory_space<hbm>> -> memref<1x1x16x512xf32, #tpu.memory_space<hbm>>
    %dma_start3A_603 = tpu.memref_squeeze %dma_start3A_602 : memref<1x1x16x512xf32, #tpu.memory_space<hbm>> -> memref<16x512xf32, #tpu.memory_space<hbm>>
    %dma_start3A_604 = arith.constant 0 : i32
    %dma_start3A_605 = tpu.memref_slice %arg3[%add3A, %dma_start3A_600, %add3A_592, %dma_start3A_604] : memref<16x1x512x512xf32, #tpu.memory_space<hbm>> -> memref<1x1x16x512xf32, #tpu.memory_space<hbm>>
    %dma_start3A_606 = tpu.memref_squeeze %dma_start3A_605 : memref<1x1x16x512xf32, #tpu.memory_space<hbm>> -> memref<16x512xf32, #tpu.memory_space<hbm>>
    tpu.enqueue_dma source(%dma_start3A_606 : memref<16x512xf32, #tpu.memory_space<hbm>>) target(%arg8 : memref<16x512xf32, #tpu.memory_space<vmem>>) target_semaphore(%arg15 : memref<!tpu.dma_semaphore, #tpu.memory_space<semaphore_mem>>)
    %parallel_loop3A_607 = arith.constant 0 : i32
    %parallel_loop3A_608 = arith.constant 512 : i32
    %parallel_loop3A_609 = arith.constant 1 : i32
    scf.for %parallel_loop3A_646 = %parallel_loop3A_607 to %parallel_loop3A_608 step %parallel_loop3A_609  : i32 {
      %parallel_loop3A_647 = arith.constant 5 : i32
      %parallel_loop3A_648 = arith.shrui %parallel_loop3A_646, %parallel_loop3A_647 : i32
      %parallel_loop3A_649 = arith.constant 31 : i32
      %parallel_loop3A_650 = arith.andi %parallel_loop3A_646, %parallel_loop3A_649 : i32
      %parallel_loop3A_651 = arith.constant 4 : i32
      %parallel_loop3A_652 = arith.shli %parallel_loop3A_650, %parallel_loop3A_651 : i32
      %parallel_loop3A_653 = arith.index_cast %parallel_loop3A_648 : i32 to index
      %parallel_loop3A_654 = arith.index_cast %parallel_loop3A_652 : i32 to index
      %parallel_loop3A_655 = tpu.vector_load %arg5[%parallel_loop3A_653, %parallel_loop3A_654] {strides = array<i32>} : memref<16x512xf32, #tpu.memory_space<vmem>>, vector<16xf32>,
      %parallel_loop3A_656 = arith.index_cast %parallel_loop3A_648 : i32 to index
      %parallel_loop3A_657 = arith.index_cast %parallel_loop3A_652 : i32 to index
      %parallel_loop3A_658 = tpu.vector_load %arg7[%parallel_loop3A_656, %parallel_loop3A_657] {strides = array<i32>} : memref<16x512xf32, #tpu.memory_space<vmem>>, vector<16xf32>,
      %parallel_loop3A_659 = arith.constant 5.120000e+02 : f32
      %parallel_loop3A_660 = vector.broadcast %parallel_loop3A_659 : f32 to vector<16xf32>
      %parallel_loop3A_661 = arith.mulf %parallel_loop3A_655, %parallel_loop3A_660 : vector<16xf32>
      %parallel_loop3A_662 = arith.constant 8.705000e+03 : f32
      %parallel_loop3A_663 = vector.broadcast %parallel_loop3A_662 : f32 to vector<16xf32>
      %parallel_loop3A_664 = arith.addf %parallel_loop3A_661, %parallel_loop3A_663 : vector<16xf32>
      %parallel_loop3A_665 = arith.constant 1.024000e+03 : f32
      %parallel_loop3A_666 = vector.broadcast %parallel_loop3A_665 : f32 to vector<16xf32>
      %parallel_loop3A_667 = arith.mulf %parallel_loop3A_655, %parallel_loop3A_666 : vector<16xf32>
      %parallel_loop3A_668 = arith.constant 8.192000e+03 : f32
      %parallel_loop3A_669 = vector.broadcast %parallel_loop3A_668 : f32 to vector<16xf32>
      %parallel_loop3A_670 = arith.addf %parallel_loop3A_667, %parallel_loop3A_669 : vector<16xf32>
      %parallel_loop3A_671 = arith.mulf %parallel_loop3A_658, %parallel_loop3A_670 : vector<16xf32>
      %parallel_loop3A_672 = arith.subf %parallel_loop3A_664, %parallel_loop3A_671 : vector<16xf32>
      %parallel_loop3A_673 = arith.fptosi %parallel_loop3A_672 : vector<16xf32> to vector<16xi32>
      %parallel_loop3A_674 = arith.constant 12288 : i32
      %parallel_loop3A_675 = vector.broadcast %parallel_loop3A_674 : i32 to vector<16xi32>
      %parallel_loop3A_676 = arith.subi %parallel_loop3A_675, %parallel_loop3A_673 : vector<16xi32>
      tpu.vector_store_idx %arg9[%parallel_loop3A_676], %broadcast_in_dim3A_33 {add = true} : memref<16384xf32, #tpu.memory_space<vmem>>[vector<16xi32>], vector<16xf32>,
      tpu.vector_store_idx %arg10[%parallel_loop3A_676], %parallel_loop3A_672 {add = true} : memref<16384xf32, #tpu.memory_space<vmem>>[vector<16xi32>], vector<16xf32>,
    } {sc.loop_unroll_factor = 8 : i64, sc.parallel_access}
    %dma_wait3A_610 = arith.constant 0 : i32
    %dma_wait3A_611 = arith.constant 0 : i32
    %dma_wait3A_612 = arith.constant 0 : i32
    %dma_wait3A_613 = tpu.memref_slice %arg2[%add3A, %dma_wait3A_610, %dma_wait3A_611, %dma_wait3A_612] : memref<16x1x512x512xf32, #tpu.memory_space<hbm>> -> memref<1x1x16x512xf32, #tpu.memory_space<hbm>>
    %dma_wait3A_614 = tpu.memref_squeeze %dma_wait3A_613 : memref<1x1x16x512xf32, #tpu.memory_space<hbm>> -> memref<16x512xf32, #tpu.memory_space<hbm>>
    %dma_wait3A_615 = arith.constant 0 : i32
    %dma_wait3A_616 = arith.constant 0 : i32
    %dma_wait3A_617 = tpu.memref_slice %arg2[%add3A, %dma_wait3A_610, %dma_wait3A_615, %dma_wait3A_616] : memref<16x1x512x512xf32, #tpu.memory_space<hbm>> -> memref<1x1x16x512xf32, #tpu.memory_space<hbm>>
    %dma_wait3A_618 = tpu.memref_squeeze %dma_wait3A_617 : memref<1x1x16x512xf32, #tpu.memory_space<hbm>> -> memref<16x512xf32, #tpu.memory_space<hbm>>
    tpu.wait_dma2 semaphore(%arg15 : memref<!tpu.dma_semaphore, #tpu.memory_space<semaphore_mem>>) src(%dma_wait3A_618 : memref<16x512xf32, #tpu.memory_space<hbm>>) dst(%arg6 : memref<16x512xf32, #tpu.memory_space<vmem>>)
    %dma_wait3A_619 = arith.constant 0 : i32
    %dma_wait3A_620 = arith.constant 0 : i32
    %dma_wait3A_621 = arith.constant 0 : i32
    %dma_wait3A_622 = tpu.memref_slice %arg3[%add3A, %dma_wait3A_619, %dma_wait3A_620, %dma_wait3A_621] : memref<16x1x512x512xf32, #tpu.memory_space<hbm>> -> memref<1x1x16x512xf32, #tpu.memory_space<hbm>>
    %dma_wait3A_623 = tpu.memref_squeeze %dma_wait3A_622 : memref<1x1x16x512xf32, #tpu.memory_space<hbm>> -> memref<16x512xf32, #tpu.memory_space<hbm>>
    %dma_wait3A_624 = arith.constant 0 : i32
    %dma_wait3A_625 = arith.constant 0 : i32
    %dma_wait3A_626 = tpu.memref_slice %arg3[%add3A, %dma_wait3A_619, %dma_wait3A_624, %dma_wait3A_625] : memref<16x1x512x512xf32, #tpu.memory_space<hbm>> -> memref<1x1x16x512xf32, #tpu.memory_space<hbm>>
    %dma_wait3A_627 = tpu.memref_squeeze %dma_wait3A_626 : memref<1x1x16x512xf32, #tpu.memory_space<hbm>> -> memref<16x512xf32, #tpu.memory_space<hbm>>
    tpu.wait_dma2 semaphore(%arg15 : memref<!tpu.dma_semaphore, #tpu.memory_space<semaphore_mem>>) src(%dma_wait3A_627 : memref<16x512xf32, #tpu.memory_space<hbm>>) dst(%arg8 : memref<16x512xf32, #tpu.memory_space<vmem>>)
    %parallel_loop3A_628 = arith.constant 0 : i32
    %parallel_loop3A_629 = arith.constant 512 : i32
    %parallel_loop3A_630 = arith.constant 1 : i32
    scf.for %parallel_loop3A_646 = %parallel_loop3A_628 to %parallel_loop3A_629 step %parallel_loop3A_630  : i32 {
      %parallel_loop3A_647 = arith.constant 5 : i32
      %parallel_loop3A_648 = arith.shrui %parallel_loop3A_646, %parallel_loop3A_647 : i32
      %parallel_loop3A_649 = arith.constant 31 : i32
      %parallel_loop3A_650 = arith.andi %parallel_loop3A_646, %parallel_loop3A_649 : i32
      %parallel_loop3A_651 = arith.constant 4 : i32
      %parallel_loop3A_652 = arith.shli %parallel_loop3A_650, %parallel_loop3A_651 : i32
      %parallel_loop3A_653 = arith.index_cast %parallel_loop3A_648 : i32 to index
      %parallel_loop3A_654 = arith.index_cast %parallel_loop3A_652 : i32 to index
      %parallel_loop3A_655 = tpu.vector_load %arg6[%parallel_loop3A_653, %parallel_loop3A_654] {strides = array<i32>} : memref<16x512xf32, #tpu.memory_space<vmem>>, vector<16xf32>,
      %parallel_loop3A_656 = arith.index_cast %parallel_loop3A_648 : i32 to index
      %parallel_loop3A_657 = arith.index_cast %parallel_loop3A_652 : i32 to index
      %parallel_loop3A_658 = tpu.vector_load %arg8[%parallel_loop3A_656, %parallel_loop3A_657] {strides = array<i32>} : memref<16x512xf32, #tpu.memory_space<vmem>>, vector<16xf32>,
      %parallel_loop3A_659 = arith.constant 5.120000e+02 : f32
      %parallel_loop3A_660 = vector.broadcast %parallel_loop3A_659 : f32 to vector<16xf32>
      %parallel_loop3A_661 = arith.mulf %parallel_loop3A_655, %parallel_loop3A_660 : vector<16xf32>
      %parallel_loop3A_662 = arith.constant 8.705000e+03 : f32
      %parallel_loop3A_663 = vector.broadcast %parallel_loop3A_662 : f32 to vector<16xf32>
      %parallel_loop3A_664 = arith.addf %parallel_loop3A_661, %parallel_loop3A_663 : vector<16xf32>
      %parallel_loop3A_665 = arith.constant 1.024000e+03 : f32
      %parallel_loop3A_666 = vector.broadcast %parallel_loop3A_665 : f32 to vector<16xf32>
      %parallel_loop3A_667 = arith.mulf %parallel_loop3A_655, %parallel_loop3A_666 : vector<16xf32>
      %parallel_loop3A_668 = arith.constant 8.192000e+03 : f32
      %parallel_loop3A_669 = vector.broadcast %parallel_loop3A_668 : f32 to vector<16xf32>
      %parallel_loop3A_670 = arith.addf %parallel_loop3A_667, %parallel_loop3A_669 : vector<16xf32>
      %parallel_loop3A_671 = arith.mulf %parallel_loop3A_658, %parallel_loop3A_670 : vector<16xf32>
      %parallel_loop3A_672 = arith.subf %parallel_loop3A_664, %parallel_loop3A_671 : vector<16xf32>
      %parallel_loop3A_673 = arith.fptosi %parallel_loop3A_672 : vector<16xf32> to vector<16xi32>
      %parallel_loop3A_674 = arith.constant 12288 : i32
      %parallel_loop3A_675 = vector.broadcast %parallel_loop3A_674 : i32 to vector<16xi32>
      %parallel_loop3A_676 = arith.subi %parallel_loop3A_675, %parallel_loop3A_673 : vector<16xi32>
      tpu.vector_store_idx %arg9[%parallel_loop3A_676], %broadcast_in_dim3A_33 {add = true} : memref<16384xf32, #tpu.memory_space<vmem>>[vector<16xi32>], vector<16xf32>,
      tpu.vector_store_idx %arg10[%parallel_loop3A_676], %parallel_loop3A_672 {add = true} : memref<16384xf32, #tpu.memory_space<vmem>>[vector<16xi32>], vector<16xf32>,
    } {sc.loop_unroll_factor = 8 : i64, sc.parallel_access}
    %mul3A_631 = arith.constant 20480 : i32
    %mul3A_632 = arith.muli %arg1, %mul3A_631 : i32
    "tpu.region"() ({
      %run_scoped3A = tpu.sem_alloc : memref<!tpu.dma_semaphore, #tpu.memory_space<semaphore_mem>>
      %dma_start3A_646 = arith.constant 0 : i32
      %dma_start3A_647 = tpu.memref_slice %arg9[%dma_start3A_646] : memref<16384xf32, #tpu.memory_space<vmem>> -> memref<4096xf32, #tpu.memory_space<vmem>>
      %dma_start3A_648 = tpu.memref_slice %arg13[%mul3A_632] : memref<327680xf32, #tpu.memory_space<vmem_shared>> -> memref<4096xf32, #tpu.memory_space<vmem_shared>>
      %dma_start3A_649 = tpu.memref_slice %arg13[%mul3A_632] : memref<327680xf32, #tpu.memory_space<vmem_shared>> -> memref<4096xf32, #tpu.memory_space<vmem_shared>>
      %dma_start3A_650 = arith.constant 0 : i32
      %dma_start3A_651 = tpu.memref_slice %arg9[%dma_start3A_650] : memref<16384xf32, #tpu.memory_space<vmem>> -> memref<4096xf32, #tpu.memory_space<vmem>>
      tpu.enqueue_dma source(%dma_start3A_651 : memref<4096xf32, #tpu.memory_space<vmem>>) target(%dma_start3A_649 : memref<4096xf32, #tpu.memory_space<vmem_shared>>) target_semaphore(%run_scoped3A : memref<!tpu.dma_semaphore, #tpu.memory_space<semaphore_mem>>)
      %dma_wait3A_652 = arith.constant 0 : i32
      %dma_wait3A_653 = tpu.memref_slice %arg9[%dma_wait3A_652] : memref<16384xf32, #tpu.memory_space<vmem>> -> memref<4096xf32, #tpu.memory_space<vmem>>
      %dma_wait3A_654 = tpu.memref_slice %arg13[%mul3A_632] : memref<327680xf32, #tpu.memory_space<vmem_shared>> -> memref<4096xf32, #tpu.memory_space<vmem_shared>>
      %dma_wait3A_655 = tpu.memref_slice %arg13[%mul3A_632] : memref<327680xf32, #tpu.memory_space<vmem_shared>> -> memref<4096xf32, #tpu.memory_space<vmem_shared>>
      %dma_wait3A_656 = arith.constant 0 : i32
      %dma_wait3A_657 = tpu.memref_slice %arg9[%dma_wait3A_656] : memref<16384xf32, #tpu.memory_space<vmem>> -> memref<4096xf32, #tpu.memory_space<vmem>>
      tpu.wait_dma2 semaphore(%run_scoped3A : memref<!tpu.dma_semaphore, #tpu.memory_space<semaphore_mem>>) src(%dma_wait3A_657 : memref<4096xf32, #tpu.memory_space<vmem>>) dst(%dma_wait3A_655 : memref<4096xf32, #tpu.memory_space<vmem_shared>>)
      tpu.yield
    }) : () -> ()
    %add3A_633 = arith.constant 4096 : i32
    %add3A_634 = arith.addi %mul3A_632, %add3A_633 : i32
    "tpu.region"() ({
      %run_scoped3A = tpu.sem_alloc : memref<!tpu.dma_semaphore, #tpu.memory_space<semaphore_mem>>
      %dma_start3A_646 = arith.constant 8192 : i32
      %dma_start3A_647 = tpu.memref_slice %arg9[%dma_start3A_646] : memref<16384xf32, #tpu.memory_space<vmem>> -> memref<8192xf32, #tpu.memory_space<vmem>>
      %dma_start3A_648 = tpu.memref_slice %arg13[%add3A_634] : memref<327680xf32, #tpu.memory_space<vmem_shared>> -> memref<8192xf32, #tpu.memory_space<vmem_shared>>
      %dma_start3A_649 = tpu.memref_slice %arg13[%add3A_634] : memref<327680xf32, #tpu.memory_space<vmem_shared>> -> memref<8192xf32, #tpu.memory_space<vmem_shared>>
      %dma_start3A_650 = arith.constant 8192 : i32
      %dma_start3A_651 = tpu.memref_slice %arg9[%dma_start3A_650] : memref<16384xf32, #tpu.memory_space<vmem>> -> memref<8192xf32, #tpu.memory_space<vmem>>
      tpu.enqueue_dma source(%dma_start3A_651 : memref<8192xf32, #tpu.memory_space<vmem>>) target(%dma_start3A_649 : memref<8192xf32, #tpu.memory_space<vmem_shared>>) target_semaphore(%run_scoped3A : memref<!tpu.dma_semaphore, #tpu.memory_space<semaphore_mem>>)
      %dma_wait3A_652 = arith.constant 8192 : i32
      %dma_wait3A_653 = tpu.memref_slice %arg9[%dma_wait3A_652] : memref<16384xf32, #tpu.memory_space<vmem>> -> memref<8192xf32, #tpu.memory_space<vmem>>
      %dma_wait3A_654 = tpu.memref_slice %arg13[%add3A_634] : memref<327680xf32, #tpu.memory_space<vmem_shared>> -> memref<8192xf32, #tpu.memory_space<vmem_shared>>
      %dma_wait3A_655 = tpu.memref_slice %arg13[%add3A_634] : memref<327680xf32, #tpu.memory_space<vmem_shared>> -> memref<8192xf32, #tpu.memory_space<vmem_shared>>
      %dma_wait3A_656 = arith.constant 8192 : i32
      %dma_wait3A_657 = tpu.memref_slice %arg9[%dma_wait3A_656] : memref<16384xf32, #tpu.memory_space<vmem>> -> memref<8192xf32, #tpu.memory_space<vmem>>
      tpu.wait_dma2 semaphore(%run_scoped3A : memref<!tpu.dma_semaphore, #tpu.memory_space<semaphore_mem>>) src(%dma_wait3A_657 : memref<8192xf32, #tpu.memory_space<vmem>>) dst(%dma_wait3A_655 : memref<8192xf32, #tpu.memory_space<vmem_shared>>)
      tpu.yield
    }) : () -> ()
    %add3A_635 = arith.constant 4096 : i32
    %add3A_636 = arith.addi %mul3A_632, %add3A_635 : i32
    %add3A_637 = arith.constant 8192 : i32
    %add3A_638 = arith.addi %add3A_636, %add3A_637 : i32
    "tpu.region"() ({
      %run_scoped3A = tpu.sem_alloc : memref<!tpu.dma_semaphore, #tpu.memory_space<semaphore_mem>>
      %dma_start3A_646 = arith.constant 0 : i32
      %dma_start3A_647 = tpu.memref_slice %arg10[%dma_start3A_646] : memref<16384xf32, #tpu.memory_space<vmem>> -> memref<4096xf32, #tpu.memory_space<vmem>>
      %dma_start3A_648 = tpu.memref_slice %arg13[%add3A_638] : memref<327680xf32, #tpu.memory_space<vmem_shared>> -> memref<4096xf32, #tpu.memory_space<vmem_shared>>
      %dma_start3A_649 = tpu.memref_slice %arg13[%add3A_638] : memref<327680xf32, #tpu.memory_space<vmem_shared>> -> memref<4096xf32, #tpu.memory_space<vmem_shared>>
      %dma_start3A_650 = arith.constant 0 : i32
      %dma_start3A_651 = tpu.memref_slice %arg10[%dma_start3A_650] : memref<16384xf32, #tpu.memory_space<vmem>> -> memref<4096xf32, #tpu.memory_space<vmem>>
      tpu.enqueue_dma source(%dma_start3A_651 : memref<4096xf32, #tpu.memory_space<vmem>>) target(%dma_start3A_649 : memref<4096xf32, #tpu.memory_space<vmem_shared>>) target_semaphore(%run_scoped3A : memref<!tpu.dma_semaphore, #tpu.memory_space<semaphore_mem>>)
      %dma_wait3A_652 = arith.constant 0 : i32
      %dma_wait3A_653 = tpu.memref_slice %arg10[%dma_wait3A_652] : memref<16384xf32, #tpu.memory_space<vmem>> -> memref<4096xf32, #tpu.memory_space<vmem>>
      %dma_wait3A_654 = tpu.memref_slice %arg13[%add3A_638] : memref<327680xf32, #tpu.memory_space<vmem_shared>> -> memref<4096xf32, #tpu.memory_space<vmem_shared>>
      %dma_wait3A_655 = tpu.memref_slice %arg13[%add3A_638] : memref<327680xf32, #tpu.memory_space<vmem_shared>> -> memref<4096xf32, #tpu.memory_space<vmem_shared>>
      %dma_wait3A_656 = arith.constant 0 : i32
      %dma_wait3A_657 = tpu.memref_slice %arg10[%dma_wait3A_656] : memref<16384xf32, #tpu.memory_space<vmem>> -> memref<4096xf32, #tpu.memory_space<vmem>>
      tpu.wait_dma2 semaphore(%run_scoped3A : memref<!tpu.dma_semaphore, #tpu.memory_space<semaphore_mem>>) src(%dma_wait3A_657 : memref<4096xf32, #tpu.memory_space<vmem>>) dst(%dma_wait3A_655 : memref<4096xf32, #tpu.memory_space<vmem_shared>>)
      tpu.yield
    }) : () -> ()
    %add3A_639 = arith.constant 8192 : i32
    %add3A_640 = arith.addi %mul3A_632, %add3A_639 : i32
    %add3A_641 = arith.constant 8192 : i32
    %add3A_642 = arith.addi %add3A_640, %add3A_641 : i32
    "tpu.region"() ({
      %run_scoped3A = tpu.sem_alloc : memref<!tpu.dma_semaphore, #tpu.memory_space<semaphore_mem>>
      %dma_start3A_646 = arith.constant 8192 : i32
      %dma_start3A_647 = tpu.memref_slice %arg10[%dma_start3A_646] : memref<16384xf32, #tpu.memory_space<vmem>> -> memref<4096xf32, #tpu.memory_space<vmem>>
      %dma_start3A_648 = tpu.memref_slice %arg13[%add3A_642] : memref<327680xf32, #tpu.memory_space<vmem_shared>> -> memref<4096xf32, #tpu.memory_space<vmem_shared>>
      %dma_start3A_649 = tpu.memref_slice %arg13[%add3A_642] : memref<327680xf32, #tpu.memory_space<vmem_shared>> -> memref<4096xf32, #tpu.memory_space<vmem_shared>>
      %dma_start3A_650 = arith.constant 8192 : i32
      %dma_start3A_651 = tpu.memref_slice %arg10[%dma_start3A_650] : memref<16384xf32, #tpu.memory_space<vmem>> -> memref<4096xf32, #tpu.memory_space<vmem>>
      tpu.enqueue_dma source(%dma_start3A_651 : memref<4096xf32, #tpu.memory_space<vmem>>) target(%dma_start3A_649 : memref<4096xf32, #tpu.memory_space<vmem_shared>>) target_semaphore(%run_scoped3A : memref<!tpu.dma_semaphore, #tpu.memory_space<semaphore_mem>>)
      %dma_wait3A_652 = arith.constant 8192 : i32
      %dma_wait3A_653 = tpu.memref_slice %arg10[%dma_wait3A_652] : memref<16384xf32, #tpu.memory_space<vmem>> -> memref<4096xf32, #tpu.memory_space<vmem>>
      %dma_wait3A_654 = tpu.memref_slice %arg13[%add3A_642] : memref<327680xf32, #tpu.memory_space<vmem_shared>> -> memref<4096xf32, #tpu.memory_space<vmem_shared>>
      %dma_wait3A_655 = tpu.memref_slice %arg13[%add3A_642] : memref<327680xf32, #tpu.memory_space<vmem_shared>> -> memref<4096xf32, #tpu.memory_space<vmem_shared>>
      %dma_wait3A_656 = arith.constant 8192 : i32
      %dma_wait3A_657 = tpu.memref_slice %arg10[%dma_wait3A_656] : memref<16384xf32, #tpu.memory_space<vmem>> -> memref<4096xf32, #tpu.memory_space<vmem>>
      tpu.wait_dma2 semaphore(%run_scoped3A : memref<!tpu.dma_semaphore, #tpu.memory_space<semaphore_mem>>) src(%dma_wait3A_657 : memref<4096xf32, #tpu.memory_space<vmem>>) dst(%dma_wait3A_655 : memref<4096xf32, #tpu.memory_space<vmem_shared>>)
      tpu.yield
    }) : () -> ()
    %barrier3A = arith.constant 0 : index
    tpu.barrier barrier_id(%barrier3A)
    %eq3A_643 = arith.constant 0 : i32
    %eq3A_644 = arith.cmpi eq, %select_n3A_30, %eq3A_643 : i32
    %convert_element_type3A = arith.extui %eq3A_644 : i1 to i32
    %cond3A = arith.constant 0 : i32
    %cond3A_645 = arith.cmpi ne, %convert_element_type3A, %cond3A : i32
    scf.if %cond3A_645 {
      %add3A_646 = arith.constant 1 : i32
      %add3A_647 = arith.addi %arg1, %add3A_646 : i32
      %mul3A_648 = arith.constant 20480 : i32
      %mul3A_649 = arith.muli %add3A_647, %mul3A_648 : i32
      "tpu.region"() ({
        %run_scoped3A = tpu.sem_alloc : memref<!tpu.dma_semaphore, #tpu.memory_space<semaphore_mem>>
        %dma_start3A_675 = tpu.memref_slice %arg13[%mul3A_649] : memref<327680xf32, #tpu.memory_space<vmem_shared>> -> memref<20480xf32, #tpu.memory_space<vmem_shared>>
        %dma_start3A_676 = tpu.memref_slice %arg13[%mul3A_649] : memref<327680xf32, #tpu.memory_space<vmem_shared>> -> memref<20480xf32, #tpu.memory_space<vmem_shared>>
        tpu.enqueue_dma source(%dma_start3A_676 : memref<20480xf32, #tpu.memory_space<vmem_shared>>) target(%arg11 : memref<20480xf32, #tpu.memory_space<vmem>>) target_semaphore(%run_scoped3A : memref<!tpu.dma_semaphore, #tpu.memory_space<semaphore_mem>>)
        %dma_wait3A_677 = tpu.memref_slice %arg13[%mul3A_649] : memref<327680xf32, #tpu.memory_space<vmem_shared>> -> memref<20480xf32, #tpu.memory_space<vmem_shared>>
        %dma_wait3A_678 = tpu.memref_slice %arg13[%mul3A_649] : memref<327680xf32, #tpu.memory_space<vmem_shared>> -> memref<20480xf32, #tpu.memory_space<vmem_shared>>
        tpu.wait_dma2 semaphore(%run_scoped3A : memref<!tpu.dma_semaphore, #tpu.memory_space<semaphore_mem>>) src(%dma_wait3A_678 : memref<20480xf32, #tpu.memory_space<vmem_shared>>) dst(%arg11 : memref<20480xf32, #tpu.memory_space<vmem>>)
        tpu.yield
      }) : () -> ()
      %scan3A_650 = arith.constant 0 : i32
      %scan3A_651 = arith.constant 512 : i32
      %scan3A_652 = arith.addi %scan3A_650, %scan3A_651 : i32
      %scan3A_653 = arith.constant 1 : i32
      %scan3A_654 = scf.for %scan3A_675 = %scan3A_650 to %scan3A_652 step %scan3A_653 iter_args(%scan3A_676 = %broadcast_in_dim3A_31) -> (vector<16xf32>)  : i32 {
        %mul3A_677 = arith.constant 16 : i32
        %mul3A_678 = arith.muli %scan3A_675, %mul3A_677 : i32
        %add3A_679 = arith.constant 8192 : i32
        %add3A_680 = arith.addi %add3A_679, %mul3A_678 : i32
        %get3A = arith.index_cast %add3A_680 : i32 to index
        %get3A_681 = tpu.vector_load %arg9[%get3A] {strides = array<i32>} : memref<16384xf32, #tpu.memory_space<vmem>>, vector<16xf32>,
        %add3A_682 = arith.addf %scan3A_676, %get3A_681 : vector<16xf32>
        %mul3A_683 = arith.constant 16 : i32
        %mul3A_684 = arith.muli %scan3A_675, %mul3A_683 : i32
        %add3A_685 = arith.constant 4096 : i32
        %add3A_686 = arith.addi %add3A_685, %mul3A_684 : i32
        %get3A_687 = arith.index_cast %add3A_686 : i32 to index
        %get3A_688 = tpu.vector_load %arg11[%get3A_687] {strides = array<i32>} : memref<20480xf32, #tpu.memory_space<vmem>>, vector<16xf32>,
        %add3A_689 = arith.addf %add3A_682, %get3A_688 : vector<16xf32>
        scf.yield %add3A_689 : vector<16xf32>
      }
      %scan3A_655 = arith.constant 512 : i32
      %reduce_sum3A = arith.constant true
      %reduce_sum3A_656 = vector.broadcast %reduce_sum3A : i1 to vector<16xi1>
      %reduce_sum3A_657 = tpu.scan <sum>, %scan3A_654 masked %reduce_sum3A_656 : vector<16xf32>, vector<16xi1> -> vector<16xf32>
      %reduce_sum3A_658 = vector.extract %reduce_sum3A_657[15] : f32 from vector<16xf32>
      %scan3A_659 = arith.constant 0.000000e+00 : f32
      %scan3A_660 = arith.constant 0.000000e+00 : f32
      %scan3A_661 = arith.constant 0 : i32
      %scan3A_662 = arith.constant 256 : i32
      %scan3A_663 = arith.addi %scan3A_661, %scan3A_662 : i32
      %scan3A_664 = arith.constant 1 : i32
      %scan3A_665:3 = scf.for %scan3A_675 = %scan3A_661 to %scan3A_663 step %scan3A_664 iter_args(%scan3A_676 = %scan3A_659, %scan3A_677 = %scan3A_660, %scan3A_678 = %broadcast_in_dim3A_31) -> (f32, f32, vector<16xf32>)  : i32 {
        %mul3A_679 = arith.constant 16 : i32
        %mul3A_680 = arith.muli %scan3A_675, %mul3A_679 : i32
        %get3A = arith.index_cast %mul3A_680 : i32 to index
        %get3A_681 = tpu.vector_load %arg9[%get3A] {strides = array<i32>} : memref<16384xf32, #tpu.memory_space<vmem>>, vector<16xf32>,
        %get3A_682 = arith.index_cast %mul3A_680 : i32 to index
        %get3A_683 = tpu.vector_load %arg11[%get3A_682] {strides = array<i32>} : memref<20480xf32, #tpu.memory_space<vmem>>, vector<16xf32>,
        %add3A_684 = arith.addf %get3A_681, %get3A_683 : vector<16xf32>
        %add3A_685 = arith.constant 8192 : i32
        %add3A_686 = arith.addi %add3A_685, %mul3A_680 : i32
        %get3A_687 = arith.index_cast %add3A_686 : i32 to index
        %get3A_688 = tpu.vector_load %arg9[%get3A_687] {strides = array<i32>} : memref<16384xf32, #tpu.memory_space<vmem>>, vector<16xf32>,
        %add3A_689 = arith.constant 4096 : i32
        %add3A_690 = arith.addi %add3A_689, %mul3A_680 : i32
        %get3A_691 = arith.index_cast %add3A_690 : i32 to index
        %get3A_692 = tpu.vector_load %arg11[%get3A_691] {strides = array<i32>} : memref<20480xf32, #tpu.memory_space<vmem>>, vector<16xf32>,
        %add3A_693 = arith.addf %get3A_688, %get3A_692 : vector<16xf32>
        %get3A_694 = arith.index_cast %mul3A_680 : i32 to index
        %get3A_695 = tpu.vector_load %arg10[%get3A_694] {strides = array<i32>} : memref<16384xf32, #tpu.memory_space<vmem>>, vector<16xf32>,
        %add3A_696 = arith.constant 12288 : i32
        %add3A_697 = arith.addi %add3A_696, %mul3A_680 : i32
        %get3A_698 = arith.index_cast %add3A_697 : i32 to index
        %get3A_699 = tpu.vector_load %arg11[%get3A_698] {strides = array<i32>} : memref<20480xf32, #tpu.memory_space<vmem>>, vector<16xf32>,
        %add3A_700 = arith.addf %get3A_695, %get3A_699 : vector<16xf32>
        %add3A_701 = arith.constant 8192 : i32
        %add3A_702 = arith.addi %add3A_701, %mul3A_680 : i32
        %get3A_703 = arith.index_cast %add3A_702 : i32 to index
        %get3A_704 = tpu.vector_load %arg10[%get3A_703] {strides = array<i32>} : memref<16384xf32, #tpu.memory_space<vmem>>, vector<16xf32>,
        %add3A_705 = arith.constant 16384 : i32
        %add3A_706 = arith.addi %add3A_705, %mul3A_680 : i32
        %get3A_707 = arith.index_cast %add3A_706 : i32 to index
        %get3A_708 = tpu.vector_load %arg11[%get3A_707] {strides = array<i32>} : memref<20480xf32, #tpu.memory_space<vmem>>, vector<16xf32>,
        %add3A_709 = arith.addf %get3A_704, %get3A_708 : vector<16xf32>
        %add3A_710 = arith.addf %add3A_684, %add3A_693 : vector<16xf32>
        %add3A_711 = arith.addf %add3A_700, %add3A_709 : vector<16xf32>
        %mul3A_712 = arith.constant 8.193000e+03 : f32
        %mul3A_713 = vector.broadcast %mul3A_712 : f32 to vector<16xf32>
        %mul3A_714 = arith.mulf %mul3A_713, %add3A_684 : vector<16xf32>
        %sub3A_715 = arith.subf %add3A_711, %mul3A_714 : vector<16xf32>
        %sub3A_716 = arith.subf %sub3A_715, %add3A_693 : vector<16xf32>
        %mul3A_717 = arith.constant 0.001953125 : f32
        %mul3A_718 = vector.broadcast %mul3A_717 : f32 to vector<16xf32>
        %mul3A_719 = arith.mulf %sub3A_716, %mul3A_718 : vector<16xf32>
        %broadcast_in_dim3A_720 = arith.constant true
        %broadcast_in_dim3A_721 = vector.broadcast %broadcast_in_dim3A_720 : i1 to vector<16xi1>
        %masked_cumsum3A = tpu.scan <sum>, %add3A_710 masked %broadcast_in_dim3A_721 : vector<16xf32>, vector<16xi1> -> vector<16xf32>
        %add3A_722 = vector.broadcast %scan3A_676 : f32 to vector<16xf32>
        %add3A_723 = arith.addf %masked_cumsum3A, %add3A_722 : vector<16xf32>
        %broadcast_in_dim3A_724 = arith.constant true
        %broadcast_in_dim3A_725 = vector.broadcast %broadcast_in_dim3A_724 : i1 to vector<16xi1>
        %masked_cumsum3A_726 = tpu.scan <sum>, %add3A_693 masked %broadcast_in_dim3A_725 : vector<16xf32>, vector<16xi1> -> vector<16xf32>
        %add3A_727 = vector.broadcast %scan3A_677 : f32 to vector<16xf32>
        %add3A_728 = arith.addf %masked_cumsum3A_726, %add3A_727 : vector<16xf32>
        %sub3A_729 = arith.subf %add3A_723, %add3A_710 : vector<16xf32>
        %sub3A_730 = arith.subf %add3A_728, %add3A_693 : vector<16xf32>
        %gt3A = arith.constant 0.000000e+00 : f32
        %gt3A_731 = vector.broadcast %gt3A : f32 to vector<16xf32>
        %gt3A_732 = arith.cmpf ogt, %add3A_723, %gt3A_731 : vector<16xf32>
        %sub3A_733 = vector.broadcast %reduce_sum3A_658 : f32 to vector<16xf32>
        %sub3A_734 = arith.subf %sub3A_733, %add3A_728 : vector<16xf32>
        %add3A_735 = vector.broadcast %reduce_sum3A_658 : f32 to vector<16xf32>
        %add3A_736 = arith.addf %add3A_735, %add3A_723 : vector<16xf32>
        %sub3A_737 = arith.subf %add3A_736, %add3A_728 : vector<16xf32>
        %max3A = arith.constant 1.000000e+00 : f32
        %max3A_738 = vector.broadcast %max3A : f32 to vector<16xf32>
        %max3A_739 = arith.maximumf %sub3A_737, %max3A_738 : vector<16xf32>
        %div3A_740 = arith.divf %sub3A_734, %max3A_739 : vector<16xf32>
        %sub3A_741 = arith.constant 1.000000e+00 : f32
        %sub3A_742 = vector.broadcast %sub3A_741 : f32 to vector<16xf32>
        %sub3A_743 = arith.subf %sub3A_742, %div3A_740 : vector<16xf32>
        %jit3A_744 = arith.constant 0.000000e+00 : f32
        %broadcast_in_dim3A_745 = vector.broadcast %jit3A_744 : f32 to vector<16xf32>
        %select_n3A_746 = arith.select %gt3A_732, %sub3A_743, %broadcast_in_dim3A_745 : vector<16xi1>, vector<16xf32>
        %gt3A_747 = arith.constant 0.000000e+00 : f32
        %gt3A_748 = vector.broadcast %gt3A_747 : f32 to vector<16xf32>
        %gt3A_749 = arith.cmpf ogt, %sub3A_729, %gt3A_748 : vector<16xf32>
        %sub3A_750 = vector.broadcast %reduce_sum3A_658 : f32 to vector<16xf32>
        %sub3A_751 = arith.subf %sub3A_750, %sub3A_730 : vector<16xf32>
        %add3A_752 = vector.broadcast %reduce_sum3A_658 : f32 to vector<16xf32>
        %add3A_753 = arith.addf %add3A_752, %sub3A_729 : vector<16xf32>
        %sub3A_754 = arith.subf %add3A_753, %sub3A_730 : vector<16xf32>
        %max3A_755 = arith.constant 1.000000e+00 : f32
        %max3A_756 = vector.broadcast %max3A_755 : f32 to vector<16xf32>
        %max3A_757 = arith.maximumf %sub3A_754, %max3A_756 : vector<16xf32>
        %div3A_758 = arith.divf %sub3A_751, %max3A_757 : vector<16xf32>
        %sub3A_759 = arith.constant 1.000000e+00 : f32
        %sub3A_760 = vector.broadcast %sub3A_759 : f32 to vector<16xf32>
        %sub3A_761 = arith.subf %sub3A_760, %div3A_758 : vector<16xf32>
        %jit3A_762 = arith.constant 0.000000e+00 : f32
        %broadcast_in_dim3A_763 = vector.broadcast %jit3A_762 : f32 to vector<16xf32>
        %select_n3A_764 = arith.select %gt3A_749, %sub3A_761, %broadcast_in_dim3A_763 : vector<16xi1>, vector<16xf32>
        %max3A_765 = arith.constant 1.000000e+00 : f32
        %max3A_766 = vector.broadcast %max3A_765 : f32 to vector<16xf32>
        %max3A_767 = arith.maximumf %add3A_710, %max3A_766 : vector<16xf32>
        %div3A_768 = arith.divf %mul3A_719, %max3A_767 : vector<16xf32>
        %sub3A_769 = arith.subf %select_n3A_746, %select_n3A_764 : vector<16xf32>
        %mul3A_770 = arith.mulf %div3A_768, %sub3A_769 : vector<16xf32>
        %add3A_771 = arith.addf %scan3A_678, %mul3A_770 : vector<16xf32>
        %reduce_sum3A_772 = arith.constant true
        %reduce_sum3A_773 = vector.broadcast %reduce_sum3A_772 : i1 to vector<16xi1>
        %reduce_sum3A_774 = tpu.scan <sum>, %add3A_710 masked %reduce_sum3A_773 : vector<16xf32>, vector<16xi1> -> vector<16xf32>
        %reduce_sum3A_775 = vector.extract %reduce_sum3A_774[15] : f32 from vector<16xf32>
        %add3A_776 = arith.addf %scan3A_676, %reduce_sum3A_775 : f32
        %reduce_sum3A_777 = arith.constant true
        %reduce_sum3A_778 = vector.broadcast %reduce_sum3A_777 : i1 to vector<16xi1>
        %reduce_sum3A_779 = tpu.scan <sum>, %add3A_693 masked %reduce_sum3A_778 : vector<16xf32>, vector<16xi1> -> vector<16xf32>
        %reduce_sum3A_780 = vector.extract %reduce_sum3A_779[15] : f32 from vector<16xf32>
        %add3A_781 = arith.addf %scan3A_677, %reduce_sum3A_780 : f32
        scf.yield %add3A_776, %add3A_781, %add3A_771 : f32, f32, vector<16xf32>
      }
      %scan3A_666 = arith.constant 256 : i32
      %reduce_sum3A_667 = arith.constant true
      %reduce_sum3A_668 = vector.broadcast %reduce_sum3A_667 : i1 to vector<16xi1>
      %reduce_sum3A_669 = tpu.scan <sum>, %scan3A_665#2 masked %reduce_sum3A_668 : vector<16xf32>, vector<16xi1> -> vector<16xf32>
      %reduce_sum3A_670 = vector.extract %reduce_sum3A_669[15] : f32 from vector<16xf32>
      %broadcast_in_dim3A_671 = vector.broadcast %reduce_sum3A_670 : f32 to vector<16xf32>
      %swap3A = arith.constant 0 : index
      %swap3A_672 = tpu.vector_load %arg12[%swap3A] {strides = array<i32>} : memref<16xf32, #tpu.memory_space<vmem>>, vector<16xf32>,
      tpu.vector_store %arg12[%swap3A], %broadcast_in_dim3A_671 {strides = array<i32>} : memref<16xf32, #tpu.memory_space<vmem>>, vector<16xf32>,
      %mul3A_673 = arith.constant 16 : i32
      %mul3A_674 = arith.muli %add3A, %mul3A_673 : i32
      "tpu.region"() ({
        %run_scoped3A = tpu.sem_alloc : memref<!tpu.dma_semaphore, #tpu.memory_space<semaphore_mem>>
        %dma_start3A_675 = tpu.memref_slice %arg4[%mul3A_674] : memref<256xf32, #tpu.memory_space<hbm>> -> memref<16xf32, #tpu.memory_space<hbm>>
        %dma_start3A_676 = tpu.memref_slice %arg4[%mul3A_674] : memref<256xf32, #tpu.memory_space<hbm>> -> memref<16xf32, #tpu.memory_space<hbm>>
        tpu.enqueue_dma source(%arg12 : memref<16xf32, #tpu.memory_space<vmem>>) target(%dma_start3A_676 : memref<16xf32, #tpu.memory_space<hbm>>) target_semaphore(%run_scoped3A : memref<!tpu.dma_semaphore, #tpu.memory_space<semaphore_mem>>)
        %dma_wait3A_677 = tpu.memref_slice %arg4[%mul3A_674] : memref<256xf32, #tpu.memory_space<hbm>> -> memref<16xf32, #tpu.memory_space<hbm>>
        %dma_wait3A_678 = tpu.memref_slice %arg4[%mul3A_674] : memref<256xf32, #tpu.memory_space<hbm>> -> memref<16xf32, #tpu.memory_space<hbm>>
        tpu.wait_dma2 semaphore(%run_scoped3A : memref<!tpu.dma_semaphore, #tpu.memory_space<semaphore_mem>>) src(%arg12 : memref<16xf32, #tpu.memory_space<vmem>>) dst(%dma_wait3A_678 : memref<16xf32, #tpu.memory_space<hbm>>)
        tpu.yield
      }) : () -> ()
    } else {
    }
    return
  }
}

</mosaic_0001>

<sc_bundles>
// kernel: _lovasz_sc.3.cloned.1.call-start
scs
__scs_entry_jumppad:
0x0: {  	(pc) =	sbr.rel $0x88, $3  }
0x1: {  	(tag) =	ssettag $0x0;
	lr =	simm.s32 $0x1  }
0x2: {  	[smem:$0x3F9F] =	sst lr;
	_ =	strace $0xD0000000  }
0x3: {  	_ = 	snop  }
0x4: {  	_ = 	snop  }
0x5: {  	_ = 	snop  }
0x6: {  	_ = 	snop  }
0x7: {  	_ = 	snop  }
__scs_overlays_trampoline_lowered:
0x8: {  	[smem:$0x3FAE] =	sst s0  }
0x9: {  	[smem:$0x3FAF] =	sst s1  }
0xa: {  	[smem:$0x3FB0] =	sst s2  }
0xb: {  	[smem:$0x3FB1] =	sst s3  }
0xc: {  	[smem:$0x3FB2] =	sst s4  }
0xd: {  	[smem:$0x3FB3] =	sst s5  }
0xe: {  	[smem:$0x3FB4] =	sst s6  }
0xf: {  	[smem:$0x3FB5] =	sst s7  }
0x10: {  	[smem:$0x3FB6] =	sst s8  }
0x11: {  	[smem:$0x3FB7] =	sst s9;
	s0 =	simm.s32 @!p0 $0x0  }
0x12: {  	s1 =	sld [smem:$0x3F9D];
	s0 =	simm.s32 @p0 $0x1  }
0x13: {  	[smem:$0x3FB8] =	sst s0;
	s0 =	simm.s32 @!p1 $0x0  }
0x14: {  	s2 =	sld [smem:$0x3F9C];
	s0 =	simm.s32 @p1 $0x1  }
0x15: {  	[smem:$0x3FB9] =	sst s0;
	s0 =	simm.s32 @!p2 $0x0  }
0x16: {  	s3 =	sld [smem:$0x3FDB];
	s0 =	simm.s32 @p2 $0x1  }
0x17: {  	s4 =	simm.s32 $0x1BF5;
	[smem:$0x3FBB] =	sst s0  }
0x18: {  	s0 =	sld [smem:$0x3F9E];
	_ =	swait.ge [sflag:s4], $0x0  }
0x19: {  	s7 =	sld [smem:$0x3F9F]  }
0x1a: {  	s8 =	sadd.s32 $0xFFFFE003, lr  }
0x1b: {  	s9 =	sadd.s32 $0xFFFFFEF7, lr;
	s5 =	simm.s32 $0xFFFFFFFF;
	p2 =	slt.u32 s8, $0xFFFFF086  }
0x1c: {  	p1 =	slt.u32 s9, $0xF7A;
	s5 =	simm.s32 @!p2 $0x0  }
0x1d: {  	s5 =	simm.s32 @p1 $0x1;
	p0 =	seq.s32 s7, s2  }
0x1e: {  	s7 =	smul.u32 @!p0 $0xF7A, s2;
	p2 =	seq.s32 @!p0 s5, $0x0  }
0x1f: {  	s9 =	smul.u32 $0xF7A, s1;
	s8 =	simm.s32 @!p0 $0x1BF5;
	p2 =	por !p2, p0  }
0x20: {  	[sflag:s8] =	ssyncset.s32 @!p0 $0xFFFFF086;
	s6 =	sadd.s32 @!p0 s3, s7;
	s7 =	simm.s32 @!p0 $0x108  }
0x21: {  	s3 =	sadd.s32 s3, s9;
	s6 =	sadd.s32 @!p0 $0x88, s6;
	s7 =	simm.s32 @p2 $0x1082  }
0x22: {  	[simem:s7], [sflag:s8] =	dma.local @!p0 [hbm:s6], $0xF7A  }
0x23: {  	s9 =	sor.u32 $0xD0000000, s2;
	s6 =	simm.s32 $0x108;
	_ =	swait.ge @!p0 [sflag:s8], $0x0  }
0x24: {  	s3 =	sadd.s32 $0x88, s3;
	s6 =	simm.s32 @!p1 $0x1082;
	[sflag:s4] =	ssyncset.s32 $0xFFFFF086  }
0x25: {  	[simem:s6], [sflag:s4] =	dma.local [hbm:s3], $0xF7A  }
0x26: {  	[smem:$0x3F9F] =	sst s1;
	(tag) =	ssettag s2;
	_ =	strace s9  }
0x27: {  	s1 =	sld [smem:$0x3FAF]  }
0x28: {  	s2 =	sld [smem:$0x3FB0]  }
0x29: {  	s4 =	sld [smem:$0x3FB2]  }
0x2a: {  	p0 =	seq.s32 s5, $0x0;
	s5 =	sld [smem:$0x3FB3]  }
0x2b: {  	s6 =	sld [smem:$0x3FB4]  }
0x2c: {  	s7 =	sld [smem:$0x3FB5]  }
0x2d: {  	s3 =	simm.s32 $0x108;
	s8 =	sld [smem:$0x3FB6]  }
0x2e: {  	s3 =	simm.s32 @!p0 $0x1082;
	s9 =	sld [smem:$0x3FB7]  }
0x2f: {  	lr =	sadd.s32 s0, s3;
	s0 =	sld [smem:$0x3FAE]  }
0x30: {  	s3 =	sld [smem:$0x3FB1]  }
0x31: {  	[smem:$0x3FBA] =	sst s10  }
0x32: {  	s10 =	sld [smem:$0x3FB8];
	_ =	sdelay $0x3  }
0x33: {  	p0 =	seq.s32 s10, $0x1;
	s10 =	sld [smem:$0x3FBA];
	_ =	sdelay $0x3  }
0x34: {  	[smem:$0x3FBA] =	sst s10  }
0x35: {  	s10 =	sld [smem:$0x3FB9];
	_ =	sdelay $0x3  }
0x36: {  	p1 =	seq.s32 s10, $0x1;
	s10 =	sld [smem:$0x3FBA];
	_ =	sdelay $0x3  }
0x37: {  	[smem:$0x3FBA] =	sst s10  }
0x38: {  	s10 =	sld [smem:$0x3FBB]  }
0x39: {  	_ = 	snop;
	(pc) =	sbr.ind lr, $3  }
0x3a: {  	_ = 	snop  }
0x3b: {  	_ = 	snop  }
0x3c: {  	p2 =	seq.s32 s10, $0x1;
	s10 =	sld [smem:$0x3FBA]  }
0x3d: {  	_ =	shalt  }
0x3e: {  	_ =	shalt  }
0x3f: {  	_ =	shalt  }
0x40: {  	_ =	shalt  }
0x41: {  	_ =	shalt  }
0x42: {  	_ =	shalt  }
0x43: {  	_ =	shalt  }
0x44: {  	_ =	shalt  }
0x45: {  	_ =	shalt  }
0x46: {  	_ =	shalt  }
0x47: {  	_ =	shalt  }
0x48: {  	_ =	shalt  }
0x49: {  	_ =	shalt  }
0x4a: {  	_ =	shalt  }
0x4b: {  	_ =	shalt  }
0x4c: {  	_ =	shalt  }
0x4d: {  	_ =	shalt  }
0x4e: {  	_ =	shalt  }
0x4f: {  	_ =	shalt  }
0x50: {  	_ =	shalt  }
0x51: {  	_ =	shalt  }
0x52: {  	_ =	shalt  }
0x53: {  	_ =	shalt  }
0x54: {  	_ =	shalt  }
0x55: {  	_ =	shalt  }
0x56: {  	_ =	shalt  }
0x57: {  	_ =	shalt  }
0x58: {  	_ =	shalt  }
0x59: {  	_ =	shalt  }
0x5a: {  	_ =	shalt  }
0x5b: {  	_ =	shalt  }
0x5c: {  	_ =	shalt  }
0x5d: {  	_ =	shalt  }
0x5e: {  	_ =	shalt  }
0x5f: {  	_ =	shalt  }
0x60: {  	_ =	shalt  }
0x61: {  	_ =	shalt  }
0x62: {  	_ =	shalt  }
0x63: {  	_ =	shalt  }
0x64: {  	_ =	shalt  }
0x65: {  	_ =	shalt  }
0x66: {  	_ =	shalt  }
0x67: {  	_ =	shalt  }
0x68: {  	_ =	shalt  }
0x69: {  	_ =	shalt  }
0x6a: {  	_ =	shalt  }
0x6b: {  	_ =	shalt  }
0x6c: {  	_ =	shalt  }
0x6d: {  	_ =	shalt  }
0x6e: {  	_ =	shalt  }
0x6f: {  	_ =	shalt  }
0x70: {  	_ =	shalt  }
0x71: {  	_ =	shalt  }
0x72: {  	_ =	shalt  }
0x73: {  	_ =	shalt  }
0x74: {  	_ =	shalt  }
0x75: {  	_ =	shalt  }
0x76: {  	_ =	shalt  }
0x77: {  	_ =	shalt  }
0x78: {  	_ =	shalt  }
0x79: {  	_ =	shalt  }
0x7a: {  	_ =	shalt  }
0x7b: {  	_ =	shalt  }
0x7c: {  	_ =	shalt  }
0x7d: {  	_ =	shalt  }
0x7e: {  	_ =	shalt  }
0x7f: {  	_ =	shalt  }
0x80: {  	_ =	shalt  }
0x81: {  	_ =	shalt  }
0x82: {  	_ =	shalt  }
0x83: {  	_ =	shalt  }
0x84: {  	_ =	shalt  }
0x85: {  	_ =	shalt  }
0x86: {  	_ =	shalt  }
0x87: {  	_ =	shalt  }
.Lfunc_end0:
.L_simem_size_0:
called_computation_lowered:
.L_overlay_start_0:
0x88: {  	s2 =	sld [smem:$0x3FD9]  }
0x89: {  	s3 =	sld [smem:$0x3FFE];
	_ =	sdelay $0x1  }
0x8a: {  	s1 =	srdreg.scid  }
0x8b: {  	s0 =	sand.u32 $0x1, s1  }
0x8c: {  	s18 =	sshll.u32 s0, $0xA;
	s2 =	sadd.s32 s3, s2  }
0x8d: {  	s2 =	sadd.s32 s2, s18  }
0x8e: {  	[smem:$0x3FC6] =	sst s2  }
0x8f: {  	_ = 	snop  }
0x90: {  	s2 =	sld [smem:$0x3FC9]  }
0x91: {  	s19 =	sld [smem:$0x3FC8]  }
0x92: {  	s4 =	sld [smem:$0x3FD0];
	(tm) =	ssettm $0x1  }
0x93: {  	s5 =	sld [smem:$0x3FFB];
	_ =	sdelay $0x3  }
0x94: {  	_ =	strace s5  }
0x95: {  	s5 =	sld [smem:$0x3FFC];
	_ =	sdelay $0x3  }
0x96: {  	_ =	strace s5  }
0x97: {  	s5 =	sld [smem:$0x3FFD];
	_ =	sdelay $0x3  }
0x98: {  	_ =	strace s5  }
0x99: {  	_ =	strace $0x8FFFFFFF  }
0x9a: {  	s20 =	sld [smem:$0x3FDB];
	_ =	sdelay $0x1  }
0x9b: {  	s6 =	simm.s32 $_scs_section_size  }
0x9c: {  	s7 =	simm.s32 $_size__tile_overlayer_lowered;
	s8 =	simm.s32 $_tile_overlayer_lowered  }
0x9d: {  	s23 =	simm.s32 $0x1BFF;
	s22 =	sshll.u32 s8, $0x1;
	s5 =	sadd.s32 s6, s20  }
0x9e: {  	s9 =	simm.s32 $0x0;
	s21 =	sshll.u32 s7, $0x1;
	s7 =	sadd.s32 s22, s5  }
0x9f: {  	[timem:s9], [sflag:s23] =	dma.local [hbm:s7], s21  }
0xa0: {  	_ =	swait.ge [sflag:s23], s21  }
0xa1: {  	s6 =	ssub.s32 $0x0, s21;
	[sflag:s23] =	ssyncset.done $0x0  }
0xa2: {  	[sflag:s23] =	ssyncadd.s32 s6;
	_ =	sdelay $0x1  }
0xa3: {  	s24 =	simm.s32 $0x1B8B  }
0xa4: {  	_ =	swait.ge [sflag:s24], $0x1  }
0xa5: {  	[sflag:s24] =	ssyncset.done $0x0  }
0xa6: {  	s25 =	simm.s32 $0x1B8E;
	[sflag:s24] =	ssyncadd.s32 $0xFFFFFFFF  }
0xa7: {  	s26 =	simm.s32 $execute0_lowered;
	[smem:$0x3FD2] =	sst s25  }
0xa8: {  	s6 =	sshll.u32 s26, $0x1;
	_ =	strace $0x80000046;
	[dreg:$0x1] =	wrdreg $0xFFFFFFFF  }
0xa9: {  	s28 =	simm.s32 $_size_execute0_lowered;
	s5 =	sadd.s32 s5, s6;
	[dreg:$0x0] =	wrdreg $0x0  }
0xaa: {  	s6 =	sshll.u32 s28, $0x1;
	[dreg:$0x2] =	wrdreg s5  }
0xab: {  	[dreg:$0x3] =	wrdreg s6  }
0xac: {  	[dreg:$0x4] =	wrdreg $0xC0  }
0xad: {  	_ =	task [dreg:s9], $0x5FFFF  }
0xae: {  	[dreg:$0x1] =	wrdreg $0xFFFFFFFF  }
0xaf: {  	[dreg:$0x0] =	wrdreg $0x60  }
0xb0: {  	[dreg:$0x2] =	wrdreg s2  }
0xb1: {  	[dreg:$0x3] =	wrdreg s19  }
0xb2: {  	[dreg:$0x4] =	wrdreg s4  }
0xb3: {  	[dreg:$0x5] =	wrdreg $0x150800  }
0xb4: {  	[dreg:$0x6] =	wrdreg $0x9  }
0xb5: {  	_ =	task.clear_ibuf [dreg:s9], $0x7FFFF;
	_ =	strace $0x90000046  }
0xb6: {  	s29 =	simm.s32 $0x9;
	_ =	strace $0x80000048  }
0xb7: {  	_ =	swait.ge [sflag:s29], $0x1  }
0xb8: {  	[sflag:s29] =	ssyncadd.s32 $0xFFFFFFFF  }
0xb9: {  	_ =	strace $0x90000048  }
0xba: {  	_ =	sfence  }
0xbb: {  	s30 =	sld [smem:$0x0];
	_ =	sdelay $0x2  }
0xbc: {  	s31 =	sshll.u32 s1, $0xD;
	s1 =	sshrl.u32 s1, $0x2  }
0xbd: {  	s3 =	sand.u32 $0x4000, s31;
	s1 =	sadd.s32 s1, s30  }
0xbe: {  	s0 =	sor.u32 s3, s0;
	s1 =	sshll.u32 s1, $0x11  }
0xbf: {  	s0 =	sor.u32 s1, s0  }
0xc0: {  	s0 =	sadd.s32 $0x8F2B, s0  }
0xc1: {  	[sflag:s0] =	ssyncadd.remote.s32 $0x1  }
0xc2: {  	_ =	sfence.sel $0xFFFF  }
0xc3: {  	[dreg:$0x0] =	wrdreg $0xFFFFFFFF;
	(pc) =	sbr.abs _section_cstart, $3  }
0xc4: {  	[dreg:$0x1] =	wrdreg $0xFFFFFFFF  }
0xc5: {  	_ =	task.clear_ibuf [dreg:s9], $0x2FFFF;
	_ =	strace $0x9FFFFFFF  }
0xc6: {  	(tm) =	ssettm $0x7FFFFFFF  }
0xc7: {  	_ =	shalt  }
tec
execute0_lowered:
.L_overlay_start_1:
0x0: {  	(tag) =	ssettag $0x1  }
0x1: {  	s0 =	srdreg.scid;
	s3 =	rddreg [dreg:$0x0]  }
0x2: {  	s9 =	stileid.u32;
	s4 =	rddreg [dreg:$0x1];
	s0 =	sand.u32 $0x1, s0  }
0x3: {  	s21 =	simm.s32 $0x0;
	s2 =	sshrl.u32 s9, $0x1;
	s1 =	sshll.u32 s0, $0x3  }
0x4: {  	s5 =	sand.u32 $0x1, s9;
	[smem:$0x7FF] =	sst s21;
	s6 =	sor.u32 s2, s1  }
0x5: {  	s20 =	sshll.u32 s5, $0xE;
	s0 =	ssub.s32 $0x2, s0;
	s7 =	sshll.u32 s6, $0xF  }
0x6: {  	s9 =	smul.u32 $0x14000, s9;
	s22 =	sshrl.u32 s0, $0x1;
	s2 =	sor.u32 s20, s7  }
0x7: {  	p0 =	sne.s32 s5, $0x0;
	s7 =	ssub.s32 s0, s22;
	s8 =	sor.u32 $0x400, s2  }
0x8: {  	s23 =	sor.u32 $0x800, s2;
	s1 =	sor.u32 $0xC00, s2;
	s10 =	sor.u32 $0x1000, s2  }
0x9: {  	s11 =	sor.u32 $0x1400, s2;
	s13 =	sor.u32 $0x1800, s2;
	s15 =	sor.u32 $0x1C00, s2  }
0xa: {  	s17 =	sor.u32 $0x2000, s2;
	s19 =	sor.u32 $0x2400, s2;
	s0 =	sadd.s32 s4, s10  }
0xb: {  	s24 =	sadd.s32 s3, s8;
	s12 =	sadd.s32 s3, s11;
	[dreg:$0x5] =	wrdreg s0  }
0xc: {  	s25 =	sadd.s32 s4, s8;
	s8 =	sadd.s32 s4, s11;
	[dreg:$0x6] =	wrdreg s12  }
0xd: {  	s21 =	sor.u32 $0x2800, s2;
	s14 =	sadd.s32 s3, s13;
	[dreg:$0x7] =	wrdreg s8  }
0xe: {  	s26 =	sadd.s32 s3, s23;
	s16 =	sadd.s32 s3, s15;
	[dreg:$0x8] =	wrdreg s14  }
0xf: {  	s28 =	sadd.s32 s4, s23;
	s18 =	sadd.s32 s3, s17;
	[dreg:$0xa] =	wrdreg s16  }
0x10: {  	s29 =	sadd.s32 s3, s1;
	s20 =	sadd.s32 s3, s19;
	[dreg:$0xc] =	wrdreg s18  }
0x11: {  	s30 =	sadd.s32 s4, s1;
	s22 =	sadd.s32 s3, s21;
	[dreg:$0xe] =	wrdreg s20  }
0x12: {  	s31 =	sadd.s32 s3, s10;
	s0 =	sadd.s32 s4, s13;
	[dreg:$0x10] =	wrdreg s22  }
0x13: {  	s23 =	sor.u32 $0x2C00, s2;
	s8 =	sadd.s32 s4, s15;
	[dreg:$0x9] =	wrdreg s0  }
0x14: {  	s10 =	sor.u32 $0x3000, s2;
	s1 =	sadd.s32 s3, s23;
	[dreg:$0xb] =	wrdreg s8  }
0x15: {  	s6 =	sshll.u32 s6, $0x1;
	s11 =	sadd.s32 s3, s10;
	[dreg:$0x12] =	wrdreg s1  }
0x16: {  	s5 =	smax.u32 s7, $0x1;
	s15 =	sadd.s32 s3, s2;
	[dreg:$0x14] =	wrdreg s11  }
0x17: {  	s12 =	sor.u32 $0x3400, s2;
	s16 =	sadd.s32 s4, s2;
	[dreg:$0x18] =	wrdreg s15  }
0x18: {  	s18 =	sor.u32 $0x3C00, s2;
	s0 =	sadd.s32 s4, s17;
	[dreg:$0x19] =	wrdreg s16  }
0x19: {  	s20 =	sshrl.u32 s9, $0x2;
	s8 =	sadd.s32 s4, s19;
	[dreg:$0xd] =	wrdreg s0  }
0x1a: {  	s9 =	simm.s32 $0x4000;
	s13 =	sadd.s32 s3, s12;
	[dreg:$0xf] =	wrdreg s8  }
0x1b: {  	s14 =	sadd.s32 s4, s12;
	s17 =	sor.u32 $0x3800, s2;
	[dreg:$0x16] =	wrdreg s13  }
0x1c: {  	s19 =	sadd.s32 s4, s18;
	s11 =	simm.s32 $0x2000;
	[dreg:$0x17] =	wrdreg s14  }
0x1d: {  	s12 =	simm.s32 $0x6000;
	s15 =	simm.s32 $0x2;
	[dreg:$0x1b] =	wrdreg s19  }
0x1e: {  	s16 =	simm.s32 $0x3;
	s0 =	sadd.s32 s4, s21;
	s21 =	rddreg [dreg:$0x3]  }
0x1f: {  	s8 =	sadd.s32 s4, s23;
	s2 =	sadd.s32 s3, s17;
	[dreg:$0x11] =	wrdreg s0  }
0x20: {  	s3 =	sadd.s32 s3, s18;
	s13 =	simm.s32 $0x8000;
	[dreg:$0x13] =	wrdreg s8  }
0x21: {  	s14 =	simm.s32 $0xC000;
	s0 =	sadd.s32 s4, s10;
	s10 =	rddreg [dreg:$0x2]  }
.Ltmp0:
0x22: {  	[dreg:$0x15] =	wrdreg s0;
	s0 =	sadd.s32 s4, s17;
	(pc) =	sbr.rel .LBB2_1-.Ltmp0, $4  }
0x23: {  	s4 =	sadd.s32 s20, s21;
	s22 =	sadd.s32 s10, s6;
	[dreg:$0x1a] =	wrdreg s0  }
0x24: {  	s10 =	simm.s32 $0x1;
	s17 =	simm.s32 $0x0;
	[dreg:$0x1c] =	wrdreg s22  }
0x25: {  	s6 =	sadd.s32 $0x1000, s4;
	s7 =	sadd.s32 $0x3000, s4;
	s23 =	sadd.s32 $0x5000, s4  }
0x26: {  	v0 =	vimm.f32 $0.0e+00;
	v1 =	vimm.f32 $1.000000000e+00;
	s8 =	sadd.s32 $0x4000, s4;
	_ =	strace $0x80000047;
	[dreg:$0x1d] =	wrdreg s23  }
.LBB2_40:
0x27: {  	v23, _, _ =	vpop (xrf2)  }
0x28: {  	(v2sf) =	vpush v23, $0xF;
	_ =	sdelay $0x1  }
0x29: {  	(v2sf) =	vpush v15, $0xF;
	_ =	sdelay $0x2  }
0x2a: {  	v17 =	vadd.f32 v7, v17  }
0x2b: {  	(xrf2) =	vadd.scan.msk.f32 $0xffff, v7  }
0x2c: {  	(xrf2) =	vadd.scan.msk.f32 $0xffff, v17;
	_ =	sdelay $0x4  }
0x2d: {  	s20 =	spop (v2sf)  }
0x2e: {  	s18 =	sadd.f32 s20, s18;
	s23 =	spop (v2sf)  }
0x2f: {  	v16 =	vadd.f32 v16, v19;
	s19 =	sadd.f32 s23, s19  }
0x30: {  	v37 =	vmax.f32 v20, $1.000000000e+00;
	v12 =	vsub.f32 v2, v12;
	v23 =	vadd.f32 s18, v23;
	s24 =	spop (v2sf)  }
0x31: {  	(erf) = vrcp.f32 v22;
	v13 =	vsub.f32 v2, v13;
	v40 =	vadd.f32 s19, v15;
	v39, _, _ =	vpop (xrf2);
	s18 =	sadd.f32 s24, s18  }
0x32: {  	(erf) = vrcp.f32 v37;
	v10 =	vsub.f32 v23, v10;
	v41 =	vadd.f32 v23, v2;
	v42, _, _ =	vpop (xrf2);
	s25 =	spop (v2sf)  }
0x33: {  	v26 =	vsub.f32 v40, v4;
	s21 =	sadd.f32 s25, s19;
	v24 =	vadd.f32 s18, v42  }
0x34: {  	v38 =	vnsel vm3, $0x0, v21;
	v43 =	vadd.f32 v10, v2;
	v21 =	vsub.f32 v41, v40  }
0x35: {  	v25 =	vmax.f32 v17, $1.000000000e+00;
	v44 =	vadd.f32 s21, v39;
	v17 =	vsub.f32 v24, v17  }
0x36: {  	v8 =	vmul.f32 v8, v11;
	v11 =	vsub.f32 v43, v26;
	v27 =	vadd.f32 v24, v2  }
0x37: {  	v18 =	vnsel vm2, $0x0, v18;
	v28 =	vsub.f32 v44, v7;
	v45 =	vadd.f32 v17, v2  }
0x38: {  	(erf) = vrcp.f32 v25;
	v21 =	vmax.f32 v21, $1.000000000e+00;
	v27 =	vsub.f32 v27, v44  }
0x39: {  	v29 =	vpop (erf);
	(erf) = vrcp.f32 v21;
	v11 =	vmax.f32 v11, $1.000000000e+00;
	v21 =	vsub.f32 v45, v28  }
0x3a: {  	v18 =	vsub.f32 v18, v38;
	v46 =	vpop (erf);
	(erf) = vrcp.f32 v11;
	v48 =	vmax.f32 v27, $1.000000000e+00  }
0x3b: {  	v47 =	vpop (erf);
	v11 =	vmul.f32 v46, v12;
	(erf) = vrcp.f32 v48;
	v49 =	vmax.f32 v21, $1.000000000e+00  }
0x3c: {  	v50 =	vsub.f32 v5, v4;
	v12 =	vmul.f32 v47, v13;
	(erf) = vrcp.f32 v49  }
0x3d: {  	vm0 =	vmmov vm0;
	v14 =	vadd.f32 v14, v16;
	v8 =	vmul.f32 v18, v8  }
0x3e: {  	vm1 =	vmmov vm1;
	v51 =	vsub.f32 $1.000000000e+00, v11;
	v52 =	vsub.f32 $1.000000000e+00, v12  }
0x3f: {  	v6 =	vmul.f32 v9, v6;
	v58 =	vsub.f32 v14, v7;
	v3 =	vadd.f32 v8, v3  }
0x40: {  	v4 =	vmul.f32 $1.953125000e-03, v50;
	v11 =	vnsel vm1, $0x0, v52;
	v5 =	vnsel vm0, $0x0, v51  }
0x41: {  	vm9 =	vgt.f32 v23, $0.0e+00;
	v55 =	vsub.f32 v2, v40;
	v53 =	vpop (erf);
	v5 =	vsub.f32 v5, v11  }
0x42: {  	vm11 =	vmmov vm9;
	v56 =	vsub.f32 v2, v26;
	v4 =	vmul.f32 v4, v29;
	v54 =	vpop (erf)  }
0x43: {  	vm10 =	vgt.f32 v10, $0.0e+00;
	v5 =	vmul.f32 v5, v6;
	v8 =	vmul.f32 v54, v55;
	v57 =	vpop (erf)  }
0x44: {  	v6 =	vmul.f32 v57, v56;
	v59 =	vsub.f32 v2, v44;
	v2 =	vsub.f32 v2, v28;
	v60 =	vpop (erf)  }
0x45: {  	vm0 =	vmmov vm10;
	vm12 =	vgt.f32 v24, $0.0e+00;
	v8 =	vsub.f32 $1.000000000e+00, v8;
	v61 =	vpop (erf)  }
0x46: {  	v6 =	vsub.f32 $1.000000000e+00, v6;
	v9 =	vmul.f32 v60, v59;
	v2 =	vmul.f32 v61, v2  }
0x47: {  	v7 =	vmul.f32 $1.953125000e-03, v58;
	vm13 =	vgt.f32 v17, $0.0e+00;
	v8 =	vnsel vm11, $0x0, v8  }
0x48: {  	v6 =	vnsel vm0, $0x0, v6;
	v9 =	vsub.f32 $1.000000000e+00, v9;
	v2 =	vsub.f32 $1.000000000e+00, v2  }
0x49: {  	vm14 =	vmmov vm12;
	vm15 =	vmmov vm13;
	v6 =	vsub.f32 v8, v6  }
0x4a: {  	v3 =	vadd.f32 v5, v3;
	v62 =	vnsel vm14, $0x0, v9;
	v2 =	vnsel vm15, $0x0, v2  }
0x4b: {  	v63 =	vmul.f32 v7, v53;
	v4 =	vmul.f32 v6, v4;
	v2 =	vsub.f32 v62, v2;
	_ =	sdelay $0x1  }
0x4c: {  	v3 =	vadd.f32 v4, v3;
	v2 =	vmul.f32 v2, v63;
	_ =	sdelay $0x1  }
0x4d: {  	(v2sf) =	vpush v42, $0xF;
	v2 =	vadd.f32 v2, v3;
	_ =	sdelay $0x1  }
0x4e: {  	(v2sf) =	vpush v39, $0xF;
	(xrf2) =	vadd.scan.msk.f32 $0xffff, v2;
	_ =	sdelay $0x9  }
0x4f: {  	v2, _, _ =	vpop (xrf2)  }
0x50: {  	v2 =	vbroadcast v2, $0xF  }
0x51: {  	s24 =	simm.s32 $0x0  }
0x52: {  	s25 =	simm.s32 $0x15000;
	s18 =	rddreg [dreg:$0x1c];
	s22 =	spop (v2sf);
	[tilespmem:$0x15000] =	vst v2  }
0x53: {  	[hbm4b:s18+s24] =	stream.linear.scatter [tilespmem:s25], [sflag:$0x3], $0x10, $0x38;
	[tilespmem:$0x1A080] =	vst v63  }
0x54: {  	s23 =	spop (v2sf);
	s24 =	smov.u32 s26;
	s25 =	smov.u32 s28  }
0x55: {  	s26 =	smov.u32 s29;
	s28 =	smov.u32 s30;
	s29 =	smov.u32 s31  }
0x56: {  	s30 =	smov.u32 s0;
	s31 =	smov.u32 s2;
	s2 =	smov.u32 s3  }
0x57: {  	s3 =	smov.u32 s5;
	s5 =	smov.u32 s6;
	_ =	swait.ge [sflag:s16], $0x10  }
0x58: {  	s6 =	smov.u32 s7;
	s7 =	smov.u32 s8;
	[sflag:s16] =	ssyncset.done $0x0  }
0x59: {  	s8 =	smov.u32 s4;
	s4 =	smov.u32 s1;
	[sflag:s16] =	ssyncadd.s32 $0xFFFFFFF0  }
.LBB2_41:
0x5a: {  	s17 =	sadd.s32 $0x1, s17  }
0x5b: {  	p1 =	sne.s32 s17, s5  }
.Ltmp1:
0x5c: {  	_ = 	snop;
	(pc) =	sbr.rel @!p1 .LBB2_42-.Ltmp1, $1  }
0x5d: {  	_ =	sdelay $0x3  }
.LBB2_1:
0x5e: {  	s0 =	rddreg [dreg:$0x18];
	s1 =	simm.s32 $0x0  }
0x5f: {  	[tilespmem:s1], [sflag:$0x1] =	stream.linear.gather [hbm4b:s0+s1], $0x2000, $0x38;
	[tilespmem:$0x1A080] =	vst v63  }
0x60: {  	s23 =	rddreg [dreg:$0x19];
	s18 =	simm.s32 $0x40;
	s19 =	simm.s32 $0x0  }
0x61: {  	[tilespmem:s9], [sflag:$0x1] =	stream.linear.gather [hbm4b:s23+s1], $0x2000, $0x38;
	[tilespmem:$0x1A080] =	vst v63  }
.LBB2_2:
0x62: {  	p1 =	sne.s32 s18, $0xFFC0;
	[tilespmem:s19+$0x8000] =	vst v0;
	s20 =	smov.u32 s18;
	s18 =	sadd.s32 $0x40, s18  }
.Ltmp2:
0x63: {  	[tilespmem:s19+$0xC000] =	vst v0;
	(pc) =	sbr.rel @p1 .LBB2_2-.Ltmp2, $2  }
0x64: {  	_ =	sdelay $0x2  }
0x65: {  	s19 =	sshra.s32 s20, $0x2  }
0x66: {  	[tilespmem:s19+$0x8000] =	vst v0  }
0x67: {  	[tilespmem:s19+$0xC000] =	vst v0  }
0x68: {  	_ =	swait.ge [sflag:s10], $0x2000  }
0x69: {  	[sflag:s10] =	ssyncset.done $0x0  }
0x6a: {  	[sflag:s10] =	ssyncadd.s32 $0xFFFFE000  }
0x6b: {  	_ =	swait.ge [sflag:s10], $0x2000  }
0x6c: {  	[sflag:s10] =	ssyncset.done $0x0  }
0x6d: {  	s18 =	simm.s32 $0x0;
	[sflag:s10] =	ssyncadd.s32 $0xFFFFE000  }
0x6e: {  	[tilespmem:s11], [sflag:$0x2] =	stream.linear.gather [hbm4b:s24+s18], $0x2000, $0x38;
	[tilespmem:$0x1A080] =	vst v63  }
0x6f: {  	s1 =	sand.u32 $0x1000, s18;
	s20 =	sand.u32 $0xC00, s18  }
0x70: {  	[tilespmem:s12], [sflag:$0x2] =	stream.linear.gather [hbm4b:s25+s18], $0x2000, $0x38;
	[tilespmem:$0x1A080] =	vst v63  }
0x71: {  	s19 =	sor.u32 s20, s1;
	s18 =	sand.u32 $0x380, s18  }
0x72: {  	s18 =	sor.u32 s18, s19  }
0x73: {  	v2 =	vld [tilespmem:s18+$0x70]  }
0x74: {  	v3 =	vld [tilespmem:s18+$0x0]  }
0x75: {  	v4 =	vld [tilespmem:s18+$0x10]  }
0x76: {  	v5 =	vld [tilespmem:s18+$0x20]  }
0x77: {  	v7 =	vld [tilespmem:s18+$0x30]  }
0x78: {  	v10 =	vld [tilespmem:s18+$0x40]  }
0x79: {  	v13 =	vld [tilespmem:s18+$0x60];
	v8 =	vmul.f32 $1.024000000e+03, v2  }
0x7a: {  	v9 =	vmul.f32 $1.024000000e+03, v3;
	v3 =	vmul.f32 $5.120000000e+02, v3  }
0x7b: {  	v2 =	vmul.f32 $5.120000000e+02, v2;
	v12 =	vmul.f32 $1.024000000e+03, v4  }
0x7c: {  	v4 =	vmul.f32 $5.120000000e+02, v4;
	v14 =	vmul.f32 $1.024000000e+03, v5  }
0x7d: {  	v6 =	vld [tilespmem:s18+$0x4070];
	v16 =	vmul.f32 $1.024000000e+03, v7;
	v18 =	vmul.f32 $1.024000000e+03, v10  }
0x7e: {  	v15 =	vld [tilespmem:s18+$0x4000];
	v20 =	vmul.f32 $1.024000000e+03, v13;
	v8 =	vadd.f32 $8.192000000e+03, v8;
	v9 =	vadd.f32 $8.192000000e+03, v9  }
0x7f: {  	v19 =	vld [tilespmem:s18+$0x4030];
	v5 =	vmul.f32 $5.120000000e+02, v5;
	v2 =	vadd.f32 $8.705000000e+03, v2;
	v16 =	vadd.f32 $8.192000000e+03, v16  }
0x80: {  	v11 =	vld [tilespmem:s18+$0x50];
	v7 =	vmul.f32 $5.120000000e+02, v7;
	v18 =	vadd.f32 $8.192000000e+03, v18;
	v20 =	vadd.f32 $8.192000000e+03, v20  }
0x81: {  	v17 =	vld [tilespmem:s18+$0x4020];
	v10 =	vmul.f32 $5.120000000e+02, v10;
	v3 =	vadd.f32 $8.705000000e+03, v3;
	v4 =	vadd.f32 $8.705000000e+03, v4  }
0x82: {  	v22 =	vld [tilespmem:s18+$0x4040];
	v5 =	vadd.f32 $8.705000000e+03, v5;
	v7 =	vadd.f32 $8.705000000e+03, v7;
	v6 =	vmul.f32 v8, v6  }
0x83: {  	v13 =	vmul.f32 $5.120000000e+02, v13;
	v10 =	vadd.f32 $8.705000000e+03, v10;
	v8 =	vadd.f32 $8.192000000e+03, v12;
	v12 =	vld [tilespmem:s18+$0x4010]  }
0x84: {  	s21 =	simm.s32 $0x80;
	s20 =	simm.s32 $0x400;
	v9 =	vmul.f32 v9, v15;
	v15 =	vld [tilespmem:s18+$0x4060];
	v16 =	vmul.f32 v16, v19;
	v2 =	vsub.f32 v2, v6  }
0x85: {  	s22 =	sand.u32 $0xC00, s20;
	s19 =	sand.u32 $0x1000, s21;
	v23 =	vld [tilespmem:s18+$0x4050];
	s18 =	simm.s32 $0x20;
	v6 =	vadd.f32 $8.192000000e+03, v14;
	v14 =	vmul.f32 $1.024000000e+03, v11;
	v11 =	vmul.f32 $5.120000000e+02, v11  }
0x86: {  	s19 =	sor.u32 s22, s19;
	s23 =	sand.u32 $0x380, s18;
	v9 =	vsub.f32 v3, v9;
	v16 =	vsub.f32 v7, v16;
	v21 =	vtrunc.f32 v2  }
0x87: {  	v3 =	vadd.f32 $8.705000000e+03, v13;
	s19 =	sor.u32 s23, s19;
	v6 =	vmul.f32 v6, v17;
	v17 =	vmul.f32 v18, v22  }
0x88: {  	v25 =	vld [tilespmem:s19+$0x40];
	v14 =	vadd.f32 $8.192000000e+03, v14;
	v7 =	vtrunc.f32 v16;
	v21 =	vcvt.f32.s32 v21  }
0x89: {  	v27 =	vld [tilespmem:s19+$0x60];
	v8 =	vmul.f32 v8, v12;
	v13 =	vmul.f32 v20, v15;
	v15 =	vsub.f32 v5, v6  }
0x8a: {  	v14 =	vmul.f32 v14, v23;
	v17 =	vsub.f32 v10, v17;
	v12 =	vsub.s32 $0x3000, v21  }
0x8b: {  	v18 =	vld [tilespmem:s19+$0x10];
	v8 =	vsub.f32 v4, v8;
	v4 =	vtrunc.f32 v9;
	v6 =	vtrunc.f32 v15  }
0x8c: {  	v28 =	vld [tilespmem:s19+$0x4000];
	v10 =	vtrunc.f32 v17;
	v4 =	vcvt.f32.s32 v4  }
0x8d: {  	v29 =	vld [tilespmem:s19+$0x4010];
	v59 =	vmul.f32 $1.024000000e+03, v25;
	v25 =	vmul.f32 $5.120000000e+02, v25  }
0x8e: {  	v3 =	vsub.f32 v3, v13;
	v13 =	vld [tilespmem:s19+$0x0];
	v36 =	vmul.f32 $1.024000000e+03, v27;
	v27 =	vmul.f32 $5.120000000e+02, v27  }
0x8f: {  	v11 =	vadd.f32 $8.705000000e+03, v11;
	v5 =	vtrunc.f32 v8;
	v6 =	vcvt.f32.s32 v6;
	[tilespmem:v12+s13+$0x0] =	vst.idx.add.f32.msk $0xffff, v1  }
0x90: {  	v10 =	vcvt.f32.s32 v10;
	v26 =	vmul.f32 $1.024000000e+03, v18;
	[tilespmem:v12+s14+$0x0] =	vst.idx.add.f32.msk $0xffff, v2  }
0x91: {  	v18 =	vmul.f32 $5.120000000e+02, v18;
	v5 =	vcvt.f32.s32 v5;
	v2 =	vsub.f32 v11, v14;
	v11 =	vld [tilespmem:s19+$0x70]  }
0x92: {  	v19 =	vsub.s32 $0x3000, v4;
	v4 =	vcvt.f32.s32 v7;
	v7 =	vld [tilespmem:s19+$0x20];
	v36 =	vadd.f32 $8.192000000e+03, v36  }
0x93: {  	v31 =	vld [tilespmem:s19+$0x4020];
	v25 =	vadd.f32 $8.705000000e+03, v25;
	v24 =	vsub.s32 $0x3000, v10;
	v26 =	vadd.f32 $8.192000000e+03, v26  }
0x94: {  	v32 =	vld [tilespmem:s19+$0x4030];
	v18 =	vadd.f32 $8.705000000e+03, v18;
	v5 =	vsub.s32 $0x3000, v5;
	v10 =	vmul.f32 $1.024000000e+03, v13  }
0x95: {  	v20 =	vld [tilespmem:s19+$0x4070];
	v57 =	vsub.s32 $0x3000, v4;
	v13 =	vmul.f32 $5.120000000e+02, v13;
	v14 =	vtrunc.f32 v3  }
0x96: {  	v34 =	vld [tilespmem:s19+$0x4040];
	v55 =	vcvt.f32.s32 v14;
	v14 =	vsub.s32 $0x3000, v6;
	v56 =	vmul.f32 $1.024000000e+03, v11  }
0x97: {  	v6 =	vld [tilespmem:s19+$0x30];
	v10 =	vadd.f32 $8.192000000e+03, v10;
	v12 =	vtrunc.f32 v2;
	v58 =	vmul.f32 $1.024000000e+03, v7  }
0x98: {  	v60 =	vld [tilespmem:s19+$0x4060];
	v12 =	vcvt.f32.s32 v12;
	v11 =	vmul.f32 $5.120000000e+02, v11;
	v22 =	vadd.f32 $8.192000000e+03, v56  }
0x99: {  	v13 =	vadd.f32 $8.705000000e+03, v13;
	v7 =	vmul.f32 $5.120000000e+02, v7;
	[tilespmem:v19+s13+$0x0] =	vst.idx.add.f32.msk $0xffff, v1;
	v10 =	vmul.f32 v10, v28  }
0x9a: {  	v4 =	vsub.s32 $0x3000, v12;
	v12 =	vld [tilespmem:s19+$0x50];
	v11 =	vadd.f32 $8.705000000e+03, v11;
	v20 =	vmul.f32 v22, v20  }
0x9b: {  	v26 =	vmul.f32 v26, v29;
	[tilespmem:v19+s14+$0x0] =	vst.idx.add.f32.msk $0xffff, v9;
	v7 =	vadd.f32 $8.705000000e+03, v7;
	v9 =	vsub.f32 v13, v10  }
0x9c: {  	[tilespmem:v5+s13+$0x0] =	vst.idx.add.f32.msk $0xffff, v1;
	v30 =	vmul.f32 $1.024000000e+03, v6;
	v6 =	vmul.f32 $5.120000000e+02, v6;
	v11 =	vsub.f32 v11, v20  }
0x9d: {  	v62 =	vmul.f32 v36, v60;
	[tilespmem:v5+s14+$0x0] =	vst.idx.add.f32.msk $0xffff, v8;
	v10 =	vadd.f32 $8.705000000e+03, v27;
	v8 =	vsub.f32 v18, v26  }
0x9e: {  	v37 =	vld [tilespmem:s19+$0x4050];
	v30 =	vadd.f32 $8.192000000e+03, v30;
	v6 =	vadd.f32 $8.705000000e+03, v6;
	v35 =	vtrunc.f32 v11  }
0x9f: {  	v22 =	vadd.f32 $8.192000000e+03, v59;
	v33 =	vmul.f32 $1.024000000e+03, v12;
	v35 =	vcvt.f32.s32 v35  }
0xa0: {  	v12 =	vmul.f32 $5.120000000e+02, v12;
	v19 =	vmul.f32 v30, v32;
	v20 =	vadd.f32 $8.192000000e+03, v58  }
0xa1: {  	[tilespmem:v24+s13+$0x0] =	vst.idx.add.f32.msk $0xffff, v1;
	v22 =	vmul.f32 v22, v34;
	v33 =	vadd.f32 $8.192000000e+03, v33;
	v35 =	vsub.s32 $0x3000, v35  }
0xa2: {  	[tilespmem:v57+s13+$0x0] =	vst.idx.add.f32.msk $0xffff, v1;
	v18 =	vtrunc.f32 v9;
	v5 =	vsub.f32 v6, v19;
	v20 =	vmul.f32 v20, v31  }
0xa3: {  	[tilespmem:v24+s14+$0x0] =	vst.idx.add.f32.msk $0xffff, v17;
	v12 =	vadd.f32 $8.705000000e+03, v12;
	v6 =	vsub.f32 v25, v22;
	v61 =	vmul.f32 v33, v37  }
0xa4: {  	[tilespmem:v14+s13+$0x0] =	vst.idx.add.f32.msk $0xffff, v1;
	v18 =	vcvt.f32.s32 v18;
	v63 =	vtrunc.f32 v5;
	v7 =	vsub.f32 v7, v20  }
0xa5: {  	[tilespmem:v14+s14+$0x0] =	vst.idx.add.f32.msk $0xffff, v15;
	v25 =	vtrunc.f32 v6;
	v13 =	vsub.f32 v12, v61;
	v12 =	vsub.f32 v10, v62  }
0xa6: {  	v10 =	vsub.s32 $0x3000, v55;
	v17 =	vcvt.f32.s32 v25;
	v20 =	vtrunc.f32 v7;
	[tilespmem:v35+s13+$0x0] =	vst.idx.add.f32.msk $0xffff, v1  }
0xa7: {  	v14 =	vtrunc.f32 v13;
	[tilespmem:v35+s14+$0x0] =	vst.idx.add.f32.msk $0xffff, v11;
	v11 =	vtrunc.f32 v8  }
0xa8: {  	[tilespmem:v57+s14+$0x0] =	vst.idx.add.f32.msk $0xffff, v16;
	v15 =	vtrunc.f32 v12;
	v19 =	vcvt.f32.s32 v11  }
0xa9: {  	s20 =	simm.s32 $0x800;
	s21 =	simm.s32 $0x100;
	s19 =	simm.s32 $0x8;
	[tilespmem:v4+s13+$0x0] =	vst.idx.add.f32.msk $0xffff, v1;
	v16 =	vcvt.f32.s32 v20;
	v11 =	vsub.s32 $0x3000, v18;
	v18 =	vcvt.f32.s32 v63  }
.LBB2_4:
0xaa: {  	s22 =	sand.u32 $0x1000, s21;
	s23 =	sand.u32 $0xC00, s20;
	v19 =	vsub.s32 $0x3000, v19;
	v14 =	vcvt.f32.s32 v14;
	v15 =	vcvt.f32.s32 v15;
	s18 =	sadd.s32 $0x20, s18;
	[tilespmem:v4+s14+$0x0] =	vst.idx.add.f32.msk $0xffff, v2;
	v2 =	vmovc v13  }
0xab: {  	s19 =	sadd.s32 $0x8, s19;
	v16 =	vsub.s32 $0x3000, v16;
	s22 =	sor.u32 s23, s22;
	s23 =	sand.u32 $0x380, s18;
	v18 =	vsub.s32 $0x3000, v18;
	v17 =	vsub.s32 $0x3000, v17;
	[tilespmem:v10+s13+$0x0] =	vst.idx.add.f32.msk $0xffff, v1  }
0xac: {  	p1 =	slt.u32 s19, $0x1F8;
	s22 =	sor.u32 s23, s22;
	v4 =	vsub.s32 $0x3000, v14;
	[tilespmem:v10+s14+$0x0] =	vst.idx.add.f32.msk $0xffff, v3;
	v10 =	vsub.s32 $0x3000, v15;
	v3 =	vmov v12  }
0xad: {  	v12 =	vld [tilespmem:s22+$0x70]  }
0xae: {  	v13 =	vld [tilespmem:s22+$0x0]  }
0xaf: {  	v14 =	vld [tilespmem:s22+$0x10]  }
0xb0: {  	v15 =	vld [tilespmem:s22+$0x20]  }
0xb1: {  	v20 =	vld [tilespmem:s22+$0x4070]  }
0xb2: {  	v21 =	vld [tilespmem:s22+$0x30];
	v22 =	vmul.f32 $1.024000000e+03, v12  }
0xb3: {  	v23 =	vmul.f32 $5.120000000e+02, v13;
	v13 =	vmul.f32 $1.024000000e+03, v13;
	v24 =	vld [tilespmem:s22+$0x40]  }
0xb4: {  	v12 =	vmul.f32 $5.120000000e+02, v12;
	v25 =	vmul.f32 $1.024000000e+03, v14;
	v26 =	vld [tilespmem:s22+$0x50];
	v22 =	vadd.f32 $8.192000000e+03, v22  }
0xb5: {  	v14 =	vmul.f32 $5.120000000e+02, v14;
	v13 =	vadd.f32 $8.192000000e+03, v13;
	v27 =	vmul.f32 $1.024000000e+03, v15;
	v28 =	vld [tilespmem:s22+$0x60]  }
0xb6: {  	v12 =	vadd.f32 $8.705000000e+03, v12;
	v29 =	vld [tilespmem:s22+$0x4000];
	v25 =	vadd.f32 $8.192000000e+03, v25;
	v20 =	vmul.f32 v22, v20  }
0xb7: {  	v15 =	vmul.f32 $5.120000000e+02, v15;
	v22 =	vld [tilespmem:s22+$0x4010];
	v27 =	vadd.f32 $8.192000000e+03, v27;
	v30 =	vmul.f32 $1.024000000e+03, v21  }
0xb8: {  	v21 =	vmul.f32 $5.120000000e+02, v21;
	v31 =	vld [tilespmem:s22+$0x4020];
	v32 =	vmul.f32 $1.024000000e+03, v24;
	v12 =	vsub.f32 v12, v20  }
0xb9: {  	v24 =	vmul.f32 $5.120000000e+02, v24;
	v20 =	vld [tilespmem:s22+$0x4030];
	v30 =	vadd.f32 $8.192000000e+03, v30;
	v33 =	vmul.f32 $1.024000000e+03, v26  }
0xba: {  	v34 =	vld [tilespmem:s22+$0x4040];
	v32 =	vadd.f32 $8.192000000e+03, v32;
	v35 =	vmul.f32 $1.024000000e+03, v28;
	v36 =	vtrunc.f32 v12  }
0xbb: {  	v26 =	vmul.f32 $5.120000000e+02, v26;
	v37 =	vld [tilespmem:s22+$0x4050];
	v33 =	vadd.f32 $8.192000000e+03, v33;
	v36 =	vcvt.f32.s32 v36  }
0xbc: {  	v28 =	vmul.f32 $5.120000000e+02, v28;
	v13 =	vmul.f32 v13, v29;
	v29 =	vld [tilespmem:s22+$0x4060];
	v35 =	vadd.f32 $8.192000000e+03, v35  }
0xbd: {  	v22 =	vmul.f32 v25, v22;
	v25 =	vmul.f32 v27, v31;
	v27 =	vsub.s32 $0x3000, v36;
	[tilespmem:v11+s13+$0x0] =	vst.idx.add.f32.msk $0xffff, v1  }
0xbe: {  	v23 =	vadd.f32 $8.705000000e+03, v23;
	v14 =	vadd.f32 $8.705000000e+03, v14;
	v20 =	vmul.f32 v30, v20;
	[tilespmem:v11+s14+$0x0] =	vst.idx.add.f32.msk $0xffff, v9  }
0xbf: {  	v11 =	vadd.f32 $8.705000000e+03, v15;
	v15 =	vadd.f32 $8.705000000e+03, v21;
	v21 =	vmul.f32 v32, v34;
	[tilespmem:v19+s13+$0x0] =	vst.idx.add.f32.msk $0xffff, v1  }
0xc0: {  	v24 =	vadd.f32 $8.705000000e+03, v24;
	v26 =	vadd.f32 $8.705000000e+03, v26;
	v30 =	vmul.f32 v33, v37;
	[tilespmem:v19+s14+$0x0] =	vst.idx.add.f32.msk $0xffff, v8  }
0xc1: {  	v9 =	vsub.f32 v23, v13;
	v19 =	vadd.f32 $8.705000000e+03, v28;
	v23 =	vmul.f32 v35, v29;
	[tilespmem:v16+s13+$0x0] =	vst.idx.add.f32.msk $0xffff, v1  }
0xc2: {  	v8 =	vsub.f32 v14, v22;
	v11 =	vsub.f32 v11, v25;
	[tilespmem:v27+s13+$0x0] =	vst.idx.add.f32.msk $0xffff, v1  }
0xc3: {  	v22 =	vtrunc.f32 v9;
	v15 =	vsub.f32 v15, v20;
	v20 =	vsub.f32 v24, v21;
	[tilespmem:v27+s14+$0x0] =	vst.idx.add.f32.msk $0xffff, v12  }
0xc4: {  	v21 =	vtrunc.f32 v8;
	v13 =	vsub.f32 v26, v30;
	v12 =	vsub.f32 v19, v23;
	[tilespmem:v16+s14+$0x0] =	vst.idx.add.f32.msk $0xffff, v7  }
.Ltmp3:
0xc5: {  	v23 =	vtrunc.f32 v15;
	v16 =	vtrunc.f32 v11;
	v7 =	vmov v11;
	[tilespmem:v18+s13+$0x0] =	vst.idx.add.f32.msk $0xffff, v1;
	(pc) =	sbr.rel @p1 .LBB2_4-.Ltmp3, $4  }
0xc6: {  	v24 =	vtrunc.f32 v20;
	v14 =	vtrunc.f32 v13;
	[tilespmem:v18+s14+$0x0] =	vst.idx.add.f32.msk $0xffff, v5;
	v5 =	vmov v15  }
0xc7: {  	v11 =	vcvt.f32.s32 v22;
	v15 =	vtrunc.f32 v12;
	[tilespmem:v17+s13+$0x0] =	vst.idx.add.f32.msk $0xffff, v1  }
0xc8: {  	v19 =	vcvt.f32.s32 v21;
	v16 =	vcvt.f32.s32 v16;
	[tilespmem:v17+s14+$0x0] =	vst.idx.add.f32.msk $0xffff, v6;
	v6 =	vmov v20  }
0xc9: {  	s20 =	sadd.s32 $0x400, s20;
	s21 =	sadd.s32 $0x80, s21;
	v11 =	vsub.s32 $0x3000, v11;
	v18 =	vcvt.f32.s32 v23;
	v17 =	vcvt.f32.s32 v24;
	[tilespmem:v4+s13+$0x0] =	vst.idx.add.f32.msk $0xffff, v1  }
0xca: {  	_ =	sdelay $0x3  }
0xcb: {  	v19 =	vsub.s32 $0x3000, v19;
	[tilespmem:v4+s14+$0x0] =	vst.idx.add.f32.msk $0xffff, v2  }
0xcc: {  	[tilespmem:v10+s13+$0x0] =	vst.idx.add.f32.msk $0xffff, v1;
	v2 =	vsub.s32 $0x3000, v16  }
0xcd: {  	[tilespmem:v11+s13+$0x0] =	vst.idx.add.f32.msk $0xffff, v1  }
0xce: {  	[tilespmem:v10+s14+$0x0] =	vst.idx.add.f32.msk $0xffff, v3  }
0xcf: {  	v3 =	vsub.s32 $0x3000, v18;
	[tilespmem:v11+s14+$0x0] =	vst.idx.add.f32.msk $0xffff, v9  }
0xd0: {  	v9 =	vsub.s32 $0x3000, v17;
	[tilespmem:v19+s13+$0x0] =	vst.idx.add.f32.msk $0xffff, v1  }
0xd1: {  	v4 =	vcvt.f32.s32 v14;
	[tilespmem:v2+s13+$0x0] =	vst.idx.add.f32.msk $0xffff, v1  }
0xd2: {  	[tilespmem:v19+s14+$0x0] =	vst.idx.add.f32.msk $0xffff, v8  }
0xd3: {  	v4 =	vsub.s32 $0x3000, v4;
	v8 =	vcvt.f32.s32 v15;
	[tilespmem:v2+s14+$0x0] =	vst.idx.add.f32.msk $0xffff, v7  }
0xd4: {  	[tilespmem:v3+s13+$0x0] =	vst.idx.add.f32.msk $0xffff, v1  }
0xd5: {  	[tilespmem:v9+s13+$0x0] =	vst.idx.add.f32.msk $0xffff, v1;
	v2 =	vsub.s32 $0x3000, v8  }
0xd6: {  	[tilespmem:v3+s14+$0x0] =	vst.idx.add.f32.msk $0xffff, v5  }
0xd7: {  	[tilespmem:v9+s14+$0x0] =	vst.idx.add.f32.msk $0xffff, v6  }
0xd8: {  	[tilespmem:v4+s13+$0x0] =	vst.idx.add.f32.msk $0xffff, v1  }
0xd9: {  	[tilespmem:v4+s14+$0x0] =	vst.idx.add.f32.msk $0xffff, v13  }
0xda: {  	[tilespmem:v2+s13+$0x0] =	vst.idx.add.f32.msk $0xffff, v1  }
0xdb: {  	[tilespmem:v2+s14+$0x0] =	vst.idx.add.f32.msk $0xffff, v12  }
0xdc: {  	_ =	swait.ge [sflag:s15], $0x2000  }
0xdd: {  	[sflag:s15] =	ssyncset.done $0x0  }
0xde: {  	[sflag:s15] =	ssyncadd.s32 $0xFFFFE000  }
0xdf: {  	_ =	swait.ge [sflag:s15], $0x2000  }
0xe0: {  	[sflag:s15] =	ssyncset.done $0x0  }
0xe1: {  	s18 =	simm.s32 $0x0;
	[sflag:s15] =	ssyncadd.s32 $0xFFFFE000  }
0xe2: {  	[tilespmem:s18], [sflag:$0x1] =	stream.linear.gather [hbm4b:s26+s18], $0x2000, $0x38;
	[tilespmem:$0x1A080] =	vst v63  }
0xe3: {  	s19 =	sand.u32 $0x1000, s18;
	s20 =	sand.u32 $0xC00, s18  }
0xe4: {  	[tilespmem:s9], [sflag:$0x1] =	stream.linear.gather [hbm4b:s28+s18], $0x2000, $0x38;
	[tilespmem:$0x1A080] =	vst v63  }
0xe5: {  	s19 =	sor.u32 s20, s19;
	s18 =	sand.u32 $0x380, s18  }
0xe6: {  	s18 =	sor.u32 s18, s19  }
0xe7: {  	v2 =	vld [tilespmem:s18+$0x2070]  }
0xe8: {  	v3 =	vld [tilespmem:s18+$0x2000]  }
0xe9: {  	v4 =	vld [tilespmem:s18+$0x2010]  }
0xea: {  	v5 =	vld [tilespmem:s18+$0x2020]  }
0xeb: {  	v7 =	vld [tilespmem:s18+$0x2030]  }
0xec: {  	v10 =	vld [tilespmem:s18+$0x2040]  }
0xed: {  	v13 =	vld [tilespmem:s18+$0x2060];
	v8 =	vmul.f32 $1.024000000e+03, v2  }
0xee: {  	v9 =	vmul.f32 $1.024000000e+03, v3;
	v3 =	vmul.f32 $5.120000000e+02, v3  }
0xef: {  	v2 =	vmul.f32 $5.120000000e+02, v2;
	v12 =	vmul.f32 $1.024000000e+03, v4  }
0xf0: {  	v4 =	vmul.f32 $5.120000000e+02, v4;
	v14 =	vmul.f32 $1.024000000e+03, v5  }
0xf1: {  	v6 =	vld [tilespmem:s18+$0x6070];
	v16 =	vmul.f32 $1.024000000e+03, v7;
	v18 =	vmul.f32 $1.024000000e+03, v10  }
0xf2: {  	v15 =	vld [tilespmem:s18+$0x6000];
	v20 =	vmul.f32 $1.024000000e+03, v13;
	v8 =	vadd.f32 $8.192000000e+03, v8;
	v9 =	vadd.f32 $8.192000000e+03, v9  }
0xf3: {  	v19 =	vld [tilespmem:s18+$0x6030];
	v5 =	vmul.f32 $5.120000000e+02, v5;
	v2 =	vadd.f32 $8.705000000e+03, v2;
	v16 =	vadd.f32 $8.192000000e+03, v16  }
0xf4: {  	v11 =	vld [tilespmem:s18+$0x2050];
	v7 =	vmul.f32 $5.120000000e+02, v7;
	v18 =	vadd.f32 $8.192000000e+03, v18;
	v20 =	vadd.f32 $8.192000000e+03, v20  }
0xf5: {  	v17 =	vld [tilespmem:s18+$0x6020];
	v10 =	vmul.f32 $5.120000000e+02, v10;
	v3 =	vadd.f32 $8.705000000e+03, v3;
	v4 =	vadd.f32 $8.705000000e+03, v4  }
0xf6: {  	v22 =	vld [tilespmem:s18+$0x6040];
	v5 =	vadd.f32 $8.705000000e+03, v5;
	v7 =	vadd.f32 $8.705000000e+03, v7;
	v6 =	vmul.f32 v8, v6  }
0xf7: {  	v13 =	vmul.f32 $5.120000000e+02, v13;
	v10 =	vadd.f32 $8.705000000e+03, v10;
	v8 =	vadd.f32 $8.192000000e+03, v12;
	v12 =	vld [tilespmem:s18+$0x6010]  }
0xf8: {  	s21 =	simm.s32 $0x80;
	s20 =	simm.s32 $0x400;
	v9 =	vmul.f32 v9, v15;
	v15 =	vld [tilespmem:s18+$0x6060];
	v16 =	vmul.f32 v16, v19;
	v2 =	vsub.f32 v2, v6  }
0xf9: {  	s22 =	sand.u32 $0xC00, s20;
	s19 =	sand.u32 $0x1000, s21;
	v23 =	vld [tilespmem:s18+$0x6050];
	s18 =	simm.s32 $0x20;
	v6 =	vadd.f32 $8.192000000e+03, v14;
	v14 =	vmul.f32 $1.024000000e+03, v11;
	v11 =	vmul.f32 $5.120000000e+02, v11  }
0xfa: {  	s19 =	sor.u32 s22, s19;
	s23 =	sand.u32 $0x380, s18;
	v9 =	vsub.f32 v3, v9;
	v16 =	vsub.f32 v7, v16;
	v21 =	vtrunc.f32 v2  }
0xfb: {  	v3 =	vadd.f32 $8.705000000e+03, v13;
	s19 =	sor.u32 s23, s19;
	v6 =	vmul.f32 v6, v17;
	v17 =	vmul.f32 v18, v22  }
0xfc: {  	v25 =	vld [tilespmem:s19+$0x2040];
	v14 =	vadd.f32 $8.192000000e+03, v14;
	v7 =	vtrunc.f32 v16;
	v21 =	vcvt.f32.s32 v21  }
0xfd: {  	v27 =	vld [tilespmem:s19+$0x2060];
	v8 =	vmul.f32 v8, v12;
	v13 =	vmul.f32 v20, v15;
	v15 =	vsub.f32 v5, v6  }
0xfe: {  	v14 =	vmul.f32 v14, v23;
	v17 =	vsub.f32 v10, v17;
	v12 =	vsub.s32 $0x3000, v21  }
0xff: {  	v18 =	vld [tilespmem:s19+$0x2010];
	v8 =	vsub.f32 v4, v8;
	v4 =	vtrunc.f32 v9;
	v6 =	vtrunc.f32 v15  }
0x100: {  	v28 =	vld [tilespmem:s19+$0x6000];
	v10 =	vtrunc.f32 v17;
	v4 =	vcvt.f32.s32 v4  }
0x101: {  	v29 =	vld [tilespmem:s19+$0x6010];
	v59 =	vmul.f32 $1.024000000e+03, v25;
	v25 =	vmul.f32 $5.120000000e+02, v25  }
0x102: {  	v3 =	vsub.f32 v3, v13;
	v13 =	vld [tilespmem:s19+$0x2000];
	v36 =	vmul.f32 $1.024000000e+03, v27;
	v27 =	vmul.f32 $5.120000000e+02, v27  }
0x103: {  	v11 =	vadd.f32 $8.705000000e+03, v11;
	v5 =	vtrunc.f32 v8;
	v6 =	vcvt.f32.s32 v6;
	[tilespmem:v12+s13+$0x0] =	vst.idx.add.f32.msk $0xffff, v1  }
0x104: {  	v10 =	vcvt.f32.s32 v10;
	v26 =	vmul.f32 $1.024000000e+03, v18;
	[tilespmem:v12+s14+$0x0] =	vst.idx.add.f32.msk $0xffff, v2  }
0x105: {  	v18 =	vmul.f32 $5.120000000e+02, v18;
	v5 =	vcvt.f32.s32 v5;
	v2 =	vsub.f32 v11, v14;
	v11 =	vld [tilespmem:s19+$0x2070]  }
0x106: {  	v19 =	vsub.s32 $0x3000, v4;
	v4 =	vcvt.f32.s32 v7;
	v7 =	vld [tilespmem:s19+$0x2020];
	v36 =	vadd.f32 $8.192000000e+03, v36  }
0x107: {  	v31 =	vld [tilespmem:s19+$0x6020];
	v25 =	vadd.f32 $8.705000000e+03, v25;
	v24 =	vsub.s32 $0x3000, v10;
	v26 =	vadd.f32 $8.192000000e+03, v26  }
0x108: {  	v32 =	vld [tilespmem:s19+$0x6030];
	v18 =	vadd.f32 $8.705000000e+03, v18;
	v5 =	vsub.s32 $0x3000, v5;
	v10 =	vmul.f32 $1.024000000e+03, v13  }
0x109: {  	v20 =	vld [tilespmem:s19+$0x6070];
	v57 =	vsub.s32 $0x3000, v4;
	v13 =	vmul.f32 $5.120000000e+02, v13;
	v14 =	vtrunc.f32 v3  }
0x10a: {  	v34 =	vld [tilespmem:s19+$0x6040];
	v55 =	vcvt.f32.s32 v14;
	v14 =	vsub.s32 $0x3000, v6;
	v56 =	vmul.f32 $1.024000000e+03, v11  }
0x10b: {  	v6 =	vld [tilespmem:s19+$0x2030];
	v10 =	vadd.f32 $8.192000000e+03, v10;
	v12 =	vtrunc.f32 v2;
	v58 =	vmul.f32 $1.024000000e+03, v7  }
0x10c: {  	v60 =	vld [tilespmem:s19+$0x6060];
	v12 =	vcvt.f32.s32 v12;
	v11 =	vmul.f32 $5.120000000e+02, v11;
	v22 =	vadd.f32 $8.192000000e+03, v56  }
0x10d: {  	v13 =	vadd.f32 $8.705000000e+03, v13;
	v7 =	vmul.f32 $5.120000000e+02, v7;
	[tilespmem:v19+s13+$0x0] =	vst.idx.add.f32.msk $0xffff, v1;
	v10 =	vmul.f32 v10, v28  }
0x10e: {  	v4 =	vsub.s32 $0x3000, v12;
	v12 =	vld [tilespmem:s19+$0x2050];
	v11 =	vadd.f32 $8.705000000e+03, v11;
	v20 =	vmul.f32 v22, v20  }
0x10f: {  	v26 =	vmul.f32 v26, v29;
	[tilespmem:v19+s14+$0x0] =	vst.idx.add.f32.msk $0xffff, v9;
	v7 =	vadd.f32 $8.705000000e+03, v7;
	v9 =	vsub.f32 v13, v10  }
0x110: {  	[tilespmem:v5+s13+$0x0] =	vst.idx.add.f32.msk $0xffff, v1;
	v30 =	vmul.f32 $1.024000000e+03, v6;
	v6 =	vmul.f32 $5.120000000e+02, v6;
	v11 =	vsub.f32 v11, v20  }
0x111: {  	v62 =	vmul.f32 v36, v60;
	[tilespmem:v5+s14+$0x0] =	vst.idx.add.f32.msk $0xffff, v8;
	v10 =	vadd.f32 $8.705000000e+03, v27;
	v8 =	vsub.f32 v18, v26  }
0x112: {  	v37 =	vld [tilespmem:s19+$0x6050];
	v30 =	vadd.f32 $8.192000000e+03, v30;
	v6 =	vadd.f32 $8.705000000e+03, v6;
	v35 =	vtrunc.f32 v11  }
0x113: {  	v22 =	vadd.f32 $8.192000000e+03, v59;
	v33 =	vmul.f32 $1.024000000e+03, v12;
	v35 =	vcvt.f32.s32 v35  }
0x114: {  	v12 =	vmul.f32 $5.120000000e+02, v12;
	v19 =	vmul.f32 v30, v32;
	v20 =	vadd.f32 $8.192000000e+03, v58  }
0x115: {  	[tilespmem:v24+s13+$0x0] =	vst.idx.add.f32.msk $0xffff, v1;
	v22 =	vmul.f32 v22, v34;
	v33 =	vadd.f32 $8.192000000e+03, v33;
	v35 =	vsub.s32 $0x3000, v35  }
0x116: {  	[tilespmem:v57+s13+$0x0] =	vst.idx.add.f32.msk $0xffff, v1;
	v18 =	vtrunc.f32 v9;
	v5 =	vsub.f32 v6, v19;
	v20 =	vmul.f32 v20, v31  }
0x117: {  	[tilespmem:v24+s14+$0x0] =	vst.idx.add.f32.msk $0xffff, v17;
	v12 =	vadd.f32 $8.705000000e+03, v12;
	v6 =	vsub.f32 v25, v22;
	v61 =	vmul.f32 v33, v37  }
0x118: {  	[tilespmem:v14+s13+$0x0] =	vst.idx.add.f32.msk $0xffff, v1;
	v18 =	vcvt.f32.s32 v18;
	v63 =	vtrunc.f32 v5;
	v7 =	vsub.f32 v7, v20  }
0x119: {  	[tilespmem:v14+s14+$0x0] =	vst.idx.add.f32.msk $0xffff, v15;
	v25 =	vtrunc.f32 v6;
	v13 =	vsub.f32 v12, v61;
	v12 =	vsub.f32 v10, v62  }
0x11a: {  	v10 =	vsub.s32 $0x3000, v55;
	v17 =	vcvt.f32.s32 v25;
	v20 =	vtrunc.f32 v7;
	[tilespmem:v35+s13+$0x0] =	vst.idx.add.f32.msk $0xffff, v1  }
0x11b: {  	v14 =	vtrunc.f32 v13;
	[tilespmem:v35+s14+$0x0] =	vst.idx.add.f32.msk $0xffff, v11;
	v11 =	vtrunc.f32 v8  }
0x11c: {  	[tilespmem:v57+s14+$0x0] =	vst.idx.add.f32.msk $0xffff, v16;
	v15 =	vtrunc.f32 v12;
	v19 =	vcvt.f32.s32 v11  }
0x11d: {  	s20 =	simm.s32 $0x800;
	s21 =	simm.s32 $0x100;
	s19 =	simm.s32 $0x8;
	[tilespmem:v4+s13+$0x0] =	vst.idx.add.f32.msk $0xffff, v1;
	v16 =	vcvt.f32.s32 v20;
	v11 =	vsub.s32 $0x3000, v18;
	v18 =	vcvt.f32.s32 v63  }
.LBB2_6:
0x11e: {  	s22 =	sand.u32 $0x1000, s21;
	s23 =	sand.u32 $0xC00, s20;
	v19 =	vsub.s32 $0x3000, v19;
	v14 =	vcvt.f32.s32 v14;
	v15 =	vcvt.f32.s32 v15;
	s18 =	sadd.s32 $0x20, s18;
	[tilespmem:v4+s14+$0x0] =	vst.idx.add.f32.msk $0xffff, v2;
	v2 =	vmovc v13  }
0x11f: {  	s19 =	sadd.s32 $0x8, s19;
	v16 =	vsub.s32 $0x3000, v16;
	s22 =	sor.u32 s23, s22;
	s23 =	sand.u32 $0x380, s18;
	v18 =	vsub.s32 $0x3000, v18;
	v17 =	vsub.s32 $0x3000, v17;
	[tilespmem:v10+s13+$0x0] =	vst.idx.add.f32.msk $0xffff, v1  }
0x120: {  	p1 =	slt.u32 s19, $0x1F8;
	s22 =	sor.u32 s23, s22;
	v4 =	vsub.s32 $0x3000, v14;
	[tilespmem:v10+s14+$0x0] =	vst.idx.add.f32.msk $0xffff, v3;
	v10 =	vsub.s32 $0x3000, v15;
	v3 =	vmov v12  }
0x121: {  	v12 =	vld [tilespmem:s22+$0x2070]  }
0x122: {  	v13 =	vld [tilespmem:s22+$0x2000]  }
0x123: {  	v14 =	vld [tilespmem:s22+$0x2010]  }
0x124: {  	v15 =	vld [tilespmem:s22+$0x2020]  }
0x125: {  	v20 =	vld [tilespmem:s22+$0x6070]  }
0x126: {  	v21 =	vld [tilespmem:s22+$0x2030];
	v22 =	vmul.f32 $1.024000000e+03, v12  }
0x127: {  	v23 =	vmul.f32 $5.120000000e+02, v13;
	v13 =	vmul.f32 $1.024000000e+03, v13;
	v24 =	vld [tilespmem:s22+$0x2040]  }
0x128: {  	v12 =	vmul.f32 $5.120000000e+02, v12;
	v25 =	vmul.f32 $1.024000000e+03, v14;
	v26 =	vld [tilespmem:s22+$0x2050];
	v22 =	vadd.f32 $8.192000000e+03, v22  }
0x129: {  	v14 =	vmul.f32 $5.120000000e+02, v14;
	v13 =	vadd.f32 $8.192000000e+03, v13;
	v27 =	vmul.f32 $1.024000000e+03, v15;
	v28 =	vld [tilespmem:s22+$0x2060]  }
0x12a: {  	v12 =	vadd.f32 $8.705000000e+03, v12;
	v29 =	vld [tilespmem:s22+$0x6000];
	v25 =	vadd.f32 $8.192000000e+03, v25;
	v20 =	vmul.f32 v22, v20  }
0x12b: {  	v15 =	vmul.f32 $5.120000000e+02, v15;
	v22 =	vld [tilespmem:s22+$0x6010];
	v27 =	vadd.f32 $8.192000000e+03, v27;
	v30 =	vmul.f32 $1.024000000e+03, v21  }
0x12c: {  	v21 =	vmul.f32 $5.120000000e+02, v21;
	v31 =	vld [tilespmem:s22+$0x6020];
	v32 =	vmul.f32 $1.024000000e+03, v24;
	v12 =	vsub.f32 v12, v20  }
0x12d: {  	v24 =	vmul.f32 $5.120000000e+02, v24;
	v20 =	vld [tilespmem:s22+$0x6030];
	v30 =	vadd.f32 $8.192000000e+03, v30;
	v33 =	vmul.f32 $1.024000000e+03, v26  }
0x12e: {  	v34 =	vld [tilespmem:s22+$0x6040];
	v32 =	vadd.f32 $8.192000000e+03, v32;
	v35 =	vmul.f32 $1.024000000e+03, v28;
	v36 =	vtrunc.f32 v12  }
0x12f: {  	v26 =	vmul.f32 $5.120000000e+02, v26;
	v37 =	vld [tilespmem:s22+$0x6050];
	v33 =	vadd.f32 $8.192000000e+03, v33;
	v36 =	vcvt.f32.s32 v36  }
0x130: {  	v28 =	vmul.f32 $5.120000000e+02, v28;
	v13 =	vmul.f32 v13, v29;
	v29 =	vld [tilespmem:s22+$0x6060];
	v35 =	vadd.f32 $8.192000000e+03, v35  }
0x131: {  	v22 =	vmul.f32 v25, v22;
	v25 =	vmul.f32 v27, v31;
	v27 =	vsub.s32 $0x3000, v36;
	[tilespmem:v11+s13+$0x0] =	vst.idx.add.f32.msk $0xffff, v1  }
0x132: {  	v23 =	vadd.f32 $8.705000000e+03, v23;
	v14 =	vadd.f32 $8.705000000e+03, v14;
	v20 =	vmul.f32 v30, v20;
	[tilespmem:v11+s14+$0x0] =	vst.idx.add.f32.msk $0xffff, v9  }
0x133: {  	v11 =	vadd.f32 $8.705000000e+03, v15;
	v15 =	vadd.f32 $8.705000000e+03, v21;
	v21 =	vmul.f32 v32, v34;
	[tilespmem:v19+s13+$0x0] =	vst.idx.add.f32.msk $0xffff, v1  }
0x134: {  	v24 =	vadd.f32 $8.705000000e+03, v24;
	v26 =	vadd.f32 $8.705000000e+03, v26;
	v30 =	vmul.f32 v33, v37;
	[tilespmem:v19+s14+$0x0] =	vst.idx.add.f32.msk $0xffff, v8  }
0x135: {  	v9 =	vsub.f32 v23, v13;
	v19 =	vadd.f32 $8.705000000e+03, v28;
	v23 =	vmul.f32 v35, v29;
	[tilespmem:v16+s13+$0x0] =	vst.idx.add.f32.msk $0xffff, v1  }
0x136: {  	v8 =	vsub.f32 v14, v22;
	v11 =	vsub.f32 v11, v25;
	[tilespmem:v27+s13+$0x0] =	vst.idx.add.f32.msk $0xffff, v1  }
0x137: {  	v22 =	vtrunc.f32 v9;
	v15 =	vsub.f32 v15, v20;
	v20 =	vsub.f32 v24, v21;
	[tilespmem:v27+s14+$0x0] =	vst.idx.add.f32.msk $0xffff, v12  }
0x138: {  	v21 =	vtrunc.f32 v8;
	v13 =	vsub.f32 v26, v30;
	v12 =	vsub.f32 v19, v23;
	[tilespmem:v16+s14+$0x0] =	vst.idx.add.f32.msk $0xffff, v7  }
.Ltmp4:
0x139: {  	v23 =	vtrunc.f32 v15;
	v16 =	vtrunc.f32 v11;
	v7 =	vmov v11;
	[tilespmem:v18+s13+$0x0] =	vst.idx.add.f32.msk $0xffff, v1;
	(pc) =	sbr.rel @p1 .LBB2_6-.Ltmp4, $4  }
0x13a: {  	v24 =	vtrunc.f32 v20;
	v14 =	vtrunc.f32 v13;
	[tilespmem:v18+s14+$0x0] =	vst.idx.add.f32.msk $0xffff, v5;
	v5 =	vmov v15  }
0x13b: {  	v11 =	vcvt.f32.s32 v22;
	v15 =	vtrunc.f32 v12;
	[tilespmem:v17+s13+$0x0] =	vst.idx.add.f32.msk $0xffff, v1  }
0x13c: {  	v19 =	vcvt.f32.s32 v21;
	v16 =	vcvt.f32.s32 v16;
	[tilespmem:v17+s14+$0x0] =	vst.idx.add.f32.msk $0xffff, v6;
	v6 =	vmov v20  }
0x13d: {  	s20 =	sadd.s32 $0x400, s20;
	s21 =	sadd.s32 $0x80, s21;
	v11 =	vsub.s32 $0x3000, v11;
	v18 =	vcvt.f32.s32 v23;
	v17 =	vcvt.f32.s32 v24;
	[tilespmem:v4+s13+$0x0] =	vst.idx.add.f32.msk $0xffff, v1  }
0x13e: {  	_ =	sdelay $0x3  }
0x13f: {  	v19 =	vsub.s32 $0x3000, v19;
	[tilespmem:v4+s14+$0x0] =	vst.idx.add.f32.msk $0xffff, v2  }
0x140: {  	[tilespmem:v10+s13+$0x0] =	vst.idx.add.f32.msk $0xffff, v1;
	v2 =	vsub.s32 $0x3000, v16  }
0x141: {  	[tilespmem:v11+s13+$0x0] =	vst.idx.add.f32.msk $0xffff, v1  }
0x142: {  	[tilespmem:v10+s14+$0x0] =	vst.idx.add.f32.msk $0xffff, v3  }
0x143: {  	v3 =	vsub.s32 $0x3000, v18;
	[tilespmem:v11+s14+$0x0] =	vst.idx.add.f32.msk $0xffff, v9  }
0x144: {  	v9 =	vsub.s32 $0x3000, v17;
	[tilespmem:v19+s13+$0x0] =	vst.idx.add.f32.msk $0xffff, v1  }
0x145: {  	v4 =	vcvt.f32.s32 v14;
	[tilespmem:v2+s13+$0x0] =	vst.idx.add.f32.msk $0xffff, v1  }
0x146: {  	[tilespmem:v19+s14+$0x0] =	vst.idx.add.f32.msk $0xffff, v8  }
0x147: {  	v4 =	vsub.s32 $0x3000, v4;
	v8 =	vcvt.f32.s32 v15;
	[tilespmem:v2+s14+$0x0] =	vst.idx.add.f32.msk $0xffff, v7  }
0x148: {  	[tilespmem:v3+s13+$0x0] =	vst.idx.add.f32.msk $0xffff, v1  }
0x149: {  	[tilespmem:v9+s13+$0x0] =	vst.idx.add.f32.msk $0xffff, v1;
	v2 =	vsub.s32 $0x3000, v8  }
0x14a: {  	[tilespmem:v3+s14+$0x0] =	vst.idx.add.f32.msk $0xffff, v5  }
0x14b: {  	[tilespmem:v9+s14+$0x0] =	vst.idx.add.f32.msk $0xffff, v6  }
0x14c: {  	[tilespmem:v4+s13+$0x0] =	vst.idx.add.f32.msk $0xffff, v1  }
0x14d: {  	[tilespmem:v4+s14+$0x0] =	vst.idx.add.f32.msk $0xffff, v13  }
0x14e: {  	[tilespmem:v2+s13+$0x0] =	vst.idx.add.f32.msk $0xffff, v1  }
0x14f: {  	[tilespmem:v2+s14+$0x0] =	vst.idx.add.f32.msk $0xffff, v12  }
0x150: {  	_ =	swait.ge [sflag:s10], $0x2000  }
0x151: {  	[sflag:s10] =	ssyncset.done $0x0  }
0x152: {  	[sflag:s10] =	ssyncadd.s32 $0xFFFFE000  }
0x153: {  	_ =	swait.ge [sflag:s10], $0x2000  }
0x154: {  	[sflag:s10] =	ssyncset.done $0x0  }
0x155: {  	s18 =	simm.s32 $0x0;
	[sflag:s10] =	ssyncadd.s32 $0xFFFFE000  }
0x156: {  	[tilespmem:s11], [sflag:$0x2] =	stream.linear.gather [hbm4b:s29+s18], $0x2000, $0x38;
	[tilespmem:$0x1A080] =	vst v63  }
0x157: {  	s19 =	sand.u32 $0x1000, s18;
	s20 =	sand.u32 $0xC00, s18  }
0x158: {  	[tilespmem:s12], [sflag:$0x2] =	stream.linear.gather [hbm4b:s30+s18], $0x2000, $0x38;
	[tilespmem:$0x1A080] =	vst v63  }
0x159: {  	s19 =	sor.u32 s20, s19;
	s18 =	sand.u32 $0x380, s18  }
0x15a: {  	s18 =	sor.u32 s18, s19  }
0x15b: {  	v2 =	vld [tilespmem:s18+$0x70]  }
0x15c: {  	v3 =	vld [tilespmem:s18+$0x0]  }
0x15d: {  	v4 =	vld [tilespmem:s18+$0x10]  }
0x15e: {  	v5 =	vld [tilespmem:s18+$0x20]  }
0x15f: {  	v7 =	vld [tilespmem:s18+$0x30]  }
0x160: {  	v10 =	vld [tilespmem:s18+$0x40]  }
0x161: {  	v13 =	vld [tilespmem:s18+$0x60];
	v8 =	vmul.f32 $1.024000000e+03, v2  }
0x162: {  	v9 =	vmul.f32 $1.024000000e+03, v3;
	v3 =	vmul.f32 $5.120000000e+02, v3  }
0x163: {  	v2 =	vmul.f32 $5.120000000e+02, v2;
	v12 =	vmul.f32 $1.024000000e+03, v4  }
0x164: {  	v4 =	vmul.f32 $5.120000000e+02, v4;
	v14 =	vmul.f32 $1.024000000e+03, v5  }
0x165: {  	v6 =	vld [tilespmem:s18+$0x4070];
	v16 =	vmul.f32 $1.024000000e+03, v7;
	v18 =	vmul.f32 $1.024000000e+03, v10  }
0x166: {  	v15 =	vld [tilespmem:s18+$0x4000];
	v20 =	vmul.f32 $1.024000000e+03, v13;
	v8 =	vadd.f32 $8.192000000e+03, v8;
	v9 =	vadd.f32 $8.192000000e+03, v9  }
0x167: {  	v19 =	vld [tilespmem:s18+$0x4030];
	v5 =	vmul.f32 $5.120000000e+02, v5;
	v2 =	vadd.f32 $8.705000000e+03, v2;
	v16 =	vadd.f32 $8.192000000e+03, v16  }
0x168: {  	v11 =	vld [tilespmem:s18+$0x50];
	v7 =	vmul.f32 $5.120000000e+02, v7;
	v18 =	vadd.f32 $8.192000000e+03, v18;
	v20 =	vadd.f32 $8.192000000e+03, v20  }
0x169: {  	v17 =	vld [tilespmem:s18+$0x4020];
	v10 =	vmul.f32 $5.120000000e+02, v10;
	v3 =	vadd.f32 $8.705000000e+03, v3;
	v4 =	vadd.f32 $8.705000000e+03, v4  }
0x16a: {  	v22 =	vld [tilespmem:s18+$0x4040];
	v5 =	vadd.f32 $8.705000000e+03, v5;
	v7 =	vadd.f32 $8.705000000e+03, v7;
	v6 =	vmul.f32 v8, v6  }
0x16b: {  	v13 =	vmul.f32 $5.120000000e+02, v13;
	v10 =	vadd.f32 $8.705000000e+03, v10;
	v8 =	vadd.f32 $8.192000000e+03, v12;
	v12 =	vld [tilespmem:s18+$0x4010]  }
0x16c: {  	s21 =	simm.s32 $0x80;
	s20 =	simm.s32 $0x400;
	v9 =	vmul.f32 v9, v15;
	v15 =	vld [tilespmem:s18+$0x4060];
	v16 =	vmul.f32 v16, v19;
	v2 =	vsub.f32 v2, v6  }
0x16d: {  	s22 =	sand.u32 $0xC00, s20;
	s19 =	sand.u32 $0x1000, s21;
	v23 =	vld [tilespmem:s18+$0x4050];
	s18 =	simm.s32 $0x20;
	v6 =	vadd.f32 $8.192000000e+03, v14;
	v14 =	vmul.f32 $1.024000000e+03, v11;
	v11 =	vmul.f32 $5.120000000e+02, v11  }
0x16e: {  	s19 =	sor.u32 s22, s19;
	s23 =	sand.u32 $0x380, s18;
	v9 =	vsub.f32 v3, v9;
	v16 =	vsub.f32 v7, v16;
	v21 =	vtrunc.f32 v2  }
0x16f: {  	v3 =	vadd.f32 $8.705000000e+03, v13;
	s19 =	sor.u32 s23, s19;
	v6 =	vmul.f32 v6, v17;
	v17 =	vmul.f32 v18, v22  }
0x170: {  	v25 =	vld [tilespmem:s19+$0x40];
	v14 =	vadd.f32 $8.192000000e+03, v14;
	v7 =	vtrunc.f32 v16;
	v21 =	vcvt.f32.s32 v21  }
0x171: {  	v27 =	vld [tilespmem:s19+$0x60];
	v8 =	vmul.f32 v8, v12;
	v13 =	vmul.f32 v20, v15;
	v15 =	vsub.f32 v5, v6  }
0x172: {  	v14 =	vmul.f32 v14, v23;
	v17 =	vsub.f32 v10, v17;
	v12 =	vsub.s32 $0x3000, v21  }
0x173: {  	v18 =	vld [tilespmem:s19+$0x10];
	v8 =	vsub.f32 v4, v8;
	v4 =	vtrunc.f32 v9;
	v6 =	vtrunc.f32 v15  }
0x174: {  	v28 =	vld [tilespmem:s19+$0x4000];
	v10 =	vtrunc.f32 v17;
	v4 =	vcvt.f32.s32 v4  }
0x175: {  	v29 =	vld [tilespmem:s19+$0x4010];
	v59 =	vmul.f32 $1.024000000e+03, v25;
	v25 =	vmul.f32 $5.120000000e+02, v25  }
0x176: {  	v3 =	vsub.f32 v3, v13;
	v13 =	vld [tilespmem:s19+$0x0];
	v36 =	vmul.f32 $1.024000000e+03, v27;
	v27 =	vmul.f32 $5.120000000e+02, v27  }
0x177: {  	v11 =	vadd.f32 $8.705000000e+03, v11;
	v5 =	vtrunc.f32 v8;
	v6 =	vcvt.f32.s32 v6;
	[tilespmem:v12+s13+$0x0] =	vst.idx.add.f32.msk $0xffff, v1  }
0x178: {  	v10 =	vcvt.f32.s32 v10;
	v26 =	vmul.f32 $1.024000000e+03, v18;
	[tilespmem:v12+s14+$0x0] =	vst.idx.add.f32.msk $0xffff, v2  }
0x179: {  	v18 =	vmul.f32 $5.120000000e+02, v18;
	v5 =	vcvt.f32.s32 v5;
	v2 =	vsub.f32 v11, v14;
	v11 =	vld [tilespmem:s19+$0x70]  }
0x17a: {  	v19 =	vsub.s32 $0x3000, v4;
	v4 =	vcvt.f32.s32 v7;
	v7 =	vld [tilespmem:s19+$0x20];
	v36 =	vadd.f32 $8.192000000e+03, v36  }
0x17b: {  	v31 =	vld [tilespmem:s19+$0x4020];
	v25 =	vadd.f32 $8.705000000e+03, v25;
	v24 =	vsub.s32 $0x3000, v10;
	v26 =	vadd.f32 $8.192000000e+03, v26  }
0x17c: {  	v32 =	vld [tilespmem:s19+$0x4030];
	v18 =	vadd.f32 $8.705000000e+03, v18;
	v5 =	vsub.s32 $0x3000, v5;
	v10 =	vmul.f32 $1.024000000e+03, v13  }
0x17d: {  	v20 =	vld [tilespmem:s19+$0x4070];
	v57 =	vsub.s32 $0x3000, v4;
	v13 =	vmul.f32 $5.120000000e+02, v13;
	v14 =	vtrunc.f32 v3  }
0x17e: {  	v34 =	vld [tilespmem:s19+$0x4040];
	v55 =	vcvt.f32.s32 v14;
	v14 =	vsub.s32 $0x3000, v6;
	v56 =	vmul.f32 $1.024000000e+03, v11  }
0x17f: {  	v6 =	vld [tilespmem:s19+$0x30];
	v10 =	vadd.f32 $8.192000000e+03, v10;
	v12 =	vtrunc.f32 v2;
	v58 =	vmul.f32 $1.024000000e+03, v7  }
0x180: {  	v60 =	vld [tilespmem:s19+$0x4060];
	v12 =	vcvt.f32.s32 v12;
	v11 =	vmul.f32 $5.120000000e+02, v11;
	v22 =	vadd.f32 $8.192000000e+03, v56  }
0x181: {  	v13 =	vadd.f32 $8.705000000e+03, v13;
	v7 =	vmul.f32 $5.120000000e+02, v7;
	[tilespmem:v19+s13+$0x0] =	vst.idx.add.f32.msk $0xffff, v1;
	v10 =	vmul.f32 v10, v28  }
0x182: {  	v4 =	vsub.s32 $0x3000, v12;
	v12 =	vld [tilespmem:s19+$0x50];
	v11 =	vadd.f32 $8.705000000e+03, v11;
	v20 =	vmul.f32 v22, v20  }
0x183: {  	v26 =	vmul.f32 v26, v29;
	[tilespmem:v19+s14+$0x0] =	vst.idx.add.f32.msk $0xffff, v9;
	v7 =	vadd.f32 $8.705000000e+03, v7;
	v9 =	vsub.f32 v13, v10  }
0x184: {  	[tilespmem:v5+s13+$0x0] =	vst.idx.add.f32.msk $0xffff, v1;
	v30 =	vmul.f32 $1.024000000e+03, v6;
	v6 =	vmul.f32 $5.120000000e+02, v6;
	v11 =	vsub.f32 v11, v20  }
0x185: {  	v62 =	vmul.f32 v36, v60;
	[tilespmem:v5+s14+$0x0] =	vst.idx.add.f32.msk $0xffff, v8;
	v10 =	vadd.f32 $8.705000000e+03, v27;
	v8 =	vsub.f32 v18, v26  }
0x186: {  	v37 =	vld [tilespmem:s19+$0x4050];
	v30 =	vadd.f32 $8.192000000e+03, v30;
	v6 =	vadd.f32 $8.705000000e+03, v6;
	v35 =	vtrunc.f32 v11  }
0x187: {  	v22 =	vadd.f32 $8.192000000e+03, v59;
	v33 =	vmul.f32 $1.024000000e+03, v12;
	v35 =	vcvt.f32.s32 v35  }
0x188: {  	v12 =	vmul.f32 $5.120000000e+02, v12;
	v19 =	vmul.f32 v30, v32;
	v20 =	vadd.f32 $8.192000000e+03, v58  }
0x189: {  	[tilespmem:v24+s13+$0x0] =	vst.idx.add.f32.msk $0xffff, v1;
	v22 =	vmul.f32 v22, v34;
	v33 =	vadd.f32 $8.192000000e+03, v33;
	v35 =	vsub.s32 $0x3000, v35  }
0x18a: {  	[tilespmem:v57+s13+$0x0] =	vst.idx.add.f32.msk $0xffff, v1;
	v18 =	vtrunc.f32 v9;
	v5 =	vsub.f32 v6, v19;
	v20 =	vmul.f32 v20, v31  }
0x18b: {  	[tilespmem:v24+s14+$0x0] =	vst.idx.add.f32.msk $0xffff, v17;
	v12 =	vadd.f32 $8.705000000e+03, v12;
	v6 =	vsub.f32 v25, v22;
	v61 =	vmul.f32 v33, v37  }
0x18c: {  	[tilespmem:v14+s13+$0x0] =	vst.idx.add.f32.msk $0xffff, v1;
	v18 =	vcvt.f32.s32 v18;
	v63 =	vtrunc.f32 v5;
	v7 =	vsub.f32 v7, v20  }
0x18d: {  	[tilespmem:v14+s14+$0x0] =	vst.idx.add.f32.msk $0xffff, v15;
	v25 =	vtrunc.f32 v6;
	v13 =	vsub.f32 v12, v61;
	v12 =	vsub.f32 v10, v62  }
0x18e: {  	v10 =	vsub.s32 $0x3000, v55;
	v17 =	vcvt.f32.s32 v25;
	v20 =	vtrunc.f32 v7;
	[tilespmem:v35+s13+$0x0] =	vst.idx.add.f32.msk $0xffff, v1  }
0x18f: {  	v14 =	vtrunc.f32 v13;
	[tilespmem:v35+s14+$0x0] =	vst.idx.add.f32.msk $0xffff, v11;
	v11 =	vtrunc.f32 v8  }
0x190: {  	[tilespmem:v57+s14+$0x0] =	vst.idx.add.f32.msk $0xffff, v16;
	v15 =	vtrunc.f32 v12;
	v19 =	vcvt.f32.s32 v11  }
0x191: {  	s20 =	simm.s32 $0x800;
	s21 =	simm.s32 $0x100;
	s19 =	simm.s32 $0x8;
	[tilespmem:v4+s13+$0x0] =	vst.idx.add.f32.msk $0xffff, v1;
	v16 =	vcvt.f32.s32 v20;
	v11 =	vsub.s32 $0x3000, v18;
	v18 =	vcvt.f32.s32 v63  }
.LBB2_8:
0x192: {  	s22 =	sand.u32 $0x1000, s21;
	s23 =	sand.u32 $0xC00, s20;
	v19 =	vsub.s32 $0x3000, v19;
	v14 =	vcvt.f32.s32 v14;
	v15 =	vcvt.f32.s32 v15;
	s18 =	sadd.s32 $0x20, s18;
	[tilespmem:v4+s14+$0x0] =	vst.idx.add.f32.msk $0xffff, v2;
	v2 =	vmovc v13  }
0x193: {  	s19 =	sadd.s32 $0x8, s19;
	v16 =	vsub.s32 $0x3000, v16;
	s22 =	sor.u32 s23, s22;
	s23 =	sand.u32 $0x380, s18;
	v18 =	vsub.s32 $0x3000, v18;
	v17 =	vsub.s32 $0x3000, v17;
	[tilespmem:v10+s13+$0x0] =	vst.idx.add.f32.msk $0xffff, v1  }
0x194: {  	p1 =	slt.u32 s19, $0x1F8;
	s22 =	sor.u32 s23, s22;
	v4 =	vsub.s32 $0x3000, v14;
	[tilespmem:v10+s14+$0x0] =	vst.idx.add.f32.msk $0xffff, v3;
	v10 =	vsub.s32 $0x3000, v15;
	v3 =	vmov v12  }
0x195: {  	v12 =	vld [tilespmem:s22+$0x70]  }
0x196: {  	v13 =	vld [tilespmem:s22+$0x0]  }
0x197: {  	v14 =	vld [tilespmem:s22+$0x10]  }
0x198: {  	v15 =	vld [tilespmem:s22+$0x20]  }
0x199: {  	v20 =	vld [tilespmem:s22+$0x4070]  }
0x19a: {  	v21 =	vld [tilespmem:s22+$0x30];
	v22 =	vmul.f32 $1.024000000e+03, v12  }
0x19b: {  	v23 =	vmul.f32 $5.120000000e+02, v13;
	v13 =	vmul.f32 $1.024000000e+03, v13;
	v24 =	vld [tilespmem:s22+$0x40]  }
0x19c: {  	v12 =	vmul.f32 $5.120000000e+02, v12;
	v25 =	vmul.f32 $1.024000000e+03, v14;
	v26 =	vld [tilespmem:s22+$0x50];
	v22 =	vadd.f32 $8.192000000e+03, v22  }
0x19d: {  	v14 =	vmul.f32 $5.120000000e+02, v14;
	v13 =	vadd.f32 $8.192000000e+03, v13;
	v27 =	vmul.f32 $1.024000000e+03, v15;
	v28 =	vld [tilespmem:s22+$0x60]  }
0x19e: {  	v12 =	vadd.f32 $8.705000000e+03, v12;
	v29 =	vld [tilespmem:s22+$0x4000];
	v25 =	vadd.f32 $8.192000000e+03, v25;
	v20 =	vmul.f32 v22, v20  }
0x19f: {  	v15 =	vmul.f32 $5.120000000e+02, v15;
	v22 =	vld [tilespmem:s22+$0x4010];
	v27 =	vadd.f32 $8.192000000e+03, v27;
	v30 =	vmul.f32 $1.024000000e+03, v21  }
0x1a0: {  	v21 =	vmul.f32 $5.120000000e+02, v21;
	v31 =	vld [tilespmem:s22+$0x4020];
	v32 =	vmul.f32 $1.024000000e+03, v24;
	v12 =	vsub.f32 v12, v20  }
0x1a1: {  	v24 =	vmul.f32 $5.120000000e+02, v24;
	v20 =	vld [tilespmem:s22+$0x4030];
	v30 =	vadd.f32 $8.192000000e+03, v30;
	v33 =	vmul.f32 $1.024000000e+03, v26  }
0x1a2: {  	v34 =	vld [tilespmem:s22+$0x4040];
	v32 =	vadd.f32 $8.192000000e+03, v32;
	v35 =	vmul.f32 $1.024000000e+03, v28;
	v36 =	vtrunc.f32 v12  }
0x1a3: {  	v26 =	vmul.f32 $5.120000000e+02, v26;
	v37 =	vld [tilespmem:s22+$0x4050];
	v33 =	vadd.f32 $8.192000000e+03, v33;
	v36 =	vcvt.f32.s32 v36  }
0x1a4: {  	v28 =	vmul.f32 $5.120000000e+02, v28;
	v13 =	vmul.f32 v13, v29;
	v29 =	vld [tilespmem:s22+$0x4060];
	v35 =	vadd.f32 $8.192000000e+03, v35  }
0x1a5: {  	v22 =	vmul.f32 v25, v22;
	v25 =	vmul.f32 v27, v31;
	v27 =	vsub.s32 $0x3000, v36;
	[tilespmem:v11+s13+$0x0] =	vst.idx.add.f32.msk $0xffff, v1  }
0x1a6: {  	v23 =	vadd.f32 $8.705000000e+03, v23;
	v14 =	vadd.f32 $8.705000000e+03, v14;
	v20 =	vmul.f32 v30, v20;
	[tilespmem:v11+s14+$0x0] =	vst.idx.add.f32.msk $0xffff, v9  }
0x1a7: {  	v11 =	vadd.f32 $8.705000000e+03, v15;
	v15 =	vadd.f32 $8.705000000e+03, v21;
	v21 =	vmul.f32 v32, v34;
	[tilespmem:v19+s13+$0x0] =	vst.idx.add.f32.msk $0xffff, v1  }
0x1a8: {  	v24 =	vadd.f32 $8.705000000e+03, v24;
	v26 =	vadd.f32 $8.705000000e+03, v26;
	v30 =	vmul.f32 v33, v37;
	[tilespmem:v19+s14+$0x0] =	vst.idx.add.f32.msk $0xffff, v8  }
0x1a9: {  	v9 =	vsub.f32 v23, v13;
	v19 =	vadd.f32 $8.705000000e+03, v28;
	v23 =	vmul.f32 v35, v29;
	[tilespmem:v16+s13+$0x0] =	vst.idx.add.f32.msk $0xffff, v1  }
0x1aa: {  	v8 =	vsub.f32 v14, v22;
	v11 =	vsub.f32 v11, v25;
	[tilespmem:v27+s13+$0x0] =	vst.idx.add.f32.msk $0xffff, v1  }
0x1ab: {  	v22 =	vtrunc.f32 v9;
	v15 =	vsub.f32 v15, v20;
	v20 =	vsub.f32 v24, v21;
	[tilespmem:v27+s14+$0x0] =	vst.idx.add.f32.msk $0xffff, v12  }
0x1ac: {  	v21 =	vtrunc.f32 v8;
	v13 =	vsub.f32 v26, v30;
	v12 =	vsub.f32 v19, v23;
	[tilespmem:v16+s14+$0x0] =	vst.idx.add.f32.msk $0xffff, v7  }
.Ltmp5:
0x1ad: {  	v23 =	vtrunc.f32 v15;
	v16 =	vtrunc.f32 v11;
	v7 =	vmov v11;
	[tilespmem:v18+s13+$0x0] =	vst.idx.add.f32.msk $0xffff, v1;
	(pc) =	sbr.rel @p1 .LBB2_8-.Ltmp5, $4  }
0x1ae: {  	v24 =	vtrunc.f32 v20;
	v14 =	vtrunc.f32 v13;
	[tilespmem:v18+s14+$0x0] =	vst.idx.add.f32.msk $0xffff, v5;
	v5 =	vmov v15  }
0x1af: {  	v11 =	vcvt.f32.s32 v22;
	v15 =	vtrunc.f32 v12;
	[tilespmem:v17+s13+$0x0] =	vst.idx.add.f32.msk $0xffff, v1  }
0x1b0: {  	v19 =	vcvt.f32.s32 v21;
	v16 =	vcvt.f32.s32 v16;
	[tilespmem:v17+s14+$0x0] =	vst.idx.add.f32.msk $0xffff, v6;
	v6 =	vmov v20  }
0x1b1: {  	s20 =	sadd.s32 $0x400, s20;
	s21 =	sadd.s32 $0x80, s21;
	v11 =	vsub.s32 $0x3000, v11;
	v18 =	vcvt.f32.s32 v23;
	v17 =	vcvt.f32.s32 v24;
	[tilespmem:v4+s13+$0x0] =	vst.idx.add.f32.msk $0xffff, v1  }
0x1b2: {  	_ =	sdelay $0x3  }
0x1b3: {  	v19 =	vsub.s32 $0x3000, v19;
	[tilespmem:v4+s14+$0x0] =	vst.idx.add.f32.msk $0xffff, v2  }
0x1b4: {  	[tilespmem:v10+s13+$0x0] =	vst.idx.add.f32.msk $0xffff, v1;
	v2 =	vsub.s32 $0x3000, v16  }
0x1b5: {  	[tilespmem:v11+s13+$0x0] =	vst.idx.add.f32.msk $0xffff, v1  }
0x1b6: {  	[tilespmem:v10+s14+$0x0] =	vst.idx.add.f32.msk $0xffff, v3  }
0x1b7: {  	v3 =	vsub.s32 $0x3000, v18;
	[tilespmem:v11+s14+$0x0] =	vst.idx.add.f32.msk $0xffff, v9  }
0x1b8: {  	v9 =	vsub.s32 $0x3000, v17;
	[tilespmem:v19+s13+$0x0] =	vst.idx.add.f32.msk $0xffff, v1  }
0x1b9: {  	v4 =	vcvt.f32.s32 v14;
	[tilespmem:v2+s13+$0x0] =	vst.idx.add.f32.msk $0xffff, v1  }
0x1ba: {  	[tilespmem:v19+s14+$0x0] =	vst.idx.add.f32.msk $0xffff, v8  }
0x1bb: {  	v4 =	vsub.s32 $0x3000, v4;
	v8 =	vcvt.f32.s32 v15;
	[tilespmem:v2+s14+$0x0] =	vst.idx.add.f32.msk $0xffff, v7  }
0x1bc: {  	[tilespmem:v3+s13+$0x0] =	vst.idx.add.f32.msk $0xffff, v1  }
0x1bd: {  	[tilespmem:v9+s13+$0x0] =	vst.idx.add.f32.msk $0xffff, v1;
	v2 =	vsub.s32 $0x3000, v8  }
0x1be: {  	[tilespmem:v3+s14+$0x0] =	vst.idx.add.f32.msk $0xffff, v5  }
0x1bf: {  	[tilespmem:v9+s14+$0x0] =	vst.idx.add.f32.msk $0xffff, v6  }
0x1c0: {  	[tilespmem:v4+s13+$0x0] =	vst.idx.add.f32.msk $0xffff, v1  }
0x1c1: {  	[tilespmem:v4+s14+$0x0] =	vst.idx.add.f32.msk $0xffff, v13  }
0x1c2: {  	[tilespmem:v2+s13+$0x0] =	vst.idx.add.f32.msk $0xffff, v1  }
0x1c3: {  	[tilespmem:v2+s14+$0x0] =	vst.idx.add.f32.msk $0xffff, v12  }
0x1c4: {  	_ =	swait.ge [sflag:s15], $0x2000  }
0x1c5: {  	[sflag:s15] =	ssyncset.done $0x0  }
0x1c6: {  	[sflag:s15] =	ssyncadd.s32 $0xFFFFE000  }
0x1c7: {  	_ =	swait.ge [sflag:s15], $0x2000  }
0x1c8: {  	[sflag:s15] =	ssyncset.done $0x0  }
0x1c9: {  	s18 =	simm.s32 $0x0;
	[sflag:s15] =	ssyncadd.s32 $0xFFFFE000  }
0x1ca: {  	[tilespmem:s18], [sflag:$0x1] =	stream.linear.gather [hbm4b:s31+s18], $0x2000, $0x38;
	[tilespmem:$0x1A080] =	vst v63  }
0x1cb: {  	s19 =	sand.u32 $0x1000, s18;
	s20 =	sand.u32 $0xC00, s18;
	s0 =	rddreg [dreg:$0x5]  }
0x1cc: {  	[tilespmem:s9], [sflag:$0x1] =	stream.linear.gather [hbm4b:s0+s18], $0x2000, $0x38;
	[tilespmem:$0x1A080] =	vst v63  }
0x1cd: {  	s19 =	sor.u32 s20, s19;
	s18 =	sand.u32 $0x380, s18  }
0x1ce: {  	s18 =	sor.u32 s18, s19  }
0x1cf: {  	v2 =	vld [tilespmem:s18+$0x2070]  }
0x1d0: {  	v3 =	vld [tilespmem:s18+$0x2000]  }
0x1d1: {  	v4 =	vld [tilespmem:s18+$0x2010]  }
0x1d2: {  	v5 =	vld [tilespmem:s18+$0x2020]  }
0x1d3: {  	v7 =	vld [tilespmem:s18+$0x2030]  }
0x1d4: {  	v10 =	vld [tilespmem:s18+$0x2040]  }
0x1d5: {  	v13 =	vld [tilespmem:s18+$0x2060];
	v8 =	vmul.f32 $1.024000000e+03, v2  }
0x1d6: {  	v9 =	vmul.f32 $1.024000000e+03, v3;
	v3 =	vmul.f32 $5.120000000e+02, v3  }
0x1d7: {  	v2 =	vmul.f32 $5.120000000e+02, v2;
	v12 =	vmul.f32 $1.024000000e+03, v4  }
0x1d8: {  	v4 =	vmul.f32 $5.120000000e+02, v4;
	v14 =	vmul.f32 $1.024000000e+03, v5  }
0x1d9: {  	v6 =	vld [tilespmem:s18+$0x6070];
	v16 =	vmul.f32 $1.024000000e+03, v7;
	v18 =	vmul.f32 $1.024000000e+03, v10  }
0x1da: {  	v15 =	vld [tilespmem:s18+$0x6000];
	v20 =	vmul.f32 $1.024000000e+03, v13;
	v8 =	vadd.f32 $8.192000000e+03, v8;
	v9 =	vadd.f32 $8.192000000e+03, v9  }
0x1db: {  	v19 =	vld [tilespmem:s18+$0x6030];
	v5 =	vmul.f32 $5.120000000e+02, v5;
	v2 =	vadd.f32 $8.705000000e+03, v2;
	v16 =	vadd.f32 $8.192000000e+03, v16  }
0x1dc: {  	v11 =	vld [tilespmem:s18+$0x2050];
	v7 =	vmul.f32 $5.120000000e+02, v7;
	v18 =	vadd.f32 $8.192000000e+03, v18;
	v20 =	vadd.f32 $8.192000000e+03, v20  }
0x1dd: {  	v17 =	vld [tilespmem:s18+$0x6020];
	v10 =	vmul.f32 $5.120000000e+02, v10;
	v3 =	vadd.f32 $8.705000000e+03, v3;
	v4 =	vadd.f32 $8.705000000e+03, v4  }
0x1de: {  	v22 =	vld [tilespmem:s18+$0x6040];
	v5 =	vadd.f32 $8.705000000e+03, v5;
	v7 =	vadd.f32 $8.705000000e+03, v7;
	v6 =	vmul.f32 v8, v6  }
0x1df: {  	v13 =	vmul.f32 $5.120000000e+02, v13;
	v10 =	vadd.f32 $8.705000000e+03, v10;
	v8 =	vadd.f32 $8.192000000e+03, v12;
	v12 =	vld [tilespmem:s18+$0x6010]  }
0x1e0: {  	s21 =	simm.s32 $0x80;
	s20 =	simm.s32 $0x400;
	v9 =	vmul.f32 v9, v15;
	v15 =	vld [tilespmem:s18+$0x6060];
	v16 =	vmul.f32 v16, v19;
	v2 =	vsub.f32 v2, v6  }
0x1e1: {  	s22 =	sand.u32 $0xC00, s20;
	s19 =	sand.u32 $0x1000, s21;
	v23 =	vld [tilespmem:s18+$0x6050];
	s18 =	simm.s32 $0x20;
	v6 =	vadd.f32 $8.192000000e+03, v14;
	v14 =	vmul.f32 $1.024000000e+03, v11;
	v11 =	vmul.f32 $5.120000000e+02, v11  }
0x1e2: {  	s19 =	sor.u32 s22, s19;
	s23 =	sand.u32 $0x380, s18;
	v9 =	vsub.f32 v3, v9;
	v16 =	vsub.f32 v7, v16;
	v21 =	vtrunc.f32 v2  }
0x1e3: {  	v3 =	vadd.f32 $8.705000000e+03, v13;
	s19 =	sor.u32 s23, s19;
	v6 =	vmul.f32 v6, v17;
	v17 =	vmul.f32 v18, v22  }
0x1e4: {  	v25 =	vld [tilespmem:s19+$0x2040];
	v14 =	vadd.f32 $8.192000000e+03, v14;
	v7 =	vtrunc.f32 v16;
	v21 =	vcvt.f32.s32 v21  }
0x1e5: {  	v27 =	vld [tilespmem:s19+$0x2060];
	v8 =	vmul.f32 v8, v12;
	v13 =	vmul.f32 v20, v15;
	v15 =	vsub.f32 v5, v6  }
0x1e6: {  	v14 =	vmul.f32 v14, v23;
	v17 =	vsub.f32 v10, v17;
	v12 =	vsub.s32 $0x3000, v21  }
0x1e7: {  	v18 =	vld [tilespmem:s19+$0x2010];
	v8 =	vsub.f32 v4, v8;
	v4 =	vtrunc.f32 v9;
	v6 =	vtrunc.f32 v15  }
0x1e8: {  	v28 =	vld [tilespmem:s19+$0x6000];
	v10 =	vtrunc.f32 v17;
	v4 =	vcvt.f32.s32 v4  }
0x1e9: {  	v29 =	vld [tilespmem:s19+$0x6010];
	v59 =	vmul.f32 $1.024000000e+03, v25;
	v25 =	vmul.f32 $5.120000000e+02, v25  }
0x1ea: {  	v3 =	vsub.f32 v3, v13;
	v13 =	vld [tilespmem:s19+$0x2000];
	v36 =	vmul.f32 $1.024000000e+03, v27;
	v27 =	vmul.f32 $5.120000000e+02, v27  }
0x1eb: {  	v11 =	vadd.f32 $8.705000000e+03, v11;
	v5 =	vtrunc.f32 v8;
	v6 =	vcvt.f32.s32 v6;
	[tilespmem:v12+s13+$0x0] =	vst.idx.add.f32.msk $0xffff, v1  }
0x1ec: {  	v10 =	vcvt.f32.s32 v10;
	v26 =	vmul.f32 $1.024000000e+03, v18;
	[tilespmem:v12+s14+$0x0] =	vst.idx.add.f32.msk $0xffff, v2  }
0x1ed: {  	v18 =	vmul.f32 $5.120000000e+02, v18;
	v5 =	vcvt.f32.s32 v5;
	v2 =	vsub.f32 v11, v14;
	v11 =	vld [tilespmem:s19+$0x2070]  }
0x1ee: {  	v19 =	vsub.s32 $0x3000, v4;
	v4 =	vcvt.f32.s32 v7;
	v7 =	vld [tilespmem:s19+$0x2020];
	v36 =	vadd.f32 $8.192000000e+03, v36  }
0x1ef: {  	v31 =	vld [tilespmem:s19+$0x6020];
	v25 =	vadd.f32 $8.705000000e+03, v25;
	v24 =	vsub.s32 $0x3000, v10;
	v26 =	vadd.f32 $8.192000000e+03, v26  }
0x1f0: {  	v32 =	vld [tilespmem:s19+$0x6030];
	v18 =	vadd.f32 $8.705000000e+03, v18;
	v5 =	vsub.s32 $0x3000, v5;
	v10 =	vmul.f32 $1.024000000e+03, v13  }
0x1f1: {  	v20 =	vld [tilespmem:s19+$0x6070];
	v57 =	vsub.s32 $0x3000, v4;
	v13 =	vmul.f32 $5.120000000e+02, v13;
	v14 =	vtrunc.f32 v3  }
0x1f2: {  	v34 =	vld [tilespmem:s19+$0x6040];
	v55 =	vcvt.f32.s32 v14;
	v14 =	vsub.s32 $0x3000, v6;
	v56 =	vmul.f32 $1.024000000e+03, v11  }
0x1f3: {  	v6 =	vld [tilespmem:s19+$0x2030];
	v10 =	vadd.f32 $8.192000000e+03, v10;
	v12 =	vtrunc.f32 v2;
	v58 =	vmul.f32 $1.024000000e+03, v7  }
0x1f4: {  	v60 =	vld [tilespmem:s19+$0x6060];
	v12 =	vcvt.f32.s32 v12;
	v11 =	vmul.f32 $5.120000000e+02, v11;
	v22 =	vadd.f32 $8.192000000e+03, v56  }
0x1f5: {  	v13 =	vadd.f32 $8.705000000e+03, v13;
	v7 =	vmul.f32 $5.120000000e+02, v7;
	[tilespmem:v19+s13+$0x0] =	vst.idx.add.f32.msk $0xffff, v1;
	v10 =	vmul.f32 v10, v28  }
0x1f6: {  	v4 =	vsub.s32 $0x3000, v12;
	v12 =	vld [tilespmem:s19+$0x2050];
	v11 =	vadd.f32 $8.705000000e+03, v11;
	v20 =	vmul.f32 v22, v20  }
0x1f7: {  	v26 =	vmul.f32 v26, v29;
	[tilespmem:v19+s14+$0x0] =	vst.idx.add.f32.msk $0xffff, v9;
	v7 =	vadd.f32 $8.705000000e+03, v7;
	v9 =	vsub.f32 v13, v10  }
0x1f8: {  	[tilespmem:v5+s13+$0x0] =	vst.idx.add.f32.msk $0xffff, v1;
	v30 =	vmul.f32 $1.024000000e+03, v6;
	v6 =	vmul.f32 $5.120000000e+02, v6;
	v11 =	vsub.f32 v11, v20  }
0x1f9: {  	v62 =	vmul.f32 v36, v60;
	[tilespmem:v5+s14+$0x0] =	vst.idx.add.f32.msk $0xffff, v8;
	v10 =	vadd.f32 $8.705000000e+03, v27;
	v8 =	vsub.f32 v18, v26  }
0x1fa: {  	v37 =	vld [tilespmem:s19+$0x6050];
	v30 =	vadd.f32 $8.192000000e+03, v30;
	v6 =	vadd.f32 $8.705000000e+03, v6;
	v35 =	vtrunc.f32 v11  }
0x1fb: {  	v22 =	vadd.f32 $8.192000000e+03, v59;
	v33 =	vmul.f32 $1.024000000e+03, v12;
	v35 =	vcvt.f32.s32 v35  }
0x1fc: {  	v12 =	vmul.f32 $5.120000000e+02, v12;
	v19 =	vmul.f32 v30, v32;
	v20 =	vadd.f32 $8.192000000e+03, v58  }
0x1fd: {  	[tilespmem:v24+s13+$0x0] =	vst.idx.add.f32.msk $0xffff, v1;
	v22 =	vmul.f32 v22, v34;
	v33 =	vadd.f32 $8.192000000e+03, v33;
	v35 =	vsub.s32 $0x3000, v35  }
0x1fe: {  	[tilespmem:v57+s13+$0x0] =	vst.idx.add.f32.msk $0xffff, v1;
	v18 =	vtrunc.f32 v9;
	v5 =	vsub.f32 v6, v19;
	v20 =	vmul.f32 v20, v31  }
0x1ff: {  	[tilespmem:v24+s14+$0x0] =	vst.idx.add.f32.msk $0xffff, v17;
	v12 =	vadd.f32 $8.705000000e+03, v12;
	v6 =	vsub.f32 v25, v22;
	v61 =	vmul.f32 v33, v37  }
0x200: {  	[tilespmem:v14+s13+$0x0] =	vst.idx.add.f32.msk $0xffff, v1;
	v18 =	vcvt.f32.s32 v18;
	v63 =	vtrunc.f32 v5;
	v7 =	vsub.f32 v7, v20  }
0x201: {  	[tilespmem:v14+s14+$0x0] =	vst.idx.add.f32.msk $0xffff, v15;
	v25 =	vtrunc.f32 v6;
	v13 =	vsub.f32 v12, v61;
	v12 =	vsub.f32 v10, v62  }
0x202: {  	v10 =	vsub.s32 $0x3000, v55;
	v17 =	vcvt.f32.s32 v25;
	v20 =	vtrunc.f32 v7;
	[tilespmem:v35+s13+$0x0] =	vst.idx.add.f32.msk $0xffff, v1  }
0x203: {  	v14 =	vtrunc.f32 v13;
	[tilespmem:v35+s14+$0x0] =	vst.idx.add.f32.msk $0xffff, v11;
	v11 =	vtrunc.f32 v8  }
0x204: {  	[tilespmem:v57+s14+$0x0] =	vst.idx.add.f32.msk $0xffff, v16;
	v15 =	vtrunc.f32 v12;
	v19 =	vcvt.f32.s32 v11  }
0x205: {  	s20 =	simm.s32 $0x800;
	s21 =	simm.s32 $0x100;
	s19 =	simm.s32 $0x8;
	[tilespmem:v4+s13+$0x0] =	vst.idx.add.f32.msk $0xffff, v1;
	v16 =	vcvt.f32.s32 v20;
	v11 =	vsub.s32 $0x3000, v18;
	v18 =	vcvt.f32.s32 v63  }
.LBB2_10:
0x206: {  	s22 =	sand.u32 $0x1000, s21;
	s23 =	sand.u32 $0xC00, s20;
	v19 =	vsub.s32 $0x3000, v19;
	v14 =	vcvt.f32.s32 v14;
	v15 =	vcvt.f32.s32 v15;
	s18 =	sadd.s32 $0x20, s18;
	[tilespmem:v4+s14+$0x0] =	vst.idx.add.f32.msk $0xffff, v2;
	v2 =	vmovc v13  }
0x207: {  	s19 =	sadd.s32 $0x8, s19;
	v16 =	vsub.s32 $0x3000, v16;
	s22 =	sor.u32 s23, s22;
	s23 =	sand.u32 $0x380, s18;
	v18 =	vsub.s32 $0x3000, v18;
	v17 =	vsub.s32 $0x3000, v17;
	[tilespmem:v10+s13+$0x0] =	vst.idx.add.f32.msk $0xffff, v1  }
0x208: {  	p1 =	slt.u32 s19, $0x1F8;
	s22 =	sor.u32 s23, s22;
	v4 =	vsub.s32 $0x3000, v14;
	[tilespmem:v10+s14+$0x0] =	vst.idx.add.f32.msk $0xffff, v3;
	v10 =	vsub.s32 $0x3000, v15;
	v3 =	vmov v12  }
0x209: {  	v12 =	vld [tilespmem:s22+$0x2070]  }
0x20a: {  	v13 =	vld [tilespmem:s22+$0x2000]  }
0x20b: {  	v14 =	vld [tilespmem:s22+$0x2010]  }
0x20c: {  	v15 =	vld [tilespmem:s22+$0x2020]  }
0x20d: {  	v20 =	vld [tilespmem:s22+$0x6070]  }
0x20e: {  	v21 =	vld [tilespmem:s22+$0x2030];
	v22 =	vmul.f32 $1.024000000e+03, v12  }
0x20f: {  	v23 =	vmul.f32 $5.120000000e+02, v13;
	v13 =	vmul.f32 $1.024000000e+03, v13;
	v24 =	vld [tilespmem:s22+$0x2040]  }
0x210: {  	v12 =	vmul.f32 $5.120000000e+02, v12;
	v25 =	vmul.f32 $1.024000000e+03, v14;
	v26 =	vld [tilespmem:s22+$0x2050];
	v22 =	vadd.f32 $8.192000000e+03, v22  }
0x211: {  	v14 =	vmul.f32 $5.120000000e+02, v14;
	v13 =	vadd.f32 $8.192000000e+03, v13;
	v27 =	vmul.f32 $1.024000000e+03, v15;
	v28 =	vld [tilespmem:s22+$0x2060]  }
0x212: {  	v12 =	vadd.f32 $8.705000000e+03, v12;
	v29 =	vld [tilespmem:s22+$0x6000];
	v25 =	vadd.f32 $8.192000000e+03, v25;
	v20 =	vmul.f32 v22, v20  }
0x213: {  	v15 =	vmul.f32 $5.120000000e+02, v15;
	v22 =	vld [tilespmem:s22+$0x6010];
	v27 =	vadd.f32 $8.192000000e+03, v27;
	v30 =	vmul.f32 $1.024000000e+03, v21  }
0x214: {  	v21 =	vmul.f32 $5.120000000e+02, v21;
	v31 =	vld [tilespmem:s22+$0x6020];
	v32 =	vmul.f32 $1.024000000e+03, v24;
	v12 =	vsub.f32 v12, v20  }
0x215: {  	v24 =	vmul.f32 $5.120000000e+02, v24;
	v20 =	vld [tilespmem:s22+$0x6030];
	v30 =	vadd.f32 $8.192000000e+03, v30;
	v33 =	vmul.f32 $1.024000000e+03, v26  }
0x216: {  	v34 =	vld [tilespmem:s22+$0x6040];
	v32 =	vadd.f32 $8.192000000e+03, v32;
	v35 =	vmul.f32 $1.024000000e+03, v28;
	v36 =	vtrunc.f32 v12  }
0x217: {  	v26 =	vmul.f32 $5.120000000e+02, v26;
	v37 =	vld [tilespmem:s22+$0x6050];
	v33 =	vadd.f32 $8.192000000e+03, v33;
	v36 =	vcvt.f32.s32 v36  }
0x218: {  	v28 =	vmul.f32 $5.120000000e+02, v28;
	v13 =	vmul.f32 v13, v29;
	v29 =	vld [tilespmem:s22+$0x6060];
	v35 =	vadd.f32 $8.192000000e+03, v35  }
0x219: {  	v22 =	vmul.f32 v25, v22;
	v25 =	vmul.f32 v27, v31;
	v27 =	vsub.s32 $0x3000, v36;
	[tilespmem:v11+s13+$0x0] =	vst.idx.add.f32.msk $0xffff, v1  }
0x21a: {  	v23 =	vadd.f32 $8.705000000e+03, v23;
	v14 =	vadd.f32 $8.705000000e+03, v14;
	v20 =	vmul.f32 v30, v20;
	[tilespmem:v11+s14+$0x0] =	vst.idx.add.f32.msk $0xffff, v9  }
0x21b: {  	v11 =	vadd.f32 $8.705000000e+03, v15;
	v15 =	vadd.f32 $8.705000000e+03, v21;
	v21 =	vmul.f32 v32, v34;
	[tilespmem:v19+s13+$0x0] =	vst.idx.add.f32.msk $0xffff, v1  }
0x21c: {  	v24 =	vadd.f32 $8.705000000e+03, v24;
	v26 =	vadd.f32 $8.705000000e+03, v26;
	v30 =	vmul.f32 v33, v37;
	[tilespmem:v19+s14+$0x0] =	vst.idx.add.f32.msk $0xffff, v8  }
0x21d: {  	v9 =	vsub.f32 v23, v13;
	v19 =	vadd.f32 $8.705000000e+03, v28;
	v23 =	vmul.f32 v35, v29;
	[tilespmem:v16+s13+$0x0] =	vst.idx.add.f32.msk $0xffff, v1  }
0x21e: {  	v8 =	vsub.f32 v14, v22;
	v11 =	vsub.f32 v11, v25;
	[tilespmem:v27+s13+$0x0] =	vst.idx.add.f32.msk $0xffff, v1  }
0x21f: {  	v22 =	vtrunc.f32 v9;
	v15 =	vsub.f32 v15, v20;
	v20 =	vsub.f32 v24, v21;
	[tilespmem:v27+s14+$0x0] =	vst.idx.add.f32.msk $0xffff, v12  }
0x220: {  	v21 =	vtrunc.f32 v8;
	v13 =	vsub.f32 v26, v30;
	v12 =	vsub.f32 v19, v23;
	[tilespmem:v16+s14+$0x0] =	vst.idx.add.f32.msk $0xffff, v7  }
.Ltmp6:
0x221: {  	v23 =	vtrunc.f32 v15;
	v16 =	vtrunc.f32 v11;
	v7 =	vmov v11;
	[tilespmem:v18+s13+$0x0] =	vst.idx.add.f32.msk $0xffff, v1;
	(pc) =	sbr.rel @p1 .LBB2_10-.Ltmp6, $4  }
0x222: {  	v24 =	vtrunc.f32 v20;
	v14 =	vtrunc.f32 v13;
	[tilespmem:v18+s14+$0x0] =	vst.idx.add.f32.msk $0xffff, v5;
	v5 =	vmov v15  }
0x223: {  	v11 =	vcvt.f32.s32 v22;
	v15 =	vtrunc.f32 v12;
	[tilespmem:v17+s13+$0x0] =	vst.idx.add.f32.msk $0xffff, v1  }
0x224: {  	v19 =	vcvt.f32.s32 v21;
	v16 =	vcvt.f32.s32 v16;
	[tilespmem:v17+s14+$0x0] =	vst.idx.add.f32.msk $0xffff, v6;
	v6 =	vmov v20  }
0x225: {  	s20 =	sadd.s32 $0x400, s20;
	s21 =	sadd.s32 $0x80, s21;
	v11 =	vsub.s32 $0x3000, v11;
	v18 =	vcvt.f32.s32 v23;
	v17 =	vcvt.f32.s32 v24;
	[tilespmem:v4+s13+$0x0] =	vst.idx.add.f32.msk $0xffff, v1  }
0x226: {  	_ =	sdelay $0x3  }
0x227: {  	v19 =	vsub.s32 $0x3000, v19;
	[tilespmem:v4+s14+$0x0] =	vst.idx.add.f32.msk $0xffff, v2  }
0x228: {  	[tilespmem:v10+s13+$0x0] =	vst.idx.add.f32.msk $0xffff, v1;
	v2 =	vsub.s32 $0x3000, v16  }
0x229: {  	[tilespmem:v11+s13+$0x0] =	vst.idx.add.f32.msk $0xffff, v1  }
0x22a: {  	[tilespmem:v10+s14+$0x0] =	vst.idx.add.f32.msk $0xffff, v3  }
0x22b: {  	v3 =	vsub.s32 $0x3000, v18;
	[tilespmem:v11+s14+$0x0] =	vst.idx.add.f32.msk $0xffff, v9  }
0x22c: {  	v9 =	vsub.s32 $0x3000, v17;
	[tilespmem:v19+s13+$0x0] =	vst.idx.add.f32.msk $0xffff, v1  }
0x22d: {  	v4 =	vcvt.f32.s32 v14;
	[tilespmem:v2+s13+$0x0] =	vst.idx.add.f32.msk $0xffff, v1  }
0x22e: {  	[tilespmem:v19+s14+$0x0] =	vst.idx.add.f32.msk $0xffff, v8  }
0x22f: {  	v4 =	vsub.s32 $0x3000, v4;
	v8 =	vcvt.f32.s32 v15;
	[tilespmem:v2+s14+$0x0] =	vst.idx.add.f32.msk $0xffff, v7  }
0x230: {  	[tilespmem:v3+s13+$0x0] =	vst.idx.add.f32.msk $0xffff, v1  }
0x231: {  	[tilespmem:v9+s13+$0x0] =	vst.idx.add.f32.msk $0xffff, v1;
	v2 =	vsub.s32 $0x3000, v8  }
0x232: {  	[tilespmem:v3+s14+$0x0] =	vst.idx.add.f32.msk $0xffff, v5  }
0x233: {  	[tilespmem:v9+s14+$0x0] =	vst.idx.add.f32.msk $0xffff, v6  }
0x234: {  	[tilespmem:v4+s13+$0x0] =	vst.idx.add.f32.msk $0xffff, v1  }
0x235: {  	[tilespmem:v4+s14+$0x0] =	vst.idx.add.f32.msk $0xffff, v13  }
0x236: {  	[tilespmem:v2+s13+$0x0] =	vst.idx.add.f32.msk $0xffff, v1  }
0x237: {  	[tilespmem:v2+s14+$0x0] =	vst.idx.add.f32.msk $0xffff, v12  }
0x238: {  	_ =	swait.ge [sflag:s10], $0x2000  }
0x239: {  	[sflag:s10] =	ssyncset.done $0x0  }
0x23a: {  	[sflag:s10] =	ssyncadd.s32 $0xFFFFE000  }
0x23b: {  	_ =	swait.ge [sflag:s10], $0x2000  }
0x23c: {  	[sflag:s10] =	ssyncset.done $0x0  }
0x23d: {  	s18 =	simm.s32 $0x0;
	s0 =	rddreg [dreg:$0x6];
	[sflag:s10] =	ssyncadd.s32 $0xFFFFE000  }
0x23e: {  	[tilespmem:s11], [sflag:$0x2] =	stream.linear.gather [hbm4b:s0+s18], $0x2000, $0x38;
	[tilespmem:$0x1A080] =	vst v63  }
0x23f: {  	s19 =	rddreg [dreg:$0x7]  }
0x240: {  	[tilespmem:s12], [sflag:$0x2] =	stream.linear.gather [hbm4b:s19+s18], $0x2000, $0x38;
	[tilespmem:$0x1A080] =	vst v63  }
0x241: {  	s20 =	sand.u32 $0xC00, s18;
	s19 =	sand.u32 $0x1000, s18  }
0x242: {  	s18 =	sand.u32 $0x380, s18;
	s19 =	sor.u32 s20, s19  }
0x243: {  	s18 =	sor.u32 s18, s19  }
0x244: {  	v2 =	vld [tilespmem:s18+$0x70]  }
0x245: {  	v3 =	vld [tilespmem:s18+$0x0]  }
0x246: {  	v4 =	vld [tilespmem:s18+$0x10]  }
0x247: {  	v5 =	vld [tilespmem:s18+$0x20]  }
0x248: {  	v7 =	vld [tilespmem:s18+$0x30]  }
0x249: {  	v10 =	vld [tilespmem:s18+$0x40]  }
0x24a: {  	v13 =	vld [tilespmem:s18+$0x60];
	v8 =	vmul.f32 $1.024000000e+03, v2  }
0x24b: {  	v9 =	vmul.f32 $1.024000000e+03, v3;
	v3 =	vmul.f32 $5.120000000e+02, v3  }
0x24c: {  	v2 =	vmul.f32 $5.120000000e+02, v2;
	v12 =	vmul.f32 $1.024000000e+03, v4  }
0x24d: {  	v4 =	vmul.f32 $5.120000000e+02, v4;
	v14 =	vmul.f32 $1.024000000e+03, v5  }
0x24e: {  	v6 =	vld [tilespmem:s18+$0x4070];
	v16 =	vmul.f32 $1.024000000e+03, v7;
	v18 =	vmul.f32 $1.024000000e+03, v10  }
0x24f: {  	v15 =	vld [tilespmem:s18+$0x4000];
	v20 =	vmul.f32 $1.024000000e+03, v13;
	v8 =	vadd.f32 $8.192000000e+03, v8;
	v9 =	vadd.f32 $8.192000000e+03, v9  }
0x250: {  	v19 =	vld [tilespmem:s18+$0x4030];
	v5 =	vmul.f32 $5.120000000e+02, v5;
	v2 =	vadd.f32 $8.705000000e+03, v2;
	v16 =	vadd.f32 $8.192000000e+03, v16  }
0x251: {  	v11 =	vld [tilespmem:s18+$0x50];
	v7 =	vmul.f32 $5.120000000e+02, v7;
	v18 =	vadd.f32 $8.192000000e+03, v18;
	v20 =	vadd.f32 $8.192000000e+03, v20  }
0x252: {  	v17 =	vld [tilespmem:s18+$0x4020];
	v10 =	vmul.f32 $5.120000000e+02, v10;
	v3 =	vadd.f32 $8.705000000e+03, v3;
	v4 =	vadd.f32 $8.705000000e+03, v4  }
0x253: {  	v22 =	vld [tilespmem:s18+$0x4040];
	v5 =	vadd.f32 $8.705000000e+03, v5;
	v7 =	vadd.f32 $8.705000000e+03, v7;
	v6 =	vmul.f32 v8, v6  }
0x254: {  	v13 =	vmul.f32 $5.120000000e+02, v13;
	v10 =	vadd.f32 $8.705000000e+03, v10;
	v8 =	vadd.f32 $8.192000000e+03, v12;
	v12 =	vld [tilespmem:s18+$0x4010]  }
0x255: {  	s21 =	simm.s32 $0x80;
	s20 =	simm.s32 $0x400;
	v9 =	vmul.f32 v9, v15;
	v15 =	vld [tilespmem:s18+$0x4060];
	v16 =	vmul.f32 v16, v19;
	v2 =	vsub.f32 v2, v6  }
0x256: {  	s19 =	sand.u32 $0x1000, s21;
	s22 =	sand.u32 $0xC00, s20;
	v23 =	vld [tilespmem:s18+$0x4050];
	s18 =	simm.s32 $0x20;
	v6 =	vadd.f32 $8.192000000e+03, v14;
	v14 =	vmul.f32 $1.024000000e+03, v11;
	v11 =	vmul.f32 $5.120000000e+02, v11  }
0x257: {  	s19 =	sor.u32 s22, s19;
	s23 =	sand.u32 $0x380, s18;
	v9 =	vsub.f32 v3, v9;
	v16 =	vsub.f32 v7, v16;
	v21 =	vtrunc.f32 v2  }
0x258: {  	v3 =	vadd.f32 $8.705000000e+03, v13;
	s19 =	sor.u32 s23, s19;
	v6 =	vmul.f32 v6, v17;
	v17 =	vmul.f32 v18, v22  }
0x259: {  	v25 =	vld [tilespmem:s19+$0x40];
	v14 =	vadd.f32 $8.192000000e+03, v14;
	v7 =	vtrunc.f32 v16;
	v21 =	vcvt.f32.s32 v21  }
0x25a: {  	v27 =	vld [tilespmem:s19+$0x60];
	v8 =	vmul.f32 v8, v12;
	v13 =	vmul.f32 v20, v15;
	v15 =	vsub.f32 v5, v6  }
0x25b: {  	v14 =	vmul.f32 v14, v23;
	v17 =	vsub.f32 v10, v17;
	v12 =	vsub.s32 $0x3000, v21  }
0x25c: {  	v18 =	vld [tilespmem:s19+$0x10];
	v8 =	vsub.f32 v4, v8;
	v4 =	vtrunc.f32 v9;
	v6 =	vtrunc.f32 v15  }
0x25d: {  	v28 =	vld [tilespmem:s19+$0x4000];
	v10 =	vtrunc.f32 v17;
	v4 =	vcvt.f32.s32 v4  }
0x25e: {  	v29 =	vld [tilespmem:s19+$0x4010];
	v59 =	vmul.f32 $1.024000000e+03, v25;
	v25 =	vmul.f32 $5.120000000e+02, v25  }
0x25f: {  	v3 =	vsub.f32 v3, v13;
	v13 =	vld [tilespmem:s19+$0x0];
	v36 =	vmul.f32 $1.024000000e+03, v27;
	v27 =	vmul.f32 $5.120000000e+02, v27  }
0x260: {  	v11 =	vadd.f32 $8.705000000e+03, v11;
	v5 =	vtrunc.f32 v8;
	v6 =	vcvt.f32.s32 v6;
	[tilespmem:v12+s13+$0x0] =	vst.idx.add.f32.msk $0xffff, v1  }
0x261: {  	v10 =	vcvt.f32.s32 v10;
	v26 =	vmul.f32 $1.024000000e+03, v18;
	[tilespmem:v12+s14+$0x0] =	vst.idx.add.f32.msk $0xffff, v2  }
0x262: {  	v18 =	vmul.f32 $5.120000000e+02, v18;
	v5 =	vcvt.f32.s32 v5;
	v2 =	vsub.f32 v11, v14;
	v11 =	vld [tilespmem:s19+$0x70]  }
0x263: {  	v19 =	vsub.s32 $0x3000, v4;
	v4 =	vcvt.f32.s32 v7;
	v7 =	vld [tilespmem:s19+$0x20];
	v36 =	vadd.f32 $8.192000000e+03, v36  }
0x264: {  	v31 =	vld [tilespmem:s19+$0x4020];
	v25 =	vadd.f32 $8.705000000e+03, v25;
	v24 =	vsub.s32 $0x3000, v10;
	v26 =	vadd.f32 $8.192000000e+03, v26  }
0x265: {  	v32 =	vld [tilespmem:s19+$0x4030];
	v18 =	vadd.f32 $8.705000000e+03, v18;
	v5 =	vsub.s32 $0x3000, v5;
	v10 =	vmul.f32 $1.024000000e+03, v13  }
0x266: {  	v20 =	vld [tilespmem:s19+$0x4070];
	v57 =	vsub.s32 $0x3000, v4;
	v13 =	vmul.f32 $5.120000000e+02, v13;
	v14 =	vtrunc.f32 v3  }
0x267: {  	v34 =	vld [tilespmem:s19+$0x4040];
	v55 =	vcvt.f32.s32 v14;
	v14 =	vsub.s32 $0x3000, v6;
	v56 =	vmul.f32 $1.024000000e+03, v11  }
0x268: {  	v6 =	vld [tilespmem:s19+$0x30];
	v10 =	vadd.f32 $8.192000000e+03, v10;
	v12 =	vtrunc.f32 v2;
	v58 =	vmul.f32 $1.024000000e+03, v7  }
0x269: {  	v60 =	vld [tilespmem:s19+$0x4060];
	v12 =	vcvt.f32.s32 v12;
	v11 =	vmul.f32 $5.120000000e+02, v11;
	v22 =	vadd.f32 $8.192000000e+03, v56  }
0x26a: {  	v13 =	vadd.f32 $8.705000000e+03, v13;
	v7 =	vmul.f32 $5.120000000e+02, v7;
	[tilespmem:v19+s13+$0x0] =	vst.idx.add.f32.msk $0xffff, v1;
	v10 =	vmul.f32 v10, v28  }
0x26b: {  	v4 =	vsub.s32 $0x3000, v12;
	v12 =	vld [tilespmem:s19+$0x50];
	v11 =	vadd.f32 $8.705000000e+03, v11;
	v20 =	vmul.f32 v22, v20  }
0x26c: {  	v26 =	vmul.f32 v26, v29;
	[tilespmem:v19+s14+$0x0] =	vst.idx.add.f32.msk $0xffff, v9;
	v7 =	vadd.f32 $8.705000000e+03, v7;
	v9 =	vsub.f32 v13, v10  }
0x26d: {  	[tilespmem:v5+s13+$0x0] =	vst.idx.add.f32.msk $0xffff, v1;
	v30 =	vmul.f32 $1.024000000e+03, v6;
	v6 =	vmul.f32 $5.120000000e+02, v6;
	v11 =	vsub.f32 v11, v20  }
0x26e: {  	v62 =	vmul.f32 v36, v60;
	[tilespmem:v5+s14+$0x0] =	vst.idx.add.f32.msk $0xffff, v8;
	v10 =	vadd.f32 $8.705000000e+03, v27;
	v8 =	vsub.f32 v18, v26  }
0x26f: {  	v37 =	vld [tilespmem:s19+$0x4050];
	v30 =	vadd.f32 $8.192000000e+03, v30;
	v6 =	vadd.f32 $8.705000000e+03, v6;
	v35 =	vtrunc.f32 v11  }
0x270: {  	v22 =	vadd.f32 $8.192000000e+03, v59;
	v33 =	vmul.f32 $1.024000000e+03, v12;
	v35 =	vcvt.f32.s32 v35  }
0x271: {  	v12 =	vmul.f32 $5.120000000e+02, v12;
	v19 =	vmul.f32 v30, v32;
	v20 =	vadd.f32 $8.192000000e+03, v58  }
0x272: {  	[tilespmem:v24+s13+$0x0] =	vst.idx.add.f32.msk $0xffff, v1;
	v22 =	vmul.f32 v22, v34;
	v33 =	vadd.f32 $8.192000000e+03, v33;
	v35 =	vsub.s32 $0x3000, v35  }
0x273: {  	[tilespmem:v57+s13+$0x0] =	vst.idx.add.f32.msk $0xffff, v1;
	v18 =	vtrunc.f32 v9;
	v5 =	vsub.f32 v6, v19;
	v20 =	vmul.f32 v20, v31  }
0x274: {  	[tilespmem:v24+s14+$0x0] =	vst.idx.add.f32.msk $0xffff, v17;
	v12 =	vadd.f32 $8.705000000e+03, v12;
	v6 =	vsub.f32 v25, v22;
	v61 =	vmul.f32 v33, v37  }
0x275: {  	[tilespmem:v14+s13+$0x0] =	vst.idx.add.f32.msk $0xffff, v1;
	v18 =	vcvt.f32.s32 v18;
	v63 =	vtrunc.f32 v5;
	v7 =	vsub.f32 v7, v20  }
0x276: {  	[tilespmem:v14+s14+$0x0] =	vst.idx.add.f32.msk $0xffff, v15;
	v25 =	vtrunc.f32 v6;
	v13 =	vsub.f32 v12, v61;
	v12 =	vsub.f32 v10, v62  }
0x277: {  	v10 =	vsub.s32 $0x3000, v55;
	v17 =	vcvt.f32.s32 v25;
	v20 =	vtrunc.f32 v7;
	[tilespmem:v35+s13+$0x0] =	vst.idx.add.f32.msk $0xffff, v1  }
0x278: {  	v14 =	vtrunc.f32 v13;
	[tilespmem:v35+s14+$0x0] =	vst.idx.add.f32.msk $0xffff, v11;
	v11 =	vtrunc.f32 v8  }
0x279: {  	[tilespmem:v57+s14+$0x0] =	vst.idx.add.f32.msk $0xffff, v16;
	v15 =	vtrunc.f32 v12;
	v19 =	vcvt.f32.s32 v11  }
0x27a: {  	s20 =	simm.s32 $0x800;
	s21 =	simm.s32 $0x100;
	s19 =	simm.s32 $0x8;
	[tilespmem:v4+s13+$0x0] =	vst.idx.add.f32.msk $0xffff, v1;
	v16 =	vcvt.f32.s32 v20;
	v11 =	vsub.s32 $0x3000, v18;
	v18 =	vcvt.f32.s32 v63  }
.LBB2_12:
0x27b: {  	s22 =	sand.u32 $0x1000, s21;
	s23 =	sand.u32 $0xC00, s20;
	v19 =	vsub.s32 $0x3000, v19;
	v14 =	vcvt.f32.s32 v14;
	v15 =	vcvt.f32.s32 v15;
	s18 =	sadd.s32 $0x20, s18;
	[tilespmem:v4+s14+$0x0] =	vst.idx.add.f32.msk $0xffff, v2;
	v2 =	vmovc v13  }
0x27c: {  	s19 =	sadd.s32 $0x8, s19;
	v16 =	vsub.s32 $0x3000, v16;
	s22 =	sor.u32 s23, s22;
	s23 =	sand.u32 $0x380, s18;
	v18 =	vsub.s32 $0x3000, v18;
	v17 =	vsub.s32 $0x3000, v17;
	[tilespmem:v10+s13+$0x0] =	vst.idx.add.f32.msk $0xffff, v1  }
0x27d: {  	p1 =	slt.u32 s19, $0x1F8;
	s22 =	sor.u32 s23, s22;
	v4 =	vsub.s32 $0x3000, v14;
	[tilespmem:v10+s14+$0x0] =	vst.idx.add.f32.msk $0xffff, v3;
	v10 =	vsub.s32 $0x3000, v15;
	v3 =	vmov v12  }
0x27e: {  	v12 =	vld [tilespmem:s22+$0x70]  }
0x27f: {  	v13 =	vld [tilespmem:s22+$0x0]  }
0x280: {  	v14 =	vld [tilespmem:s22+$0x10]  }
0x281: {  	v15 =	vld [tilespmem:s22+$0x20]  }
0x282: {  	v20 =	vld [tilespmem:s22+$0x4070]  }
0x283: {  	v21 =	vld [tilespmem:s22+$0x30];
	v22 =	vmul.f32 $1.024000000e+03, v12  }
0x284: {  	v23 =	vmul.f32 $5.120000000e+02, v13;
	v13 =	vmul.f32 $1.024000000e+03, v13;
	v24 =	vld [tilespmem:s22+$0x40]  }
0x285: {  	v12 =	vmul.f32 $5.120000000e+02, v12;
	v25 =	vmul.f32 $1.024000000e+03, v14;
	v26 =	vld [tilespmem:s22+$0x50];
	v22 =	vadd.f32 $8.192000000e+03, v22  }
0x286: {  	v14 =	vmul.f32 $5.120000000e+02, v14;
	v13 =	vadd.f32 $8.192000000e+03, v13;
	v27 =	vmul.f32 $1.024000000e+03, v15;
	v28 =	vld [tilespmem:s22+$0x60]  }
0x287: {  	v12 =	vadd.f32 $8.705000000e+03, v12;
	v29 =	vld [tilespmem:s22+$0x4000];
	v25 =	vadd.f32 $8.192000000e+03, v25;
	v20 =	vmul.f32 v22, v20  }
0x288: {  	v15 =	vmul.f32 $5.120000000e+02, v15;
	v22 =	vld [tilespmem:s22+$0x4010];
	v27 =	vadd.f32 $8.192000000e+03, v27;
	v30 =	vmul.f32 $1.024000000e+03, v21  }
0x289: {  	v21 =	vmul.f32 $5.120000000e+02, v21;
	v31 =	vld [tilespmem:s22+$0x4020];
	v32 =	vmul.f32 $1.024000000e+03, v24;
	v12 =	vsub.f32 v12, v20  }
0x28a: {  	v24 =	vmul.f32 $5.120000000e+02, v24;
	v20 =	vld [tilespmem:s22+$0x4030];
	v30 =	vadd.f32 $8.192000000e+03, v30;
	v33 =	vmul.f32 $1.024000000e+03, v26  }
0x28b: {  	v34 =	vld [tilespmem:s22+$0x4040];
	v32 =	vadd.f32 $8.192000000e+03, v32;
	v35 =	vmul.f32 $1.024000000e+03, v28;
	v36 =	vtrunc.f32 v12  }
0x28c: {  	v26 =	vmul.f32 $5.120000000e+02, v26;
	v37 =	vld [tilespmem:s22+$0x4050];
	v33 =	vadd.f32 $8.192000000e+03, v33;
	v36 =	vcvt.f32.s32 v36  }
0x28d: {  	v28 =	vmul.f32 $5.120000000e+02, v28;
	v13 =	vmul.f32 v13, v29;
	v29 =	vld [tilespmem:s22+$0x4060];
	v35 =	vadd.f32 $8.192000000e+03, v35  }
0x28e: {  	v22 =	vmul.f32 v25, v22;
	v25 =	vmul.f32 v27, v31;
	v27 =	vsub.s32 $0x3000, v36;
	[tilespmem:v11+s13+$0x0] =	vst.idx.add.f32.msk $0xffff, v1  }
0x28f: {  	v23 =	vadd.f32 $8.705000000e+03, v23;
	v14 =	vadd.f32 $8.705000000e+03, v14;
	v20 =	vmul.f32 v30, v20;
	[tilespmem:v11+s14+$0x0] =	vst.idx.add.f32.msk $0xffff, v9  }
0x290: {  	v11 =	vadd.f32 $8.705000000e+03, v15;
	v15 =	vadd.f32 $8.705000000e+03, v21;
	v21 =	vmul.f32 v32, v34;
	[tilespmem:v19+s13+$0x0] =	vst.idx.add.f32.msk $0xffff, v1  }
0x291: {  	v24 =	vadd.f32 $8.705000000e+03, v24;
	v26 =	vadd.f32 $8.705000000e+03, v26;
	v30 =	vmul.f32 v33, v37;
	[tilespmem:v19+s14+$0x0] =	vst.idx.add.f32.msk $0xffff, v8  }
0x292: {  	v9 =	vsub.f32 v23, v13;
	v19 =	vadd.f32 $8.705000000e+03, v28;
	v23 =	vmul.f32 v35, v29;
	[tilespmem:v16+s13+$0x0] =	vst.idx.add.f32.msk $0xffff, v1  }
0x293: {  	v8 =	vsub.f32 v14, v22;
	v11 =	vsub.f32 v11, v25;
	[tilespmem:v27+s13+$0x0] =	vst.idx.add.f32.msk $0xffff, v1  }
0x294: {  	v22 =	vtrunc.f32 v9;
	v15 =	vsub.f32 v15, v20;
	v20 =	vsub.f32 v24, v21;
	[tilespmem:v27+s14+$0x0] =	vst.idx.add.f32.msk $0xffff, v12  }
0x295: {  	v21 =	vtrunc.f32 v8;
	v13 =	vsub.f32 v26, v30;
	v12 =	vsub.f32 v19, v23;
	[tilespmem:v16+s14+$0x0] =	vst.idx.add.f32.msk $0xffff, v7  }
.Ltmp7:
0x296: {  	v23 =	vtrunc.f32 v15;
	v16 =	vtrunc.f32 v11;
	v7 =	vmov v11;
	[tilespmem:v18+s13+$0x0] =	vst.idx.add.f32.msk $0xffff, v1;
	(pc) =	sbr.rel @p1 .LBB2_12-.Ltmp7, $4  }
0x297: {  	v24 =	vtrunc.f32 v20;
	v14 =	vtrunc.f32 v13;
	[tilespmem:v18+s14+$0x0] =	vst.idx.add.f32.msk $0xffff, v5;
	v5 =	vmov v15  }
0x298: {  	v11 =	vcvt.f32.s32 v22;
	v15 =	vtrunc.f32 v12;
	[tilespmem:v17+s13+$0x0] =	vst.idx.add.f32.msk $0xffff, v1  }
0x299: {  	v19 =	vcvt.f32.s32 v21;
	v16 =	vcvt.f32.s32 v16;
	[tilespmem:v17+s14+$0x0] =	vst.idx.add.f32.msk $0xffff, v6;
	v6 =	vmov v20  }
0x29a: {  	s20 =	sadd.s32 $0x400, s20;
	s21 =	sadd.s32 $0x80, s21;
	v11 =	vsub.s32 $0x3000, v11;
	v18 =	vcvt.f32.s32 v23;
	v17 =	vcvt.f32.s32 v24;
	[tilespmem:v4+s13+$0x0] =	vst.idx.add.f32.msk $0xffff, v1  }
0x29b: {  	_ =	sdelay $0x3  }
0x29c: {  	v19 =	vsub.s32 $0x3000, v19;
	[tilespmem:v4+s14+$0x0] =	vst.idx.add.f32.msk $0xffff, v2  }
0x29d: {  	[tilespmem:v10+s13+$0x0] =	vst.idx.add.f32.msk $0xffff, v1;
	v2 =	vsub.s32 $0x3000, v16  }
0x29e: {  	[tilespmem:v11+s13+$0x0] =	vst.idx.add.f32.msk $0xffff, v1  }
0x29f: {  	[tilespmem:v10+s14+$0x0] =	vst.idx.add.f32.msk $0xffff, v3  }
0x2a0: {  	v3 =	vsub.s32 $0x3000, v18;
	[tilespmem:v11+s14+$0x0] =	vst.idx.add.f32.msk $0xffff, v9  }
0x2a1: {  	v9 =	vsub.s32 $0x3000, v17;
	[tilespmem:v19+s13+$0x0] =	vst.idx.add.f32.msk $0xffff, v1  }
0x2a2: {  	v4 =	vcvt.f32.s32 v14;
	[tilespmem:v2+s13+$0x0] =	vst.idx.add.f32.msk $0xffff, v1  }
0x2a3: {  	[tilespmem:v19+s14+$0x0] =	vst.idx.add.f32.msk $0xffff, v8  }
0x2a4: {  	v4 =	vsub.s32 $0x3000, v4;
	v8 =	vcvt.f32.s32 v15;
	[tilespmem:v2+s14+$0x0] =	vst.idx.add.f32.msk $0xffff, v7  }
0x2a5: {  	[tilespmem:v3+s13+$0x0] =	vst.idx.add.f32.msk $0xffff, v1  }
0x2a6: {  	[tilespmem:v9+s13+$0x0] =	vst.idx.add.f32.msk $0xffff, v1;
	v2 =	vsub.s32 $0x3000, v8  }
0x2a7: {  	[tilespmem:v3+s14+$0x0] =	vst.idx.add.f32.msk $0xffff, v5  }
0x2a8: {  	[tilespmem:v9+s14+$0x0] =	vst.idx.add.f32.msk $0xffff, v6  }
0x2a9: {  	[tilespmem:v4+s13+$0x0] =	vst.idx.add.f32.msk $0xffff, v1  }
0x2aa: {  	[tilespmem:v4+s14+$0x0] =	vst.idx.add.f32.msk $0xffff, v13  }
0x2ab: {  	[tilespmem:v2+s13+$0x0] =	vst.idx.add.f32.msk $0xffff, v1  }
0x2ac: {  	[tilespmem:v2+s14+$0x0] =	vst.idx.add.f32.msk $0xffff, v12  }
0x2ad: {  	_ =	swait.ge [sflag:s15], $0x2000  }
0x2ae: {  	[sflag:s15] =	ssyncset.done $0x0  }
0x2af: {  	[sflag:s15] =	ssyncadd.s32 $0xFFFFE000  }
0x2b0: {  	_ =	swait.ge [sflag:s15], $0x2000  }
0x2b1: {  	[sflag:s15] =	ssyncset.done $0x0  }
0x2b2: {  	s18 =	simm.s32 $0x0;
	s0 =	rddreg [dreg:$0x8];
	[sflag:s15] =	ssyncadd.s32 $0xFFFFE000  }
0x2b3: {  	[tilespmem:s18], [sflag:$0x1] =	stream.linear.gather [hbm4b:s0+s18], $0x2000, $0x38;
	[tilespmem:$0x1A080] =	vst v63  }
0x2b4: {  	s19 =	rddreg [dreg:$0x9]  }
0x2b5: {  	[tilespmem:s9], [sflag:$0x1] =	stream.linear.gather [hbm4b:s19+s18], $0x2000, $0x38;
	[tilespmem:$0x1A080] =	vst v63  }
0x2b6: {  	s20 =	sand.u32 $0xC00, s18;
	s19 =	sand.u32 $0x1000, s18  }
0x2b7: {  	s18 =	sand.u32 $0x380, s18;
	s19 =	sor.u32 s20, s19  }
0x2b8: {  	s18 =	sor.u32 s18, s19  }
0x2b9: {  	v2 =	vld [tilespmem:s18+$0x2070]  }
0x2ba: {  	v3 =	vld [tilespmem:s18+$0x2000]  }
0x2bb: {  	v4 =	vld [tilespmem:s18+$0x2010]  }
0x2bc: {  	v5 =	vld [tilespmem:s18+$0x2020]  }
0x2bd: {  	v7 =	vld [tilespmem:s18+$0x2030]  }
0x2be: {  	v10 =	vld [tilespmem:s18+$0x2040]  }
0x2bf: {  	v13 =	vld [tilespmem:s18+$0x2060];
	v8 =	vmul.f32 $1.024000000e+03, v2  }
0x2c0: {  	v9 =	vmul.f32 $1.024000000e+03, v3;
	v3 =	vmul.f32 $5.120000000e+02, v3  }
0x2c1: {  	v2 =	vmul.f32 $5.120000000e+02, v2;
	v12 =	vmul.f32 $1.024000000e+03, v4  }
0x2c2: {  	v4 =	vmul.f32 $5.120000000e+02, v4;
	v14 =	vmul.f32 $1.024000000e+03, v5  }
0x2c3: {  	v6 =	vld [tilespmem:s18+$0x6070];
	v16 =	vmul.f32 $1.024000000e+03, v7;
	v18 =	vmul.f32 $1.024000000e+03, v10  }
0x2c4: {  	v15 =	vld [tilespmem:s18+$0x6000];
	v20 =	vmul.f32 $1.024000000e+03, v13;
	v8 =	vadd.f32 $8.192000000e+03, v8;
	v9 =	vadd.f32 $8.192000000e+03, v9  }
0x2c5: {  	v19 =	vld [tilespmem:s18+$0x6030];
	v5 =	vmul.f32 $5.120000000e+02, v5;
	v2 =	vadd.f32 $8.705000000e+03, v2;
	v16 =	vadd.f32 $8.192000000e+03, v16  }
0x2c6: {  	v11 =	vld [tilespmem:s18+$0x2050];
	v7 =	vmul.f32 $5.120000000e+02, v7;
	v18 =	vadd.f32 $8.192000000e+03, v18;
	v20 =	vadd.f32 $8.192000000e+03, v20  }
0x2c7: {  	v17 =	vld [tilespmem:s18+$0x6020];
	v10 =	vmul.f32 $5.120000000e+02, v10;
	v3 =	vadd.f32 $8.705000000e+03, v3;
	v4 =	vadd.f32 $8.705000000e+03, v4  }
0x2c8: {  	v22 =	vld [tilespmem:s18+$0x6040];
	v5 =	vadd.f32 $8.705000000e+03, v5;
	v7 =	vadd.f32 $8.705000000e+03, v7;
	v6 =	vmul.f32 v8, v6  }
0x2c9: {  	v13 =	vmul.f32 $5.120000000e+02, v13;
	v10 =	vadd.f32 $8.705000000e+03, v10;
	v8 =	vadd.f32 $8.192000000e+03, v12;
	v12 =	vld [tilespmem:s18+$0x6010]  }
0x2ca: {  	s21 =	simm.s32 $0x80;
	s20 =	simm.s32 $0x400;
	v9 =	vmul.f32 v9, v15;
	v15 =	vld [tilespmem:s18+$0x6060];
	v16 =	vmul.f32 v16, v19;
	v2 =	vsub.f32 v2, v6  }
0x2cb: {  	s19 =	sand.u32 $0x1000, s21;
	s22 =	sand.u32 $0xC00, s20;
	v23 =	vld [tilespmem:s18+$0x6050];
	s18 =	simm.s32 $0x20;
	v6 =	vadd.f32 $8.192000000e+03, v14;
	v14 =	vmul.f32 $1.024000000e+03, v11;
	v11 =	vmul.f32 $5.120000000e+02, v11  }
0x2cc: {  	s19 =	sor.u32 s22, s19;
	s23 =	sand.u32 $0x380, s18;
	v9 =	vsub.f32 v3, v9;
	v16 =	vsub.f32 v7, v16;
	v21 =	vtrunc.f32 v2  }
0x2cd: {  	v3 =	vadd.f32 $8.705000000e+03, v13;
	s19 =	sor.u32 s23, s19;
	v6 =	vmul.f32 v6, v17;
	v17 =	vmul.f32 v18, v22  }
0x2ce: {  	v25 =	vld [tilespmem:s19+$0x2040];
	v14 =	vadd.f32 $8.192000000e+03, v14;
	v7 =	vtrunc.f32 v16;
	v21 =	vcvt.f32.s32 v21  }
0x2cf: {  	v27 =	vld [tilespmem:s19+$0x2060];
	v8 =	vmul.f32 v8, v12;
	v13 =	vmul.f32 v20, v15;
	v15 =	vsub.f32 v5, v6  }
0x2d0: {  	v14 =	vmul.f32 v14, v23;
	v17 =	vsub.f32 v10, v17;
	v12 =	vsub.s32 $0x3000, v21  }
0x2d1: {  	v18 =	vld [tilespmem:s19+$0x2010];
	v8 =	vsub.f32 v4, v8;
	v4 =	vtrunc.f32 v9;
	v6 =	vtrunc.f32 v15  }
0x2d2: {  	v28 =	vld [tilespmem:s19+$0x6000];
	v10 =	vtrunc.f32 v17;
	v4 =	vcvt.f32.s32 v4  }
0x2d3: {  	v29 =	vld [tilespmem:s19+$0x6010];
	v59 =	vmul.f32 $1.024000000e+03, v25;
	v25 =	vmul.f32 $5.120000000e+02, v25  }
0x2d4: {  	v3 =	vsub.f32 v3, v13;
	v13 =	vld [tilespmem:s19+$0x2000];
	v36 =	vmul.f32 $1.024000000e+03, v27;
	v27 =	vmul.f32 $5.120000000e+02, v27  }
0x2d5: {  	v11 =	vadd.f32 $8.705000000e+03, v11;
	v5 =	vtrunc.f32 v8;
	v6 =	vcvt.f32.s32 v6;
	[tilespmem:v12+s13+$0x0] =	vst.idx.add.f32.msk $0xffff, v1  }
0x2d6: {  	v10 =	vcvt.f32.s32 v10;
	v26 =	vmul.f32 $1.024000000e+03, v18;
	[tilespmem:v12+s14+$0x0] =	vst.idx.add.f32.msk $0xffff, v2  }
0x2d7: {  	v18 =	vmul.f32 $5.120000000e+02, v18;
	v5 =	vcvt.f32.s32 v5;
	v2 =	vsub.f32 v11, v14;
	v11 =	vld [tilespmem:s19+$0x2070]  }
0x2d8: {  	v19 =	vsub.s32 $0x3000, v4;
	v4 =	vcvt.f32.s32 v7;
	v7 =	vld [tilespmem:s19+$0x2020];
	v36 =	vadd.f32 $8.192000000e+03, v36  }
0x2d9: {  	v31 =	vld [tilespmem:s19+$0x6020];
	v25 =	vadd.f32 $8.705000000e+03, v25;
	v24 =	vsub.s32 $0x3000, v10;
	v26 =	vadd.f32 $8.192000000e+03, v26  }
0x2da: {  	v32 =	vld [tilespmem:s19+$0x6030];
	v18 =	vadd.f32 $8.705000000e+03, v18;
	v5 =	vsub.s32 $0x3000, v5;
	v10 =	vmul.f32 $1.024000000e+03, v13  }
0x2db: {  	v20 =	vld [tilespmem:s19+$0x6070];
	v57 =	vsub.s32 $0x3000, v4;
	v13 =	vmul.f32 $5.120000000e+02, v13;
	v14 =	vtrunc.f32 v3  }
0x2dc: {  	v34 =	vld [tilespmem:s19+$0x6040];
	v55 =	vcvt.f32.s32 v14;
	v14 =	vsub.s32 $0x3000, v6;
	v56 =	vmul.f32 $1.024000000e+03, v11  }
0x2dd: {  	v6 =	vld [tilespmem:s19+$0x2030];
	v10 =	vadd.f32 $8.192000000e+03, v10;
	v12 =	vtrunc.f32 v2;
	v58 =	vmul.f32 $1.024000000e+03, v7  }
0x2de: {  	v60 =	vld [tilespmem:s19+$0x6060];
	v12 =	vcvt.f32.s32 v12;
	v11 =	vmul.f32 $5.120000000e+02, v11;
	v22 =	vadd.f32 $8.192000000e+03, v56  }
0x2df: {  	v13 =	vadd.f32 $8.705000000e+03, v13;
	v7 =	vmul.f32 $5.120000000e+02, v7;
	[tilespmem:v19+s13+$0x0] =	vst.idx.add.f32.msk $0xffff, v1;
	v10 =	vmul.f32 v10, v28  }
0x2e0: {  	v4 =	vsub.s32 $0x3000, v12;
	v12 =	vld [tilespmem:s19+$0x2050];
	v11 =	vadd.f32 $8.705000000e+03, v11;
	v20 =	vmul.f32 v22, v20  }
0x2e1: {  	v26 =	vmul.f32 v26, v29;
	[tilespmem:v19+s14+$0x0] =	vst.idx.add.f32.msk $0xffff, v9;
	v7 =	vadd.f32 $8.705000000e+03, v7;
	v9 =	vsub.f32 v13, v10  }
0x2e2: {  	[tilespmem:v5+s13+$0x0] =	vst.idx.add.f32.msk $0xffff, v1;
	v30 =	vmul.f32 $1.024000000e+03, v6;
	v6 =	vmul.f32 $5.120000000e+02, v6;
	v11 =	vsub.f32 v11, v20  }
0x2e3: {  	v62 =	vmul.f32 v36, v60;
	[tilespmem:v5+s14+$0x0] =	vst.idx.add.f32.msk $0xffff, v8;
	v10 =	vadd.f32 $8.705000000e+03, v27;
	v8 =	vsub.f32 v18, v26  }
0x2e4: {  	v37 =	vld [tilespmem:s19+$0x6050];
	v30 =	vadd.f32 $8.192000000e+03, v30;
	v6 =	vadd.f32 $8.705000000e+03, v6;
	v35 =	vtrunc.f32 v11  }
0x2e5: {  	v22 =	vadd.f32 $8.192000000e+03, v59;
	v33 =	vmul.f32 $1.024000000e+03, v12;
	v35 =	vcvt.f32.s32 v35  }
0x2e6: {  	v12 =	vmul.f32 $5.120000000e+02, v12;
	v19 =	vmul.f32 v30, v32;
	v20 =	vadd.f32 $8.192000000e+03, v58  }
0x2e7: {  	[tilespmem:v24+s13+$0x0] =	vst.idx.add.f32.msk $0xffff, v1;
	v22 =	vmul.f32 v22, v34;
	v33 =	vadd.f32 $8.192000000e+03, v33;
	v35 =	vsub.s32 $0x3000, v35  }
0x2e8: {  	[tilespmem:v57+s13+$0x0] =	vst.idx.add.f32.msk $0xffff, v1;
	v18 =	vtrunc.f32 v9;
	v5 =	vsub.f32 v6, v19;
	v20 =	vmul.f32 v20, v31  }
0x2e9: {  	[tilespmem:v24+s14+$0x0] =	vst.idx.add.f32.msk $0xffff, v17;
	v12 =	vadd.f32 $8.705000000e+03, v12;
	v6 =	vsub.f32 v25, v22;
	v61 =	vmul.f32 v33, v37  }
0x2ea: {  	[tilespmem:v14+s13+$0x0] =	vst.idx.add.f32.msk $0xffff, v1;
	v18 =	vcvt.f32.s32 v18;
	v63 =	vtrunc.f32 v5;
	v7 =	vsub.f32 v7, v20  }
0x2eb: {  	[tilespmem:v14+s14+$0x0] =	vst.idx.add.f32.msk $0xffff, v15;
	v25 =	vtrunc.f32 v6;
	v13 =	vsub.f32 v12, v61;
	v12 =	vsub.f32 v10, v62  }
0x2ec: {  	v10 =	vsub.s32 $0x3000, v55;
	v17 =	vcvt.f32.s32 v25;
	v20 =	vtrunc.f32 v7;
	[tilespmem:v35+s13+$0x0] =	vst.idx.add.f32.msk $0xffff, v1  }
0x2ed: {  	v14 =	vtrunc.f32 v13;
	[tilespmem:v35+s14+$0x0] =	vst.idx.add.f32.msk $0xffff, v11;
	v11 =	vtrunc.f32 v8  }
0x2ee: {  	[tilespmem:v57+s14+$0x0] =	vst.idx.add.f32.msk $0xffff, v16;
	v15 =	vtrunc.f32 v12;
	v19 =	vcvt.f32.s32 v11  }
0x2ef: {  	s20 =	simm.s32 $0x800;
	s21 =	simm.s32 $0x100;
	s19 =	simm.s32 $0x8;
	[tilespmem:v4+s13+$0x0] =	vst.idx.add.f32.msk $0xffff, v1;
	v16 =	vcvt.f32.s32 v20;
	v11 =	vsub.s32 $0x3000, v18;
	v18 =	vcvt.f32.s32 v63  }
.LBB2_14:
0x2f0: {  	s22 =	sand.u32 $0x1000, s21;
	s23 =	sand.u32 $0xC00, s20;
	v19 =	vsub.s32 $0x3000, v19;
	v14 =	vcvt.f32.s32 v14;
	v15 =	vcvt.f32.s32 v15;
	s18 =	sadd.s32 $0x20, s18;
	[tilespmem:v4+s14+$0x0] =	vst.idx.add.f32.msk $0xffff, v2;
	v2 =	vmovc v13  }
0x2f1: {  	s19 =	sadd.s32 $0x8, s19;
	v16 =	vsub.s32 $0x3000, v16;
	s22 =	sor.u32 s23, s22;
	s23 =	sand.u32 $0x380, s18;
	v18 =	vsub.s32 $0x3000, v18;
	v17 =	vsub.s32 $0x3000, v17;
	[tilespmem:v10+s13+$0x0] =	vst.idx.add.f32.msk $0xffff, v1  }
0x2f2: {  	p1 =	slt.u32 s19, $0x1F8;
	s22 =	sor.u32 s23, s22;
	v4 =	vsub.s32 $0x3000, v14;
	[tilespmem:v10+s14+$0x0] =	vst.idx.add.f32.msk $0xffff, v3;
	v10 =	vsub.s32 $0x3000, v15;
	v3 =	vmov v12  }
0x2f3: {  	v12 =	vld [tilespmem:s22+$0x2070]  }
0x2f4: {  	v13 =	vld [tilespmem:s22+$0x2000]  }
0x2f5: {  	v14 =	vld [tilespmem:s22+$0x2010]  }
0x2f6: {  	v15 =	vld [tilespmem:s22+$0x2020]  }
0x2f7: {  	v20 =	vld [tilespmem:s22+$0x6070]  }
0x2f8: {  	v21 =	vld [tilespmem:s22+$0x2030];
	v22 =	vmul.f32 $1.024000000e+03, v12  }
0x2f9: {  	v23 =	vmul.f32 $5.120000000e+02, v13;
	v13 =	vmul.f32 $1.024000000e+03, v13;
	v24 =	vld [tilespmem:s22+$0x2040]  }
0x2fa: {  	v12 =	vmul.f32 $5.120000000e+02, v12;
	v25 =	vmul.f32 $1.024000000e+03, v14;
	v26 =	vld [tilespmem:s22+$0x2050];
	v22 =	vadd.f32 $8.192000000e+03, v22  }
0x2fb: {  	v14 =	vmul.f32 $5.120000000e+02, v14;
	v13 =	vadd.f32 $8.192000000e+03, v13;
	v27 =	vmul.f32 $1.024000000e+03, v15;
	v28 =	vld [tilespmem:s22+$0x2060]  }
0x2fc: {  	v12 =	vadd.f32 $8.705000000e+03, v12;
	v29 =	vld [tilespmem:s22+$0x6000];
	v25 =	vadd.f32 $8.192000000e+03, v25;
	v20 =	vmul.f32 v22, v20  }
0x2fd: {  	v15 =	vmul.f32 $5.120000000e+02, v15;
	v22 =	vld [tilespmem:s22+$0x6010];
	v27 =	vadd.f32 $8.192000000e+03, v27;
	v30 =	vmul.f32 $1.024000000e+03, v21  }
0x2fe: {  	v21 =	vmul.f32 $5.120000000e+02, v21;
	v31 =	vld [tilespmem:s22+$0x6020];
	v32 =	vmul.f32 $1.024000000e+03, v24;
	v12 =	vsub.f32 v12, v20  }
0x2ff: {  	v24 =	vmul.f32 $5.120000000e+02, v24;
	v20 =	vld [tilespmem:s22+$0x6030];
	v30 =	vadd.f32 $8.192000000e+03, v30;
	v33 =	vmul.f32 $1.024000000e+03, v26  }
0x300: {  	v34 =	vld [tilespmem:s22+$0x6040];
	v32 =	vadd.f32 $8.192000000e+03, v32;
	v35 =	vmul.f32 $1.024000000e+03, v28;
	v36 =	vtrunc.f32 v12  }
0x301: {  	v26 =	vmul.f32 $5.120000000e+02, v26;
	v37 =	vld [tilespmem:s22+$0x6050];
	v33 =	vadd.f32 $8.192000000e+03, v33;
	v36 =	vcvt.f32.s32 v36  }
0x302: {  	v28 =	vmul.f32 $5.120000000e+02, v28;
	v13 =	vmul.f32 v13, v29;
	v29 =	vld [tilespmem:s22+$0x6060];
	v35 =	vadd.f32 $8.192000000e+03, v35  }
0x303: {  	v22 =	vmul.f32 v25, v22;
	v25 =	vmul.f32 v27, v31;
	v27 =	vsub.s32 $0x3000, v36;
	[tilespmem:v11+s13+$0x0] =	vst.idx.add.f32.msk $0xffff, v1  }
0x304: {  	v23 =	vadd.f32 $8.705000000e+03, v23;
	v14 =	vadd.f32 $8.705000000e+03, v14;
	v20 =	vmul.f32 v30, v20;
	[tilespmem:v11+s14+$0x0] =	vst.idx.add.f32.msk $0xffff, v9  }
0x305: {  	v11 =	vadd.f32 $8.705000000e+03, v15;
	v15 =	vadd.f32 $8.705000000e+03, v21;
	v21 =	vmul.f32 v32, v34;
	[tilespmem:v19+s13+$0x0] =	vst.idx.add.f32.msk $0xffff, v1  }
0x306: {  	v24 =	vadd.f32 $8.705000000e+03, v24;
	v26 =	vadd.f32 $8.705000000e+03, v26;
	v30 =	vmul.f32 v33, v37;
	[tilespmem:v19+s14+$0x0] =	vst.idx.add.f32.msk $0xffff, v8  }
0x307: {  	v9 =	vsub.f32 v23, v13;
	v19 =	vadd.f32 $8.705000000e+03, v28;
	v23 =	vmul.f32 v35, v29;
	[tilespmem:v16+s13+$0x0] =	vst.idx.add.f32.msk $0xffff, v1  }
0x308: {  	v8 =	vsub.f32 v14, v22;
	v11 =	vsub.f32 v11, v25;
	[tilespmem:v27+s13+$0x0] =	vst.idx.add.f32.msk $0xffff, v1  }
0x309: {  	v22 =	vtrunc.f32 v9;
	v15 =	vsub.f32 v15, v20;
	v20 =	vsub.f32 v24, v21;
	[tilespmem:v27+s14+$0x0] =	vst.idx.add.f32.msk $0xffff, v12  }
0x30a: {  	v21 =	vtrunc.f32 v8;
	v13 =	vsub.f32 v26, v30;
	v12 =	vsub.f32 v19, v23;
	[tilespmem:v16+s14+$0x0] =	vst.idx.add.f32.msk $0xffff, v7  }
.Ltmp8:
0x30b: {  	v23 =	vtrunc.f32 v15;
	v16 =	vtrunc.f32 v11;
	v7 =	vmov v11;
	[tilespmem:v18+s13+$0x0] =	vst.idx.add.f32.msk $0xffff, v1;
	(pc) =	sbr.rel @p1 .LBB2_14-.Ltmp8, $4  }
0x30c: {  	v24 =	vtrunc.f32 v20;
	v14 =	vtrunc.f32 v13;
	[tilespmem:v18+s14+$0x0] =	vst.idx.add.f32.msk $0xffff, v5;
	v5 =	vmov v15  }
0x30d: {  	v11 =	vcvt.f32.s32 v22;
	v15 =	vtrunc.f32 v12;
	[tilespmem:v17+s13+$0x0] =	vst.idx.add.f32.msk $0xffff, v1  }
0x30e: {  	v19 =	vcvt.f32.s32 v21;
	v16 =	vcvt.f32.s32 v16;
	[tilespmem:v17+s14+$0x0] =	vst.idx.add.f32.msk $0xffff, v6;
	v6 =	vmov v20  }
0x30f: {  	s20 =	sadd.s32 $0x400, s20;
	s21 =	sadd.s32 $0x80, s21;
	v11 =	vsub.s32 $0x3000, v11;
	v18 =	vcvt.f32.s32 v23;
	v17 =	vcvt.f32.s32 v24;
	[tilespmem:v4+s13+$0x0] =	vst.idx.add.f32.msk $0xffff, v1  }
0x310: {  	_ =	sdelay $0x3  }
0x311: {  	v19 =	vsub.s32 $0x3000, v19;
	[tilespmem:v4+s14+$0x0] =	vst.idx.add.f32.msk $0xffff, v2  }
0x312: {  	[tilespmem:v10+s13+$0x0] =	vst.idx.add.f32.msk $0xffff, v1;
	v2 =	vsub.s32 $0x3000, v16  }
0x313: {  	[tilespmem:v11+s13+$0x0] =	vst.idx.add.f32.msk $0xffff, v1  }
0x314: {  	[tilespmem:v10+s14+$0x0] =	vst.idx.add.f32.msk $0xffff, v3  }
0x315: {  	v3 =	vsub.s32 $0x3000, v18;
	[tilespmem:v11+s14+$0x0] =	vst.idx.add.f32.msk $0xffff, v9  }
0x316: {  	v9 =	vsub.s32 $0x3000, v17;
	[tilespmem:v19+s13+$0x0] =	vst.idx.add.f32.msk $0xffff, v1  }
0x317: {  	v4 =	vcvt.f32.s32 v14;
	[tilespmem:v2+s13+$0x0] =	vst.idx.add.f32.msk $0xffff, v1  }
0x318: {  	[tilespmem:v19+s14+$0x0] =	vst.idx.add.f32.msk $0xffff, v8  }
0x319: {  	v4 =	vsub.s32 $0x3000, v4;
	v8 =	vcvt.f32.s32 v15;
	[tilespmem:v2+s14+$0x0] =	vst.idx.add.f32.msk $0xffff, v7  }
0x31a: {  	[tilespmem:v3+s13+$0x0] =	vst.idx.add.f32.msk $0xffff, v1  }
0x31b: {  	[tilespmem:v9+s13+$0x0] =	vst.idx.add.f32.msk $0xffff, v1;
	v2 =	vsub.s32 $0x3000, v8  }
0x31c: {  	[tilespmem:v3+s14+$0x0] =	vst.idx.add.f32.msk $0xffff, v5  }
0x31d: {  	[tilespmem:v9+s14+$0x0] =	vst.idx.add.f32.msk $0xffff, v6  }
0x31e: {  	[tilespmem:v4+s13+$0x0] =	vst.idx.add.f32.msk $0xffff, v1  }
0x31f: {  	[tilespmem:v4+s14+$0x0] =	vst.idx.add.f32.msk $0xffff, v13  }
0x320: {  	[tilespmem:v2+s13+$0x0] =	vst.idx.add.f32.msk $0xffff, v1  }
0x321: {  	[tilespmem:v2+s14+$0x0] =	vst.idx.add.f32.msk $0xffff, v12  }
0x322: {  	_ =	swait.ge [sflag:s10], $0x2000  }
0x323: {  	[sflag:s10] =	ssyncset.done $0x0  }
0x324: {  	[sflag:s10] =	ssyncadd.s32 $0xFFFFE000  }
0x325: {  	_ =	swait.ge [sflag:s10], $0x2000  }
0x326: {  	[sflag:s10] =	ssyncset.done $0x0  }
0x327: {  	s18 =	simm.s32 $0x0;
	s0 =	rddreg [dreg:$0xa];
	[sflag:s10] =	ssyncadd.s32 $0xFFFFE000  }
0x328: {  	[tilespmem:s11], [sflag:$0x2] =	stream.linear.gather [hbm4b:s0+s18], $0x2000, $0x38;
	[tilespmem:$0x1A080] =	vst v63  }
0x329: {  	s19 =	rddreg [dreg:$0xb]  }
0x32a: {  	[tilespmem:s12], [sflag:$0x2] =	stream.linear.gather [hbm4b:s19+s18], $0x2000, $0x38;
	[tilespmem:$0x1A080] =	vst v63  }
0x32b: {  	s20 =	sand.u32 $0xC00, s18;
	s19 =	sand.u32 $0x1000, s18  }
0x32c: {  	s18 =	sand.u32 $0x380, s18;
	s19 =	sor.u32 s20, s19  }
0x32d: {  	s18 =	sor.u32 s18, s19  }
0x32e: {  	v2 =	vld [tilespmem:s18+$0x70]  }
0x32f: {  	v3 =	vld [tilespmem:s18+$0x0]  }
0x330: {  	v4 =	vld [tilespmem:s18+$0x10]  }
0x331: {  	v5 =	vld [tilespmem:s18+$0x20]  }
0x332: {  	v7 =	vld [tilespmem:s18+$0x30]  }
0x333: {  	v10 =	vld [tilespmem:s18+$0x40]  }
0x334: {  	v13 =	vld [tilespmem:s18+$0x60];
	v8 =	vmul.f32 $1.024000000e+03, v2  }
0x335: {  	v9 =	vmul.f32 $1.024000000e+03, v3;
	v3 =	vmul.f32 $5.120000000e+02, v3  }
0x336: {  	v2 =	vmul.f32 $5.120000000e+02, v2;
	v12 =	vmul.f32 $1.024000000e+03, v4  }
0x337: {  	v4 =	vmul.f32 $5.120000000e+02, v4;
	v14 =	vmul.f32 $1.024000000e+03, v5  }
0x338: {  	v6 =	vld [tilespmem:s18+$0x4070];
	v16 =	vmul.f32 $1.024000000e+03, v7;
	v18 =	vmul.f32 $1.024000000e+03, v10  }
0x339: {  	v15 =	vld [tilespmem:s18+$0x4000];
	v20 =	vmul.f32 $1.024000000e+03, v13;
	v8 =	vadd.f32 $8.192000000e+03, v8;
	v9 =	vadd.f32 $8.192000000e+03, v9  }
0x33a: {  	v19 =	vld [tilespmem:s18+$0x4030];
	v5 =	vmul.f32 $5.120000000e+02, v5;
	v2 =	vadd.f32 $8.705000000e+03, v2;
	v16 =	vadd.f32 $8.192000000e+03, v16  }
0x33b: {  	v11 =	vld [tilespmem:s18+$0x50];
	v7 =	vmul.f32 $5.120000000e+02, v7;
	v18 =	vadd.f32 $8.192000000e+03, v18;
	v20 =	vadd.f32 $8.192000000e+03, v20  }
0x33c: {  	v17 =	vld [tilespmem:s18+$0x4020];
	v10 =	vmul.f32 $5.120000000e+02, v10;
	v3 =	vadd.f32 $8.705000000e+03, v3;
	v4 =	vadd.f32 $8.705000000e+03, v4  }
0x33d: {  	v22 =	vld [tilespmem:s18+$0x4040];
	v5 =	vadd.f32 $8.705000000e+03, v5;
	v7 =	vadd.f32 $8.705000000e+03, v7;
	v6 =	vmul.f32 v8, v6  }
0x33e: {  	v13 =	vmul.f32 $5.120000000e+02, v13;
	v10 =	vadd.f32 $8.705000000e+03, v10;
	v8 =	vadd.f32 $8.192000000e+03, v12;
	v12 =	vld [tilespmem:s18+$0x4010]  }
0x33f: {  	s21 =	simm.s32 $0x80;
	s20 =	simm.s32 $0x400;
	v9 =	vmul.f32 v9, v15;
	v15 =	vld [tilespmem:s18+$0x4060];
	v16 =	vmul.f32 v16, v19;
	v2 =	vsub.f32 v2, v6  }
0x340: {  	s19 =	sand.u32 $0x1000, s21;
	s22 =	sand.u32 $0xC00, s20;
	v23 =	vld [tilespmem:s18+$0x4050];
	s18 =	simm.s32 $0x20;
	v6 =	vadd.f32 $8.192000000e+03, v14;
	v14 =	vmul.f32 $1.024000000e+03, v11;
	v11 =	vmul.f32 $5.120000000e+02, v11  }
0x341: {  	s19 =	sor.u32 s22, s19;
	s23 =	sand.u32 $0x380, s18;
	v9 =	vsub.f32 v3, v9;
	v16 =	vsub.f32 v7, v16;
	v21 =	vtrunc.f32 v2  }
0x342: {  	v3 =	vadd.f32 $8.705000000e+03, v13;
	s19 =	sor.u32 s23, s19;
	v6 =	vmul.f32 v6, v17;
	v17 =	vmul.f32 v18, v22  }
0x343: {  	v25 =	vld [tilespmem:s19+$0x40];
	v14 =	vadd.f32 $8.192000000e+03, v14;
	v7 =	vtrunc.f32 v16;
	v21 =	vcvt.f32.s32 v21  }
0x344: {  	v27 =	vld [tilespmem:s19+$0x60];
	v8 =	vmul.f32 v8, v12;
	v13 =	vmul.f32 v20, v15;
	v15 =	vsub.f32 v5, v6  }
0x345: {  	v14 =	vmul.f32 v14, v23;
	v17 =	vsub.f32 v10, v17;
	v12 =	vsub.s32 $0x3000, v21  }
0x346: {  	v18 =	vld [tilespmem:s19+$0x10];
	v8 =	vsub.f32 v4, v8;
	v4 =	vtrunc.f32 v9;
	v6 =	vtrunc.f32 v15  }
0x347: {  	v28 =	vld [tilespmem:s19+$0x4000];
	v10 =	vtrunc.f32 v17;
	v4 =	vcvt.f32.s32 v4  }
0x348: {  	v29 =	vld [tilespmem:s19+$0x4010];
	v59 =	vmul.f32 $1.024000000e+03, v25;
	v25 =	vmul.f32 $5.120000000e+02, v25  }
0x349: {  	v3 =	vsub.f32 v3, v13;
	v13 =	vld [tilespmem:s19+$0x0];
	v36 =	vmul.f32 $1.024000000e+03, v27;
	v27 =	vmul.f32 $5.120000000e+02, v27  }
0x34a: {  	v11 =	vadd.f32 $8.705000000e+03, v11;
	v5 =	vtrunc.f32 v8;
	v6 =	vcvt.f32.s32 v6;
	[tilespmem:v12+s13+$0x0] =	vst.idx.add.f32.msk $0xffff, v1  }
0x34b: {  	v10 =	vcvt.f32.s32 v10;
	v26 =	vmul.f32 $1.024000000e+03, v18;
	[tilespmem:v12+s14+$0x0] =	vst.idx.add.f32.msk $0xffff, v2  }
0x34c: {  	v18 =	vmul.f32 $5.120000000e+02, v18;
	v5 =	vcvt.f32.s32 v5;
	v2 =	vsub.f32 v11, v14;
	v11 =	vld [tilespmem:s19+$0x70]  }
0x34d: {  	v19 =	vsub.s32 $0x3000, v4;
	v4 =	vcvt.f32.s32 v7;
	v7 =	vld [tilespmem:s19+$0x20];
	v36 =	vadd.f32 $8.192000000e+03, v36  }
0x34e: {  	v31 =	vld [tilespmem:s19+$0x4020];
	v25 =	vadd.f32 $8.705000000e+03, v25;
	v24 =	vsub.s32 $0x3000, v10;
	v26 =	vadd.f32 $8.192000000e+03, v26  }
0x34f: {  	v32 =	vld [tilespmem:s19+$0x4030];
	v18 =	vadd.f32 $8.705000000e+03, v18;
	v5 =	vsub.s32 $0x3000, v5;
	v10 =	vmul.f32 $1.024000000e+03, v13  }
0x350: {  	v20 =	vld [tilespmem:s19+$0x4070];
	v57 =	vsub.s32 $0x3000, v4;
	v13 =	vmul.f32 $5.120000000e+02, v13;
	v14 =	vtrunc.f32 v3  }
0x351: {  	v34 =	vld [tilespmem:s19+$0x4040];
	v55 =	vcvt.f32.s32 v14;
	v14 =	vsub.s32 $0x3000, v6;
	v56 =	vmul.f32 $1.024000000e+03, v11  }
0x352: {  	v6 =	vld [tilespmem:s19+$0x30];
	v10 =	vadd.f32 $8.192000000e+03, v10;
	v12 =	vtrunc.f32 v2;
	v58 =	vmul.f32 $1.024000000e+03, v7  }
0x353: {  	v60 =	vld [tilespmem:s19+$0x4060];
	v12 =	vcvt.f32.s32 v12;
	v11 =	vmul.f32 $5.120000000e+02, v11;
	v22 =	vadd.f32 $8.192000000e+03, v56  }
0x354: {  	v13 =	vadd.f32 $8.705000000e+03, v13;
	v7 =	vmul.f32 $5.120000000e+02, v7;
	[tilespmem:v19+s13+$0x0] =	vst.idx.add.f32.msk $0xffff, v1;
	v10 =	vmul.f32 v10, v28  }
0x355: {  	v4 =	vsub.s32 $0x3000, v12;
	v12 =	vld [tilespmem:s19+$0x50];
	v11 =	vadd.f32 $8.705000000e+03, v11;
	v20 =	vmul.f32 v22, v20  }
0x356: {  	v26 =	vmul.f32 v26, v29;
	[tilespmem:v19+s14+$0x0] =	vst.idx.add.f32.msk $0xffff, v9;
	v7 =	vadd.f32 $8.705000000e+03, v7;
	v9 =	vsub.f32 v13, v10  }
0x357: {  	[tilespmem:v5+s13+$0x0] =	vst.idx.add.f32.msk $0xffff, v1;
	v30 =	vmul.f32 $1.024000000e+03, v6;
	v6 =	vmul.f32 $5.120000000e+02, v6;
	v11 =	vsub.f32 v11, v20  }
0x358: {  	v62 =	vmul.f32 v36, v60;
	[tilespmem:v5+s14+$0x0] =	vst.idx.add.f32.msk $0xffff, v8;
	v10 =	vadd.f32 $8.705000000e+03, v27;
	v8 =	vsub.f32 v18, v26  }
0x359: {  	v37 =	vld [tilespmem:s19+$0x4050];
	v30 =	vadd.f32 $8.192000000e+03, v30;
	v6 =	vadd.f32 $8.705000000e+03, v6;
	v35 =	vtrunc.f32 v11  }
0x35a: {  	v22 =	vadd.f32 $8.192000000e+03, v59;
	v33 =	vmul.f32 $1.024000000e+03, v12;
	v35 =	vcvt.f32.s32 v35  }
0x35b: {  	v12 =	vmul.f32 $5.120000000e+02, v12;
	v19 =	vmul.f32 v30, v32;
	v20 =	vadd.f32 $8.192000000e+03, v58  }
0x35c: {  	[tilespmem:v24+s13+$0x0] =	vst.idx.add.f32.msk $0xffff, v1;
	v22 =	vmul.f32 v22, v34;
	v33 =	vadd.f32 $8.192000000e+03, v33;
	v35 =	vsub.s32 $0x3000, v35  }
0x35d: {  	[tilespmem:v57+s13+$0x0] =	vst.idx.add.f32.msk $0xffff, v1;
	v18 =	vtrunc.f32 v9;
	v5 =	vsub.f32 v6, v19;
	v20 =	vmul.f32 v20, v31  }
0x35e: {  	[tilespmem:v24+s14+$0x0] =	vst.idx.add.f32.msk $0xffff, v17;
	v12 =	vadd.f32 $8.705000000e+03, v12;
	v6 =	vsub.f32 v25, v22;
	v61 =	vmul.f32 v33, v37  }
0x35f: {  	[tilespmem:v14+s13+$0x0] =	vst.idx.add.f32.msk $0xffff, v1;
	v18 =	vcvt.f32.s32 v18;
	v63 =	vtrunc.f32 v5;
	v7 =	vsub.f32 v7, v20  }
0x360: {  	[tilespmem:v14+s14+$0x0] =	vst.idx.add.f32.msk $0xffff, v15;
	v25 =	vtrunc.f32 v6;
	v13 =	vsub.f32 v12, v61;
	v12 =	vsub.f32 v10, v62  }
0x361: {  	v10 =	vsub.s32 $0x3000, v55;
	v17 =	vcvt.f32.s32 v25;
	v20 =	vtrunc.f32 v7;
	[tilespmem:v35+s13+$0x0] =	vst.idx.add.f32.msk $0xffff, v1  }
0x362: {  	v14 =	vtrunc.f32 v13;
	[tilespmem:v35+s14+$0x0] =	vst.idx.add.f32.msk $0xffff, v11;
	v11 =	vtrunc.f32 v8  }
0x363: {  	[tilespmem:v57+s14+$0x0] =	vst.idx.add.f32.msk $0xffff, v16;
	v15 =	vtrunc.f32 v12;
	v19 =	vcvt.f32.s32 v11  }
0x364: {  	s20 =	simm.s32 $0x800;
	s21 =	simm.s32 $0x100;
	s19 =	simm.s32 $0x8;
	[tilespmem:v4+s13+$0x0] =	vst.idx.add.f32.msk $0xffff, v1;
	v16 =	vcvt.f32.s32 v20;
	v11 =	vsub.s32 $0x3000, v18;
	v18 =	vcvt.f32.s32 v63  }
.LBB2_16:
0x365: {  	s22 =	sand.u32 $0x1000, s21;
	s23 =	sand.u32 $0xC00, s20;
	v19 =	vsub.s32 $0x3000, v19;
	v14 =	vcvt.f32.s32 v14;
	v15 =	vcvt.f32.s32 v15;
	s18 =	sadd.s32 $0x20, s18;
	[tilespmem:v4+s14+$0x0] =	vst.idx.add.f32.msk $0xffff, v2;
	v2 =	vmovc v13  }
0x366: {  	s19 =	sadd.s32 $0x8, s19;
	v16 =	vsub.s32 $0x3000, v16;
	s22 =	sor.u32 s23, s22;
	s23 =	sand.u32 $0x380, s18;
	v18 =	vsub.s32 $0x3000, v18;
	v17 =	vsub.s32 $0x3000, v17;
	[tilespmem:v10+s13+$0x0] =	vst.idx.add.f32.msk $0xffff, v1  }
0x367: {  	p1 =	slt.u32 s19, $0x1F8;
	s22 =	sor.u32 s23, s22;
	v4 =	vsub.s32 $0x3000, v14;
	[tilespmem:v10+s14+$0x0] =	vst.idx.add.f32.msk $0xffff, v3;
	v10 =	vsub.s32 $0x3000, v15;
	v3 =	vmov v12  }
0x368: {  	v12 =	vld [tilespmem:s22+$0x70]  }
0x369: {  	v13 =	vld [tilespmem:s22+$0x0]  }
0x36a: {  	v14 =	vld [tilespmem:s22+$0x10]  }
0x36b: {  	v15 =	vld [tilespmem:s22+$0x20]  }
0x36c: {  	v20 =	vld [tilespmem:s22+$0x4070]  }
0x36d: {  	v21 =	vld [tilespmem:s22+$0x30];
	v22 =	vmul.f32 $1.024000000e+03, v12  }
0x36e: {  	v23 =	vmul.f32 $5.120000000e+02, v13;
	v13 =	vmul.f32 $1.024000000e+03, v13;
	v24 =	vld [tilespmem:s22+$0x40]  }
0x36f: {  	v12 =	vmul.f32 $5.120000000e+02, v12;
	v25 =	vmul.f32 $1.024000000e+03, v14;
	v26 =	vld [tilespmem:s22+$0x50];
	v22 =	vadd.f32 $8.192000000e+03, v22  }
0x370: {  	v14 =	vmul.f32 $5.120000000e+02, v14;
	v13 =	vadd.f32 $8.192000000e+03, v13;
	v27 =	vmul.f32 $1.024000000e+03, v15;
	v28 =	vld [tilespmem:s22+$0x60]  }
0x371: {  	v12 =	vadd.f32 $8.705000000e+03, v12;
	v29 =	vld [tilespmem:s22+$0x4000];
	v25 =	vadd.f32 $8.192000000e+03, v25;
	v20 =	vmul.f32 v22, v20  }
0x372: {  	v15 =	vmul.f32 $5.120000000e+02, v15;
	v22 =	vld [tilespmem:s22+$0x4010];
	v27 =	vadd.f32 $8.192000000e+03, v27;
	v30 =	vmul.f32 $1.024000000e+03, v21  }
0x373: {  	v21 =	vmul.f32 $5.120000000e+02, v21;
	v31 =	vld [tilespmem:s22+$0x4020];
	v32 =	vmul.f32 $1.024000000e+03, v24;
	v12 =	vsub.f32 v12, v20  }
0x374: {  	v24 =	vmul.f32 $5.120000000e+02, v24;
	v20 =	vld [tilespmem:s22+$0x4030];
	v30 =	vadd.f32 $8.192000000e+03, v30;
	v33 =	vmul.f32 $1.024000000e+03, v26  }
0x375: {  	v34 =	vld [tilespmem:s22+$0x4040];
	v32 =	vadd.f32 $8.192000000e+03, v32;
	v35 =	vmul.f32 $1.024000000e+03, v28;
	v36 =	vtrunc.f32 v12  }
0x376: {  	v26 =	vmul.f32 $5.120000000e+02, v26;
	v37 =	vld [tilespmem:s22+$0x4050];
	v33 =	vadd.f32 $8.192000000e+03, v33;
	v36 =	vcvt.f32.s32 v36  }
0x377: {  	v28 =	vmul.f32 $5.120000000e+02, v28;
	v13 =	vmul.f32 v13, v29;
	v29 =	vld [tilespmem:s22+$0x4060];
	v35 =	vadd.f32 $8.192000000e+03, v35  }
0x378: {  	v22 =	vmul.f32 v25, v22;
	v25 =	vmul.f32 v27, v31;
	v27 =	vsub.s32 $0x3000, v36;
	[tilespmem:v11+s13+$0x0] =	vst.idx.add.f32.msk $0xffff, v1  }
0x379: {  	v23 =	vadd.f32 $8.705000000e+03, v23;
	v14 =	vadd.f32 $8.705000000e+03, v14;
	v20 =	vmul.f32 v30, v20;
	[tilespmem:v11+s14+$0x0] =	vst.idx.add.f32.msk $0xffff, v9  }
0x37a: {  	v11 =	vadd.f32 $8.705000000e+03, v15;
	v15 =	vadd.f32 $8.705000000e+03, v21;
	v21 =	vmul.f32 v32, v34;
	[tilespmem:v19+s13+$0x0] =	vst.idx.add.f32.msk $0xffff, v1  }
0x37b: {  	v24 =	vadd.f32 $8.705000000e+03, v24;
	v26 =	vadd.f32 $8.705000000e+03, v26;
	v30 =	vmul.f32 v33, v37;
	[tilespmem:v19+s14+$0x0] =	vst.idx.add.f32.msk $0xffff, v8  }
0x37c: {  	v9 =	vsub.f32 v23, v13;
	v19 =	vadd.f32 $8.705000000e+03, v28;
	v23 =	vmul.f32 v35, v29;
	[tilespmem:v16+s13+$0x0] =	vst.idx.add.f32.msk $0xffff, v1  }
0x37d: {  	v8 =	vsub.f32 v14, v22;
	v11 =	vsub.f32 v11, v25;
	[tilespmem:v27+s13+$0x0] =	vst.idx.add.f32.msk $0xffff, v1  }
0x37e: {  	v22 =	vtrunc.f32 v9;
	v15 =	vsub.f32 v15, v20;
	v20 =	vsub.f32 v24, v21;
	[tilespmem:v27+s14+$0x0] =	vst.idx.add.f32.msk $0xffff, v12  }
0x37f: {  	v21 =	vtrunc.f32 v8;
	v13 =	vsub.f32 v26, v30;
	v12 =	vsub.f32 v19, v23;
	[tilespmem:v16+s14+$0x0] =	vst.idx.add.f32.msk $0xffff, v7  }
.Ltmp9:
0x380: {  	v23 =	vtrunc.f32 v15;
	v16 =	vtrunc.f32 v11;
	v7 =	vmov v11;
	[tilespmem:v18+s13+$0x0] =	vst.idx.add.f32.msk $0xffff, v1;
	(pc) =	sbr.rel @p1 .LBB2_16-.Ltmp9, $4  }
0x381: {  	v24 =	vtrunc.f32 v20;
	v14 =	vtrunc.f32 v13;
	[tilespmem:v18+s14+$0x0] =	vst.idx.add.f32.msk $0xffff, v5;
	v5 =	vmov v15  }
0x382: {  	v11 =	vcvt.f32.s32 v22;
	v15 =	vtrunc.f32 v12;
	[tilespmem:v17+s13+$0x0] =	vst.idx.add.f32.msk $0xffff, v1  }
0x383: {  	v19 =	vcvt.f32.s32 v21;
	v16 =	vcvt.f32.s32 v16;
	[tilespmem:v17+s14+$0x0] =	vst.idx.add.f32.msk $0xffff, v6;
	v6 =	vmov v20  }
0x384: {  	s20 =	sadd.s32 $0x400, s20;
	s21 =	sadd.s32 $0x80, s21;
	v11 =	vsub.s32 $0x3000, v11;
	v18 =	vcvt.f32.s32 v23;
	v17 =	vcvt.f32.s32 v24;
	[tilespmem:v4+s13+$0x0] =	vst.idx.add.f32.msk $0xffff, v1  }
0x385: {  	_ =	sdelay $0x3  }
0x386: {  	v19 =	vsub.s32 $0x3000, v19;
	[tilespmem:v4+s14+$0x0] =	vst.idx.add.f32.msk $0xffff, v2  }
0x387: {  	[tilespmem:v10+s13+$0x0] =	vst.idx.add.f32.msk $0xffff, v1;
	v2 =	vsub.s32 $0x3000, v16  }
0x388: {  	[tilespmem:v11+s13+$0x0] =	vst.idx.add.f32.msk $0xffff, v1  }
0x389: {  	[tilespmem:v10+s14+$0x0] =	vst.idx.add.f32.msk $0xffff, v3  }
0x38a: {  	v3 =	vsub.s32 $0x3000, v18;
	[tilespmem:v11+s14+$0x0] =	vst.idx.add.f32.msk $0xffff, v9  }
0x38b: {  	v9 =	vsub.s32 $0x3000, v17;
	[tilespmem:v19+s13+$0x0] =	vst.idx.add.f32.msk $0xffff, v1  }
0x38c: {  	v4 =	vcvt.f32.s32 v14;
	[tilespmem:v2+s13+$0x0] =	vst.idx.add.f32.msk $0xffff, v1  }
0x38d: {  	[tilespmem:v19+s14+$0x0] =	vst.idx.add.f32.msk $0xffff, v8  }
0x38e: {  	v4 =	vsub.s32 $0x3000, v4;
	v8 =	vcvt.f32.s32 v15;
	[tilespmem:v2+s14+$0x0] =	vst.idx.add.f32.msk $0xffff, v7  }
0x38f: {  	[tilespmem:v3+s13+$0x0] =	vst.idx.add.f32.msk $0xffff, v1  }
0x390: {  	[tilespmem:v9+s13+$0x0] =	vst.idx.add.f32.msk $0xffff, v1;
	v2 =	vsub.s32 $0x3000, v8  }
0x391: {  	[tilespmem:v3+s14+$0x0] =	vst.idx.add.f32.msk $0xffff, v5  }
0x392: {  	[tilespmem:v9+s14+$0x0] =	vst.idx.add.f32.msk $0xffff, v6  }
0x393: {  	[tilespmem:v4+s13+$0x0] =	vst.idx.add.f32.msk $0xffff, v1  }
0x394: {  	[tilespmem:v4+s14+$0x0] =	vst.idx.add.f32.msk $0xffff, v13  }
0x395: {  	[tilespmem:v2+s13+$0x0] =	vst.idx.add.f32.msk $0xffff, v1  }
0x396: {  	[tilespmem:v2+s14+$0x0] =	vst.idx.add.f32.msk $0xffff, v12  }
0x397: {  	_ =	swait.ge [sflag:s15], $0x2000  }
0x398: {  	[sflag:s15] =	ssyncset.done $0x0  }
0x399: {  	[sflag:s15] =	ssyncadd.s32 $0xFFFFE000  }
0x39a: {  	_ =	swait.ge [sflag:s15], $0x2000  }
0x39b: {  	[sflag:s15] =	ssyncset.done $0x0  }
0x39c: {  	s18 =	simm.s32 $0x0;
	s0 =	rddreg [dreg:$0xc];
	[sflag:s15] =	ssyncadd.s32 $0xFFFFE000  }
0x39d: {  	[tilespmem:s18], [sflag:$0x1] =	stream.linear.gather [hbm4b:s0+s18], $0x2000, $0x38;
	[tilespmem:$0x1A080] =	vst v63  }
0x39e: {  	s19 =	rddreg [dreg:$0xd]  }
0x39f: {  	[tilespmem:s9], [sflag:$0x1] =	stream.linear.gather [hbm4b:s19+s18], $0x2000, $0x38;
	[tilespmem:$0x1A080] =	vst v63  }
0x3a0: {  	s20 =	sand.u32 $0xC00, s18;
	s19 =	sand.u32 $0x1000, s18  }
0x3a1: {  	s18 =	sand.u32 $0x380, s18;
	s19 =	sor.u32 s20, s19  }
0x3a2: {  	s18 =	sor.u32 s18, s19  }
0x3a3: {  	v2 =	vld [tilespmem:s18+$0x2070]  }
0x3a4: {  	v3 =	vld [tilespmem:s18+$0x2000]  }
0x3a5: {  	v4 =	vld [tilespmem:s18+$0x2010]  }
0x3a6: {  	v5 =	vld [tilespmem:s18+$0x2020]  }
0x3a7: {  	v7 =	vld [tilespmem:s18+$0x2030]  }
0x3a8: {  	v10 =	vld [tilespmem:s18+$0x2040]  }
0x3a9: {  	v13 =	vld [tilespmem:s18+$0x2060];
	v8 =	vmul.f32 $1.024000000e+03, v2  }
0x3aa: {  	v9 =	vmul.f32 $1.024000000e+03, v3;
	v3 =	vmul.f32 $5.120000000e+02, v3  }
0x3ab: {  	v2 =	vmul.f32 $5.120000000e+02, v2;
	v12 =	vmul.f32 $1.024000000e+03, v4  }
0x3ac: {  	v4 =	vmul.f32 $5.120000000e+02, v4;
	v14 =	vmul.f32 $1.024000000e+03, v5  }
0x3ad: {  	v6 =	vld [tilespmem:s18+$0x6070];
	v16 =	vmul.f32 $1.024000000e+03, v7;
	v18 =	vmul.f32 $1.024000000e+03, v10  }
0x3ae: {  	v15 =	vld [tilespmem:s18+$0x6000];
	v20 =	vmul.f32 $1.024000000e+03, v13;
	v8 =	vadd.f32 $8.192000000e+03, v8;
	v9 =	vadd.f32 $8.192000000e+03, v9  }
0x3af: {  	v19 =	vld [tilespmem:s18+$0x6030];
	v5 =	vmul.f32 $5.120000000e+02, v5;
	v2 =	vadd.f32 $8.705000000e+03, v2;
	v16 =	vadd.f32 $8.192000000e+03, v16  }
0x3b0: {  	v11 =	vld [tilespmem:s18+$0x2050];
	v7 =	vmul.f32 $5.120000000e+02, v7;
	v18 =	vadd.f32 $8.192000000e+03, v18;
	v20 =	vadd.f32 $8.192000000e+03, v20  }
0x3b1: {  	v17 =	vld [tilespmem:s18+$0x6020];
	v10 =	vmul.f32 $5.120000000e+02, v10;
	v3 =	vadd.f32 $8.705000000e+03, v3;
	v4 =	vadd.f32 $8.705000000e+03, v4  }
0x3b2: {  	v22 =	vld [tilespmem:s18+$0x6040];
	v5 =	vadd.f32 $8.705000000e+03, v5;
	v7 =	vadd.f32 $8.705000000e+03, v7;
	v6 =	vmul.f32 v8, v6  }
0x3b3: {  	v13 =	vmul.f32 $5.120000000e+02, v13;
	v10 =	vadd.f32 $8.705000000e+03, v10;
	v8 =	vadd.f32 $8.192000000e+03, v12;
	v12 =	vld [tilespmem:s18+$0x6010]  }
0x3b4: {  	s21 =	simm.s32 $0x80;
	s20 =	simm.s32 $0x400;
	v9 =	vmul.f32 v9, v15;
	v15 =	vld [tilespmem:s18+$0x6060];
	v16 =	vmul.f32 v16, v19;
	v2 =	vsub.f32 v2, v6  }
0x3b5: {  	s19 =	sand.u32 $0x1000, s21;
	s22 =	sand.u32 $0xC00, s20;
	v23 =	vld [tilespmem:s18+$0x6050];
	s18 =	simm.s32 $0x20;
	v6 =	vadd.f32 $8.192000000e+03, v14;
	v14 =	vmul.f32 $1.024000000e+03, v11;
	v11 =	vmul.f32 $5.120000000e+02, v11  }
0x3b6: {  	s19 =	sor.u32 s22, s19;
	s23 =	sand.u32 $0x380, s18;
	v9 =	vsub.f32 v3, v9;
	v16 =	vsub.f32 v7, v16;
	v21 =	vtrunc.f32 v2  }
0x3b7: {  	v3 =	vadd.f32 $8.705000000e+03, v13;
	s19 =	sor.u32 s23, s19;
	v6 =	vmul.f32 v6, v17;
	v17 =	vmul.f32 v18, v22  }
0x3b8: {  	v25 =	vld [tilespmem:s19+$0x2040];
	v14 =	vadd.f32 $8.192000000e+03, v14;
	v7 =	vtrunc.f32 v16;
	v21 =	vcvt.f32.s32 v21  }
0x3b9: {  	v27 =	vld [tilespmem:s19+$0x2060];
	v8 =	vmul.f32 v8, v12;
	v13 =	vmul.f32 v20, v15;
	v15 =	vsub.f32 v5, v6  }
0x3ba: {  	v14 =	vmul.f32 v14, v23;
	v17 =	vsub.f32 v10, v17;
	v12 =	vsub.s32 $0x3000, v21  }
0x3bb: {  	v18 =	vld [tilespmem:s19+$0x2010];
	v8 =	vsub.f32 v4, v8;
	v4 =	vtrunc.f32 v9;
	v6 =	vtrunc.f32 v15  }
0x3bc: {  	v28 =	vld [tilespmem:s19+$0x6000];
	v10 =	vtrunc.f32 v17;
	v4 =	vcvt.f32.s32 v4  }
0x3bd: {  	v29 =	vld [tilespmem:s19+$0x6010];
	v59 =	vmul.f32 $1.024000000e+03, v25;
	v25 =	vmul.f32 $5.120000000e+02, v25  }
0x3be: {  	v3 =	vsub.f32 v3, v13;
	v13 =	vld [tilespmem:s19+$0x2000];
	v36 =	vmul.f32 $1.024000000e+03, v27;
	v27 =	vmul.f32 $5.120000000e+02, v27  }
0x3bf: {  	v11 =	vadd.f32 $8.705000000e+03, v11;
	v5 =	vtrunc.f32 v8;
	v6 =	vcvt.f32.s32 v6;
	[tilespmem:v12+s13+$0x0] =	vst.idx.add.f32.msk $0xffff, v1  }
0x3c0: {  	v10 =	vcvt.f32.s32 v10;
	v26 =	vmul.f32 $1.024000000e+03, v18;
	[tilespmem:v12+s14+$0x0] =	vst.idx.add.f32.msk $0xffff, v2  }
0x3c1: {  	v18 =	vmul.f32 $5.120000000e+02, v18;
	v5 =	vcvt.f32.s32 v5;
	v2 =	vsub.f32 v11, v14;
	v11 =	vld [tilespmem:s19+$0x2070]  }
0x3c2: {  	v19 =	vsub.s32 $0x3000, v4;
	v4 =	vcvt.f32.s32 v7;
	v7 =	vld [tilespmem:s19+$0x2020];
	v36 =	vadd.f32 $8.192000000e+03, v36  }
0x3c3: {  	v31 =	vld [tilespmem:s19+$0x6020];
	v25 =	vadd.f32 $8.705000000e+03, v25;
	v24 =	vsub.s32 $0x3000, v10;
	v26 =	vadd.f32 $8.192000000e+03, v26  }
0x3c4: {  	v32 =	vld [tilespmem:s19+$0x6030];
	v18 =	vadd.f32 $8.705000000e+03, v18;
	v5 =	vsub.s32 $0x3000, v5;
	v10 =	vmul.f32 $1.024000000e+03, v13  }
0x3c5: {  	v20 =	vld [tilespmem:s19+$0x6070];
	v57 =	vsub.s32 $0x3000, v4;
	v13 =	vmul.f32 $5.120000000e+02, v13;
	v14 =	vtrunc.f32 v3  }
0x3c6: {  	v34 =	vld [tilespmem:s19+$0x6040];
	v55 =	vcvt.f32.s32 v14;
	v14 =	vsub.s32 $0x3000, v6;
	v56 =	vmul.f32 $1.024000000e+03, v11  }
0x3c7: {  	v6 =	vld [tilespmem:s19+$0x2030];
	v10 =	vadd.f32 $8.192000000e+03, v10;
	v12 =	vtrunc.f32 v2;
	v58 =	vmul.f32 $1.024000000e+03, v7  }
0x3c8: {  	v60 =	vld [tilespmem:s19+$0x6060];
	v12 =	vcvt.f32.s32 v12;
	v11 =	vmul.f32 $5.120000000e+02, v11;
	v22 =	vadd.f32 $8.192000000e+03, v56  }
0x3c9: {  	v13 =	vadd.f32 $8.705000000e+03, v13;
	v7 =	vmul.f32 $5.120000000e+02, v7;
	[tilespmem:v19+s13+$0x0] =	vst.idx.add.f32.msk $0xffff, v1;
	v10 =	vmul.f32 v10, v28  }
0x3ca: {  	v4 =	vsub.s32 $0x3000, v12;
	v12 =	vld [tilespmem:s19+$0x2050];
	v11 =	vadd.f32 $8.705000000e+03, v11;
	v20 =	vmul.f32 v22, v20  }
0x3cb: {  	v26 =	vmul.f32 v26, v29;
	[tilespmem:v19+s14+$0x0] =	vst.idx.add.f32.msk $0xffff, v9;
	v7 =	vadd.f32 $8.705000000e+03, v7;
	v9 =	vsub.f32 v13, v10  }
0x3cc: {  	[tilespmem:v5+s13+$0x0] =	vst.idx.add.f32.msk $0xffff, v1;
	v30 =	vmul.f32 $1.024000000e+03, v6;
	v6 =	vmul.f32 $5.120000000e+02, v6;
	v11 =	vsub.f32 v11, v20  }
0x3cd: {  	v62 =	vmul.f32 v36, v60;
	[tilespmem:v5+s14+$0x0] =	vst.idx.add.f32.msk $0xffff, v8;
	v10 =	vadd.f32 $8.705000000e+03, v27;
	v8 =	vsub.f32 v18, v26  }
0x3ce: {  	v37 =	vld [tilespmem:s19+$0x6050];
	v30 =	vadd.f32 $8.192000000e+03, v30;
	v6 =	vadd.f32 $8.705000000e+03, v6;
	v35 =	vtrunc.f32 v11  }
0x3cf: {  	v22 =	vadd.f32 $8.192000000e+03, v59;
	v33 =	vmul.f32 $1.024000000e+03, v12;
	v35 =	vcvt.f32.s32 v35  }
0x3d0: {  	v12 =	vmul.f32 $5.120000000e+02, v12;
	v19 =	vmul.f32 v30, v32;
	v20 =	vadd.f32 $8.192000000e+03, v58  }
0x3d1: {  	[tilespmem:v24+s13+$0x0] =	vst.idx.add.f32.msk $0xffff, v1;
	v22 =	vmul.f32 v22, v34;
	v33 =	vadd.f32 $8.192000000e+03, v33;
	v35 =	vsub.s32 $0x3000, v35  }
0x3d2: {  	[tilespmem:v57+s13+$0x0] =	vst.idx.add.f32.msk $0xffff, v1;
	v18 =	vtrunc.f32 v9;
	v5 =	vsub.f32 v6, v19;
	v20 =	vmul.f32 v20, v31  }
0x3d3: {  	[tilespmem:v24+s14+$0x0] =	vst.idx.add.f32.msk $0xffff, v17;
	v12 =	vadd.f32 $8.705000000e+03, v12;
	v6 =	vsub.f32 v25, v22;
	v61 =	vmul.f32 v33, v37  }
0x3d4: {  	[tilespmem:v14+s13+$0x0] =	vst.idx.add.f32.msk $0xffff, v1;
	v18 =	vcvt.f32.s32 v18;
	v63 =	vtrunc.f32 v5;
	v7 =	vsub.f32 v7, v20  }
0x3d5: {  	[tilespmem:v14+s14+$0x0] =	vst.idx.add.f32.msk $0xffff, v15;
	v25 =	vtrunc.f32 v6;
	v13 =	vsub.f32 v12, v61;
	v12 =	vsub.f32 v10, v62  }
0x3d6: {  	v10 =	vsub.s32 $0x3000, v55;
	v17 =	vcvt.f32.s32 v25;
	v20 =	vtrunc.f32 v7;
	[tilespmem:v35+s13+$0x0] =	vst.idx.add.f32.msk $0xffff, v1  }
0x3d7: {  	v14 =	vtrunc.f32 v13;
	[tilespmem:v35+s14+$0x0] =	vst.idx.add.f32.msk $0xffff, v11;
	v11 =	vtrunc.f32 v8  }
0x3d8: {  	[tilespmem:v57+s14+$0x0] =	vst.idx.add.f32.msk $0xffff, v16;
	v15 =	vtrunc.f32 v12;
	v19 =	vcvt.f32.s32 v11  }
0x3d9: {  	s20 =	simm.s32 $0x800;
	s21 =	simm.s32 $0x100;
	s19 =	simm.s32 $0x8;
	[tilespmem:v4+s13+$0x0] =	vst.idx.add.f32.msk $0xffff, v1;
	v16 =	vcvt.f32.s32 v20;
	v11 =	vsub.s32 $0x3000, v18;
	v18 =	vcvt.f32.s32 v63  }
.LBB2_18:
0x3da: {  	s22 =	sand.u32 $0x1000, s21;
	s23 =	sand.u32 $0xC00, s20;
	v19 =	vsub.s32 $0x3000, v19;
	v14 =	vcvt.f32.s32 v14;
	v15 =	vcvt.f32.s32 v15;
	s18 =	sadd.s32 $0x20, s18;
	[tilespmem:v4+s14+$0x0] =	vst.idx.add.f32.msk $0xffff, v2;
	v2 =	vmovc v13  }
0x3db: {  	s19 =	sadd.s32 $0x8, s19;
	v16 =	vsub.s32 $0x3000, v16;
	s22 =	sor.u32 s23, s22;
	s23 =	sand.u32 $0x380, s18;
	v18 =	vsub.s32 $0x3000, v18;
	v17 =	vsub.s32 $0x3000, v17;
	[tilespmem:v10+s13+$0x0] =	vst.idx.add.f32.msk $0xffff, v1  }
0x3dc: {  	p1 =	slt.u32 s19, $0x1F8;
	s22 =	sor.u32 s23, s22;
	v4 =	vsub.s32 $0x3000, v14;
	[tilespmem:v10+s14+$0x0] =	vst.idx.add.f32.msk $0xffff, v3;
	v10 =	vsub.s32 $0x3000, v15;
	v3 =	vmov v12  }
0x3dd: {  	v12 =	vld [tilespmem:s22+$0x2070]  }
0x3de: {  	v13 =	vld [tilespmem:s22+$0x2000]  }
0x3df: {  	v14 =	vld [tilespmem:s22+$0x2010]  }
0x3e0: {  	v15 =	vld [tilespmem:s22+$0x2020]  }
0x3e1: {  	v20 =	vld [tilespmem:s22+$0x6070]  }
0x3e2: {  	v21 =	vld [tilespmem:s22+$0x2030];
	v22 =	vmul.f32 $1.024000000e+03, v12  }
0x3e3: {  	v23 =	vmul.f32 $5.120000000e+02, v13;
	v13 =	vmul.f32 $1.024000000e+03, v13;
	v24 =	vld [tilespmem:s22+$0x2040]  }
0x3e4: {  	v12 =	vmul.f32 $5.120000000e+02, v12;
	v25 =	vmul.f32 $1.024000000e+03, v14;
	v26 =	vld [tilespmem:s22+$0x2050];
	v22 =	vadd.f32 $8.192000000e+03, v22  }
0x3e5: {  	v14 =	vmul.f32 $5.120000000e+02, v14;
	v13 =	vadd.f32 $8.192000000e+03, v13;
	v27 =	vmul.f32 $1.024000000e+03, v15;
	v28 =	vld [tilespmem:s22+$0x2060]  }
0x3e6: {  	v12 =	vadd.f32 $8.705000000e+03, v12;
	v29 =	vld [tilespmem:s22+$0x6000];
	v25 =	vadd.f32 $8.192000000e+03, v25;
	v20 =	vmul.f32 v22, v20  }
0x3e7: {  	v15 =	vmul.f32 $5.120000000e+02, v15;
	v22 =	vld [tilespmem:s22+$0x6010];
	v27 =	vadd.f32 $8.192000000e+03, v27;
	v30 =	vmul.f32 $1.024000000e+03, v21  }
0x3e8: {  	v21 =	vmul.f32 $5.120000000e+02, v21;
	v31 =	vld [tilespmem:s22+$0x6020];
	v32 =	vmul.f32 $1.024000000e+03, v24;
	v12 =	vsub.f32 v12, v20  }
0x3e9: {  	v24 =	vmul.f32 $5.120000000e+02, v24;
	v20 =	vld [tilespmem:s22+$0x6030];
	v30 =	vadd.f32 $8.192000000e+03, v30;
	v33 =	vmul.f32 $1.024000000e+03, v26  }
0x3ea: {  	v34 =	vld [tilespmem:s22+$0x6040];
	v32 =	vadd.f32 $8.192000000e+03, v32;
	v35 =	vmul.f32 $1.024000000e+03, v28;
	v36 =	vtrunc.f32 v12  }
0x3eb: {  	v26 =	vmul.f32 $5.120000000e+02, v26;
	v37 =	vld [tilespmem:s22+$0x6050];
	v33 =	vadd.f32 $8.192000000e+03, v33;
	v36 =	vcvt.f32.s32 v36  }
0x3ec: {  	v28 =	vmul.f32 $5.120000000e+02, v28;
	v13 =	vmul.f32 v13, v29;
	v29 =	vld [tilespmem:s22+$0x6060];
	v35 =	vadd.f32 $8.192000000e+03, v35  }
0x3ed: {  	v22 =	vmul.f32 v25, v22;
	v25 =	vmul.f32 v27, v31;
	v27 =	vsub.s32 $0x3000, v36;
	[tilespmem:v11+s13+$0x0] =	vst.idx.add.f32.msk $0xffff, v1  }
0x3ee: {  	v23 =	vadd.f32 $8.705000000e+03, v23;
	v14 =	vadd.f32 $8.705000000e+03, v14;
	v20 =	vmul.f32 v30, v20;
	[tilespmem:v11+s14+$0x0] =	vst.idx.add.f32.msk $0xffff, v9  }
0x3ef: {  	v11 =	vadd.f32 $8.705000000e+03, v15;
	v15 =	vadd.f32 $8.705000000e+03, v21;
	v21 =	vmul.f32 v32, v34;
	[tilespmem:v19+s13+$0x0] =	vst.idx.add.f32.msk $0xffff, v1  }
0x3f0: {  	v24 =	vadd.f32 $8.705000000e+03, v24;
	v26 =	vadd.f32 $8.705000000e+03, v26;
	v30 =	vmul.f32 v33, v37;
	[tilespmem:v19+s14+$0x0] =	vst.idx.add.f32.msk $0xffff, v8  }
0x3f1: {  	v9 =	vsub.f32 v23, v13;
	v19 =	vadd.f32 $8.705000000e+03, v28;
	v23 =	vmul.f32 v35, v29;
	[tilespmem:v16+s13+$0x0] =	vst.idx.add.f32.msk $0xffff, v1  }
0x3f2: {  	v8 =	vsub.f32 v14, v22;
	v11 =	vsub.f32 v11, v25;
	[tilespmem:v27+s13+$0x0] =	vst.idx.add.f32.msk $0xffff, v1  }
0x3f3: {  	v22 =	vtrunc.f32 v9;
	v15 =	vsub.f32 v15, v20;
	v20 =	vsub.f32 v24, v21;
	[tilespmem:v27+s14+$0x0] =	vst.idx.add.f32.msk $0xffff, v12  }
0x3f4: {  	v21 =	vtrunc.f32 v8;
	v13 =	vsub.f32 v26, v30;
	v12 =	vsub.f32 v19, v23;
	[tilespmem:v16+s14+$0x0] =	vst.idx.add.f32.msk $0xffff, v7  }
.Ltmp10:
0x3f5: {  	v23 =	vtrunc.f32 v15;
	v16 =	vtrunc.f32 v11;
	v7 =	vmov v11;
	[tilespmem:v18+s13+$0x0] =	vst.idx.add.f32.msk $0xffff, v1;
	(pc) =	sbr.rel @p1 .LBB2_18-.Ltmp10, $4  }
0x3f6: {  	v24 =	vtrunc.f32 v20;
	v14 =	vtrunc.f32 v13;
	[tilespmem:v18+s14+$0x0] =	vst.idx.add.f32.msk $0xffff, v5;
	v5 =	vmov v15  }
0x3f7: {  	v11 =	vcvt.f32.s32 v22;
	v15 =	vtrunc.f32 v12;
	[tilespmem:v17+s13+$0x0] =	vst.idx.add.f32.msk $0xffff, v1  }
0x3f8: {  	v19 =	vcvt.f32.s32 v21;
	v16 =	vcvt.f32.s32 v16;
	[tilespmem:v17+s14+$0x0] =	vst.idx.add.f32.msk $0xffff, v6;
	v6 =	vmov v20  }
0x3f9: {  	s20 =	sadd.s32 $0x400, s20;
	s21 =	sadd.s32 $0x80, s21;
	v11 =	vsub.s32 $0x3000, v11;
	v18 =	vcvt.f32.s32 v23;
	v17 =	vcvt.f32.s32 v24;
	[tilespmem:v4+s13+$0x0] =	vst.idx.add.f32.msk $0xffff, v1  }
0x3fa: {  	_ =	sdelay $0x3  }
0x3fb: {  	v19 =	vsub.s32 $0x3000, v19;
	[tilespmem:v4+s14+$0x0] =	vst.idx.add.f32.msk $0xffff, v2  }
0x3fc: {  	[tilespmem:v10+s13+$0x0] =	vst.idx.add.f32.msk $0xffff, v1;
	v2 =	vsub.s32 $0x3000, v16  }
0x3fd: {  	[tilespmem:v11+s13+$0x0] =	vst.idx.add.f32.msk $0xffff, v1  }
0x3fe: {  	[tilespmem:v10+s14+$0x0] =	vst.idx.add.f32.msk $0xffff, v3  }
0x3ff: {  	v3 =	vsub.s32 $0x3000, v18;
	[tilespmem:v11+s14+$0x0] =	vst.idx.add.f32.msk $0xffff, v9  }
0x400: {  	v9 =	vsub.s32 $0x3000, v17;
	[tilespmem:v19+s13+$0x0] =	vst.idx.add.f32.msk $0xffff, v1  }
0x401: {  	v4 =	vcvt.f32.s32 v14;
	[tilespmem:v2+s13+$0x0] =	vst.idx.add.f32.msk $0xffff, v1  }
0x402: {  	[tilespmem:v19+s14+$0x0] =	vst.idx.add.f32.msk $0xffff, v8  }
0x403: {  	v4 =	vsub.s32 $0x3000, v4;
	v8 =	vcvt.f32.s32 v15;
	[tilespmem:v2+s14+$0x0] =	vst.idx.add.f32.msk $0xffff, v7  }
0x404: {  	[tilespmem:v3+s13+$0x0] =	vst.idx.add.f32.msk $0xffff, v1  }
0x405: {  	[tilespmem:v9+s13+$0x0] =	vst.idx.add.f32.msk $0xffff, v1;
	v2 =	vsub.s32 $0x3000, v8  }
0x406: {  	[tilespmem:v3+s14+$0x0] =	vst.idx.add.f32.msk $0xffff, v5  }
0x407: {  	[tilespmem:v9+s14+$0x0] =	vst.idx.add.f32.msk $0xffff, v6  }
0x408: {  	[tilespmem:v4+s13+$0x0] =	vst.idx.add.f32.msk $0xffff, v1  }
0x409: {  	[tilespmem:v4+s14+$0x0] =	vst.idx.add.f32.msk $0xffff, v13  }
0x40a: {  	[tilespmem:v2+s13+$0x0] =	vst.idx.add.f32.msk $0xffff, v1  }
0x40b: {  	[tilespmem:v2+s14+$0x0] =	vst.idx.add.f32.msk $0xffff, v12  }
0x40c: {  	_ =	swait.ge [sflag:s10], $0x2000  }
0x40d: {  	[sflag:s10] =	ssyncset.done $0x0  }
0x40e: {  	[sflag:s10] =	ssyncadd.s32 $0xFFFFE000  }
0x40f: {  	_ =	swait.ge [sflag:s10], $0x2000  }
0x410: {  	[sflag:s10] =	ssyncset.done $0x0  }
0x411: {  	s18 =	simm.s32 $0x0;
	s0 =	rddreg [dreg:$0xe];
	[sflag:s10] =	ssyncadd.s32 $0xFFFFE000  }
0x412: {  	[tilespmem:s11], [sflag:$0x2] =	stream.linear.gather [hbm4b:s0+s18], $0x2000, $0x38;
	[tilespmem:$0x1A080] =	vst v63  }
0x413: {  	s19 =	rddreg [dreg:$0xf]  }
0x414: {  	[tilespmem:s12], [sflag:$0x2] =	stream.linear.gather [hbm4b:s19+s18], $0x2000, $0x38;
	[tilespmem:$0x1A080] =	vst v63  }
0x415: {  	s20 =	sand.u32 $0xC00, s18;
	s19 =	sand.u32 $0x1000, s18  }
0x416: {  	s18 =	sand.u32 $0x380, s18;
	s19 =	sor.u32 s20, s19  }
0x417: {  	s18 =	sor.u32 s18, s19  }
0x418: {  	v2 =	vld [tilespmem:s18+$0x70]  }
0x419: {  	v3 =	vld [tilespmem:s18+$0x0]  }
0x41a: {  	v4 =	vld [tilespmem:s18+$0x10]  }
0x41b: {  	v5 =	vld [tilespmem:s18+$0x20]  }
0x41c: {  	v7 =	vld [tilespmem:s18+$0x30]  }
0x41d: {  	v10 =	vld [tilespmem:s18+$0x40]  }
0x41e: {  	v13 =	vld [tilespmem:s18+$0x60];
	v8 =	vmul.f32 $1.024000000e+03, v2  }
0x41f: {  	v9 =	vmul.f32 $1.024000000e+03, v3;
	v3 =	vmul.f32 $5.120000000e+02, v3  }
0x420: {  	v2 =	vmul.f32 $5.120000000e+02, v2;
	v12 =	vmul.f32 $1.024000000e+03, v4  }
0x421: {  	v4 =	vmul.f32 $5.120000000e+02, v4;
	v14 =	vmul.f32 $1.024000000e+03, v5  }
0x422: {  	v6 =	vld [tilespmem:s18+$0x4070];
	v16 =	vmul.f32 $1.024000000e+03, v7;
	v18 =	vmul.f32 $1.024000000e+03, v10  }
0x423: {  	v15 =	vld [tilespmem:s18+$0x4000];
	v20 =	vmul.f32 $1.024000000e+03, v13;
	v8 =	vadd.f32 $8.192000000e+03, v8;
	v9 =	vadd.f32 $8.192000000e+03, v9  }
0x424: {  	v19 =	vld [tilespmem:s18+$0x4030];
	v5 =	vmul.f32 $5.120000000e+02, v5;
	v2 =	vadd.f32 $8.705000000e+03, v2;
	v16 =	vadd.f32 $8.192000000e+03, v16  }
0x425: {  	v11 =	vld [tilespmem:s18+$0x50];
	v7 =	vmul.f32 $5.120000000e+02, v7;
	v18 =	vadd.f32 $8.192000000e+03, v18;
	v20 =	vadd.f32 $8.192000000e+03, v20  }
0x426: {  	v17 =	vld [tilespmem:s18+$0x4020];
	v10 =	vmul.f32 $5.120000000e+02, v10;
	v3 =	vadd.f32 $8.705000000e+03, v3;
	v4 =	vadd.f32 $8.705000000e+03, v4  }
0x427: {  	v22 =	vld [tilespmem:s18+$0x4040];
	v5 =	vadd.f32 $8.705000000e+03, v5;
	v7 =	vadd.f32 $8.705000000e+03, v7;
	v6 =	vmul.f32 v8, v6  }
0x428: {  	v13 =	vmul.f32 $5.120000000e+02, v13;
	v10 =	vadd.f32 $8.705000000e+03, v10;
	v8 =	vadd.f32 $8.192000000e+03, v12;
	v12 =	vld [tilespmem:s18+$0x4010]  }
0x429: {  	s21 =	simm.s32 $0x80;
	s20 =	simm.s32 $0x400;
	v9 =	vmul.f32 v9, v15;
	v15 =	vld [tilespmem:s18+$0x4060];
	v16 =	vmul.f32 v16, v19;
	v2 =	vsub.f32 v2, v6  }
0x42a: {  	s19 =	sand.u32 $0x1000, s21;
	s22 =	sand.u32 $0xC00, s20;
	v23 =	vld [tilespmem:s18+$0x4050];
	s18 =	simm.s32 $0x20;
	v6 =	vadd.f32 $8.192000000e+03, v14;
	v14 =	vmul.f32 $1.024000000e+03, v11;
	v11 =	vmul.f32 $5.120000000e+02, v11  }
0x42b: {  	s19 =	sor.u32 s22, s19;
	s23 =	sand.u32 $0x380, s18;
	v9 =	vsub.f32 v3, v9;
	v16 =	vsub.f32 v7, v16;
	v21 =	vtrunc.f32 v2  }
0x42c: {  	v3 =	vadd.f32 $8.705000000e+03, v13;
	s19 =	sor.u32 s23, s19;
	v6 =	vmul.f32 v6, v17;
	v17 =	vmul.f32 v18, v22  }
0x42d: {  	v25 =	vld [tilespmem:s19+$0x40];
	v14 =	vadd.f32 $8.192000000e+03, v14;
	v7 =	vtrunc.f32 v16;
	v21 =	vcvt.f32.s32 v21  }
0x42e: {  	v27 =	vld [tilespmem:s19+$0x60];
	v8 =	vmul.f32 v8, v12;
	v13 =	vmul.f32 v20, v15;
	v15 =	vsub.f32 v5, v6  }
0x42f: {  	v14 =	vmul.f32 v14, v23;
	v17 =	vsub.f32 v10, v17;
	v12 =	vsub.s32 $0x3000, v21  }
0x430: {  	v18 =	vld [tilespmem:s19+$0x10];
	v8 =	vsub.f32 v4, v8;
	v4 =	vtrunc.f32 v9;
	v6 =	vtrunc.f32 v15  }
0x431: {  	v28 =	vld [tilespmem:s19+$0x4000];
	v10 =	vtrunc.f32 v17;
	v4 =	vcvt.f32.s32 v4  }
0x432: {  	v29 =	vld [tilespmem:s19+$0x4010];
	v59 =	vmul.f32 $1.024000000e+03, v25;
	v25 =	vmul.f32 $5.120000000e+02, v25  }
0x433: {  	v3 =	vsub.f32 v3, v13;
	v13 =	vld [tilespmem:s19+$0x0];
	v36 =	vmul.f32 $1.024000000e+03, v27;
	v27 =	vmul.f32 $5.120000000e+02, v27  }
0x434: {  	v11 =	vadd.f32 $8.705000000e+03, v11;
	v5 =	vtrunc.f32 v8;
	v6 =	vcvt.f32.s32 v6;
	[tilespmem:v12+s13+$0x0] =	vst.idx.add.f32.msk $0xffff, v1  }
0x435: {  	v10 =	vcvt.f32.s32 v10;
	v26 =	vmul.f32 $1.024000000e+03, v18;
	[tilespmem:v12+s14+$0x0] =	vst.idx.add.f32.msk $0xffff, v2  }
0x436: {  	v18 =	vmul.f32 $5.120000000e+02, v18;
	v5 =	vcvt.f32.s32 v5;
	v2 =	vsub.f32 v11, v14;
	v11 =	vld [tilespmem:s19+$0x70]  }
0x437: {  	v19 =	vsub.s32 $0x3000, v4;
	v4 =	vcvt.f32.s32 v7;
	v7 =	vld [tilespmem:s19+$0x20];
	v36 =	vadd.f32 $8.192000000e+03, v36  }
0x438: {  	v31 =	vld [tilespmem:s19+$0x4020];
	v25 =	vadd.f32 $8.705000000e+03, v25;
	v24 =	vsub.s32 $0x3000, v10;
	v26 =	vadd.f32 $8.192000000e+03, v26  }
0x439: {  	v32 =	vld [tilespmem:s19+$0x4030];
	v18 =	vadd.f32 $8.705000000e+03, v18;
	v5 =	vsub.s32 $0x3000, v5;
	v10 =	vmul.f32 $1.024000000e+03, v13  }
0x43a: {  	v20 =	vld [tilespmem:s19+$0x4070];
	v57 =	vsub.s32 $0x3000, v4;
	v13 =	vmul.f32 $5.120000000e+02, v13;
	v14 =	vtrunc.f32 v3  }
0x43b: {  	v34 =	vld [tilespmem:s19+$0x4040];
	v55 =	vcvt.f32.s32 v14;
	v14 =	vsub.s32 $0x3000, v6;
	v56 =	vmul.f32 $1.024000000e+03, v11  }
0x43c: {  	v6 =	vld [tilespmem:s19+$0x30];
	v10 =	vadd.f32 $8.192000000e+03, v10;
	v12 =	vtrunc.f32 v2;
	v58 =	vmul.f32 $1.024000000e+03, v7  }
0x43d: {  	v60 =	vld [tilespmem:s19+$0x4060];
	v12 =	vcvt.f32.s32 v12;
	v11 =	vmul.f32 $5.120000000e+02, v11;
	v22 =	vadd.f32 $8.192000000e+03, v56  }
0x43e: {  	v13 =	vadd.f32 $8.705000000e+03, v13;
	v7 =	vmul.f32 $5.120000000e+02, v7;
	[tilespmem:v19+s13+$0x0] =	vst.idx.add.f32.msk $0xffff, v1;
	v10 =	vmul.f32 v10, v28  }
0x43f: {  	v4 =	vsub.s32 $0x3000, v12;
	v12 =	vld [tilespmem:s19+$0x50];
	v11 =	vadd.f32 $8.705000000e+03, v11;
	v20 =	vmul.f32 v22, v20  }
0x440: {  	v26 =	vmul.f32 v26, v29;
	[tilespmem:v19+s14+$0x0] =	vst.idx.add.f32.msk $0xffff, v9;
	v7 =	vadd.f32 $8.705000000e+03, v7;
	v9 =	vsub.f32 v13, v10  }
0x441: {  	[tilespmem:v5+s13+$0x0] =	vst.idx.add.f32.msk $0xffff, v1;
	v30 =	vmul.f32 $1.024000000e+03, v6;
	v6 =	vmul.f32 $5.120000000e+02, v6;
	v11 =	vsub.f32 v11, v20  }
0x442: {  	v62 =	vmul.f32 v36, v60;
	[tilespmem:v5+s14+$0x0] =	vst.idx.add.f32.msk $0xffff, v8;
	v10 =	vadd.f32 $8.705000000e+03, v27;
	v8 =	vsub.f32 v18, v26  }
0x443: {  	v37 =	vld [tilespmem:s19+$0x4050];
	v30 =	vadd.f32 $8.192000000e+03, v30;
	v6 =	vadd.f32 $8.705000000e+03, v6;
	v35 =	vtrunc.f32 v11  }
0x444: {  	v22 =	vadd.f32 $8.192000000e+03, v59;
	v33 =	vmul.f32 $1.024000000e+03, v12;
	v35 =	vcvt.f32.s32 v35  }
0x445: {  	v12 =	vmul.f32 $5.120000000e+02, v12;
	v19 =	vmul.f32 v30, v32;
	v20 =	vadd.f32 $8.192000000e+03, v58  }
0x446: {  	[tilespmem:v24+s13+$0x0] =	vst.idx.add.f32.msk $0xffff, v1;
	v22 =	vmul.f32 v22, v34;
	v33 =	vadd.f32 $8.192000000e+03, v33;
	v35 =	vsub.s32 $0x3000, v35  }
0x447: {  	[tilespmem:v57+s13+$0x0] =	vst.idx.add.f32.msk $0xffff, v1;
	v18 =	vtrunc.f32 v9;
	v5 =	vsub.f32 v6, v19;
	v20 =	vmul.f32 v20, v31  }
0x448: {  	[tilespmem:v24+s14+$0x0] =	vst.idx.add.f32.msk $0xffff, v17;
	v12 =	vadd.f32 $8.705000000e+03, v12;
	v6 =	vsub.f32 v25, v22;
	v61 =	vmul.f32 v33, v37  }
0x449: {  	[tilespmem:v14+s13+$0x0] =	vst.idx.add.f32.msk $0xffff, v1;
	v18 =	vcvt.f32.s32 v18;
	v63 =	vtrunc.f32 v5;
	v7 =	vsub.f32 v7, v20  }
0x44a: {  	[tilespmem:v14+s14+$0x0] =	vst.idx.add.f32.msk $0xffff, v15;
	v25 =	vtrunc.f32 v6;
	v13 =	vsub.f32 v12, v61;
	v12 =	vsub.f32 v10, v62  }
0x44b: {  	v10 =	vsub.s32 $0x3000, v55;
	v17 =	vcvt.f32.s32 v25;
	v20 =	vtrunc.f32 v7;
	[tilespmem:v35+s13+$0x0] =	vst.idx.add.f32.msk $0xffff, v1  }
0x44c: {  	v14 =	vtrunc.f32 v13;
	[tilespmem:v35+s14+$0x0] =	vst.idx.add.f32.msk $0xffff, v11;
	v11 =	vtrunc.f32 v8  }
0x44d: {  	[tilespmem:v57+s14+$0x0] =	vst.idx.add.f32.msk $0xffff, v16;
	v15 =	vtrunc.f32 v12;
	v19 =	vcvt.f32.s32 v11  }
0x44e: {  	s20 =	simm.s32 $0x800;
	s21 =	simm.s32 $0x100;
	s19 =	simm.s32 $0x8;
	[tilespmem:v4+s13+$0x0] =	vst.idx.add.f32.msk $0xffff, v1;
	v16 =	vcvt.f32.s32 v20;
	v11 =	vsub.s32 $0x3000, v18;
	v18 =	vcvt.f32.s32 v63  }
.LBB2_20:
0x44f: {  	s22 =	sand.u32 $0x1000, s21;
	s23 =	sand.u32 $0xC00, s20;
	v19 =	vsub.s32 $0x3000, v19;
	v14 =	vcvt.f32.s32 v14;
	v15 =	vcvt.f32.s32 v15;
	s18 =	sadd.s32 $0x20, s18;
	[tilespmem:v4+s14+$0x0] =	vst.idx.add.f32.msk $0xffff, v2;
	v2 =	vmovc v13  }
0x450: {  	s19 =	sadd.s32 $0x8, s19;
	v16 =	vsub.s32 $0x3000, v16;
	s22 =	sor.u32 s23, s22;
	s23 =	sand.u32 $0x380, s18;
	v18 =	vsub.s32 $0x3000, v18;
	v17 =	vsub.s32 $0x3000, v17;
	[tilespmem:v10+s13+$0x0] =	vst.idx.add.f32.msk $0xffff, v1  }
0x451: {  	p1 =	slt.u32 s19, $0x1F8;
	s22 =	sor.u32 s23, s22;
	v4 =	vsub.s32 $0x3000, v14;
	[tilespmem:v10+s14+$0x0] =	vst.idx.add.f32.msk $0xffff, v3;
	v10 =	vsub.s32 $0x3000, v15;
	v3 =	vmov v12  }
0x452: {  	v12 =	vld [tilespmem:s22+$0x70]  }
0x453: {  	v13 =	vld [tilespmem:s22+$0x0]  }
0x454: {  	v14 =	vld [tilespmem:s22+$0x10]  }
0x455: {  	v15 =	vld [tilespmem:s22+$0x20]  }
0x456: {  	v20 =	vld [tilespmem:s22+$0x4070]  }
0x457: {  	v21 =	vld [tilespmem:s22+$0x30];
	v22 =	vmul.f32 $1.024000000e+03, v12  }
0x458: {  	v23 =	vmul.f32 $5.120000000e+02, v13;
	v13 =	vmul.f32 $1.024000000e+03, v13;
	v24 =	vld [tilespmem:s22+$0x40]  }
0x459: {  	v12 =	vmul.f32 $5.120000000e+02, v12;
	v25 =	vmul.f32 $1.024000000e+03, v14;
	v26 =	vld [tilespmem:s22+$0x50];
	v22 =	vadd.f32 $8.192000000e+03, v22  }
0x45a: {  	v14 =	vmul.f32 $5.120000000e+02, v14;
	v13 =	vadd.f32 $8.192000000e+03, v13;
	v27 =	vmul.f32 $1.024000000e+03, v15;
	v28 =	vld [tilespmem:s22+$0x60]  }
0x45b: {  	v12 =	vadd.f32 $8.705000000e+03, v12;
	v29 =	vld [tilespmem:s22+$0x4000];
	v25 =	vadd.f32 $8.192000000e+03, v25;
	v20 =	vmul.f32 v22, v20  }
0x45c: {  	v15 =	vmul.f32 $5.120000000e+02, v15;
	v22 =	vld [tilespmem:s22+$0x4010];
	v27 =	vadd.f32 $8.192000000e+03, v27;
	v30 =	vmul.f32 $1.024000000e+03, v21  }
0x45d: {  	v21 =	vmul.f32 $5.120000000e+02, v21;
	v31 =	vld [tilespmem:s22+$0x4020];
	v32 =	vmul.f32 $1.024000000e+03, v24;
	v12 =	vsub.f32 v12, v20  }
0x45e: {  	v24 =	vmul.f32 $5.120000000e+02, v24;
	v20 =	vld [tilespmem:s22+$0x4030];
	v30 =	vadd.f32 $8.192000000e+03, v30;
	v33 =	vmul.f32 $1.024000000e+03, v26  }
0x45f: {  	v34 =	vld [tilespmem:s22+$0x4040];
	v32 =	vadd.f32 $8.192000000e+03, v32;
	v35 =	vmul.f32 $1.024000000e+03, v28;
	v36 =	vtrunc.f32 v12  }
0x460: {  	v26 =	vmul.f32 $5.120000000e+02, v26;
	v37 =	vld [tilespmem:s22+$0x4050];
	v33 =	vadd.f32 $8.192000000e+03, v33;
	v36 =	vcvt.f32.s32 v36  }
0x461: {  	v28 =	vmul.f32 $5.120000000e+02, v28;
	v13 =	vmul.f32 v13, v29;
	v29 =	vld [tilespmem:s22+$0x4060];
	v35 =	vadd.f32 $8.192000000e+03, v35  }
0x462: {  	v22 =	vmul.f32 v25, v22;
	v25 =	vmul.f32 v27, v31;
	v27 =	vsub.s32 $0x3000, v36;
	[tilespmem:v11+s13+$0x0] =	vst.idx.add.f32.msk $0xffff, v1  }
0x463: {  	v23 =	vadd.f32 $8.705000000e+03, v23;
	v14 =	vadd.f32 $8.705000000e+03, v14;
	v20 =	vmul.f32 v30, v20;
	[tilespmem:v11+s14+$0x0] =	vst.idx.add.f32.msk $0xffff, v9  }
0x464: {  	v11 =	vadd.f32 $8.705000000e+03, v15;
	v15 =	vadd.f32 $8.705000000e+03, v21;
	v21 =	vmul.f32 v32, v34;
	[tilespmem:v19+s13+$0x0] =	vst.idx.add.f32.msk $0xffff, v1  }
0x465: {  	v24 =	vadd.f32 $8.705000000e+03, v24;
	v26 =	vadd.f32 $8.705000000e+03, v26;
	v30 =	vmul.f32 v33, v37;
	[tilespmem:v19+s14+$0x0] =	vst.idx.add.f32.msk $0xffff, v8  }
0x466: {  	v9 =	vsub.f32 v23, v13;
	v19 =	vadd.f32 $8.705000000e+03, v28;
	v23 =	vmul.f32 v35, v29;
	[tilespmem:v16+s13+$0x0] =	vst.idx.add.f32.msk $0xffff, v1  }
0x467: {  	v8 =	vsub.f32 v14, v22;
	v11 =	vsub.f32 v11, v25;
	[tilespmem:v27+s13+$0x0] =	vst.idx.add.f32.msk $0xffff, v1  }
0x468: {  	v22 =	vtrunc.f32 v9;
	v15 =	vsub.f32 v15, v20;
	v20 =	vsub.f32 v24, v21;
	[tilespmem:v27+s14+$0x0] =	vst.idx.add.f32.msk $0xffff, v12  }
0x469: {  	v21 =	vtrunc.f32 v8;
	v13 =	vsub.f32 v26, v30;
	v12 =	vsub.f32 v19, v23;
	[tilespmem:v16+s14+$0x0] =	vst.idx.add.f32.msk $0xffff, v7  }
.Ltmp11:
0x46a: {  	v23 =	vtrunc.f32 v15;
	v16 =	vtrunc.f32 v11;
	v7 =	vmov v11;
	[tilespmem:v18+s13+$0x0] =	vst.idx.add.f32.msk $0xffff, v1;
	(pc) =	sbr.rel @p1 .LBB2_20-.Ltmp11, $4  }
0x46b: {  	v24 =	vtrunc.f32 v20;
	v14 =	vtrunc.f32 v13;
	[tilespmem:v18+s14+$0x0] =	vst.idx.add.f32.msk $0xffff, v5;
	v5 =	vmov v15  }
0x46c: {  	v11 =	vcvt.f32.s32 v22;
	v15 =	vtrunc.f32 v12;
	[tilespmem:v17+s13+$0x0] =	vst.idx.add.f32.msk $0xffff, v1  }
0x46d: {  	v19 =	vcvt.f32.s32 v21;
	v16 =	vcvt.f32.s32 v16;
	[tilespmem:v17+s14+$0x0] =	vst.idx.add.f32.msk $0xffff, v6;
	v6 =	vmov v20  }
0x46e: {  	s20 =	sadd.s32 $0x400, s20;
	s21 =	sadd.s32 $0x80, s21;
	v11 =	vsub.s32 $0x3000, v11;
	v18 =	vcvt.f32.s32 v23;
	v17 =	vcvt.f32.s32 v24;
	[tilespmem:v4+s13+$0x0] =	vst.idx.add.f32.msk $0xffff, v1  }
0x46f: {  	_ =	sdelay $0x3  }
0x470: {  	v19 =	vsub.s32 $0x3000, v19;
	[tilespmem:v4+s14+$0x0] =	vst.idx.add.f32.msk $0xffff, v2  }
0x471: {  	[tilespmem:v10+s13+$0x0] =	vst.idx.add.f32.msk $0xffff, v1;
	v2 =	vsub.s32 $0x3000, v16  }
0x472: {  	[tilespmem:v11+s13+$0x0] =	vst.idx.add.f32.msk $0xffff, v1  }
0x473: {  	[tilespmem:v10+s14+$0x0] =	vst.idx.add.f32.msk $0xffff, v3  }
0x474: {  	v3 =	vsub.s32 $0x3000, v18;
	[tilespmem:v11+s14+$0x0] =	vst.idx.add.f32.msk $0xffff, v9  }
0x475: {  	v9 =	vsub.s32 $0x3000, v17;
	[tilespmem:v19+s13+$0x0] =	vst.idx.add.f32.msk $0xffff, v1  }
0x476: {  	v4 =	vcvt.f32.s32 v14;
	[tilespmem:v2+s13+$0x0] =	vst.idx.add.f32.msk $0xffff, v1  }
0x477: {  	[tilespmem:v19+s14+$0x0] =	vst.idx.add.f32.msk $0xffff, v8  }
0x478: {  	v4 =	vsub.s32 $0x3000, v4;
	v8 =	vcvt.f32.s32 v15;
	[tilespmem:v2+s14+$0x0] =	vst.idx.add.f32.msk $0xffff, v7  }
0x479: {  	[tilespmem:v3+s13+$0x0] =	vst.idx.add.f32.msk $0xffff, v1  }
0x47a: {  	[tilespmem:v9+s13+$0x0] =	vst.idx.add.f32.msk $0xffff, v1;
	v2 =	vsub.s32 $0x3000, v8  }
0x47b: {  	[tilespmem:v3+s14+$0x0] =	vst.idx.add.f32.msk $0xffff, v5  }
0x47c: {  	[tilespmem:v9+s14+$0x0] =	vst.idx.add.f32.msk $0xffff, v6  }
0x47d: {  	[tilespmem:v4+s13+$0x0] =	vst.idx.add.f32.msk $0xffff, v1  }
0x47e: {  	[tilespmem:v4+s14+$0x0] =	vst.idx.add.f32.msk $0xffff, v13  }
0x47f: {  	[tilespmem:v2+s13+$0x0] =	vst.idx.add.f32.msk $0xffff, v1  }
0x480: {  	[tilespmem:v2+s14+$0x0] =	vst.idx.add.f32.msk $0xffff, v12  }
0x481: {  	_ =	swait.ge [sflag:s15], $0x2000  }
0x482: {  	[sflag:s15] =	ssyncset.done $0x0  }
0x483: {  	[sflag:s15] =	ssyncadd.s32 $0xFFFFE000  }
0x484: {  	_ =	swait.ge [sflag:s15], $0x2000  }
0x485: {  	[sflag:s15] =	ssyncset.done $0x0  }
0x486: {  	s18 =	simm.s32 $0x0;
	s0 =	rddreg [dreg:$0x10];
	[sflag:s15] =	ssyncadd.s32 $0xFFFFE000  }
0x487: {  	[tilespmem:s18], [sflag:$0x1] =	stream.linear.gather [hbm4b:s0+s18], $0x2000, $0x38;
	[tilespmem:$0x1A080] =	vst v63  }
0x488: {  	s19 =	rddreg [dreg:$0x11]  }
0x489: {  	[tilespmem:s9], [sflag:$0x1] =	stream.linear.gather [hbm4b:s19+s18], $0x2000, $0x38;
	[tilespmem:$0x1A080] =	vst v63  }
0x48a: {  	s20 =	sand.u32 $0xC00, s18;
	s19 =	sand.u32 $0x1000, s18  }
0x48b: {  	s18 =	sand.u32 $0x380, s18;
	s19 =	sor.u32 s20, s19  }
0x48c: {  	s18 =	sor.u32 s18, s19  }
0x48d: {  	v2 =	vld [tilespmem:s18+$0x2070]  }
0x48e: {  	v3 =	vld [tilespmem:s18+$0x2000]  }
0x48f: {  	v4 =	vld [tilespmem:s18+$0x2010]  }
0x490: {  	v5 =	vld [tilespmem:s18+$0x2020]  }
0x491: {  	v7 =	vld [tilespmem:s18+$0x2030]  }
0x492: {  	v10 =	vld [tilespmem:s18+$0x2040]  }
0x493: {  	v13 =	vld [tilespmem:s18+$0x2060];
	v8 =	vmul.f32 $1.024000000e+03, v2  }
0x494: {  	v9 =	vmul.f32 $1.024000000e+03, v3;
	v3 =	vmul.f32 $5.120000000e+02, v3  }
0x495: {  	v2 =	vmul.f32 $5.120000000e+02, v2;
	v12 =	vmul.f32 $1.024000000e+03, v4  }
0x496: {  	v4 =	vmul.f32 $5.120000000e+02, v4;
	v14 =	vmul.f32 $1.024000000e+03, v5  }
0x497: {  	v6 =	vld [tilespmem:s18+$0x6070];
	v16 =	vmul.f32 $1.024000000e+03, v7;
	v18 =	vmul.f32 $1.024000000e+03, v10  }
0x498: {  	v15 =	vld [tilespmem:s18+$0x6000];
	v20 =	vmul.f32 $1.024000000e+03, v13;
	v8 =	vadd.f32 $8.192000000e+03, v8;
	v9 =	vadd.f32 $8.192000000e+03, v9  }
0x499: {  	v19 =	vld [tilespmem:s18+$0x6030];
	v5 =	vmul.f32 $5.120000000e+02, v5;
	v2 =	vadd.f32 $8.705000000e+03, v2;
	v16 =	vadd.f32 $8.192000000e+03, v16  }
0x49a: {  	v11 =	vld [tilespmem:s18+$0x2050];
	v7 =	vmul.f32 $5.120000000e+02, v7;
	v18 =	vadd.f32 $8.192000000e+03, v18;
	v20 =	vadd.f32 $8.192000000e+03, v20  }
0x49b: {  	v17 =	vld [tilespmem:s18+$0x6020];
	v10 =	vmul.f32 $5.120000000e+02, v10;
	v3 =	vadd.f32 $8.705000000e+03, v3;
	v4 =	vadd.f32 $8.705000000e+03, v4  }
0x49c: {  	v22 =	vld [tilespmem:s18+$0x6040];
	v5 =	vadd.f32 $8.705000000e+03, v5;
	v7 =	vadd.f32 $8.705000000e+03, v7;
	v6 =	vmul.f32 v8, v6  }
0x49d: {  	v13 =	vmul.f32 $5.120000000e+02, v13;
	v10 =	vadd.f32 $8.705000000e+03, v10;
	v8 =	vadd.f32 $8.192000000e+03, v12;
	v12 =	vld [tilespmem:s18+$0x6010]  }
0x49e: {  	s21 =	simm.s32 $0x80;
	s20 =	simm.s32 $0x400;
	v9 =	vmul.f32 v9, v15;
	v15 =	vld [tilespmem:s18+$0x6060];
	v16 =	vmul.f32 v16, v19;
	v2 =	vsub.f32 v2, v6  }
0x49f: {  	s19 =	sand.u32 $0x1000, s21;
	s22 =	sand.u32 $0xC00, s20;
	v23 =	vld [tilespmem:s18+$0x6050];
	s18 =	simm.s32 $0x20;
	v6 =	vadd.f32 $8.192000000e+03, v14;
	v14 =	vmul.f32 $1.024000000e+03, v11;
	v11 =	vmul.f32 $5.120000000e+02, v11  }
0x4a0: {  	s19 =	sor.u32 s22, s19;
	s23 =	sand.u32 $0x380, s18;
	v9 =	vsub.f32 v3, v9;
	v16 =	vsub.f32 v7, v16;
	v21 =	vtrunc.f32 v2  }
0x4a1: {  	v3 =	vadd.f32 $8.705000000e+03, v13;
	s19 =	sor.u32 s23, s19;
	v6 =	vmul.f32 v6, v17;
	v17 =	vmul.f32 v18, v22  }
0x4a2: {  	v25 =	vld [tilespmem:s19+$0x2040];
	v14 =	vadd.f32 $8.192000000e+03, v14;
	v7 =	vtrunc.f32 v16;
	v21 =	vcvt.f32.s32 v21  }
0x4a3: {  	v27 =	vld [tilespmem:s19+$0x2060];
	v8 =	vmul.f32 v8, v12;
	v13 =	vmul.f32 v20, v15;
	v15 =	vsub.f32 v5, v6  }
0x4a4: {  	v14 =	vmul.f32 v14, v23;
	v17 =	vsub.f32 v10, v17;
	v12 =	vsub.s32 $0x3000, v21  }
0x4a5: {  	v18 =	vld [tilespmem:s19+$0x2010];
	v8 =	vsub.f32 v4, v8;
	v4 =	vtrunc.f32 v9;
	v6 =	vtrunc.f32 v15  }
0x4a6: {  	v28 =	vld [tilespmem:s19+$0x6000];
	v10 =	vtrunc.f32 v17;
	v4 =	vcvt.f32.s32 v4  }
0x4a7: {  	v29 =	vld [tilespmem:s19+$0x6010];
	v59 =	vmul.f32 $1.024000000e+03, v25;
	v25 =	vmul.f32 $5.120000000e+02, v25  }
0x4a8: {  	v3 =	vsub.f32 v3, v13;
	v13 =	vld [tilespmem:s19+$0x2000];
	v36 =	vmul.f32 $1.024000000e+03, v27;
	v27 =	vmul.f32 $5.120000000e+02, v27  }
0x4a9: {  	v11 =	vadd.f32 $8.705000000e+03, v11;
	v5 =	vtrunc.f32 v8;
	v6 =	vcvt.f32.s32 v6;
	[tilespmem:v12+s13+$0x0] =	vst.idx.add.f32.msk $0xffff, v1  }
0x4aa: {  	v10 =	vcvt.f32.s32 v10;
	v26 =	vmul.f32 $1.024000000e+03, v18;
	[tilespmem:v12+s14+$0x0] =	vst.idx.add.f32.msk $0xffff, v2  }
0x4ab: {  	v18 =	vmul.f32 $5.120000000e+02, v18;
	v5 =	vcvt.f32.s32 v5;
	v2 =	vsub.f32 v11, v14;
	v11 =	vld [tilespmem:s19+$0x2070]  }
0x4ac: {  	v19 =	vsub.s32 $0x3000, v4;
	v4 =	vcvt.f32.s32 v7;
	v7 =	vld [tilespmem:s19+$0x2020];
	v36 =	vadd.f32 $8.192000000e+03, v36  }
0x4ad: {  	v31 =	vld [tilespmem:s19+$0x6020];
	v25 =	vadd.f32 $8.705000000e+03, v25;
	v24 =	vsub.s32 $0x3000, v10;
	v26 =	vadd.f32 $8.192000000e+03, v26  }
0x4ae: {  	v32 =	vld [tilespmem:s19+$0x6030];
	v18 =	vadd.f32 $8.705000000e+03, v18;
	v5 =	vsub.s32 $0x3000, v5;
	v10 =	vmul.f32 $1.024000000e+03, v13  }
0x4af: {  	v20 =	vld [tilespmem:s19+$0x6070];
	v57 =	vsub.s32 $0x3000, v4;
	v13 =	vmul.f32 $5.120000000e+02, v13;
	v14 =	vtrunc.f32 v3  }
0x4b0: {  	v34 =	vld [tilespmem:s19+$0x6040];
	v55 =	vcvt.f32.s32 v14;
	v14 =	vsub.s32 $0x3000, v6;
	v56 =	vmul.f32 $1.024000000e+03, v11  }
0x4b1: {  	v6 =	vld [tilespmem:s19+$0x2030];
	v10 =	vadd.f32 $8.192000000e+03, v10;
	v12 =	vtrunc.f32 v2;
	v58 =	vmul.f32 $1.024000000e+03, v7  }
0x4b2: {  	v60 =	vld [tilespmem:s19+$0x6060];
	v12 =	vcvt.f32.s32 v12;
	v11 =	vmul.f32 $5.120000000e+02, v11;
	v22 =	vadd.f32 $8.192000000e+03, v56  }
0x4b3: {  	v13 =	vadd.f32 $8.705000000e+03, v13;
	v7 =	vmul.f32 $5.120000000e+02, v7;
	[tilespmem:v19+s13+$0x0] =	vst.idx.add.f32.msk $0xffff, v1;
	v10 =	vmul.f32 v10, v28  }
0x4b4: {  	v4 =	vsub.s32 $0x3000, v12;
	v12 =	vld [tilespmem:s19+$0x2050];
	v11 =	vadd.f32 $8.705000000e+03, v11;
	v20 =	vmul.f32 v22, v20  }
0x4b5: {  	v26 =	vmul.f32 v26, v29;
	[tilespmem:v19+s14+$0x0] =	vst.idx.add.f32.msk $0xffff, v9;
	v7 =	vadd.f32 $8.705000000e+03, v7;
	v9 =	vsub.f32 v13, v10  }
0x4b6: {  	[tilespmem:v5+s13+$0x0] =	vst.idx.add.f32.msk $0xffff, v1;
	v30 =	vmul.f32 $1.024000000e+03, v6;
	v6 =	vmul.f32 $5.120000000e+02, v6;
	v11 =	vsub.f32 v11, v20  }
0x4b7: {  	v62 =	vmul.f32 v36, v60;
	[tilespmem:v5+s14+$0x0] =	vst.idx.add.f32.msk $0xffff, v8;
	v10 =	vadd.f32 $8.705000000e+03, v27;
	v8 =	vsub.f32 v18, v26  }
0x4b8: {  	v37 =	vld [tilespmem:s19+$0x6050];
	v30 =	vadd.f32 $8.192000000e+03, v30;
	v6 =	vadd.f32 $8.705000000e+03, v6;
	v35 =	vtrunc.f32 v11  }
0x4b9: {  	v22 =	vadd.f32 $8.192000000e+03, v59;
	v33 =	vmul.f32 $1.024000000e+03, v12;
	v35 =	vcvt.f32.s32 v35  }
0x4ba: {  	v12 =	vmul.f32 $5.120000000e+02, v12;
	v19 =	vmul.f32 v30, v32;
	v20 =	vadd.f32 $8.192000000e+03, v58  }
0x4bb: {  	[tilespmem:v24+s13+$0x0] =	vst.idx.add.f32.msk $0xffff, v1;
	v22 =	vmul.f32 v22, v34;
	v33 =	vadd.f32 $8.192000000e+03, v33;
	v35 =	vsub.s32 $0x3000, v35  }
0x4bc: {  	[tilespmem:v57+s13+$0x0] =	vst.idx.add.f32.msk $0xffff, v1;
	v18 =	vtrunc.f32 v9;
	v5 =	vsub.f32 v6, v19;
	v20 =	vmul.f32 v20, v31  }
0x4bd: {  	[tilespmem:v24+s14+$0x0] =	vst.idx.add.f32.msk $0xffff, v17;
	v12 =	vadd.f32 $8.705000000e+03, v12;
	v6 =	vsub.f32 v25, v22;
	v61 =	vmul.f32 v33, v37  }
0x4be: {  	[tilespmem:v14+s13+$0x0] =	vst.idx.add.f32.msk $0xffff, v1;
	v18 =	vcvt.f32.s32 v18;
	v63 =	vtrunc.f32 v5;
	v7 =	vsub.f32 v7, v20  }
0x4bf: {  	[tilespmem:v14+s14+$0x0] =	vst.idx.add.f32.msk $0xffff, v15;
	v25 =	vtrunc.f32 v6;
	v13 =	vsub.f32 v12, v61;
	v12 =	vsub.f32 v10, v62  }
0x4c0: {  	v10 =	vsub.s32 $0x3000, v55;
	v17 =	vcvt.f32.s32 v25;
	v20 =	vtrunc.f32 v7;
	[tilespmem:v35+s13+$0x0] =	vst.idx.add.f32.msk $0xffff, v1  }
0x4c1: {  	v14 =	vtrunc.f32 v13;
	[tilespmem:v35+s14+$0x0] =	vst.idx.add.f32.msk $0xffff, v11;
	v11 =	vtrunc.f32 v8  }
0x4c2: {  	[tilespmem:v57+s14+$0x0] =	vst.idx.add.f32.msk $0xffff, v16;
	v15 =	vtrunc.f32 v12;
	v19 =	vcvt.f32.s32 v11  }
0x4c3: {  	s20 =	simm.s32 $0x800;
	s21 =	simm.s32 $0x100;
	s19 =	simm.s32 $0x8;
	[tilespmem:v4+s13+$0x0] =	vst.idx.add.f32.msk $0xffff, v1;
	v16 =	vcvt.f32.s32 v20;
	v11 =	vsub.s32 $0x3000, v18;
	v18 =	vcvt.f32.s32 v63  }
.LBB2_22:
0x4c4: {  	s22 =	sand.u32 $0x1000, s21;
	s23 =	sand.u32 $0xC00, s20;
	v19 =	vsub.s32 $0x3000, v19;
	v14 =	vcvt.f32.s32 v14;
	v15 =	vcvt.f32.s32 v15;
	s18 =	sadd.s32 $0x20, s18;
	[tilespmem:v4+s14+$0x0] =	vst.idx.add.f32.msk $0xffff, v2;
	v2 =	vmovc v13  }
0x4c5: {  	s19 =	sadd.s32 $0x8, s19;
	v16 =	vsub.s32 $0x3000, v16;
	s22 =	sor.u32 s23, s22;
	s23 =	sand.u32 $0x380, s18;
	v18 =	vsub.s32 $0x3000, v18;
	v17 =	vsub.s32 $0x3000, v17;
	[tilespmem:v10+s13+$0x0] =	vst.idx.add.f32.msk $0xffff, v1  }
0x4c6: {  	p1 =	slt.u32 s19, $0x1F8;
	s22 =	sor.u32 s23, s22;
	v4 =	vsub.s32 $0x3000, v14;
	[tilespmem:v10+s14+$0x0] =	vst.idx.add.f32.msk $0xffff, v3;
	v10 =	vsub.s32 $0x3000, v15;
	v3 =	vmov v12  }
0x4c7: {  	v12 =	vld [tilespmem:s22+$0x2070]  }
0x4c8: {  	v13 =	vld [tilespmem:s22+$0x2000]  }
0x4c9: {  	v14 =	vld [tilespmem:s22+$0x2010]  }
0x4ca: {  	v15 =	vld [tilespmem:s22+$0x2020]  }
0x4cb: {  	v20 =	vld [tilespmem:s22+$0x6070]  }
0x4cc: {  	v21 =	vld [tilespmem:s22+$0x2030];
	v22 =	vmul.f32 $1.024000000e+03, v12  }
0x4cd: {  	v23 =	vmul.f32 $5.120000000e+02, v13;
	v13 =	vmul.f32 $1.024000000e+03, v13;
	v24 =	vld [tilespmem:s22+$0x2040]  }
0x4ce: {  	v12 =	vmul.f32 $5.120000000e+02, v12;
	v25 =	vmul.f32 $1.024000000e+03, v14;
	v26 =	vld [tilespmem:s22+$0x2050];
	v22 =	vadd.f32 $8.192000000e+03, v22  }
0x4cf: {  	v14 =	vmul.f32 $5.120000000e+02, v14;
	v13 =	vadd.f32 $8.192000000e+03, v13;
	v27 =	vmul.f32 $1.024000000e+03, v15;
	v28 =	vld [tilespmem:s22+$0x2060]  }
0x4d0: {  	v12 =	vadd.f32 $8.705000000e+03, v12;
	v29 =	vld [tilespmem:s22+$0x6000];
	v25 =	vadd.f32 $8.192000000e+03, v25;
	v20 =	vmul.f32 v22, v20  }
0x4d1: {  	v15 =	vmul.f32 $5.120000000e+02, v15;
	v22 =	vld [tilespmem:s22+$0x6010];
	v27 =	vadd.f32 $8.192000000e+03, v27;
	v30 =	vmul.f32 $1.024000000e+03, v21  }
0x4d2: {  	v21 =	vmul.f32 $5.120000000e+02, v21;
	v31 =	vld [tilespmem:s22+$0x6020];
	v32 =	vmul.f32 $1.024000000e+03, v24;
	v12 =	vsub.f32 v12, v20  }
0x4d3: {  	v24 =	vmul.f32 $5.120000000e+02, v24;
	v20 =	vld [tilespmem:s22+$0x6030];
	v30 =	vadd.f32 $8.192000000e+03, v30;
	v33 =	vmul.f32 $1.024000000e+03, v26  }
0x4d4: {  	v34 =	vld [tilespmem:s22+$0x6040];
	v32 =	vadd.f32 $8.192000000e+03, v32;
	v35 =	vmul.f32 $1.024000000e+03, v28;
	v36 =	vtrunc.f32 v12  }
0x4d5: {  	v26 =	vmul.f32 $5.120000000e+02, v26;
	v37 =	vld [tilespmem:s22+$0x6050];
	v33 =	vadd.f32 $8.192000000e+03, v33;
	v36 =	vcvt.f32.s32 v36  }
0x4d6: {  	v28 =	vmul.f32 $5.120000000e+02, v28;
	v13 =	vmul.f32 v13, v29;
	v29 =	vld [tilespmem:s22+$0x6060];
	v35 =	vadd.f32 $8.192000000e+03, v35  }
0x4d7: {  	v22 =	vmul.f32 v25, v22;
	v25 =	vmul.f32 v27, v31;
	v27 =	vsub.s32 $0x3000, v36;
	[tilespmem:v11+s13+$0x0] =	vst.idx.add.f32.msk $0xffff, v1  }
0x4d8: {  	v23 =	vadd.f32 $8.705000000e+03, v23;
	v14 =	vadd.f32 $8.705000000e+03, v14;
	v20 =	vmul.f32 v30, v20;
	[tilespmem:v11+s14+$0x0] =	vst.idx.add.f32.msk $0xffff, v9  }
0x4d9: {  	v11 =	vadd.f32 $8.705000000e+03, v15;
	v15 =	vadd.f32 $8.705000000e+03, v21;
	v21 =	vmul.f32 v32, v34;
	[tilespmem:v19+s13+$0x0] =	vst.idx.add.f32.msk $0xffff, v1  }
0x4da: {  	v24 =	vadd.f32 $8.705000000e+03, v24;
	v26 =	vadd.f32 $8.705000000e+03, v26;
	v30 =	vmul.f32 v33, v37;
	[tilespmem:v19+s14+$0x0] =	vst.idx.add.f32.msk $0xffff, v8  }
0x4db: {  	v9 =	vsub.f32 v23, v13;
	v19 =	vadd.f32 $8.705000000e+03, v28;
	v23 =	vmul.f32 v35, v29;
	[tilespmem:v16+s13+$0x0] =	vst.idx.add.f32.msk $0xffff, v1  }
0x4dc: {  	v8 =	vsub.f32 v14, v22;
	v11 =	vsub.f32 v11, v25;
	[tilespmem:v27+s13+$0x0] =	vst.idx.add.f32.msk $0xffff, v1  }
0x4dd: {  	v22 =	vtrunc.f32 v9;
	v15 =	vsub.f32 v15, v20;
	v20 =	vsub.f32 v24, v21;
	[tilespmem:v27+s14+$0x0] =	vst.idx.add.f32.msk $0xffff, v12  }
0x4de: {  	v21 =	vtrunc.f32 v8;
	v13 =	vsub.f32 v26, v30;
	v12 =	vsub.f32 v19, v23;
	[tilespmem:v16+s14+$0x0] =	vst.idx.add.f32.msk $0xffff, v7  }
.Ltmp12:
0x4df: {  	v23 =	vtrunc.f32 v15;
	v16 =	vtrunc.f32 v11;
	v7 =	vmov v11;
	[tilespmem:v18+s13+$0x0] =	vst.idx.add.f32.msk $0xffff, v1;
	(pc) =	sbr.rel @p1 .LBB2_22-.Ltmp12, $4  }
0x4e0: {  	v24 =	vtrunc.f32 v20;
	v14 =	vtrunc.f32 v13;
	[tilespmem:v18+s14+$0x0] =	vst.idx.add.f32.msk $0xffff, v5;
	v5 =	vmov v15  }
0x4e1: {  	v11 =	vcvt.f32.s32 v22;
	v15 =	vtrunc.f32 v12;
	[tilespmem:v17+s13+$0x0] =	vst.idx.add.f32.msk $0xffff, v1  }
0x4e2: {  	v19 =	vcvt.f32.s32 v21;
	v16 =	vcvt.f32.s32 v16;
	[tilespmem:v17+s14+$0x0] =	vst.idx.add.f32.msk $0xffff, v6;
	v6 =	vmov v20  }
0x4e3: {  	s20 =	sadd.s32 $0x400, s20;
	s21 =	sadd.s32 $0x80, s21;
	v11 =	vsub.s32 $0x3000, v11;
	v18 =	vcvt.f32.s32 v23;
	v17 =	vcvt.f32.s32 v24;
	[tilespmem:v4+s13+$0x0] =	vst.idx.add.f32.msk $0xffff, v1  }
0x4e4: {  	_ =	sdelay $0x3  }
0x4e5: {  	v19 =	vsub.s32 $0x3000, v19;
	[tilespmem:v4+s14+$0x0] =	vst.idx.add.f32.msk $0xffff, v2  }
0x4e6: {  	[tilespmem:v10+s13+$0x0] =	vst.idx.add.f32.msk $0xffff, v1;
	v2 =	vsub.s32 $0x3000, v16  }
0x4e7: {  	[tilespmem:v11+s13+$0x0] =	vst.idx.add.f32.msk $0xffff, v1  }
0x4e8: {  	[tilespmem:v10+s14+$0x0] =	vst.idx.add.f32.msk $0xffff, v3  }
0x4e9: {  	v3 =	vsub.s32 $0x3000, v18;
	[tilespmem:v11+s14+$0x0] =	vst.idx.add.f32.msk $0xffff, v9  }
0x4ea: {  	v9 =	vsub.s32 $0x3000, v17;
	[tilespmem:v19+s13+$0x0] =	vst.idx.add.f32.msk $0xffff, v1  }
0x4eb: {  	v4 =	vcvt.f32.s32 v14;
	[tilespmem:v2+s13+$0x0] =	vst.idx.add.f32.msk $0xffff, v1  }
0x4ec: {  	[tilespmem:v19+s14+$0x0] =	vst.idx.add.f32.msk $0xffff, v8  }
0x4ed: {  	v4 =	vsub.s32 $0x3000, v4;
	v8 =	vcvt.f32.s32 v15;
	[tilespmem:v2+s14+$0x0] =	vst.idx.add.f32.msk $0xffff, v7  }
0x4ee: {  	[tilespmem:v3+s13+$0x0] =	vst.idx.add.f32.msk $0xffff, v1  }
0x4ef: {  	[tilespmem:v9+s13+$0x0] =	vst.idx.add.f32.msk $0xffff, v1;
	v2 =	vsub.s32 $0x3000, v8  }
0x4f0: {  	[tilespmem:v3+s14+$0x0] =	vst.idx.add.f32.msk $0xffff, v5  }
0x4f1: {  	[tilespmem:v9+s14+$0x0] =	vst.idx.add.f32.msk $0xffff, v6  }
0x4f2: {  	[tilespmem:v4+s13+$0x0] =	vst.idx.add.f32.msk $0xffff, v1  }
0x4f3: {  	[tilespmem:v4+s14+$0x0] =	vst.idx.add.f32.msk $0xffff, v13  }
0x4f4: {  	[tilespmem:v2+s13+$0x0] =	vst.idx.add.f32.msk $0xffff, v1  }
0x4f5: {  	[tilespmem:v2+s14+$0x0] =	vst.idx.add.f32.msk $0xffff, v12  }
0x4f6: {  	_ =	swait.ge [sflag:s10], $0x2000  }
0x4f7: {  	[sflag:s10] =	ssyncset.done $0x0  }
0x4f8: {  	[sflag:s10] =	ssyncadd.s32 $0xFFFFE000  }
0x4f9: {  	_ =	swait.ge [sflag:s10], $0x2000  }
0x4fa: {  	[sflag:s10] =	ssyncset.done $0x0  }
0x4fb: {  	s18 =	simm.s32 $0x0;
	s0 =	rddreg [dreg:$0x12];
	[sflag:s10] =	ssyncadd.s32 $0xFFFFE000  }
0x4fc: {  	[tilespmem:s11], [sflag:$0x2] =	stream.linear.gather [hbm4b:s0+s18], $0x2000, $0x38;
	[tilespmem:$0x1A080] =	vst v63  }
0x4fd: {  	s19 =	rddreg [dreg:$0x13]  }
0x4fe: {  	[tilespmem:s12], [sflag:$0x2] =	stream.linear.gather [hbm4b:s19+s18], $0x2000, $0x38;
	[tilespmem:$0x1A080] =	vst v63  }
0x4ff: {  	s20 =	sand.u32 $0xC00, s18;
	s19 =	sand.u32 $0x1000, s18  }
0x500: {  	s18 =	sand.u32 $0x380, s18;
	s19 =	sor.u32 s20, s19  }
0x501: {  	s18 =	sor.u32 s18, s19  }
0x502: {  	v2 =	vld [tilespmem:s18+$0x70]  }
0x503: {  	v3 =	vld [tilespmem:s18+$0x0]  }
0x504: {  	v4 =	vld [tilespmem:s18+$0x10]  }
0x505: {  	v5 =	vld [tilespmem:s18+$0x20]  }
0x506: {  	v7 =	vld [tilespmem:s18+$0x30]  }
0x507: {  	v10 =	vld [tilespmem:s18+$0x40]  }
0x508: {  	v13 =	vld [tilespmem:s18+$0x60];
	v8 =	vmul.f32 $1.024000000e+03, v2  }
0x509: {  	v9 =	vmul.f32 $1.024000000e+03, v3;
	v3 =	vmul.f32 $5.120000000e+02, v3  }
0x50a: {  	v2 =	vmul.f32 $5.120000000e+02, v2;
	v12 =	vmul.f32 $1.024000000e+03, v4  }
0x50b: {  	v4 =	vmul.f32 $5.120000000e+02, v4;
	v14 =	vmul.f32 $1.024000000e+03, v5  }
0x50c: {  	v6 =	vld [tilespmem:s18+$0x4070];
	v16 =	vmul.f32 $1.024000000e+03, v7;
	v18 =	vmul.f32 $1.024000000e+03, v10  }
0x50d: {  	v15 =	vld [tilespmem:s18+$0x4000];
	v20 =	vmul.f32 $1.024000000e+03, v13;
	v8 =	vadd.f32 $8.192000000e+03, v8;
	v9 =	vadd.f32 $8.192000000e+03, v9  }
0x50e: {  	v19 =	vld [tilespmem:s18+$0x4030];
	v5 =	vmul.f32 $5.120000000e+02, v5;
	v2 =	vadd.f32 $8.705000000e+03, v2;
	v16 =	vadd.f32 $8.192000000e+03, v16  }
0x50f: {  	v11 =	vld [tilespmem:s18+$0x50];
	v7 =	vmul.f32 $5.120000000e+02, v7;
	v18 =	vadd.f32 $8.192000000e+03, v18;
	v20 =	vadd.f32 $8.192000000e+03, v20  }
0x510: {  	v17 =	vld [tilespmem:s18+$0x4020];
	v10 =	vmul.f32 $5.120000000e+02, v10;
	v3 =	vadd.f32 $8.705000000e+03, v3;
	v4 =	vadd.f32 $8.705000000e+03, v4  }
0x511: {  	v22 =	vld [tilespmem:s18+$0x4040];
	v5 =	vadd.f32 $8.705000000e+03, v5;
	v7 =	vadd.f32 $8.705000000e+03, v7;
	v6 =	vmul.f32 v8, v6  }
0x512: {  	v13 =	vmul.f32 $5.120000000e+02, v13;
	v10 =	vadd.f32 $8.705000000e+03, v10;
	v8 =	vadd.f32 $8.192000000e+03, v12;
	v12 =	vld [tilespmem:s18+$0x4010]  }
0x513: {  	s21 =	simm.s32 $0x80;
	s20 =	simm.s32 $0x400;
	v9 =	vmul.f32 v9, v15;
	v15 =	vld [tilespmem:s18+$0x4060];
	v16 =	vmul.f32 v16, v19;
	v2 =	vsub.f32 v2, v6  }
0x514: {  	s19 =	sand.u32 $0x1000, s21;
	s22 =	sand.u32 $0xC00, s20;
	v23 =	vld [tilespmem:s18+$0x4050];
	s18 =	simm.s32 $0x20;
	v6 =	vadd.f32 $8.192000000e+03, v14;
	v14 =	vmul.f32 $1.024000000e+03, v11;
	v11 =	vmul.f32 $5.120000000e+02, v11  }
0x515: {  	s19 =	sor.u32 s22, s19;
	s23 =	sand.u32 $0x380, s18;
	v9 =	vsub.f32 v3, v9;
	v16 =	vsub.f32 v7, v16;
	v21 =	vtrunc.f32 v2  }
0x516: {  	v3 =	vadd.f32 $8.705000000e+03, v13;
	s19 =	sor.u32 s23, s19;
	v6 =	vmul.f32 v6, v17;
	v17 =	vmul.f32 v18, v22  }
0x517: {  	v25 =	vld [tilespmem:s19+$0x40];
	v14 =	vadd.f32 $8.192000000e+03, v14;
	v7 =	vtrunc.f32 v16;
	v21 =	vcvt.f32.s32 v21  }
0x518: {  	v27 =	vld [tilespmem:s19+$0x60];
	v8 =	vmul.f32 v8, v12;
	v13 =	vmul.f32 v20, v15;
	v15 =	vsub.f32 v5, v6  }
0x519: {  	v14 =	vmul.f32 v14, v23;
	v17 =	vsub.f32 v10, v17;
	v12 =	vsub.s32 $0x3000, v21  }
0x51a: {  	v18 =	vld [tilespmem:s19+$0x10];
	v8 =	vsub.f32 v4, v8;
	v4 =	vtrunc.f32 v9;
	v6 =	vtrunc.f32 v15  }
0x51b: {  	v28 =	vld [tilespmem:s19+$0x4000];
	v10 =	vtrunc.f32 v17;
	v4 =	vcvt.f32.s32 v4  }
0x51c: {  	v29 =	vld [tilespmem:s19+$0x4010];
	v59 =	vmul.f32 $1.024000000e+03, v25;
	v25 =	vmul.f32 $5.120000000e+02, v25  }
0x51d: {  	v3 =	vsub.f32 v3, v13;
	v13 =	vld [tilespmem:s19+$0x0];
	v36 =	vmul.f32 $1.024000000e+03, v27;
	v27 =	vmul.f32 $5.120000000e+02, v27  }
0x51e: {  	v11 =	vadd.f32 $8.705000000e+03, v11;
	v5 =	vtrunc.f32 v8;
	v6 =	vcvt.f32.s32 v6;
	[tilespmem:v12+s13+$0x0] =	vst.idx.add.f32.msk $0xffff, v1  }
0x51f: {  	v10 =	vcvt.f32.s32 v10;
	v26 =	vmul.f32 $1.024000000e+03, v18;
	[tilespmem:v12+s14+$0x0] =	vst.idx.add.f32.msk $0xffff, v2  }
0x520: {  	v18 =	vmul.f32 $5.120000000e+02, v18;
	v5 =	vcvt.f32.s32 v5;
	v2 =	vsub.f32 v11, v14;
	v11 =	vld [tilespmem:s19+$0x70]  }
0x521: {  	v19 =	vsub.s32 $0x3000, v4;
	v4 =	vcvt.f32.s32 v7;
	v7 =	vld [tilespmem:s19+$0x20];
	v36 =	vadd.f32 $8.192000000e+03, v36  }
0x522: {  	v31 =	vld [tilespmem:s19+$0x4020];
	v25 =	vadd.f32 $8.705000000e+03, v25;
	v24 =	vsub.s32 $0x3000, v10;
	v26 =	vadd.f32 $8.192000000e+03, v26  }
0x523: {  	v32 =	vld [tilespmem:s19+$0x4030];
	v18 =	vadd.f32 $8.705000000e+03, v18;
	v5 =	vsub.s32 $0x3000, v5;
	v10 =	vmul.f32 $1.024000000e+03, v13  }
0x524: {  	v20 =	vld [tilespmem:s19+$0x4070];
	v57 =	vsub.s32 $0x3000, v4;
	v13 =	vmul.f32 $5.120000000e+02, v13;
	v14 =	vtrunc.f32 v3  }
0x525: {  	v34 =	vld [tilespmem:s19+$0x4040];
	v55 =	vcvt.f32.s32 v14;
	v14 =	vsub.s32 $0x3000, v6;
	v56 =	vmul.f32 $1.024000000e+03, v11  }
0x526: {  	v6 =	vld [tilespmem:s19+$0x30];
	v10 =	vadd.f32 $8.192000000e+03, v10;
	v12 =	vtrunc.f32 v2;
	v58 =	vmul.f32 $1.024000000e+03, v7  }
0x527: {  	v60 =	vld [tilespmem:s19+$0x4060];
	v12 =	vcvt.f32.s32 v12;
	v11 =	vmul.f32 $5.120000000e+02, v11;
	v22 =	vadd.f32 $8.192000000e+03, v56  }
0x528: {  	v13 =	vadd.f32 $8.705000000e+03, v13;
	v7 =	vmul.f32 $5.120000000e+02, v7;
	[tilespmem:v19+s13+$0x0] =	vst.idx.add.f32.msk $0xffff, v1;
	v10 =	vmul.f32 v10, v28  }
0x529: {  	v4 =	vsub.s32 $0x3000, v12;
	v12 =	vld [tilespmem:s19+$0x50];
	v11 =	vadd.f32 $8.705000000e+03, v11;
	v20 =	vmul.f32 v22, v20  }
0x52a: {  	v26 =	vmul.f32 v26, v29;
	[tilespmem:v19+s14+$0x0] =	vst.idx.add.f32.msk $0xffff, v9;
	v7 =	vadd.f32 $8.705000000e+03, v7;
	v9 =	vsub.f32 v13, v10  }
0x52b: {  	[tilespmem:v5+s13+$0x0] =	vst.idx.add.f32.msk $0xffff, v1;
	v30 =	vmul.f32 $1.024000000e+03, v6;
	v6 =	vmul.f32 $5.120000000e+02, v6;
	v11 =	vsub.f32 v11, v20  }
0x52c: {  	v62 =	vmul.f32 v36, v60;
	[tilespmem:v5+s14+$0x0] =	vst.idx.add.f32.msk $0xffff, v8;
	v10 =	vadd.f32 $8.705000000e+03, v27;
	v8 =	vsub.f32 v18, v26  }
0x52d: {  	v37 =	vld [tilespmem:s19+$0x4050];
	v30 =	vadd.f32 $8.192000000e+03, v30;
	v6 =	vadd.f32 $8.705000000e+03, v6;
	v35 =	vtrunc.f32 v11  }
0x52e: {  	v22 =	vadd.f32 $8.192000000e+03, v59;
	v33 =	vmul.f32 $1.024000000e+03, v12;
	v35 =	vcvt.f32.s32 v35  }
0x52f: {  	v12 =	vmul.f32 $5.120000000e+02, v12;
	v19 =	vmul.f32 v30, v32;
	v20 =	vadd.f32 $8.192000000e+03, v58  }
0x530: {  	[tilespmem:v24+s13+$0x0] =	vst.idx.add.f32.msk $0xffff, v1;
	v22 =	vmul.f32 v22, v34;
	v33 =	vadd.f32 $8.192000000e+03, v33;
	v35 =	vsub.s32 $0x3000, v35  }
0x531: {  	[tilespmem:v57+s13+$0x0] =	vst.idx.add.f32.msk $0xffff, v1;
	v18 =	vtrunc.f32 v9;
	v5 =	vsub.f32 v6, v19;
	v20 =	vmul.f32 v20, v31  }
0x532: {  	[tilespmem:v24+s14+$0x0] =	vst.idx.add.f32.msk $0xffff, v17;
	v12 =	vadd.f32 $8.705000000e+03, v12;
	v6 =	vsub.f32 v25, v22;
	v61 =	vmul.f32 v33, v37  }
0x533: {  	[tilespmem:v14+s13+$0x0] =	vst.idx.add.f32.msk $0xffff, v1;
	v18 =	vcvt.f32.s32 v18;
	v63 =	vtrunc.f32 v5;
	v7 =	vsub.f32 v7, v20  }
0x534: {  	[tilespmem:v14+s14+$0x0] =	vst.idx.add.f32.msk $0xffff, v15;
	v25 =	vtrunc.f32 v6;
	v13 =	vsub.f32 v12, v61;
	v12 =	vsub.f32 v10, v62  }
0x535: {  	v10 =	vsub.s32 $0x3000, v55;
	v17 =	vcvt.f32.s32 v25;
	v20 =	vtrunc.f32 v7;
	[tilespmem:v35+s13+$0x0] =	vst.idx.add.f32.msk $0xffff, v1  }
0x536: {  	v14 =	vtrunc.f32 v13;
	[tilespmem:v35+s14+$0x0] =	vst.idx.add.f32.msk $0xffff, v11;
	v11 =	vtrunc.f32 v8  }
0x537: {  	[tilespmem:v57+s14+$0x0] =	vst.idx.add.f32.msk $0xffff, v16;
	v15 =	vtrunc.f32 v12;
	v19 =	vcvt.f32.s32 v11  }
0x538: {  	s20 =	simm.s32 $0x800;
	s21 =	simm.s32 $0x100;
	s19 =	simm.s32 $0x8;
	[tilespmem:v4+s13+$0x0] =	vst.idx.add.f32.msk $0xffff, v1;
	v16 =	vcvt.f32.s32 v20;
	v11 =	vsub.s32 $0x3000, v18;
	v18 =	vcvt.f32.s32 v63  }
.LBB2_24:
0x539: {  	s22 =	sand.u32 $0x1000, s21;
	s23 =	sand.u32 $0xC00, s20;
	v19 =	vsub.s32 $0x3000, v19;
	v14 =	vcvt.f32.s32 v14;
	v15 =	vcvt.f32.s32 v15;
	s18 =	sadd.s32 $0x20, s18;
	[tilespmem:v4+s14+$0x0] =	vst.idx.add.f32.msk $0xffff, v2;
	v2 =	vmovc v13  }
0x53a: {  	s19 =	sadd.s32 $0x8, s19;
	v16 =	vsub.s32 $0x3000, v16;
	s22 =	sor.u32 s23, s22;
	s23 =	sand.u32 $0x380, s18;
	v18 =	vsub.s32 $0x3000, v18;
	v17 =	vsub.s32 $0x3000, v17;
	[tilespmem:v10+s13+$0x0] =	vst.idx.add.f32.msk $0xffff, v1  }
0x53b: {  	p1 =	slt.u32 s19, $0x1F8;
	s22 =	sor.u32 s23, s22;
	v4 =	vsub.s32 $0x3000, v14;
	[tilespmem:v10+s14+$0x0] =	vst.idx.add.f32.msk $0xffff, v3;
	v10 =	vsub.s32 $0x3000, v15;
	v3 =	vmov v12  }
0x53c: {  	v12 =	vld [tilespmem:s22+$0x70]  }
0x53d: {  	v13 =	vld [tilespmem:s22+$0x0]  }
0x53e: {  	v14 =	vld [tilespmem:s22+$0x10]  }
0x53f: {  	v15 =	vld [tilespmem:s22+$0x20]  }
0x540: {  	v20 =	vld [tilespmem:s22+$0x4070]  }
0x541: {  	v21 =	vld [tilespmem:s22+$0x30];
	v22 =	vmul.f32 $1.024000000e+03, v12  }
0x542: {  	v23 =	vmul.f32 $5.120000000e+02, v13;
	v13 =	vmul.f32 $1.024000000e+03, v13;
	v24 =	vld [tilespmem:s22+$0x40]  }
0x543: {  	v12 =	vmul.f32 $5.120000000e+02, v12;
	v25 =	vmul.f32 $1.024000000e+03, v14;
	v26 =	vld [tilespmem:s22+$0x50];
	v22 =	vadd.f32 $8.192000000e+03, v22  }
0x544: {  	v14 =	vmul.f32 $5.120000000e+02, v14;
	v13 =	vadd.f32 $8.192000000e+03, v13;
	v27 =	vmul.f32 $1.024000000e+03, v15;
	v28 =	vld [tilespmem:s22+$0x60]  }
0x545: {  	v12 =	vadd.f32 $8.705000000e+03, v12;
	v29 =	vld [tilespmem:s22+$0x4000];
	v25 =	vadd.f32 $8.192000000e+03, v25;
	v20 =	vmul.f32 v22, v20  }
0x546: {  	v15 =	vmul.f32 $5.120000000e+02, v15;
	v22 =	vld [tilespmem:s22+$0x4010];
	v27 =	vadd.f32 $8.192000000e+03, v27;
	v30 =	vmul.f32 $1.024000000e+03, v21  }
0x547: {  	v21 =	vmul.f32 $5.120000000e+02, v21;
	v31 =	vld [tilespmem:s22+$0x4020];
	v32 =	vmul.f32 $1.024000000e+03, v24;
	v12 =	vsub.f32 v12, v20  }
0x548: {  	v24 =	vmul.f32 $5.120000000e+02, v24;
	v20 =	vld [tilespmem:s22+$0x4030];
	v30 =	vadd.f32 $8.192000000e+03, v30;
	v33 =	vmul.f32 $1.024000000e+03, v26  }
0x549: {  	v34 =	vld [tilespmem:s22+$0x4040];
	v32 =	vadd.f32 $8.192000000e+03, v32;
	v35 =	vmul.f32 $1.024000000e+03, v28;
	v36 =	vtrunc.f32 v12  }
0x54a: {  	v26 =	vmul.f32 $5.120000000e+02, v26;
	v37 =	vld [tilespmem:s22+$0x4050];
	v33 =	vadd.f32 $8.192000000e+03, v33;
	v36 =	vcvt.f32.s32 v36  }
0x54b: {  	v28 =	vmul.f32 $5.120000000e+02, v28;
	v13 =	vmul.f32 v13, v29;
	v29 =	vld [tilespmem:s22+$0x4060];
	v35 =	vadd.f32 $8.192000000e+03, v35  }
0x54c: {  	v22 =	vmul.f32 v25, v22;
	v25 =	vmul.f32 v27, v31;
	v27 =	vsub.s32 $0x3000, v36;
	[tilespmem:v11+s13+$0x0] =	vst.idx.add.f32.msk $0xffff, v1  }
0x54d: {  	v23 =	vadd.f32 $8.705000000e+03, v23;
	v14 =	vadd.f32 $8.705000000e+03, v14;
	v20 =	vmul.f32 v30, v20;
	[tilespmem:v11+s14+$0x0] =	vst.idx.add.f32.msk $0xffff, v9  }
0x54e: {  	v11 =	vadd.f32 $8.705000000e+03, v15;
	v15 =	vadd.f32 $8.705000000e+03, v21;
	v21 =	vmul.f32 v32, v34;
	[tilespmem:v19+s13+$0x0] =	vst.idx.add.f32.msk $0xffff, v1  }
0x54f: {  	v24 =	vadd.f32 $8.705000000e+03, v24;
	v26 =	vadd.f32 $8.705000000e+03, v26;
	v30 =	vmul.f32 v33, v37;
	[tilespmem:v19+s14+$0x0] =	vst.idx.add.f32.msk $0xffff, v8  }
0x550: {  	v9 =	vsub.f32 v23, v13;
	v19 =	vadd.f32 $8.705000000e+03, v28;
	v23 =	vmul.f32 v35, v29;
	[tilespmem:v16+s13+$0x0] =	vst.idx.add.f32.msk $0xffff, v1  }
0x551: {  	v8 =	vsub.f32 v14, v22;
	v11 =	vsub.f32 v11, v25;
	[tilespmem:v27+s13+$0x0] =	vst.idx.add.f32.msk $0xffff, v1  }
0x552: {  	v22 =	vtrunc.f32 v9;
	v15 =	vsub.f32 v15, v20;
	v20 =	vsub.f32 v24, v21;
	[tilespmem:v27+s14+$0x0] =	vst.idx.add.f32.msk $0xffff, v12  }
0x553: {  	v21 =	vtrunc.f32 v8;
	v13 =	vsub.f32 v26, v30;
	v12 =	vsub.f32 v19, v23;
	[tilespmem:v16+s14+$0x0] =	vst.idx.add.f32.msk $0xffff, v7  }
.Ltmp13:
0x554: {  	v23 =	vtrunc.f32 v15;
	v16 =	vtrunc.f32 v11;
	v7 =	vmov v11;
	[tilespmem:v18+s13+$0x0] =	vst.idx.add.f32.msk $0xffff, v1;
	(pc) =	sbr.rel @p1 .LBB2_24-.Ltmp13, $4  }
0x555: {  	v24 =	vtrunc.f32 v20;
	v14 =	vtrunc.f32 v13;
	[tilespmem:v18+s14+$0x0] =	vst.idx.add.f32.msk $0xffff, v5;
	v5 =	vmov v15  }
0x556: {  	v11 =	vcvt.f32.s32 v22;
	v15 =	vtrunc.f32 v12;
	[tilespmem:v17+s13+$0x0] =	vst.idx.add.f32.msk $0xffff, v1  }
0x557: {  	v19 =	vcvt.f32.s32 v21;
	v16 =	vcvt.f32.s32 v16;
	[tilespmem:v17+s14+$0x0] =	vst.idx.add.f32.msk $0xffff, v6;
	v6 =	vmov v20  }
0x558: {  	s20 =	sadd.s32 $0x400, s20;
	s21 =	sadd.s32 $0x80, s21;
	v11 =	vsub.s32 $0x3000, v11;
	v18 =	vcvt.f32.s32 v23;
	v17 =	vcvt.f32.s32 v24;
	[tilespmem:v4+s13+$0x0] =	vst.idx.add.f32.msk $0xffff, v1  }
0x559: {  	_ =	sdelay $0x3  }
0x55a: {  	v19 =	vsub.s32 $0x3000, v19;
	[tilespmem:v4+s14+$0x0] =	vst.idx.add.f32.msk $0xffff, v2  }
0x55b: {  	[tilespmem:v10+s13+$0x0] =	vst.idx.add.f32.msk $0xffff, v1;
	v2 =	vsub.s32 $0x3000, v16  }
0x55c: {  	[tilespmem:v11+s13+$0x0] =	vst.idx.add.f32.msk $0xffff, v1  }
0x55d: {  	[tilespmem:v10+s14+$0x0] =	vst.idx.add.f32.msk $0xffff, v3  }
0x55e: {  	v3 =	vsub.s32 $0x3000, v18;
	[tilespmem:v11+s14+$0x0] =	vst.idx.add.f32.msk $0xffff, v9  }
0x55f: {  	v9 =	vsub.s32 $0x3000, v17;
	[tilespmem:v19+s13+$0x0] =	vst.idx.add.f32.msk $0xffff, v1  }
0x560: {  	v4 =	vcvt.f32.s32 v14;
	[tilespmem:v2+s13+$0x0] =	vst.idx.add.f32.msk $0xffff, v1  }
0x561: {  	[tilespmem:v19+s14+$0x0] =	vst.idx.add.f32.msk $0xffff, v8  }
0x562: {  	v4 =	vsub.s32 $0x3000, v4;
	v8 =	vcvt.f32.s32 v15;
	[tilespmem:v2+s14+$0x0] =	vst.idx.add.f32.msk $0xffff, v7  }
0x563: {  	[tilespmem:v3+s13+$0x0] =	vst.idx.add.f32.msk $0xffff, v1  }
0x564: {  	[tilespmem:v9+s13+$0x0] =	vst.idx.add.f32.msk $0xffff, v1;
	v2 =	vsub.s32 $0x3000, v8  }
0x565: {  	[tilespmem:v3+s14+$0x0] =	vst.idx.add.f32.msk $0xffff, v5  }
0x566: {  	[tilespmem:v9+s14+$0x0] =	vst.idx.add.f32.msk $0xffff, v6  }
0x567: {  	[tilespmem:v4+s13+$0x0] =	vst.idx.add.f32.msk $0xffff, v1  }
0x568: {  	[tilespmem:v4+s14+$0x0] =	vst.idx.add.f32.msk $0xffff, v13  }
0x569: {  	[tilespmem:v2+s13+$0x0] =	vst.idx.add.f32.msk $0xffff, v1  }
0x56a: {  	[tilespmem:v2+s14+$0x0] =	vst.idx.add.f32.msk $0xffff, v12  }
0x56b: {  	_ =	swait.ge [sflag:s15], $0x2000  }
0x56c: {  	[sflag:s15] =	ssyncset.done $0x0  }
0x56d: {  	[sflag:s15] =	ssyncadd.s32 $0xFFFFE000  }
0x56e: {  	_ =	swait.ge [sflag:s15], $0x2000  }
0x56f: {  	[sflag:s15] =	ssyncset.done $0x0  }
0x570: {  	s18 =	simm.s32 $0x0;
	s0 =	rddreg [dreg:$0x14];
	[sflag:s15] =	ssyncadd.s32 $0xFFFFE000  }
0x571: {  	[tilespmem:s18], [sflag:$0x1] =	stream.linear.gather [hbm4b:s0+s18], $0x2000, $0x38;
	[tilespmem:$0x1A080] =	vst v63  }
0x572: {  	s19 =	rddreg [dreg:$0x15]  }
0x573: {  	[tilespmem:s9], [sflag:$0x1] =	stream.linear.gather [hbm4b:s19+s18], $0x2000, $0x38;
	[tilespmem:$0x1A080] =	vst v63  }
0x574: {  	s20 =	sand.u32 $0xC00, s18;
	s19 =	sand.u32 $0x1000, s18  }
0x575: {  	s18 =	sand.u32 $0x380, s18;
	s19 =	sor.u32 s20, s19  }
0x576: {  	s18 =	sor.u32 s18, s19  }
0x577: {  	v2 =	vld [tilespmem:s18+$0x2070]  }
0x578: {  	v3 =	vld [tilespmem:s18+$0x2000]  }
0x579: {  	v4 =	vld [tilespmem:s18+$0x2010]  }
0x57a: {  	v5 =	vld [tilespmem:s18+$0x2020]  }
0x57b: {  	v7 =	vld [tilespmem:s18+$0x2030]  }
0x57c: {  	v10 =	vld [tilespmem:s18+$0x2040]  }
0x57d: {  	v13 =	vld [tilespmem:s18+$0x2060];
	v8 =	vmul.f32 $1.024000000e+03, v2  }
0x57e: {  	v9 =	vmul.f32 $1.024000000e+03, v3;
	v3 =	vmul.f32 $5.120000000e+02, v3  }
0x57f: {  	v2 =	vmul.f32 $5.120000000e+02, v2;
	v12 =	vmul.f32 $1.024000000e+03, v4  }
0x580: {  	v4 =	vmul.f32 $5.120000000e+02, v4;
	v14 =	vmul.f32 $1.024000000e+03, v5  }
0x581: {  	v6 =	vld [tilespmem:s18+$0x6070];
	v16 =	vmul.f32 $1.024000000e+03, v7;
	v18 =	vmul.f32 $1.024000000e+03, v10  }
0x582: {  	v15 =	vld [tilespmem:s18+$0x6000];
	v20 =	vmul.f32 $1.024000000e+03, v13;
	v8 =	vadd.f32 $8.192000000e+03, v8;
	v9 =	vadd.f32 $8.192000000e+03, v9  }
0x583: {  	v19 =	vld [tilespmem:s18+$0x6030];
	v5 =	vmul.f32 $5.120000000e+02, v5;
	v2 =	vadd.f32 $8.705000000e+03, v2;
	v16 =	vadd.f32 $8.192000000e+03, v16  }
0x584: {  	v11 =	vld [tilespmem:s18+$0x2050];
	v7 =	vmul.f32 $5.120000000e+02, v7;
	v18 =	vadd.f32 $8.192000000e+03, v18;
	v20 =	vadd.f32 $8.192000000e+03, v20  }
0x585: {  	v17 =	vld [tilespmem:s18+$0x6020];
	v10 =	vmul.f32 $5.120000000e+02, v10;
	v3 =	vadd.f32 $8.705000000e+03, v3;
	v4 =	vadd.f32 $8.705000000e+03, v4  }
0x586: {  	v22 =	vld [tilespmem:s18+$0x6040];
	v5 =	vadd.f32 $8.705000000e+03, v5;
	v7 =	vadd.f32 $8.705000000e+03, v7;
	v6 =	vmul.f32 v8, v6  }
0x587: {  	v13 =	vmul.f32 $5.120000000e+02, v13;
	v10 =	vadd.f32 $8.705000000e+03, v10;
	v8 =	vadd.f32 $8.192000000e+03, v12;
	v12 =	vld [tilespmem:s18+$0x6010]  }
0x588: {  	s21 =	simm.s32 $0x80;
	s20 =	simm.s32 $0x400;
	v9 =	vmul.f32 v9, v15;
	v15 =	vld [tilespmem:s18+$0x6060];
	v16 =	vmul.f32 v16, v19;
	v2 =	vsub.f32 v2, v6  }
0x589: {  	s19 =	sand.u32 $0x1000, s21;
	s22 =	sand.u32 $0xC00, s20;
	v23 =	vld [tilespmem:s18+$0x6050];
	s18 =	simm.s32 $0x20;
	v6 =	vadd.f32 $8.192000000e+03, v14;
	v14 =	vmul.f32 $1.024000000e+03, v11;
	v11 =	vmul.f32 $5.120000000e+02, v11  }
0x58a: {  	s19 =	sor.u32 s22, s19;
	s23 =	sand.u32 $0x380, s18;
	v9 =	vsub.f32 v3, v9;
	v16 =	vsub.f32 v7, v16;
	v21 =	vtrunc.f32 v2  }
0x58b: {  	v3 =	vadd.f32 $8.705000000e+03, v13;
	s19 =	sor.u32 s23, s19;
	v6 =	vmul.f32 v6, v17;
	v17 =	vmul.f32 v18, v22  }
0x58c: {  	v25 =	vld [tilespmem:s19+$0x2040];
	v14 =	vadd.f32 $8.192000000e+03, v14;
	v7 =	vtrunc.f32 v16;
	v21 =	vcvt.f32.s32 v21  }
0x58d: {  	v27 =	vld [tilespmem:s19+$0x2060];
	v8 =	vmul.f32 v8, v12;
	v13 =	vmul.f32 v20, v15;
	v15 =	vsub.f32 v5, v6  }
0x58e: {  	v14 =	vmul.f32 v14, v23;
	v17 =	vsub.f32 v10, v17;
	v12 =	vsub.s32 $0x3000, v21  }
0x58f: {  	v18 =	vld [tilespmem:s19+$0x2010];
	v8 =	vsub.f32 v4, v8;
	v4 =	vtrunc.f32 v9;
	v6 =	vtrunc.f32 v15  }
0x590: {  	v28 =	vld [tilespmem:s19+$0x6000];
	v10 =	vtrunc.f32 v17;
	v4 =	vcvt.f32.s32 v4  }
0x591: {  	v29 =	vld [tilespmem:s19+$0x6010];
	v59 =	vmul.f32 $1.024000000e+03, v25;
	v25 =	vmul.f32 $5.120000000e+02, v25  }
0x592: {  	v3 =	vsub.f32 v3, v13;
	v13 =	vld [tilespmem:s19+$0x2000];
	v36 =	vmul.f32 $1.024000000e+03, v27;
	v27 =	vmul.f32 $5.120000000e+02, v27  }
0x593: {  	v11 =	vadd.f32 $8.705000000e+03, v11;
	v5 =	vtrunc.f32 v8;
	v6 =	vcvt.f32.s32 v6;
	[tilespmem:v12+s13+$0x0] =	vst.idx.add.f32.msk $0xffff, v1  }
0x594: {  	v10 =	vcvt.f32.s32 v10;
	v26 =	vmul.f32 $1.024000000e+03, v18;
	[tilespmem:v12+s14+$0x0] =	vst.idx.add.f32.msk $0xffff, v2  }
0x595: {  	v18 =	vmul.f32 $5.120000000e+02, v18;
	v5 =	vcvt.f32.s32 v5;
	v2 =	vsub.f32 v11, v14;
	v11 =	vld [tilespmem:s19+$0x2070]  }
0x596: {  	v19 =	vsub.s32 $0x3000, v4;
	v4 =	vcvt.f32.s32 v7;
	v7 =	vld [tilespmem:s19+$0x2020];
	v36 =	vadd.f32 $8.192000000e+03, v36  }
0x597: {  	v31 =	vld [tilespmem:s19+$0x6020];
	v25 =	vadd.f32 $8.705000000e+03, v25;
	v24 =	vsub.s32 $0x3000, v10;
	v26 =	vadd.f32 $8.192000000e+03, v26  }
0x598: {  	v32 =	vld [tilespmem:s19+$0x6030];
	v18 =	vadd.f32 $8.705000000e+03, v18;
	v5 =	vsub.s32 $0x3000, v5;
	v10 =	vmul.f32 $1.024000000e+03, v13  }
0x599: {  	v20 =	vld [tilespmem:s19+$0x6070];
	v57 =	vsub.s32 $0x3000, v4;
	v13 =	vmul.f32 $5.120000000e+02, v13;
	v14 =	vtrunc.f32 v3  }
0x59a: {  	v34 =	vld [tilespmem:s19+$0x6040];
	v55 =	vcvt.f32.s32 v14;
	v14 =	vsub.s32 $0x3000, v6;
	v56 =	vmul.f32 $1.024000000e+03, v11  }
0x59b: {  	v6 =	vld [tilespmem:s19+$0x2030];
	v10 =	vadd.f32 $8.192000000e+03, v10;
	v12 =	vtrunc.f32 v2;
	v58 =	vmul.f32 $1.024000000e+03, v7  }
0x59c: {  	v60 =	vld [tilespmem:s19+$0x6060];
	v12 =	vcvt.f32.s32 v12;
	v11 =	vmul.f32 $5.120000000e+02, v11;
	v22 =	vadd.f32 $8.192000000e+03, v56  }
0x59d: {  	v13 =	vadd.f32 $8.705000000e+03, v13;
	v7 =	vmul.f32 $5.120000000e+02, v7;
	[tilespmem:v19+s13+$0x0] =	vst.idx.add.f32.msk $0xffff, v1;
	v10 =	vmul.f32 v10, v28  }
0x59e: {  	v4 =	vsub.s32 $0x3000, v12;
	v12 =	vld [tilespmem:s19+$0x2050];
	v11 =	vadd.f32 $8.705000000e+03, v11;
	v20 =	vmul.f32 v22, v20  }
0x59f: {  	v26 =	vmul.f32 v26, v29;
	[tilespmem:v19+s14+$0x0] =	vst.idx.add.f32.msk $0xffff, v9;
	v7 =	vadd.f32 $8.705000000e+03, v7;
	v9 =	vsub.f32 v13, v10  }
0x5a0: {  	[tilespmem:v5+s13+$0x0] =	vst.idx.add.f32.msk $0xffff, v1;
	v30 =	vmul.f32 $1.024000000e+03, v6;
	v6 =	vmul.f32 $5.120000000e+02, v6;
	v11 =	vsub.f32 v11, v20  }
0x5a1: {  	v62 =	vmul.f32 v36, v60;
	[tilespmem:v5+s14+$0x0] =	vst.idx.add.f32.msk $0xffff, v8;
	v10 =	vadd.f32 $8.705000000e+03, v27;
	v8 =	vsub.f32 v18, v26  }
0x5a2: {  	v37 =	vld [tilespmem:s19+$0x6050];
	v30 =	vadd.f32 $8.192000000e+03, v30;
	v6 =	vadd.f32 $8.705000000e+03, v6;
	v35 =	vtrunc.f32 v11  }
0x5a3: {  	v22 =	vadd.f32 $8.192000000e+03, v59;
	v33 =	vmul.f32 $1.024000000e+03, v12;
	v35 =	vcvt.f32.s32 v35  }
0x5a4: {  	v12 =	vmul.f32 $5.120000000e+02, v12;
	v19 =	vmul.f32 v30, v32;
	v20 =	vadd.f32 $8.192000000e+03, v58  }
0x5a5: {  	[tilespmem:v24+s13+$0x0] =	vst.idx.add.f32.msk $0xffff, v1;
	v22 =	vmul.f32 v22, v34;
	v33 =	vadd.f32 $8.192000000e+03, v33;
	v35 =	vsub.s32 $0x3000, v35  }
0x5a6: {  	[tilespmem:v57+s13+$0x0] =	vst.idx.add.f32.msk $0xffff, v1;
	v18 =	vtrunc.f32 v9;
	v5 =	vsub.f32 v6, v19;
	v20 =	vmul.f32 v20, v31  }
0x5a7: {  	[tilespmem:v24+s14+$0x0] =	vst.idx.add.f32.msk $0xffff, v17;
	v12 =	vadd.f32 $8.705000000e+03, v12;
	v6 =	vsub.f32 v25, v22;
	v61 =	vmul.f32 v33, v37  }
0x5a8: {  	[tilespmem:v14+s13+$0x0] =	vst.idx.add.f32.msk $0xffff, v1;
	v18 =	vcvt.f32.s32 v18;
	v63 =	vtrunc.f32 v5;
	v7 =	vsub.f32 v7, v20  }
0x5a9: {  	[tilespmem:v14+s14+$0x0] =	vst.idx.add.f32.msk $0xffff, v15;
	v25 =	vtrunc.f32 v6;
	v13 =	vsub.f32 v12, v61;
	v12 =	vsub.f32 v10, v62  }
0x5aa: {  	v10 =	vsub.s32 $0x3000, v55;
	v17 =	vcvt.f32.s32 v25;
	v20 =	vtrunc.f32 v7;
	[tilespmem:v35+s13+$0x0] =	vst.idx.add.f32.msk $0xffff, v1  }
0x5ab: {  	v14 =	vtrunc.f32 v13;
	[tilespmem:v35+s14+$0x0] =	vst.idx.add.f32.msk $0xffff, v11;
	v11 =	vtrunc.f32 v8  }
0x5ac: {  	[tilespmem:v57+s14+$0x0] =	vst.idx.add.f32.msk $0xffff, v16;
	v15 =	vtrunc.f32 v12;
	v19 =	vcvt.f32.s32 v11  }
0x5ad: {  	s20 =	simm.s32 $0x800;
	s21 =	simm.s32 $0x100;
	s19 =	simm.s32 $0x8;
	[tilespmem:v4+s13+$0x0] =	vst.idx.add.f32.msk $0xffff, v1;
	v16 =	vcvt.f32.s32 v20;
	v11 =	vsub.s32 $0x3000, v18;
	v18 =	vcvt.f32.s32 v63  }
.LBB2_26:
0x5ae: {  	s22 =	sand.u32 $0x1000, s21;
	s23 =	sand.u32 $0xC00, s20;
	v19 =	vsub.s32 $0x3000, v19;
	v14 =	vcvt.f32.s32 v14;
	v15 =	vcvt.f32.s32 v15;
	s18 =	sadd.s32 $0x20, s18;
	[tilespmem:v4+s14+$0x0] =	vst.idx.add.f32.msk $0xffff, v2;
	v2 =	vmovc v13  }
0x5af: {  	s19 =	sadd.s32 $0x8, s19;
	v16 =	vsub.s32 $0x3000, v16;
	s22 =	sor.u32 s23, s22;
	s23 =	sand.u32 $0x380, s18;
	v18 =	vsub.s32 $0x3000, v18;
	v17 =	vsub.s32 $0x3000, v17;
	[tilespmem:v10+s13+$0x0] =	vst.idx.add.f32.msk $0xffff, v1  }
0x5b0: {  	p1 =	slt.u32 s19, $0x1F8;
	s22 =	sor.u32 s23, s22;
	v4 =	vsub.s32 $0x3000, v14;
	[tilespmem:v10+s14+$0x0] =	vst.idx.add.f32.msk $0xffff, v3;
	v10 =	vsub.s32 $0x3000, v15;
	v3 =	vmov v12  }
0x5b1: {  	v12 =	vld [tilespmem:s22+$0x2070]  }
0x5b2: {  	v13 =	vld [tilespmem:s22+$0x2000]  }
0x5b3: {  	v14 =	vld [tilespmem:s22+$0x2010]  }
0x5b4: {  	v15 =	vld [tilespmem:s22+$0x2020]  }
0x5b5: {  	v20 =	vld [tilespmem:s22+$0x6070]  }
0x5b6: {  	v21 =	vld [tilespmem:s22+$0x2030];
	v22 =	vmul.f32 $1.024000000e+03, v12  }
0x5b7: {  	v23 =	vmul.f32 $5.120000000e+02, v13;
	v13 =	vmul.f32 $1.024000000e+03, v13;
	v24 =	vld [tilespmem:s22+$0x2040]  }
0x5b8: {  	v12 =	vmul.f32 $5.120000000e+02, v12;
	v25 =	vmul.f32 $1.024000000e+03, v14;
	v26 =	vld [tilespmem:s22+$0x2050];
	v22 =	vadd.f32 $8.192000000e+03, v22  }
0x5b9: {  	v14 =	vmul.f32 $5.120000000e+02, v14;
	v13 =	vadd.f32 $8.192000000e+03, v13;
	v27 =	vmul.f32 $1.024000000e+03, v15;
	v28 =	vld [tilespmem:s22+$0x2060]  }
0x5ba: {  	v12 =	vadd.f32 $8.705000000e+03, v12;
	v29 =	vld [tilespmem:s22+$0x6000];
	v25 =	vadd.f32 $8.192000000e+03, v25;
	v20 =	vmul.f32 v22, v20  }
0x5bb: {  	v15 =	vmul.f32 $5.120000000e+02, v15;
	v22 =	vld [tilespmem:s22+$0x6010];
	v27 =	vadd.f32 $8.192000000e+03, v27;
	v30 =	vmul.f32 $1.024000000e+03, v21  }
0x5bc: {  	v21 =	vmul.f32 $5.120000000e+02, v21;
	v31 =	vld [tilespmem:s22+$0x6020];
	v32 =	vmul.f32 $1.024000000e+03, v24;
	v12 =	vsub.f32 v12, v20  }
0x5bd: {  	v24 =	vmul.f32 $5.120000000e+02, v24;
	v20 =	vld [tilespmem:s22+$0x6030];
	v30 =	vadd.f32 $8.192000000e+03, v30;
	v33 =	vmul.f32 $1.024000000e+03, v26  }
0x5be: {  	v34 =	vld [tilespmem:s22+$0x6040];
	v32 =	vadd.f32 $8.192000000e+03, v32;
	v35 =	vmul.f32 $1.024000000e+03, v28;
	v36 =	vtrunc.f32 v12  }
0x5bf: {  	v26 =	vmul.f32 $5.120000000e+02, v26;
	v37 =	vld [tilespmem:s22+$0x6050];
	v33 =	vadd.f32 $8.192000000e+03, v33;
	v36 =	vcvt.f32.s32 v36  }
0x5c0: {  	v28 =	vmul.f32 $5.120000000e+02, v28;
	v13 =	vmul.f32 v13, v29;
	v29 =	vld [tilespmem:s22+$0x6060];
	v35 =	vadd.f32 $8.192000000e+03, v35  }
0x5c1: {  	v22 =	vmul.f32 v25, v22;
	v25 =	vmul.f32 v27, v31;
	v27 =	vsub.s32 $0x3000, v36;
	[tilespmem:v11+s13+$0x0] =	vst.idx.add.f32.msk $0xffff, v1  }
0x5c2: {  	v23 =	vadd.f32 $8.705000000e+03, v23;
	v14 =	vadd.f32 $8.705000000e+03, v14;
	v20 =	vmul.f32 v30, v20;
	[tilespmem:v11+s14+$0x0] =	vst.idx.add.f32.msk $0xffff, v9  }
0x5c3: {  	v11 =	vadd.f32 $8.705000000e+03, v15;
	v15 =	vadd.f32 $8.705000000e+03, v21;
	v21 =	vmul.f32 v32, v34;
	[tilespmem:v19+s13+$0x0] =	vst.idx.add.f32.msk $0xffff, v1  }
0x5c4: {  	v24 =	vadd.f32 $8.705000000e+03, v24;
	v26 =	vadd.f32 $8.705000000e+03, v26;
	v30 =	vmul.f32 v33, v37;
	[tilespmem:v19+s14+$0x0] =	vst.idx.add.f32.msk $0xffff, v8  }
0x5c5: {  	v9 =	vsub.f32 v23, v13;
	v19 =	vadd.f32 $8.705000000e+03, v28;
	v23 =	vmul.f32 v35, v29;
	[tilespmem:v16+s13+$0x0] =	vst.idx.add.f32.msk $0xffff, v1  }
0x5c6: {  	v8 =	vsub.f32 v14, v22;
	v11 =	vsub.f32 v11, v25;
	[tilespmem:v27+s13+$0x0] =	vst.idx.add.f32.msk $0xffff, v1  }
0x5c7: {  	v22 =	vtrunc.f32 v9;
	v15 =	vsub.f32 v15, v20;
	v20 =	vsub.f32 v24, v21;
	[tilespmem:v27+s14+$0x0] =	vst.idx.add.f32.msk $0xffff, v12  }
0x5c8: {  	v21 =	vtrunc.f32 v8;
	v13 =	vsub.f32 v26, v30;
	v12 =	vsub.f32 v19, v23;
	[tilespmem:v16+s14+$0x0] =	vst.idx.add.f32.msk $0xffff, v7  }
.Ltmp14:
0x5c9: {  	v23 =	vtrunc.f32 v15;
	v16 =	vtrunc.f32 v11;
	v7 =	vmov v11;
	[tilespmem:v18+s13+$0x0] =	vst.idx.add.f32.msk $0xffff, v1;
	(pc) =	sbr.rel @p1 .LBB2_26-.Ltmp14, $4  }
0x5ca: {  	v24 =	vtrunc.f32 v20;
	v14 =	vtrunc.f32 v13;
	[tilespmem:v18+s14+$0x0] =	vst.idx.add.f32.msk $0xffff, v5;
	v5 =	vmov v15  }
0x5cb: {  	v11 =	vcvt.f32.s32 v22;
	v15 =	vtrunc.f32 v12;
	[tilespmem:v17+s13+$0x0] =	vst.idx.add.f32.msk $0xffff, v1  }
0x5cc: {  	v19 =	vcvt.f32.s32 v21;
	v16 =	vcvt.f32.s32 v16;
	[tilespmem:v17+s14+$0x0] =	vst.idx.add.f32.msk $0xffff, v6;
	v6 =	vmov v20  }
0x5cd: {  	s20 =	sadd.s32 $0x400, s20;
	s21 =	sadd.s32 $0x80, s21;
	v11 =	vsub.s32 $0x3000, v11;
	v18 =	vcvt.f32.s32 v23;
	v17 =	vcvt.f32.s32 v24;
	[tilespmem:v4+s13+$0x0] =	vst.idx.add.f32.msk $0xffff, v1  }
0x5ce: {  	_ =	sdelay $0x3  }
0x5cf: {  	v19 =	vsub.s32 $0x3000, v19;
	[tilespmem:v4+s14+$0x0] =	vst.idx.add.f32.msk $0xffff, v2  }
0x5d0: {  	[tilespmem:v10+s13+$0x0] =	vst.idx.add.f32.msk $0xffff, v1;
	v2 =	vsub.s32 $0x3000, v16  }
0x5d1: {  	[tilespmem:v11+s13+$0x0] =	vst.idx.add.f32.msk $0xffff, v1  }
0x5d2: {  	[tilespmem:v10+s14+$0x0] =	vst.idx.add.f32.msk $0xffff, v3  }
0x5d3: {  	v3 =	vsub.s32 $0x3000, v18;
	[tilespmem:v11+s14+$0x0] =	vst.idx.add.f32.msk $0xffff, v9  }
0x5d4: {  	v9 =	vsub.s32 $0x3000, v17;
	[tilespmem:v19+s13+$0x0] =	vst.idx.add.f32.msk $0xffff, v1  }
0x5d5: {  	v4 =	vcvt.f32.s32 v14;
	[tilespmem:v2+s13+$0x0] =	vst.idx.add.f32.msk $0xffff, v1  }
0x5d6: {  	[tilespmem:v19+s14+$0x0] =	vst.idx.add.f32.msk $0xffff, v8  }
0x5d7: {  	v4 =	vsub.s32 $0x3000, v4;
	v8 =	vcvt.f32.s32 v15;
	[tilespmem:v2+s14+$0x0] =	vst.idx.add.f32.msk $0xffff, v7  }
0x5d8: {  	[tilespmem:v3+s13+$0x0] =	vst.idx.add.f32.msk $0xffff, v1  }
0x5d9: {  	[tilespmem:v9+s13+$0x0] =	vst.idx.add.f32.msk $0xffff, v1;
	v2 =	vsub.s32 $0x3000, v8  }
0x5da: {  	[tilespmem:v3+s14+$0x0] =	vst.idx.add.f32.msk $0xffff, v5  }
0x5db: {  	[tilespmem:v9+s14+$0x0] =	vst.idx.add.f32.msk $0xffff, v6  }
0x5dc: {  	[tilespmem:v4+s13+$0x0] =	vst.idx.add.f32.msk $0xffff, v1  }
0x5dd: {  	[tilespmem:v4+s14+$0x0] =	vst.idx.add.f32.msk $0xffff, v13  }
0x5de: {  	[tilespmem:v2+s13+$0x0] =	vst.idx.add.f32.msk $0xffff, v1  }
0x5df: {  	[tilespmem:v2+s14+$0x0] =	vst.idx.add.f32.msk $0xffff, v12  }
0x5e0: {  	_ =	swait.ge [sflag:s10], $0x2000  }
0x5e1: {  	[sflag:s10] =	ssyncset.done $0x0  }
0x5e2: {  	[sflag:s10] =	ssyncadd.s32 $0xFFFFE000  }
0x5e3: {  	_ =	swait.ge [sflag:s10], $0x2000  }
0x5e4: {  	[sflag:s10] =	ssyncset.done $0x0  }
0x5e5: {  	s18 =	simm.s32 $0x0;
	s0 =	rddreg [dreg:$0x16];
	[sflag:s10] =	ssyncadd.s32 $0xFFFFE000  }
0x5e6: {  	[tilespmem:s11], [sflag:$0x2] =	stream.linear.gather [hbm4b:s0+s18], $0x2000, $0x38;
	[tilespmem:$0x1A080] =	vst v63  }
0x5e7: {  	s19 =	rddreg [dreg:$0x17]  }
0x5e8: {  	[tilespmem:s12], [sflag:$0x2] =	stream.linear.gather [hbm4b:s19+s18], $0x2000, $0x38;
	[tilespmem:$0x1A080] =	vst v63  }
0x5e9: {  	s20 =	sand.u32 $0xC00, s18;
	s19 =	sand.u32 $0x1000, s18  }
0x5ea: {  	s18 =	sand.u32 $0x380, s18;
	s19 =	sor.u32 s20, s19  }
0x5eb: {  	s18 =	sor.u32 s18, s19  }
0x5ec: {  	v2 =	vld [tilespmem:s18+$0x70]  }
0x5ed: {  	v3 =	vld [tilespmem:s18+$0x0]  }
0x5ee: {  	v4 =	vld [tilespmem:s18+$0x10]  }
0x5ef: {  	v5 =	vld [tilespmem:s18+$0x20]  }
0x5f0: {  	v7 =	vld [tilespmem:s18+$0x30]  }
0x5f1: {  	v10 =	vld [tilespmem:s18+$0x40]  }
0x5f2: {  	v13 =	vld [tilespmem:s18+$0x60];
	v8 =	vmul.f32 $1.024000000e+03, v2  }
0x5f3: {  	v9 =	vmul.f32 $1.024000000e+03, v3;
	v3 =	vmul.f32 $5.120000000e+02, v3  }
0x5f4: {  	v2 =	vmul.f32 $5.120000000e+02, v2;
	v12 =	vmul.f32 $1.024000000e+03, v4  }
0x5f5: {  	v4 =	vmul.f32 $5.120000000e+02, v4;
	v14 =	vmul.f32 $1.024000000e+03, v5  }
0x5f6: {  	v6 =	vld [tilespmem:s18+$0x4070];
	v16 =	vmul.f32 $1.024000000e+03, v7;
	v18 =	vmul.f32 $1.024000000e+03, v10  }
0x5f7: {  	v15 =	vld [tilespmem:s18+$0x4000];
	v20 =	vmul.f32 $1.024000000e+03, v13;
	v8 =	vadd.f32 $8.192000000e+03, v8;
	v9 =	vadd.f32 $8.192000000e+03, v9  }
0x5f8: {  	v19 =	vld [tilespmem:s18+$0x4030];
	v5 =	vmul.f32 $5.120000000e+02, v5;
	v2 =	vadd.f32 $8.705000000e+03, v2;
	v16 =	vadd.f32 $8.192000000e+03, v16  }
0x5f9: {  	v11 =	vld [tilespmem:s18+$0x50];
	v7 =	vmul.f32 $5.120000000e+02, v7;
	v18 =	vadd.f32 $8.192000000e+03, v18;
	v20 =	vadd.f32 $8.192000000e+03, v20  }
0x5fa: {  	v17 =	vld [tilespmem:s18+$0x4020];
	v10 =	vmul.f32 $5.120000000e+02, v10;
	v3 =	vadd.f32 $8.705000000e+03, v3;
	v4 =	vadd.f32 $8.705000000e+03, v4  }
0x5fb: {  	v22 =	vld [tilespmem:s18+$0x4040];
	v5 =	vadd.f32 $8.705000000e+03, v5;
	v7 =	vadd.f32 $8.705000000e+03, v7;
	v6 =	vmul.f32 v8, v6  }
0x5fc: {  	v13 =	vmul.f32 $5.120000000e+02, v13;
	v10 =	vadd.f32 $8.705000000e+03, v10;
	v8 =	vadd.f32 $8.192000000e+03, v12;
	v12 =	vld [tilespmem:s18+$0x4010]  }
0x5fd: {  	s21 =	simm.s32 $0x80;
	s20 =	simm.s32 $0x400;
	v9 =	vmul.f32 v9, v15;
	v15 =	vld [tilespmem:s18+$0x4060];
	v16 =	vmul.f32 v16, v19;
	v2 =	vsub.f32 v2, v6  }
0x5fe: {  	s19 =	sand.u32 $0x1000, s21;
	s22 =	sand.u32 $0xC00, s20;
	v23 =	vld [tilespmem:s18+$0x4050];
	s18 =	simm.s32 $0x20;
	v6 =	vadd.f32 $8.192000000e+03, v14;
	v14 =	vmul.f32 $1.024000000e+03, v11;
	v11 =	vmul.f32 $5.120000000e+02, v11  }
0x5ff: {  	s19 =	sor.u32 s22, s19;
	s23 =	sand.u32 $0x380, s18;
	v9 =	vsub.f32 v3, v9;
	v16 =	vsub.f32 v7, v16;
	v21 =	vtrunc.f32 v2  }
0x600: {  	v3 =	vadd.f32 $8.705000000e+03, v13;
	s19 =	sor.u32 s23, s19;
	v6 =	vmul.f32 v6, v17;
	v17 =	vmul.f32 v18, v22  }
0x601: {  	v25 =	vld [tilespmem:s19+$0x40];
	v14 =	vadd.f32 $8.192000000e+03, v14;
	v7 =	vtrunc.f32 v16;
	v21 =	vcvt.f32.s32 v21  }
0x602: {  	v27 =	vld [tilespmem:s19+$0x60];
	v8 =	vmul.f32 v8, v12;
	v13 =	vmul.f32 v20, v15;
	v15 =	vsub.f32 v5, v6  }
0x603: {  	v14 =	vmul.f32 v14, v23;
	v17 =	vsub.f32 v10, v17;
	v12 =	vsub.s32 $0x3000, v21  }
0x604: {  	v18 =	vld [tilespmem:s19+$0x10];
	v8 =	vsub.f32 v4, v8;
	v4 =	vtrunc.f32 v9;
	v6 =	vtrunc.f32 v15  }
0x605: {  	v28 =	vld [tilespmem:s19+$0x4000];
	v10 =	vtrunc.f32 v17;
	v4 =	vcvt.f32.s32 v4  }
0x606: {  	v29 =	vld [tilespmem:s19+$0x4010];
	v59 =	vmul.f32 $1.024000000e+03, v25;
	v25 =	vmul.f32 $5.120000000e+02, v25  }
0x607: {  	v3 =	vsub.f32 v3, v13;
	v13 =	vld [tilespmem:s19+$0x0];
	v36 =	vmul.f32 $1.024000000e+03, v27;
	v27 =	vmul.f32 $5.120000000e+02, v27  }
0x608: {  	v11 =	vadd.f32 $8.705000000e+03, v11;
	v5 =	vtrunc.f32 v8;
	v6 =	vcvt.f32.s32 v6;
	[tilespmem:v12+s13+$0x0] =	vst.idx.add.f32.msk $0xffff, v1  }
0x609: {  	v10 =	vcvt.f32.s32 v10;
	v26 =	vmul.f32 $1.024000000e+03, v18;
	[tilespmem:v12+s14+$0x0] =	vst.idx.add.f32.msk $0xffff, v2  }
0x60a: {  	v18 =	vmul.f32 $5.120000000e+02, v18;
	v5 =	vcvt.f32.s32 v5;
	v2 =	vsub.f32 v11, v14;
	v11 =	vld [tilespmem:s19+$0x70]  }
0x60b: {  	v19 =	vsub.s32 $0x3000, v4;
	v4 =	vcvt.f32.s32 v7;
	v7 =	vld [tilespmem:s19+$0x20];
	v36 =	vadd.f32 $8.192000000e+03, v36  }
0x60c: {  	v31 =	vld [tilespmem:s19+$0x4020];
	v25 =	vadd.f32 $8.705000000e+03, v25;
	v24 =	vsub.s32 $0x3000, v10;
	v26 =	vadd.f32 $8.192000000e+03, v26  }
0x60d: {  	v32 =	vld [tilespmem:s19+$0x4030];
	v18 =	vadd.f32 $8.705000000e+03, v18;
	v5 =	vsub.s32 $0x3000, v5;
	v10 =	vmul.f32 $1.024000000e+03, v13  }
0x60e: {  	v20 =	vld [tilespmem:s19+$0x4070];
	v57 =	vsub.s32 $0x3000, v4;
	v13 =	vmul.f32 $5.120000000e+02, v13;
	v14 =	vtrunc.f32 v3  }
0x60f: {  	v34 =	vld [tilespmem:s19+$0x4040];
	v55 =	vcvt.f32.s32 v14;
	v14 =	vsub.s32 $0x3000, v6;
	v56 =	vmul.f32 $1.024000000e+03, v11  }
0x610: {  	v6 =	vld [tilespmem:s19+$0x30];
	v10 =	vadd.f32 $8.192000000e+03, v10;
	v12 =	vtrunc.f32 v2;
	v58 =	vmul.f32 $1.024000000e+03, v7  }
0x611: {  	v60 =	vld [tilespmem:s19+$0x4060];
	v12 =	vcvt.f32.s32 v12;
	v11 =	vmul.f32 $5.120000000e+02, v11;
	v22 =	vadd.f32 $8.192000000e+03, v56  }
0x612: {  	v13 =	vadd.f32 $8.705000000e+03, v13;
	v7 =	vmul.f32 $5.120000000e+02, v7;
	[tilespmem:v19+s13+$0x0] =	vst.idx.add.f32.msk $0xffff, v1;
	v10 =	vmul.f32 v10, v28  }
0x613: {  	v4 =	vsub.s32 $0x3000, v12;
	v12 =	vld [tilespmem:s19+$0x50];
	v11 =	vadd.f32 $8.705000000e+03, v11;
	v20 =	vmul.f32 v22, v20  }
0x614: {  	v26 =	vmul.f32 v26, v29;
	[tilespmem:v19+s14+$0x0] =	vst.idx.add.f32.msk $0xffff, v9;
	v7 =	vadd.f32 $8.705000000e+03, v7;
	v9 =	vsub.f32 v13, v10  }
0x615: {  	[tilespmem:v5+s13+$0x0] =	vst.idx.add.f32.msk $0xffff, v1;
	v30 =	vmul.f32 $1.024000000e+03, v6;
	v6 =	vmul.f32 $5.120000000e+02, v6;
	v11 =	vsub.f32 v11, v20  }
0x616: {  	v62 =	vmul.f32 v36, v60;
	[tilespmem:v5+s14+$0x0] =	vst.idx.add.f32.msk $0xffff, v8;
	v10 =	vadd.f32 $8.705000000e+03, v27;
	v8 =	vsub.f32 v18, v26  }
0x617: {  	v37 =	vld [tilespmem:s19+$0x4050];
	v30 =	vadd.f32 $8.192000000e+03, v30;
	v6 =	vadd.f32 $8.705000000e+03, v6;
	v35 =	vtrunc.f32 v11  }
0x618: {  	v22 =	vadd.f32 $8.192000000e+03, v59;
	v33 =	vmul.f32 $1.024000000e+03, v12;
	v35 =	vcvt.f32.s32 v35  }
0x619: {  	v12 =	vmul.f32 $5.120000000e+02, v12;
	v19 =	vmul.f32 v30, v32;
	v20 =	vadd.f32 $8.192000000e+03, v58  }
0x61a: {  	[tilespmem:v24+s13+$0x0] =	vst.idx.add.f32.msk $0xffff, v1;
	v22 =	vmul.f32 v22, v34;
	v33 =	vadd.f32 $8.192000000e+03, v33;
	v35 =	vsub.s32 $0x3000, v35  }
0x61b: {  	[tilespmem:v57+s13+$0x0] =	vst.idx.add.f32.msk $0xffff, v1;
	v18 =	vtrunc.f32 v9;
	v5 =	vsub.f32 v6, v19;
	v20 =	vmul.f32 v20, v31  }
0x61c: {  	[tilespmem:v24+s14+$0x0] =	vst.idx.add.f32.msk $0xffff, v17;
	v12 =	vadd.f32 $8.705000000e+03, v12;
	v6 =	vsub.f32 v25, v22;
	v61 =	vmul.f32 v33, v37  }
0x61d: {  	[tilespmem:v14+s13+$0x0] =	vst.idx.add.f32.msk $0xffff, v1;
	v18 =	vcvt.f32.s32 v18;
	v63 =	vtrunc.f32 v5;
	v7 =	vsub.f32 v7, v20  }
0x61e: {  	[tilespmem:v14+s14+$0x0] =	vst.idx.add.f32.msk $0xffff, v15;
	v25 =	vtrunc.f32 v6;
	v13 =	vsub.f32 v12, v61;
	v12 =	vsub.f32 v10, v62  }
0x61f: {  	v10 =	vsub.s32 $0x3000, v55;
	v17 =	vcvt.f32.s32 v25;
	v20 =	vtrunc.f32 v7;
	[tilespmem:v35+s13+$0x0] =	vst.idx.add.f32.msk $0xffff, v1  }
0x620: {  	v14 =	vtrunc.f32 v13;
	[tilespmem:v35+s14+$0x0] =	vst.idx.add.f32.msk $0xffff, v11;
	v11 =	vtrunc.f32 v8  }
0x621: {  	[tilespmem:v57+s14+$0x0] =	vst.idx.add.f32.msk $0xffff, v16;
	v15 =	vtrunc.f32 v12;
	v19 =	vcvt.f32.s32 v11  }
0x622: {  	s20 =	simm.s32 $0x800;
	s21 =	simm.s32 $0x100;
	s19 =	simm.s32 $0x8;
	[tilespmem:v4+s13+$0x0] =	vst.idx.add.f32.msk $0xffff, v1;
	v16 =	vcvt.f32.s32 v20;
	v11 =	vsub.s32 $0x3000, v18;
	v18 =	vcvt.f32.s32 v63  }
.LBB2_28:
0x623: {  	s22 =	sand.u32 $0x1000, s21;
	s23 =	sand.u32 $0xC00, s20;
	v19 =	vsub.s32 $0x3000, v19;
	v14 =	vcvt.f32.s32 v14;
	v15 =	vcvt.f32.s32 v15;
	s18 =	sadd.s32 $0x20, s18;
	[tilespmem:v4+s14+$0x0] =	vst.idx.add.f32.msk $0xffff, v2;
	v2 =	vmovc v13  }
0x624: {  	s19 =	sadd.s32 $0x8, s19;
	v16 =	vsub.s32 $0x3000, v16;
	s22 =	sor.u32 s23, s22;
	s23 =	sand.u32 $0x380, s18;
	v18 =	vsub.s32 $0x3000, v18;
	v17 =	vsub.s32 $0x3000, v17;
	[tilespmem:v10+s13+$0x0] =	vst.idx.add.f32.msk $0xffff, v1  }
0x625: {  	p1 =	slt.u32 s19, $0x1F8;
	s22 =	sor.u32 s23, s22;
	v4 =	vsub.s32 $0x3000, v14;
	[tilespmem:v10+s14+$0x0] =	vst.idx.add.f32.msk $0xffff, v3;
	v10 =	vsub.s32 $0x3000, v15;
	v3 =	vmov v12  }
0x626: {  	v12 =	vld [tilespmem:s22+$0x70]  }
0x627: {  	v13 =	vld [tilespmem:s22+$0x0]  }
0x628: {  	v14 =	vld [tilespmem:s22+$0x10]  }
0x629: {  	v15 =	vld [tilespmem:s22+$0x20]  }
0x62a: {  	v20 =	vld [tilespmem:s22+$0x4070]  }
0x62b: {  	v21 =	vld [tilespmem:s22+$0x30];
	v22 =	vmul.f32 $1.024000000e+03, v12  }
0x62c: {  	v23 =	vmul.f32 $5.120000000e+02, v13;
	v13 =	vmul.f32 $1.024000000e+03, v13;
	v24 =	vld [tilespmem:s22+$0x40]  }
0x62d: {  	v12 =	vmul.f32 $5.120000000e+02, v12;
	v25 =	vmul.f32 $1.024000000e+03, v14;
	v26 =	vld [tilespmem:s22+$0x50];
	v22 =	vadd.f32 $8.192000000e+03, v22  }
0x62e: {  	v14 =	vmul.f32 $5.120000000e+02, v14;
	v13 =	vadd.f32 $8.192000000e+03, v13;
	v27 =	vmul.f32 $1.024000000e+03, v15;
	v28 =	vld [tilespmem:s22+$0x60]  }
0x62f: {  	v12 =	vadd.f32 $8.705000000e+03, v12;
	v29 =	vld [tilespmem:s22+$0x4000];
	v25 =	vadd.f32 $8.192000000e+03, v25;
	v20 =	vmul.f32 v22, v20  }
0x630: {  	v15 =	vmul.f32 $5.120000000e+02, v15;
	v22 =	vld [tilespmem:s22+$0x4010];
	v27 =	vadd.f32 $8.192000000e+03, v27;
	v30 =	vmul.f32 $1.024000000e+03, v21  }
0x631: {  	v21 =	vmul.f32 $5.120000000e+02, v21;
	v31 =	vld [tilespmem:s22+$0x4020];
	v32 =	vmul.f32 $1.024000000e+03, v24;
	v12 =	vsub.f32 v12, v20  }
0x632: {  	v24 =	vmul.f32 $5.120000000e+02, v24;
	v20 =	vld [tilespmem:s22+$0x4030];
	v30 =	vadd.f32 $8.192000000e+03, v30;
	v33 =	vmul.f32 $1.024000000e+03, v26  }
0x633: {  	v34 =	vld [tilespmem:s22+$0x4040];
	v32 =	vadd.f32 $8.192000000e+03, v32;
	v35 =	vmul.f32 $1.024000000e+03, v28;
	v36 =	vtrunc.f32 v12  }
0x634: {  	v26 =	vmul.f32 $5.120000000e+02, v26;
	v37 =	vld [tilespmem:s22+$0x4050];
	v33 =	vadd.f32 $8.192000000e+03, v33;
	v36 =	vcvt.f32.s32 v36  }
0x635: {  	v28 =	vmul.f32 $5.120000000e+02, v28;
	v13 =	vmul.f32 v13, v29;
	v29 =	vld [tilespmem:s22+$0x4060];
	v35 =	vadd.f32 $8.192000000e+03, v35  }
0x636: {  	v22 =	vmul.f32 v25, v22;
	v25 =	vmul.f32 v27, v31;
	v27 =	vsub.s32 $0x3000, v36;
	[tilespmem:v11+s13+$0x0] =	vst.idx.add.f32.msk $0xffff, v1  }
0x637: {  	v23 =	vadd.f32 $8.705000000e+03, v23;
	v14 =	vadd.f32 $8.705000000e+03, v14;
	v20 =	vmul.f32 v30, v20;
	[tilespmem:v11+s14+$0x0] =	vst.idx.add.f32.msk $0xffff, v9  }
0x638: {  	v11 =	vadd.f32 $8.705000000e+03, v15;
	v15 =	vadd.f32 $8.705000000e+03, v21;
	v21 =	vmul.f32 v32, v34;
	[tilespmem:v19+s13+$0x0] =	vst.idx.add.f32.msk $0xffff, v1  }
0x639: {  	v24 =	vadd.f32 $8.705000000e+03, v24;
	v26 =	vadd.f32 $8.705000000e+03, v26;
	v30 =	vmul.f32 v33, v37;
	[tilespmem:v19+s14+$0x0] =	vst.idx.add.f32.msk $0xffff, v8  }
0x63a: {  	v9 =	vsub.f32 v23, v13;
	v19 =	vadd.f32 $8.705000000e+03, v28;
	v23 =	vmul.f32 v35, v29;
	[tilespmem:v16+s13+$0x0] =	vst.idx.add.f32.msk $0xffff, v1  }
0x63b: {  	v8 =	vsub.f32 v14, v22;
	v11 =	vsub.f32 v11, v25;
	[tilespmem:v27+s13+$0x0] =	vst.idx.add.f32.msk $0xffff, v1  }
0x63c: {  	v22 =	vtrunc.f32 v9;
	v15 =	vsub.f32 v15, v20;
	v20 =	vsub.f32 v24, v21;
	[tilespmem:v27+s14+$0x0] =	vst.idx.add.f32.msk $0xffff, v12  }
0x63d: {  	v21 =	vtrunc.f32 v8;
	v13 =	vsub.f32 v26, v30;
	v12 =	vsub.f32 v19, v23;
	[tilespmem:v16+s14+$0x0] =	vst.idx.add.f32.msk $0xffff, v7  }
.Ltmp15:
0x63e: {  	v23 =	vtrunc.f32 v15;
	v16 =	vtrunc.f32 v11;
	v7 =	vmov v11;
	[tilespmem:v18+s13+$0x0] =	vst.idx.add.f32.msk $0xffff, v1;
	(pc) =	sbr.rel @p1 .LBB2_28-.Ltmp15, $4  }
0x63f: {  	v24 =	vtrunc.f32 v20;
	v14 =	vtrunc.f32 v13;
	[tilespmem:v18+s14+$0x0] =	vst.idx.add.f32.msk $0xffff, v5;
	v5 =	vmov v15  }
0x640: {  	v11 =	vcvt.f32.s32 v22;
	v15 =	vtrunc.f32 v12;
	[tilespmem:v17+s13+$0x0] =	vst.idx.add.f32.msk $0xffff, v1  }
0x641: {  	v19 =	vcvt.f32.s32 v21;
	v16 =	vcvt.f32.s32 v16;
	[tilespmem:v17+s14+$0x0] =	vst.idx.add.f32.msk $0xffff, v6;
	v6 =	vmov v20  }
0x642: {  	s20 =	sadd.s32 $0x400, s20;
	s21 =	sadd.s32 $0x80, s21;
	v11 =	vsub.s32 $0x3000, v11;
	v18 =	vcvt.f32.s32 v23;
	v17 =	vcvt.f32.s32 v24;
	[tilespmem:v4+s13+$0x0] =	vst.idx.add.f32.msk $0xffff, v1  }
0x643: {  	_ =	sdelay $0x3  }
0x644: {  	v19 =	vsub.s32 $0x3000, v19;
	[tilespmem:v4+s14+$0x0] =	vst.idx.add.f32.msk $0xffff, v2  }
0x645: {  	[tilespmem:v10+s13+$0x0] =	vst.idx.add.f32.msk $0xffff, v1;
	v2 =	vsub.s32 $0x3000, v16  }
0x646: {  	[tilespmem:v11+s13+$0x0] =	vst.idx.add.f32.msk $0xffff, v1  }
0x647: {  	[tilespmem:v10+s14+$0x0] =	vst.idx.add.f32.msk $0xffff, v3  }
0x648: {  	v3 =	vsub.s32 $0x3000, v18;
	[tilespmem:v11+s14+$0x0] =	vst.idx.add.f32.msk $0xffff, v9  }
0x649: {  	v9 =	vsub.s32 $0x3000, v17;
	[tilespmem:v19+s13+$0x0] =	vst.idx.add.f32.msk $0xffff, v1  }
0x64a: {  	v4 =	vcvt.f32.s32 v14;
	[tilespmem:v2+s13+$0x0] =	vst.idx.add.f32.msk $0xffff, v1  }
0x64b: {  	[tilespmem:v19+s14+$0x0] =	vst.idx.add.f32.msk $0xffff, v8  }
0x64c: {  	v4 =	vsub.s32 $0x3000, v4;
	v8 =	vcvt.f32.s32 v15;
	[tilespmem:v2+s14+$0x0] =	vst.idx.add.f32.msk $0xffff, v7  }
0x64d: {  	[tilespmem:v3+s13+$0x0] =	vst.idx.add.f32.msk $0xffff, v1  }
0x64e: {  	[tilespmem:v9+s13+$0x0] =	vst.idx.add.f32.msk $0xffff, v1;
	v2 =	vsub.s32 $0x3000, v8  }
0x64f: {  	[tilespmem:v3+s14+$0x0] =	vst.idx.add.f32.msk $0xffff, v5  }
0x650: {  	[tilespmem:v9+s14+$0x0] =	vst.idx.add.f32.msk $0xffff, v6  }
0x651: {  	[tilespmem:v4+s13+$0x0] =	vst.idx.add.f32.msk $0xffff, v1  }
0x652: {  	[tilespmem:v4+s14+$0x0] =	vst.idx.add.f32.msk $0xffff, v13  }
0x653: {  	[tilespmem:v2+s13+$0x0] =	vst.idx.add.f32.msk $0xffff, v1  }
0x654: {  	[tilespmem:v2+s14+$0x0] =	vst.idx.add.f32.msk $0xffff, v12  }
0x655: {  	_ =	swait.ge [sflag:s15], $0x2000  }
0x656: {  	[sflag:s15] =	ssyncset.done $0x0  }
0x657: {  	[sflag:s15] =	ssyncadd.s32 $0xFFFFE000  }
0x658: {  	_ =	swait.ge [sflag:s15], $0x2000  }
0x659: {  	[sflag:s15] =	ssyncset.done $0x0  }
0x65a: {  	s18 =	simm.s32 $0x0;
	[sflag:s15] =	ssyncadd.s32 $0xFFFFE000  }
0x65b: {  	[tilespmem:s18], [sflag:$0x1] =	stream.linear.gather [hbm4b:s2+s18], $0x2000, $0x38;
	[tilespmem:$0x1A080] =	vst v63  }
0x65c: {  	s19 =	sand.u32 $0x1000, s18;
	s20 =	sand.u32 $0xC00, s18;
	s0 =	rddreg [dreg:$0x1a]  }
0x65d: {  	[tilespmem:s9], [sflag:$0x1] =	stream.linear.gather [hbm4b:s0+s18], $0x2000, $0x38;
	[tilespmem:$0x1A080] =	vst v63  }
0x65e: {  	s19 =	sor.u32 s20, s19;
	s18 =	sand.u32 $0x380, s18  }
0x65f: {  	s18 =	sor.u32 s18, s19  }
0x660: {  	v2 =	vld [tilespmem:s18+$0x2070]  }
0x661: {  	v3 =	vld [tilespmem:s18+$0x2000]  }
0x662: {  	v4 =	vld [tilespmem:s18+$0x2010]  }
0x663: {  	v5 =	vld [tilespmem:s18+$0x2020]  }
0x664: {  	v7 =	vld [tilespmem:s18+$0x2030]  }
0x665: {  	v10 =	vld [tilespmem:s18+$0x2040]  }
0x666: {  	v13 =	vld [tilespmem:s18+$0x2060];
	v8 =	vmul.f32 $1.024000000e+03, v2  }
0x667: {  	v9 =	vmul.f32 $1.024000000e+03, v3;
	v3 =	vmul.f32 $5.120000000e+02, v3  }
0x668: {  	v2 =	vmul.f32 $5.120000000e+02, v2;
	v12 =	vmul.f32 $1.024000000e+03, v4  }
0x669: {  	v4 =	vmul.f32 $5.120000000e+02, v4;
	v14 =	vmul.f32 $1.024000000e+03, v5  }
0x66a: {  	v6 =	vld [tilespmem:s18+$0x6070];
	v16 =	vmul.f32 $1.024000000e+03, v7;
	v18 =	vmul.f32 $1.024000000e+03, v10  }
0x66b: {  	v15 =	vld [tilespmem:s18+$0x6000];
	v20 =	vmul.f32 $1.024000000e+03, v13;
	v8 =	vadd.f32 $8.192000000e+03, v8;
	v9 =	vadd.f32 $8.192000000e+03, v9  }
0x66c: {  	v19 =	vld [tilespmem:s18+$0x6030];
	v5 =	vmul.f32 $5.120000000e+02, v5;
	v2 =	vadd.f32 $8.705000000e+03, v2;
	v16 =	vadd.f32 $8.192000000e+03, v16  }
0x66d: {  	v11 =	vld [tilespmem:s18+$0x2050];
	v7 =	vmul.f32 $5.120000000e+02, v7;
	v18 =	vadd.f32 $8.192000000e+03, v18;
	v20 =	vadd.f32 $8.192000000e+03, v20  }
0x66e: {  	v17 =	vld [tilespmem:s18+$0x6020];
	v10 =	vmul.f32 $5.120000000e+02, v10;
	v3 =	vadd.f32 $8.705000000e+03, v3;
	v4 =	vadd.f32 $8.705000000e+03, v4  }
0x66f: {  	v22 =	vld [tilespmem:s18+$0x6040];
	v5 =	vadd.f32 $8.705000000e+03, v5;
	v7 =	vadd.f32 $8.705000000e+03, v7;
	v6 =	vmul.f32 v8, v6  }
0x670: {  	v13 =	vmul.f32 $5.120000000e+02, v13;
	v10 =	vadd.f32 $8.705000000e+03, v10;
	v8 =	vadd.f32 $8.192000000e+03, v12;
	v12 =	vld [tilespmem:s18+$0x6010]  }
0x671: {  	s21 =	simm.s32 $0x80;
	s20 =	simm.s32 $0x400;
	v9 =	vmul.f32 v9, v15;
	v15 =	vld [tilespmem:s18+$0x6060];
	v16 =	vmul.f32 v16, v19;
	v2 =	vsub.f32 v2, v6  }
0x672: {  	s22 =	sand.u32 $0xC00, s20;
	s19 =	sand.u32 $0x1000, s21;
	v23 =	vld [tilespmem:s18+$0x6050];
	s18 =	simm.s32 $0x20;
	v6 =	vadd.f32 $8.192000000e+03, v14;
	v14 =	vmul.f32 $1.024000000e+03, v11;
	v11 =	vmul.f32 $5.120000000e+02, v11  }
0x673: {  	s19 =	sor.u32 s22, s19;
	s23 =	sand.u32 $0x380, s18;
	v9 =	vsub.f32 v3, v9;
	v16 =	vsub.f32 v7, v16;
	v21 =	vtrunc.f32 v2  }
0x674: {  	v3 =	vadd.f32 $8.705000000e+03, v13;
	s19 =	sor.u32 s23, s19;
	v6 =	vmul.f32 v6, v17;
	v17 =	vmul.f32 v18, v22  }
0x675: {  	v25 =	vld [tilespmem:s19+$0x2040];
	v14 =	vadd.f32 $8.192000000e+03, v14;
	v7 =	vtrunc.f32 v16;
	v21 =	vcvt.f32.s32 v21  }
0x676: {  	v27 =	vld [tilespmem:s19+$0x2060];
	v8 =	vmul.f32 v8, v12;
	v13 =	vmul.f32 v20, v15;
	v15 =	vsub.f32 v5, v6  }
0x677: {  	v14 =	vmul.f32 v14, v23;
	v17 =	vsub.f32 v10, v17;
	v12 =	vsub.s32 $0x3000, v21  }
0x678: {  	v18 =	vld [tilespmem:s19+$0x2010];
	v8 =	vsub.f32 v4, v8;
	v4 =	vtrunc.f32 v9;
	v6 =	vtrunc.f32 v15  }
0x679: {  	v28 =	vld [tilespmem:s19+$0x6000];
	v10 =	vtrunc.f32 v17;
	v4 =	vcvt.f32.s32 v4  }
0x67a: {  	v29 =	vld [tilespmem:s19+$0x6010];
	v59 =	vmul.f32 $1.024000000e+03, v25;
	v25 =	vmul.f32 $5.120000000e+02, v25  }
0x67b: {  	v3 =	vsub.f32 v3, v13;
	v13 =	vld [tilespmem:s19+$0x2000];
	v36 =	vmul.f32 $1.024000000e+03, v27;
	v27 =	vmul.f32 $5.120000000e+02, v27  }
0x67c: {  	v11 =	vadd.f32 $8.705000000e+03, v11;
	v5 =	vtrunc.f32 v8;
	v6 =	vcvt.f32.s32 v6;
	[tilespmem:v12+s13+$0x0] =	vst.idx.add.f32.msk $0xffff, v1  }
0x67d: {  	v10 =	vcvt.f32.s32 v10;
	v26 =	vmul.f32 $1.024000000e+03, v18;
	[tilespmem:v12+s14+$0x0] =	vst.idx.add.f32.msk $0xffff, v2  }
0x67e: {  	v18 =	vmul.f32 $5.120000000e+02, v18;
	v5 =	vcvt.f32.s32 v5;
	v2 =	vsub.f32 v11, v14;
	v11 =	vld [tilespmem:s19+$0x2070]  }
0x67f: {  	v19 =	vsub.s32 $0x3000, v4;
	v4 =	vcvt.f32.s32 v7;
	v7 =	vld [tilespmem:s19+$0x2020];
	v36 =	vadd.f32 $8.192000000e+03, v36  }
0x680: {  	v31 =	vld [tilespmem:s19+$0x6020];
	v25 =	vadd.f32 $8.705000000e+03, v25;
	v24 =	vsub.s32 $0x3000, v10;
	v26 =	vadd.f32 $8.192000000e+03, v26  }
0x681: {  	v32 =	vld [tilespmem:s19+$0x6030];
	v18 =	vadd.f32 $8.705000000e+03, v18;
	v5 =	vsub.s32 $0x3000, v5;
	v10 =	vmul.f32 $1.024000000e+03, v13  }
0x682: {  	v20 =	vld [tilespmem:s19+$0x6070];
	v57 =	vsub.s32 $0x3000, v4;
	v13 =	vmul.f32 $5.120000000e+02, v13;
	v14 =	vtrunc.f32 v3  }
0x683: {  	v34 =	vld [tilespmem:s19+$0x6040];
	v55 =	vcvt.f32.s32 v14;
	v14 =	vsub.s32 $0x3000, v6;
	v56 =	vmul.f32 $1.024000000e+03, v11  }
0x684: {  	v6 =	vld [tilespmem:s19+$0x2030];
	v10 =	vadd.f32 $8.192000000e+03, v10;
	v12 =	vtrunc.f32 v2;
	v58 =	vmul.f32 $1.024000000e+03, v7  }
0x685: {  	v60 =	vld [tilespmem:s19+$0x6060];
	v12 =	vcvt.f32.s32 v12;
	v11 =	vmul.f32 $5.120000000e+02, v11;
	v22 =	vadd.f32 $8.192000000e+03, v56  }
0x686: {  	v13 =	vadd.f32 $8.705000000e+03, v13;
	v7 =	vmul.f32 $5.120000000e+02, v7;
	[tilespmem:v19+s13+$0x0] =	vst.idx.add.f32.msk $0xffff, v1;
	v10 =	vmul.f32 v10, v28  }
0x687: {  	v4 =	vsub.s32 $0x3000, v12;
	v12 =	vld [tilespmem:s19+$0x2050];
	v11 =	vadd.f32 $8.705000000e+03, v11;
	v20 =	vmul.f32 v22, v20  }
0x688: {  	v26 =	vmul.f32 v26, v29;
	[tilespmem:v19+s14+$0x0] =	vst.idx.add.f32.msk $0xffff, v9;
	v7 =	vadd.f32 $8.705000000e+03, v7;
	v9 =	vsub.f32 v13, v10  }
0x689: {  	[tilespmem:v5+s13+$0x0] =	vst.idx.add.f32.msk $0xffff, v1;
	v30 =	vmul.f32 $1.024000000e+03, v6;
	v6 =	vmul.f32 $5.120000000e+02, v6;
	v11 =	vsub.f32 v11, v20  }
0x68a: {  	v62 =	vmul.f32 v36, v60;
	[tilespmem:v5+s14+$0x0] =	vst.idx.add.f32.msk $0xffff, v8;
	v10 =	vadd.f32 $8.705000000e+03, v27;
	v8 =	vsub.f32 v18, v26  }
0x68b: {  	v37 =	vld [tilespmem:s19+$0x6050];
	v30 =	vadd.f32 $8.192000000e+03, v30;
	v6 =	vadd.f32 $8.705000000e+03, v6;
	v35 =	vtrunc.f32 v11  }
0x68c: {  	v22 =	vadd.f32 $8.192000000e+03, v59;
	v33 =	vmul.f32 $1.024000000e+03, v12;
	v35 =	vcvt.f32.s32 v35  }
0x68d: {  	v12 =	vmul.f32 $5.120000000e+02, v12;
	v19 =	vmul.f32 v30, v32;
	v20 =	vadd.f32 $8.192000000e+03, v58  }
0x68e: {  	[tilespmem:v24+s13+$0x0] =	vst.idx.add.f32.msk $0xffff, v1;
	v22 =	vmul.f32 v22, v34;
	v33 =	vadd.f32 $8.192000000e+03, v33;
	v35 =	vsub.s32 $0x3000, v35  }
0x68f: {  	[tilespmem:v57+s13+$0x0] =	vst.idx.add.f32.msk $0xffff, v1;
	v18 =	vtrunc.f32 v9;
	v5 =	vsub.f32 v6, v19;
	v20 =	vmul.f32 v20, v31  }
0x690: {  	[tilespmem:v24+s14+$0x0] =	vst.idx.add.f32.msk $0xffff, v17;
	v12 =	vadd.f32 $8.705000000e+03, v12;
	v6 =	vsub.f32 v25, v22;
	v61 =	vmul.f32 v33, v37  }
0x691: {  	[tilespmem:v14+s13+$0x0] =	vst.idx.add.f32.msk $0xffff, v1;
	v18 =	vcvt.f32.s32 v18;
	v63 =	vtrunc.f32 v5;
	v7 =	vsub.f32 v7, v20  }
0x692: {  	[tilespmem:v14+s14+$0x0] =	vst.idx.add.f32.msk $0xffff, v15;
	v25 =	vtrunc.f32 v6;
	v13 =	vsub.f32 v12, v61;
	v12 =	vsub.f32 v10, v62  }
0x693: {  	v10 =	vsub.s32 $0x3000, v55;
	v17 =	vcvt.f32.s32 v25;
	v20 =	vtrunc.f32 v7;
	[tilespmem:v35+s13+$0x0] =	vst.idx.add.f32.msk $0xffff, v1  }
0x694: {  	v14 =	vtrunc.f32 v13;
	[tilespmem:v35+s14+$0x0] =	vst.idx.add.f32.msk $0xffff, v11;
	v11 =	vtrunc.f32 v8  }
0x695: {  	[tilespmem:v57+s14+$0x0] =	vst.idx.add.f32.msk $0xffff, v16;
	v15 =	vtrunc.f32 v12;
	v19 =	vcvt.f32.s32 v11  }
0x696: {  	s20 =	simm.s32 $0x800;
	s21 =	simm.s32 $0x100;
	s19 =	simm.s32 $0x8;
	[tilespmem:v4+s13+$0x0] =	vst.idx.add.f32.msk $0xffff, v1;
	v16 =	vcvt.f32.s32 v20;
	v11 =	vsub.s32 $0x3000, v18;
	v18 =	vcvt.f32.s32 v63  }
.LBB2_30:
0x697: {  	s22 =	sand.u32 $0x1000, s21;
	s23 =	sand.u32 $0xC00, s20;
	v19 =	vsub.s32 $0x3000, v19;
	v14 =	vcvt.f32.s32 v14;
	v15 =	vcvt.f32.s32 v15;
	s18 =	sadd.s32 $0x20, s18;
	[tilespmem:v4+s14+$0x0] =	vst.idx.add.f32.msk $0xffff, v2;
	v2 =	vmovc v13  }
0x698: {  	s19 =	sadd.s32 $0x8, s19;
	v16 =	vsub.s32 $0x3000, v16;
	s22 =	sor.u32 s23, s22;
	s23 =	sand.u32 $0x380, s18;
	v18 =	vsub.s32 $0x3000, v18;
	v17 =	vsub.s32 $0x3000, v17;
	[tilespmem:v10+s13+$0x0] =	vst.idx.add.f32.msk $0xffff, v1  }
0x699: {  	p1 =	slt.u32 s19, $0x1F8;
	s22 =	sor.u32 s23, s22;
	v4 =	vsub.s32 $0x3000, v14;
	[tilespmem:v10+s14+$0x0] =	vst.idx.add.f32.msk $0xffff, v3;
	v10 =	vsub.s32 $0x3000, v15;
	v3 =	vmov v12  }
0x69a: {  	v12 =	vld [tilespmem:s22+$0x2070]  }
0x69b: {  	v13 =	vld [tilespmem:s22+$0x2000]  }
0x69c: {  	v14 =	vld [tilespmem:s22+$0x2010]  }
0x69d: {  	v15 =	vld [tilespmem:s22+$0x2020]  }
0x69e: {  	v20 =	vld [tilespmem:s22+$0x6070]  }
0x69f: {  	v21 =	vld [tilespmem:s22+$0x2030];
	v22 =	vmul.f32 $1.024000000e+03, v12  }
0x6a0: {  	v23 =	vmul.f32 $5.120000000e+02, v13;
	v13 =	vmul.f32 $1.024000000e+03, v13;
	v24 =	vld [tilespmem:s22+$0x2040]  }
0x6a1: {  	v12 =	vmul.f32 $5.120000000e+02, v12;
	v25 =	vmul.f32 $1.024000000e+03, v14;
	v26 =	vld [tilespmem:s22+$0x2050];
	v22 =	vadd.f32 $8.192000000e+03, v22  }
0x6a2: {  	v14 =	vmul.f32 $5.120000000e+02, v14;
	v13 =	vadd.f32 $8.192000000e+03, v13;
	v27 =	vmul.f32 $1.024000000e+03, v15;
	v28 =	vld [tilespmem:s22+$0x2060]  }
0x6a3: {  	v12 =	vadd.f32 $8.705000000e+03, v12;
	v29 =	vld [tilespmem:s22+$0x6000];
	v25 =	vadd.f32 $8.192000000e+03, v25;
	v20 =	vmul.f32 v22, v20  }
0x6a4: {  	v15 =	vmul.f32 $5.120000000e+02, v15;
	v22 =	vld [tilespmem:s22+$0x6010];
	v27 =	vadd.f32 $8.192000000e+03, v27;
	v30 =	vmul.f32 $1.024000000e+03, v21  }
0x6a5: {  	v21 =	vmul.f32 $5.120000000e+02, v21;
	v31 =	vld [tilespmem:s22+$0x6020];
	v32 =	vmul.f32 $1.024000000e+03, v24;
	v12 =	vsub.f32 v12, v20  }
0x6a6: {  	v24 =	vmul.f32 $5.120000000e+02, v24;
	v20 =	vld [tilespmem:s22+$0x6030];
	v30 =	vadd.f32 $8.192000000e+03, v30;
	v33 =	vmul.f32 $1.024000000e+03, v26  }
0x6a7: {  	v34 =	vld [tilespmem:s22+$0x6040];
	v32 =	vadd.f32 $8.192000000e+03, v32;
	v35 =	vmul.f32 $1.024000000e+03, v28;
	v36 =	vtrunc.f32 v12  }
0x6a8: {  	v26 =	vmul.f32 $5.120000000e+02, v26;
	v37 =	vld [tilespmem:s22+$0x6050];
	v33 =	vadd.f32 $8.192000000e+03, v33;
	v36 =	vcvt.f32.s32 v36  }
0x6a9: {  	v28 =	vmul.f32 $5.120000000e+02, v28;
	v13 =	vmul.f32 v13, v29;
	v29 =	vld [tilespmem:s22+$0x6060];
	v35 =	vadd.f32 $8.192000000e+03, v35  }
0x6aa: {  	v22 =	vmul.f32 v25, v22;
	v25 =	vmul.f32 v27, v31;
	v27 =	vsub.s32 $0x3000, v36;
	[tilespmem:v11+s13+$0x0] =	vst.idx.add.f32.msk $0xffff, v1  }
0x6ab: {  	v23 =	vadd.f32 $8.705000000e+03, v23;
	v14 =	vadd.f32 $8.705000000e+03, v14;
	v20 =	vmul.f32 v30, v20;
	[tilespmem:v11+s14+$0x0] =	vst.idx.add.f32.msk $0xffff, v9  }
0x6ac: {  	v11 =	vadd.f32 $8.705000000e+03, v15;
	v15 =	vadd.f32 $8.705000000e+03, v21;
	v21 =	vmul.f32 v32, v34;
	[tilespmem:v19+s13+$0x0] =	vst.idx.add.f32.msk $0xffff, v1  }
0x6ad: {  	v24 =	vadd.f32 $8.705000000e+03, v24;
	v26 =	vadd.f32 $8.705000000e+03, v26;
	v30 =	vmul.f32 v33, v37;
	[tilespmem:v19+s14+$0x0] =	vst.idx.add.f32.msk $0xffff, v8  }
0x6ae: {  	v9 =	vsub.f32 v23, v13;
	v19 =	vadd.f32 $8.705000000e+03, v28;
	v23 =	vmul.f32 v35, v29;
	[tilespmem:v16+s13+$0x0] =	vst.idx.add.f32.msk $0xffff, v1  }
0x6af: {  	v8 =	vsub.f32 v14, v22;
	v11 =	vsub.f32 v11, v25;
	[tilespmem:v27+s13+$0x0] =	vst.idx.add.f32.msk $0xffff, v1  }
0x6b0: {  	v22 =	vtrunc.f32 v9;
	v15 =	vsub.f32 v15, v20;
	v20 =	vsub.f32 v24, v21;
	[tilespmem:v27+s14+$0x0] =	vst.idx.add.f32.msk $0xffff, v12  }
0x6b1: {  	v21 =	vtrunc.f32 v8;
	v13 =	vsub.f32 v26, v30;
	v12 =	vsub.f32 v19, v23;
	[tilespmem:v16+s14+$0x0] =	vst.idx.add.f32.msk $0xffff, v7  }
.Ltmp16:
0x6b2: {  	v23 =	vtrunc.f32 v15;
	v16 =	vtrunc.f32 v11;
	v7 =	vmov v11;
	[tilespmem:v18+s13+$0x0] =	vst.idx.add.f32.msk $0xffff, v1;
	(pc) =	sbr.rel @p1 .LBB2_30-.Ltmp16, $4  }
0x6b3: {  	v24 =	vtrunc.f32 v20;
	v14 =	vtrunc.f32 v13;
	[tilespmem:v18+s14+$0x0] =	vst.idx.add.f32.msk $0xffff, v5;
	v5 =	vmov v15  }
0x6b4: {  	v11 =	vcvt.f32.s32 v22;
	v15 =	vtrunc.f32 v12;
	[tilespmem:v17+s13+$0x0] =	vst.idx.add.f32.msk $0xffff, v1  }
0x6b5: {  	v19 =	vcvt.f32.s32 v21;
	v16 =	vcvt.f32.s32 v16;
	[tilespmem:v17+s14+$0x0] =	vst.idx.add.f32.msk $0xffff, v6;
	v6 =	vmov v20  }
0x6b6: {  	s20 =	sadd.s32 $0x400, s20;
	s21 =	sadd.s32 $0x80, s21;
	v11 =	vsub.s32 $0x3000, v11;
	v18 =	vcvt.f32.s32 v23;
	v17 =	vcvt.f32.s32 v24;
	[tilespmem:v4+s13+$0x0] =	vst.idx.add.f32.msk $0xffff, v1  }
0x6b7: {  	_ =	sdelay $0x3  }
0x6b8: {  	v19 =	vsub.s32 $0x3000, v19;
	[tilespmem:v4+s14+$0x0] =	vst.idx.add.f32.msk $0xffff, v2  }
0x6b9: {  	[tilespmem:v10+s13+$0x0] =	vst.idx.add.f32.msk $0xffff, v1;
	v2 =	vsub.s32 $0x3000, v16  }
0x6ba: {  	[tilespmem:v11+s13+$0x0] =	vst.idx.add.f32.msk $0xffff, v1  }
0x6bb: {  	[tilespmem:v10+s14+$0x0] =	vst.idx.add.f32.msk $0xffff, v3  }
0x6bc: {  	v3 =	vsub.s32 $0x3000, v18;
	[tilespmem:v11+s14+$0x0] =	vst.idx.add.f32.msk $0xffff, v9  }
0x6bd: {  	v9 =	vsub.s32 $0x3000, v17;
	[tilespmem:v19+s13+$0x0] =	vst.idx.add.f32.msk $0xffff, v1  }
0x6be: {  	v4 =	vcvt.f32.s32 v14;
	[tilespmem:v2+s13+$0x0] =	vst.idx.add.f32.msk $0xffff, v1  }
0x6bf: {  	[tilespmem:v19+s14+$0x0] =	vst.idx.add.f32.msk $0xffff, v8  }
0x6c0: {  	v4 =	vsub.s32 $0x3000, v4;
	v8 =	vcvt.f32.s32 v15;
	[tilespmem:v2+s14+$0x0] =	vst.idx.add.f32.msk $0xffff, v7  }
0x6c1: {  	[tilespmem:v3+s13+$0x0] =	vst.idx.add.f32.msk $0xffff, v1  }
0x6c2: {  	[tilespmem:v9+s13+$0x0] =	vst.idx.add.f32.msk $0xffff, v1;
	v2 =	vsub.s32 $0x3000, v8  }
0x6c3: {  	[tilespmem:v3+s14+$0x0] =	vst.idx.add.f32.msk $0xffff, v5  }
0x6c4: {  	[tilespmem:v9+s14+$0x0] =	vst.idx.add.f32.msk $0xffff, v6  }
0x6c5: {  	[tilespmem:v4+s13+$0x0] =	vst.idx.add.f32.msk $0xffff, v1  }
0x6c6: {  	[tilespmem:v4+s14+$0x0] =	vst.idx.add.f32.msk $0xffff, v13  }
0x6c7: {  	[tilespmem:v2+s13+$0x0] =	vst.idx.add.f32.msk $0xffff, v1  }
0x6c8: {  	[tilespmem:v2+s14+$0x0] =	vst.idx.add.f32.msk $0xffff, v12  }
0x6c9: {  	_ =	swait.ge [sflag:s10], $0x2000  }
0x6ca: {  	[sflag:s10] =	ssyncset.done $0x0  }
0x6cb: {  	[sflag:s10] =	ssyncadd.s32 $0xFFFFE000  }
0x6cc: {  	_ =	swait.ge [sflag:s10], $0x2000  }
0x6cd: {  	[sflag:s10] =	ssyncset.done $0x0  }
0x6ce: {  	s18 =	simm.s32 $0x0;
	[sflag:s10] =	ssyncadd.s32 $0xFFFFE000  }
0x6cf: {  	[tilespmem:s11], [sflag:$0x2] =	stream.linear.gather [hbm4b:s3+s18], $0x2000, $0x38;
	[tilespmem:$0x1A080] =	vst v63  }
0x6d0: {  	s19 =	sand.u32 $0x1000, s18;
	s20 =	sand.u32 $0xC00, s18;
	s0 =	rddreg [dreg:$0x1b]  }
0x6d1: {  	[tilespmem:s12], [sflag:$0x2] =	stream.linear.gather [hbm4b:s0+s18], $0x2000, $0x38;
	[tilespmem:$0x1A080] =	vst v63  }
0x6d2: {  	s19 =	sor.u32 s20, s19;
	s18 =	sand.u32 $0x380, s18  }
0x6d3: {  	s18 =	sor.u32 s18, s19  }
0x6d4: {  	v2 =	vld [tilespmem:s18+$0x70]  }
0x6d5: {  	v3 =	vld [tilespmem:s18+$0x0]  }
0x6d6: {  	v4 =	vld [tilespmem:s18+$0x10]  }
0x6d7: {  	v5 =	vld [tilespmem:s18+$0x20]  }
0x6d8: {  	v7 =	vld [tilespmem:s18+$0x30]  }
0x6d9: {  	v10 =	vld [tilespmem:s18+$0x40]  }
0x6da: {  	v13 =	vld [tilespmem:s18+$0x60];
	v8 =	vmul.f32 $1.024000000e+03, v2  }
0x6db: {  	v9 =	vmul.f32 $1.024000000e+03, v3;
	v3 =	vmul.f32 $5.120000000e+02, v3  }
0x6dc: {  	v2 =	vmul.f32 $5.120000000e+02, v2;
	v12 =	vmul.f32 $1.024000000e+03, v4  }
0x6dd: {  	v4 =	vmul.f32 $5.120000000e+02, v4;
	v14 =	vmul.f32 $1.024000000e+03, v5  }
0x6de: {  	v6 =	vld [tilespmem:s18+$0x4070];
	v16 =	vmul.f32 $1.024000000e+03, v7;
	v18 =	vmul.f32 $1.024000000e+03, v10  }
0x6df: {  	v15 =	vld [tilespmem:s18+$0x4000];
	v20 =	vmul.f32 $1.024000000e+03, v13;
	v8 =	vadd.f32 $8.192000000e+03, v8;
	v9 =	vadd.f32 $8.192000000e+03, v9  }
0x6e0: {  	v19 =	vld [tilespmem:s18+$0x4030];
	v5 =	vmul.f32 $5.120000000e+02, v5;
	v2 =	vadd.f32 $8.705000000e+03, v2;
	v16 =	vadd.f32 $8.192000000e+03, v16  }
0x6e1: {  	v11 =	vld [tilespmem:s18+$0x50];
	v7 =	vmul.f32 $5.120000000e+02, v7;
	v18 =	vadd.f32 $8.192000000e+03, v18;
	v20 =	vadd.f32 $8.192000000e+03, v20  }
0x6e2: {  	v17 =	vld [tilespmem:s18+$0x4020];
	v10 =	vmul.f32 $5.120000000e+02, v10;
	v3 =	vadd.f32 $8.705000000e+03, v3;
	v4 =	vadd.f32 $8.705000000e+03, v4  }
0x6e3: {  	v22 =	vld [tilespmem:s18+$0x4040];
	v5 =	vadd.f32 $8.705000000e+03, v5;
	v7 =	vadd.f32 $8.705000000e+03, v7;
	v6 =	vmul.f32 v8, v6  }
0x6e4: {  	v13 =	vmul.f32 $5.120000000e+02, v13;
	v10 =	vadd.f32 $8.705000000e+03, v10;
	v8 =	vadd.f32 $8.192000000e+03, v12;
	v12 =	vld [tilespmem:s18+$0x4010]  }
0x6e5: {  	s21 =	simm.s32 $0x80;
	s20 =	simm.s32 $0x400;
	v9 =	vmul.f32 v9, v15;
	v15 =	vld [tilespmem:s18+$0x4060];
	v16 =	vmul.f32 v16, v19;
	v2 =	vsub.f32 v2, v6  }
0x6e6: {  	s22 =	sand.u32 $0xC00, s20;
	s19 =	sand.u32 $0x1000, s21;
	v23 =	vld [tilespmem:s18+$0x4050];
	s18 =	simm.s32 $0x20;
	v6 =	vadd.f32 $8.192000000e+03, v14;
	v14 =	vmul.f32 $1.024000000e+03, v11;
	v11 =	vmul.f32 $5.120000000e+02, v11  }
0x6e7: {  	s19 =	sor.u32 s22, s19;
	s23 =	sand.u32 $0x380, s18;
	v9 =	vsub.f32 v3, v9;
	v16 =	vsub.f32 v7, v16;
	v21 =	vtrunc.f32 v2  }
0x6e8: {  	v3 =	vadd.f32 $8.705000000e+03, v13;
	s19 =	sor.u32 s23, s19;
	v6 =	vmul.f32 v6, v17;
	v17 =	vmul.f32 v18, v22  }
0x6e9: {  	v25 =	vld [tilespmem:s19+$0x40];
	v14 =	vadd.f32 $8.192000000e+03, v14;
	v7 =	vtrunc.f32 v16;
	v21 =	vcvt.f32.s32 v21  }
0x6ea: {  	v27 =	vld [tilespmem:s19+$0x60];
	v8 =	vmul.f32 v8, v12;
	v13 =	vmul.f32 v20, v15;
	v15 =	vsub.f32 v5, v6  }
0x6eb: {  	v14 =	vmul.f32 v14, v23;
	v17 =	vsub.f32 v10, v17;
	v12 =	vsub.s32 $0x3000, v21  }
0x6ec: {  	v18 =	vld [tilespmem:s19+$0x10];
	v8 =	vsub.f32 v4, v8;
	v4 =	vtrunc.f32 v9;
	v6 =	vtrunc.f32 v15  }
0x6ed: {  	v28 =	vld [tilespmem:s19+$0x4000];
	v10 =	vtrunc.f32 v17;
	v4 =	vcvt.f32.s32 v4  }
0x6ee: {  	v29 =	vld [tilespmem:s19+$0x4010];
	v59 =	vmul.f32 $1.024000000e+03, v25;
	v25 =	vmul.f32 $5.120000000e+02, v25  }
0x6ef: {  	v3 =	vsub.f32 v3, v13;
	v13 =	vld [tilespmem:s19+$0x0];
	v36 =	vmul.f32 $1.024000000e+03, v27;
	v27 =	vmul.f32 $5.120000000e+02, v27  }
0x6f0: {  	v11 =	vadd.f32 $8.705000000e+03, v11;
	v5 =	vtrunc.f32 v8;
	v6 =	vcvt.f32.s32 v6;
	[tilespmem:v12+s13+$0x0] =	vst.idx.add.f32.msk $0xffff, v1  }
0x6f1: {  	v10 =	vcvt.f32.s32 v10;
	v26 =	vmul.f32 $1.024000000e+03, v18;
	[tilespmem:v12+s14+$0x0] =	vst.idx.add.f32.msk $0xffff, v2  }
0x6f2: {  	v18 =	vmul.f32 $5.120000000e+02, v18;
	v5 =	vcvt.f32.s32 v5;
	v2 =	vsub.f32 v11, v14;
	v11 =	vld [tilespmem:s19+$0x70]  }
0x6f3: {  	v19 =	vsub.s32 $0x3000, v4;
	v4 =	vcvt.f32.s32 v7;
	v7 =	vld [tilespmem:s19+$0x20];
	v36 =	vadd.f32 $8.192000000e+03, v36  }
0x6f4: {  	v31 =	vld [tilespmem:s19+$0x4020];
	v25 =	vadd.f32 $8.705000000e+03, v25;
	v24 =	vsub.s32 $0x3000, v10;
	v26 =	vadd.f32 $8.192000000e+03, v26  }
0x6f5: {  	v32 =	vld [tilespmem:s19+$0x4030];
	v18 =	vadd.f32 $8.705000000e+03, v18;
	v5 =	vsub.s32 $0x3000, v5;
	v10 =	vmul.f32 $1.024000000e+03, v13  }
0x6f6: {  	v20 =	vld [tilespmem:s19+$0x4070];
	v57 =	vsub.s32 $0x3000, v4;
	v13 =	vmul.f32 $5.120000000e+02, v13;
	v14 =	vtrunc.f32 v3  }
0x6f7: {  	v34 =	vld [tilespmem:s19+$0x4040];
	v55 =	vcvt.f32.s32 v14;
	v14 =	vsub.s32 $0x3000, v6;
	v56 =	vmul.f32 $1.024000000e+03, v11  }
0x6f8: {  	v6 =	vld [tilespmem:s19+$0x30];
	v10 =	vadd.f32 $8.192000000e+03, v10;
	v12 =	vtrunc.f32 v2;
	v58 =	vmul.f32 $1.024000000e+03, v7  }
0x6f9: {  	v60 =	vld [tilespmem:s19+$0x4060];
	v12 =	vcvt.f32.s32 v12;
	v11 =	vmul.f32 $5.120000000e+02, v11;
	v22 =	vadd.f32 $8.192000000e+03, v56  }
0x6fa: {  	v13 =	vadd.f32 $8.705000000e+03, v13;
	v7 =	vmul.f32 $5.120000000e+02, v7;
	[tilespmem:v19+s13+$0x0] =	vst.idx.add.f32.msk $0xffff, v1;
	v10 =	vmul.f32 v10, v28  }
0x6fb: {  	v4 =	vsub.s32 $0x3000, v12;
	v12 =	vld [tilespmem:s19+$0x50];
	v11 =	vadd.f32 $8.705000000e+03, v11;
	v20 =	vmul.f32 v22, v20  }
0x6fc: {  	v26 =	vmul.f32 v26, v29;
	[tilespmem:v19+s14+$0x0] =	vst.idx.add.f32.msk $0xffff, v9;
	v7 =	vadd.f32 $8.705000000e+03, v7;
	v9 =	vsub.f32 v13, v10  }
0x6fd: {  	[tilespmem:v5+s13+$0x0] =	vst.idx.add.f32.msk $0xffff, v1;
	v30 =	vmul.f32 $1.024000000e+03, v6;
	v6 =	vmul.f32 $5.120000000e+02, v6;
	v11 =	vsub.f32 v11, v20  }
0x6fe: {  	v62 =	vmul.f32 v36, v60;
	[tilespmem:v5+s14+$0x0] =	vst.idx.add.f32.msk $0xffff, v8;
	v10 =	vadd.f32 $8.705000000e+03, v27;
	v8 =	vsub.f32 v18, v26  }
0x6ff: {  	v37 =	vld [tilespmem:s19+$0x4050];
	v30 =	vadd.f32 $8.192000000e+03, v30;
	v6 =	vadd.f32 $8.705000000e+03, v6;
	v35 =	vtrunc.f32 v11  }
0x700: {  	v22 =	vadd.f32 $8.192000000e+03, v59;
	v33 =	vmul.f32 $1.024000000e+03, v12;
	v35 =	vcvt.f32.s32 v35  }
0x701: {  	v12 =	vmul.f32 $5.120000000e+02, v12;
	v19 =	vmul.f32 v30, v32;
	v20 =	vadd.f32 $8.192000000e+03, v58  }
0x702: {  	[tilespmem:v24+s13+$0x0] =	vst.idx.add.f32.msk $0xffff, v1;
	v22 =	vmul.f32 v22, v34;
	v33 =	vadd.f32 $8.192000000e+03, v33;
	v35 =	vsub.s32 $0x3000, v35  }
0x703: {  	[tilespmem:v57+s13+$0x0] =	vst.idx.add.f32.msk $0xffff, v1;
	v18 =	vtrunc.f32 v9;
	v5 =	vsub.f32 v6, v19;
	v20 =	vmul.f32 v20, v31  }
0x704: {  	[tilespmem:v24+s14+$0x0] =	vst.idx.add.f32.msk $0xffff, v17;
	v12 =	vadd.f32 $8.705000000e+03, v12;
	v6 =	vsub.f32 v25, v22;
	v61 =	vmul.f32 v33, v37  }
0x705: {  	[tilespmem:v14+s13+$0x0] =	vst.idx.add.f32.msk $0xffff, v1;
	v18 =	vcvt.f32.s32 v18;
	v63 =	vtrunc.f32 v5;
	v7 =	vsub.f32 v7, v20  }
0x706: {  	[tilespmem:v14+s14+$0x0] =	vst.idx.add.f32.msk $0xffff, v15;
	v25 =	vtrunc.f32 v6;
	v13 =	vsub.f32 v12, v61;
	v12 =	vsub.f32 v10, v62  }
0x707: {  	v10 =	vsub.s32 $0x3000, v55;
	v17 =	vcvt.f32.s32 v25;
	v20 =	vtrunc.f32 v7;
	[tilespmem:v35+s13+$0x0] =	vst.idx.add.f32.msk $0xffff, v1  }
0x708: {  	v14 =	vtrunc.f32 v13;
	[tilespmem:v35+s14+$0x0] =	vst.idx.add.f32.msk $0xffff, v11;
	v11 =	vtrunc.f32 v8  }
0x709: {  	[tilespmem:v57+s14+$0x0] =	vst.idx.add.f32.msk $0xffff, v16;
	v15 =	vtrunc.f32 v12;
	v19 =	vcvt.f32.s32 v11  }
0x70a: {  	s20 =	simm.s32 $0x800;
	s21 =	simm.s32 $0x100;
	s19 =	simm.s32 $0x8;
	[tilespmem:v4+s13+$0x0] =	vst.idx.add.f32.msk $0xffff, v1;
	v16 =	vcvt.f32.s32 v20;
	v11 =	vsub.s32 $0x3000, v18;
	v18 =	vcvt.f32.s32 v63  }
.LBB2_32:
0x70b: {  	s22 =	sand.u32 $0x1000, s21;
	s23 =	sand.u32 $0xC00, s20;
	v19 =	vsub.s32 $0x3000, v19;
	v14 =	vcvt.f32.s32 v14;
	v15 =	vcvt.f32.s32 v15;
	s18 =	sadd.s32 $0x20, s18;
	[tilespmem:v4+s14+$0x0] =	vst.idx.add.f32.msk $0xffff, v2;
	v2 =	vmovc v13  }
0x70c: {  	s19 =	sadd.s32 $0x8, s19;
	v16 =	vsub.s32 $0x3000, v16;
	s22 =	sor.u32 s23, s22;
	s23 =	sand.u32 $0x380, s18;
	v18 =	vsub.s32 $0x3000, v18;
	v17 =	vsub.s32 $0x3000, v17;
	[tilespmem:v10+s13+$0x0] =	vst.idx.add.f32.msk $0xffff, v1  }
0x70d: {  	p1 =	slt.u32 s19, $0x1F8;
	s22 =	sor.u32 s23, s22;
	v4 =	vsub.s32 $0x3000, v14;
	[tilespmem:v10+s14+$0x0] =	vst.idx.add.f32.msk $0xffff, v3;
	v10 =	vsub.s32 $0x3000, v15;
	v3 =	vmov v12  }
0x70e: {  	v12 =	vld [tilespmem:s22+$0x70]  }
0x70f: {  	v13 =	vld [tilespmem:s22+$0x0]  }
0x710: {  	v14 =	vld [tilespmem:s22+$0x10]  }
0x711: {  	v15 =	vld [tilespmem:s22+$0x20]  }
0x712: {  	v20 =	vld [tilespmem:s22+$0x4070]  }
0x713: {  	v21 =	vld [tilespmem:s22+$0x30];
	v22 =	vmul.f32 $1.024000000e+03, v12  }
0x714: {  	v23 =	vmul.f32 $5.120000000e+02, v13;
	v13 =	vmul.f32 $1.024000000e+03, v13;
	v24 =	vld [tilespmem:s22+$0x40]  }
0x715: {  	v12 =	vmul.f32 $5.120000000e+02, v12;
	v25 =	vmul.f32 $1.024000000e+03, v14;
	v26 =	vld [tilespmem:s22+$0x50];
	v22 =	vadd.f32 $8.192000000e+03, v22  }
0x716: {  	v14 =	vmul.f32 $5.120000000e+02, v14;
	v13 =	vadd.f32 $8.192000000e+03, v13;
	v27 =	vmul.f32 $1.024000000e+03, v15;
	v28 =	vld [tilespmem:s22+$0x60]  }
0x717: {  	v12 =	vadd.f32 $8.705000000e+03, v12;
	v29 =	vld [tilespmem:s22+$0x4000];
	v25 =	vadd.f32 $8.192000000e+03, v25;
	v20 =	vmul.f32 v22, v20  }
0x718: {  	v15 =	vmul.f32 $5.120000000e+02, v15;
	v22 =	vld [tilespmem:s22+$0x4010];
	v27 =	vadd.f32 $8.192000000e+03, v27;
	v30 =	vmul.f32 $1.024000000e+03, v21  }
0x719: {  	v21 =	vmul.f32 $5.120000000e+02, v21;
	v31 =	vld [tilespmem:s22+$0x4020];
	v32 =	vmul.f32 $1.024000000e+03, v24;
	v12 =	vsub.f32 v12, v20  }
0x71a: {  	v24 =	vmul.f32 $5.120000000e+02, v24;
	v20 =	vld [tilespmem:s22+$0x4030];
	v30 =	vadd.f32 $8.192000000e+03, v30;
	v33 =	vmul.f32 $1.024000000e+03, v26  }
0x71b: {  	v34 =	vld [tilespmem:s22+$0x4040];
	v32 =	vadd.f32 $8.192000000e+03, v32;
	v35 =	vmul.f32 $1.024000000e+03, v28;
	v36 =	vtrunc.f32 v12  }
0x71c: {  	v26 =	vmul.f32 $5.120000000e+02, v26;
	v37 =	vld [tilespmem:s22+$0x4050];
	v33 =	vadd.f32 $8.192000000e+03, v33;
	v36 =	vcvt.f32.s32 v36  }
0x71d: {  	v28 =	vmul.f32 $5.120000000e+02, v28;
	v13 =	vmul.f32 v13, v29;
	v29 =	vld [tilespmem:s22+$0x4060];
	v35 =	vadd.f32 $8.192000000e+03, v35  }
0x71e: {  	v22 =	vmul.f32 v25, v22;
	v25 =	vmul.f32 v27, v31;
	v27 =	vsub.s32 $0x3000, v36;
	[tilespmem:v11+s13+$0x0] =	vst.idx.add.f32.msk $0xffff, v1  }
0x71f: {  	v23 =	vadd.f32 $8.705000000e+03, v23;
	v14 =	vadd.f32 $8.705000000e+03, v14;
	v20 =	vmul.f32 v30, v20;
	[tilespmem:v11+s14+$0x0] =	vst.idx.add.f32.msk $0xffff, v9  }
0x720: {  	v11 =	vadd.f32 $8.705000000e+03, v15;
	v15 =	vadd.f32 $8.705000000e+03, v21;
	v21 =	vmul.f32 v32, v34;
	[tilespmem:v19+s13+$0x0] =	vst.idx.add.f32.msk $0xffff, v1  }
0x721: {  	v24 =	vadd.f32 $8.705000000e+03, v24;
	v26 =	vadd.f32 $8.705000000e+03, v26;
	v30 =	vmul.f32 v33, v37;
	[tilespmem:v19+s14+$0x0] =	vst.idx.add.f32.msk $0xffff, v8  }
0x722: {  	v9 =	vsub.f32 v23, v13;
	v19 =	vadd.f32 $8.705000000e+03, v28;
	v23 =	vmul.f32 v35, v29;
	[tilespmem:v16+s13+$0x0] =	vst.idx.add.f32.msk $0xffff, v1  }
0x723: {  	v8 =	vsub.f32 v14, v22;
	v11 =	vsub.f32 v11, v25;
	[tilespmem:v27+s13+$0x0] =	vst.idx.add.f32.msk $0xffff, v1  }
0x724: {  	v22 =	vtrunc.f32 v9;
	v15 =	vsub.f32 v15, v20;
	v20 =	vsub.f32 v24, v21;
	[tilespmem:v27+s14+$0x0] =	vst.idx.add.f32.msk $0xffff, v12  }
0x725: {  	v21 =	vtrunc.f32 v8;
	v13 =	vsub.f32 v26, v30;
	v12 =	vsub.f32 v19, v23;
	[tilespmem:v16+s14+$0x0] =	vst.idx.add.f32.msk $0xffff, v7  }
.Ltmp17:
0x726: {  	v23 =	vtrunc.f32 v15;
	v16 =	vtrunc.f32 v11;
	v7 =	vmov v11;
	[tilespmem:v18+s13+$0x0] =	vst.idx.add.f32.msk $0xffff, v1;
	(pc) =	sbr.rel @p1 .LBB2_32-.Ltmp17, $4  }
0x727: {  	v24 =	vtrunc.f32 v20;
	v14 =	vtrunc.f32 v13;
	[tilespmem:v18+s14+$0x0] =	vst.idx.add.f32.msk $0xffff, v5;
	v5 =	vmov v15  }
0x728: {  	v11 =	vcvt.f32.s32 v22;
	v15 =	vtrunc.f32 v12;
	[tilespmem:v17+s13+$0x0] =	vst.idx.add.f32.msk $0xffff, v1  }
0x729: {  	v19 =	vcvt.f32.s32 v21;
	v16 =	vcvt.f32.s32 v16;
	[tilespmem:v17+s14+$0x0] =	vst.idx.add.f32.msk $0xffff, v6;
	v6 =	vmov v20  }
0x72a: {  	s20 =	sadd.s32 $0x400, s20;
	s21 =	sadd.s32 $0x80, s21;
	v11 =	vsub.s32 $0x3000, v11;
	v18 =	vcvt.f32.s32 v23;
	v17 =	vcvt.f32.s32 v24;
	[tilespmem:v4+s13+$0x0] =	vst.idx.add.f32.msk $0xffff, v1  }
0x72b: {  	_ =	sdelay $0x3  }
0x72c: {  	v19 =	vsub.s32 $0x3000, v19;
	[tilespmem:v4+s14+$0x0] =	vst.idx.add.f32.msk $0xffff, v2  }
0x72d: {  	[tilespmem:v10+s13+$0x0] =	vst.idx.add.f32.msk $0xffff, v1;
	v2 =	vsub.s32 $0x3000, v16  }
0x72e: {  	[tilespmem:v11+s13+$0x0] =	vst.idx.add.f32.msk $0xffff, v1  }
0x72f: {  	[tilespmem:v10+s14+$0x0] =	vst.idx.add.f32.msk $0xffff, v3  }
0x730: {  	v3 =	vsub.s32 $0x3000, v18;
	[tilespmem:v11+s14+$0x0] =	vst.idx.add.f32.msk $0xffff, v9  }
0x731: {  	v9 =	vsub.s32 $0x3000, v17;
	[tilespmem:v19+s13+$0x0] =	vst.idx.add.f32.msk $0xffff, v1  }
0x732: {  	v4 =	vcvt.f32.s32 v14;
	[tilespmem:v2+s13+$0x0] =	vst.idx.add.f32.msk $0xffff, v1  }
0x733: {  	[tilespmem:v19+s14+$0x0] =	vst.idx.add.f32.msk $0xffff, v8  }
0x734: {  	v4 =	vsub.s32 $0x3000, v4;
	v8 =	vcvt.f32.s32 v15;
	[tilespmem:v2+s14+$0x0] =	vst.idx.add.f32.msk $0xffff, v7  }
0x735: {  	[tilespmem:v3+s13+$0x0] =	vst.idx.add.f32.msk $0xffff, v1  }
0x736: {  	[tilespmem:v9+s13+$0x0] =	vst.idx.add.f32.msk $0xffff, v1;
	v2 =	vsub.s32 $0x3000, v8  }
0x737: {  	[tilespmem:v3+s14+$0x0] =	vst.idx.add.f32.msk $0xffff, v5  }
0x738: {  	[tilespmem:v9+s14+$0x0] =	vst.idx.add.f32.msk $0xffff, v6  }
0x739: {  	[tilespmem:v4+s13+$0x0] =	vst.idx.add.f32.msk $0xffff, v1  }
0x73a: {  	[tilespmem:v4+s14+$0x0] =	vst.idx.add.f32.msk $0xffff, v13  }
0x73b: {  	[tilespmem:v2+s13+$0x0] =	vst.idx.add.f32.msk $0xffff, v1  }
0x73c: {  	[tilespmem:v2+s14+$0x0] =	vst.idx.add.f32.msk $0xffff, v12  }
0x73d: {  	_ =	swait.ge [sflag:s15], $0x2000  }
0x73e: {  	[sflag:s15] =	ssyncset.done $0x0  }
0x73f: {  	s18 =	simm.s32 $0x0;
	[sflag:s15] =	ssyncadd.s32 $0xFFFFE000  }
0x740: {  	s19 =	sand.u32 $0x1000, s18;
	s20 =	sand.u32 $0xC00, s18;
	_ =	swait.ge [sflag:s15], $0x2000  }
0x741: {  	s18 =	sand.u32 $0x380, s18;
	s19 =	sor.u32 s20, s19;
	[sflag:s15] =	ssyncset.done $0x0  }
0x742: {  	s18 =	sor.u32 s18, s19;
	[sflag:s15] =	ssyncadd.s32 $0xFFFFE000  }
0x743: {  	v2 =	vld [tilespmem:s18+$0x2070]  }
0x744: {  	v3 =	vld [tilespmem:s18+$0x2000]  }
0x745: {  	v4 =	vld [tilespmem:s18+$0x2010]  }
0x746: {  	v5 =	vld [tilespmem:s18+$0x2020]  }
0x747: {  	v7 =	vld [tilespmem:s18+$0x2030]  }
0x748: {  	v10 =	vld [tilespmem:s18+$0x2040]  }
0x749: {  	v13 =	vld [tilespmem:s18+$0x2060];
	v8 =	vmul.f32 $1.024000000e+03, v2  }
0x74a: {  	v9 =	vmul.f32 $1.024000000e+03, v3;
	v3 =	vmul.f32 $5.120000000e+02, v3  }
0x74b: {  	v2 =	vmul.f32 $5.120000000e+02, v2;
	v12 =	vmul.f32 $1.024000000e+03, v4  }
0x74c: {  	v4 =	vmul.f32 $5.120000000e+02, v4;
	v14 =	vmul.f32 $1.024000000e+03, v5  }
0x74d: {  	v6 =	vld [tilespmem:s18+$0x6070];
	v16 =	vmul.f32 $1.024000000e+03, v7;
	v18 =	vmul.f32 $1.024000000e+03, v10  }
0x74e: {  	v15 =	vld [tilespmem:s18+$0x6000];
	v20 =	vmul.f32 $1.024000000e+03, v13;
	v8 =	vadd.f32 $8.192000000e+03, v8;
	v9 =	vadd.f32 $8.192000000e+03, v9  }
0x74f: {  	v19 =	vld [tilespmem:s18+$0x6030];
	v5 =	vmul.f32 $5.120000000e+02, v5;
	v2 =	vadd.f32 $8.705000000e+03, v2;
	v16 =	vadd.f32 $8.192000000e+03, v16  }
0x750: {  	v11 =	vld [tilespmem:s18+$0x2050];
	v7 =	vmul.f32 $5.120000000e+02, v7;
	v18 =	vadd.f32 $8.192000000e+03, v18;
	v20 =	vadd.f32 $8.192000000e+03, v20  }
0x751: {  	v17 =	vld [tilespmem:s18+$0x6020];
	v10 =	vmul.f32 $5.120000000e+02, v10;
	v3 =	vadd.f32 $8.705000000e+03, v3;
	v4 =	vadd.f32 $8.705000000e+03, v4  }
0x752: {  	v22 =	vld [tilespmem:s18+$0x6040];
	v5 =	vadd.f32 $8.705000000e+03, v5;
	v7 =	vadd.f32 $8.705000000e+03, v7;
	v6 =	vmul.f32 v8, v6  }
0x753: {  	v13 =	vmul.f32 $5.120000000e+02, v13;
	v10 =	vadd.f32 $8.705000000e+03, v10;
	v8 =	vadd.f32 $8.192000000e+03, v12;
	v12 =	vld [tilespmem:s18+$0x6010]  }
0x754: {  	s21 =	simm.s32 $0x80;
	s20 =	simm.s32 $0x400;
	v9 =	vmul.f32 v9, v15;
	v15 =	vld [tilespmem:s18+$0x6060];
	v16 =	vmul.f32 v16, v19;
	v2 =	vsub.f32 v2, v6  }
0x755: {  	s19 =	sand.u32 $0x1000, s21;
	s22 =	sand.u32 $0xC00, s20;
	v23 =	vld [tilespmem:s18+$0x6050];
	s18 =	simm.s32 $0x20;
	v6 =	vadd.f32 $8.192000000e+03, v14;
	v14 =	vmul.f32 $1.024000000e+03, v11;
	v11 =	vmul.f32 $5.120000000e+02, v11  }
0x756: {  	s19 =	sor.u32 s22, s19;
	s23 =	sand.u32 $0x380, s18;
	v9 =	vsub.f32 v3, v9;
	v16 =	vsub.f32 v7, v16;
	v21 =	vtrunc.f32 v2  }
0x757: {  	v3 =	vadd.f32 $8.705000000e+03, v13;
	s19 =	sor.u32 s23, s19;
	v6 =	vmul.f32 v6, v17;
	v17 =	vmul.f32 v18, v22  }
0x758: {  	v25 =	vld [tilespmem:s19+$0x2040];
	v14 =	vadd.f32 $8.192000000e+03, v14;
	v7 =	vtrunc.f32 v16;
	v21 =	vcvt.f32.s32 v21  }
0x759: {  	v27 =	vld [tilespmem:s19+$0x2060];
	v8 =	vmul.f32 v8, v12;
	v13 =	vmul.f32 v20, v15;
	v15 =	vsub.f32 v5, v6  }
0x75a: {  	v14 =	vmul.f32 v14, v23;
	v17 =	vsub.f32 v10, v17;
	v12 =	vsub.s32 $0x3000, v21  }
0x75b: {  	v18 =	vld [tilespmem:s19+$0x2010];
	v8 =	vsub.f32 v4, v8;
	v4 =	vtrunc.f32 v9;
	v6 =	vtrunc.f32 v15  }
0x75c: {  	v28 =	vld [tilespmem:s19+$0x6000];
	v10 =	vtrunc.f32 v17;
	v4 =	vcvt.f32.s32 v4  }
0x75d: {  	v29 =	vld [tilespmem:s19+$0x6010];
	v59 =	vmul.f32 $1.024000000e+03, v25;
	v25 =	vmul.f32 $5.120000000e+02, v25  }
0x75e: {  	v3 =	vsub.f32 v3, v13;
	v13 =	vld [tilespmem:s19+$0x2000];
	v36 =	vmul.f32 $1.024000000e+03, v27;
	v27 =	vmul.f32 $5.120000000e+02, v27  }
0x75f: {  	v11 =	vadd.f32 $8.705000000e+03, v11;
	v5 =	vtrunc.f32 v8;
	v6 =	vcvt.f32.s32 v6;
	[tilespmem:v12+s13+$0x0] =	vst.idx.add.f32.msk $0xffff, v1  }
0x760: {  	v10 =	vcvt.f32.s32 v10;
	v26 =	vmul.f32 $1.024000000e+03, v18;
	[tilespmem:v12+s14+$0x0] =	vst.idx.add.f32.msk $0xffff, v2  }
0x761: {  	v18 =	vmul.f32 $5.120000000e+02, v18;
	v5 =	vcvt.f32.s32 v5;
	v2 =	vsub.f32 v11, v14;
	v11 =	vld [tilespmem:s19+$0x2070]  }
0x762: {  	v19 =	vsub.s32 $0x3000, v4;
	v4 =	vcvt.f32.s32 v7;
	v7 =	vld [tilespmem:s19+$0x2020];
	v36 =	vadd.f32 $8.192000000e+03, v36  }
0x763: {  	v31 =	vld [tilespmem:s19+$0x6020];
	v25 =	vadd.f32 $8.705000000e+03, v25;
	v24 =	vsub.s32 $0x3000, v10;
	v26 =	vadd.f32 $8.192000000e+03, v26  }
0x764: {  	v32 =	vld [tilespmem:s19+$0x6030];
	v18 =	vadd.f32 $8.705000000e+03, v18;
	v5 =	vsub.s32 $0x3000, v5;
	v10 =	vmul.f32 $1.024000000e+03, v13  }
0x765: {  	v20 =	vld [tilespmem:s19+$0x6070];
	v57 =	vsub.s32 $0x3000, v4;
	v13 =	vmul.f32 $5.120000000e+02, v13;
	v14 =	vtrunc.f32 v3  }
0x766: {  	v34 =	vld [tilespmem:s19+$0x6040];
	v55 =	vcvt.f32.s32 v14;
	v14 =	vsub.s32 $0x3000, v6;
	v56 =	vmul.f32 $1.024000000e+03, v11  }
0x767: {  	v6 =	vld [tilespmem:s19+$0x2030];
	v10 =	vadd.f32 $8.192000000e+03, v10;
	v12 =	vtrunc.f32 v2;
	v58 =	vmul.f32 $1.024000000e+03, v7  }
0x768: {  	v60 =	vld [tilespmem:s19+$0x6060];
	v12 =	vcvt.f32.s32 v12;
	v11 =	vmul.f32 $5.120000000e+02, v11;
	v22 =	vadd.f32 $8.192000000e+03, v56  }
0x769: {  	v13 =	vadd.f32 $8.705000000e+03, v13;
	v7 =	vmul.f32 $5.120000000e+02, v7;
	[tilespmem:v19+s13+$0x0] =	vst.idx.add.f32.msk $0xffff, v1;
	v10 =	vmul.f32 v10, v28  }
0x76a: {  	v4 =	vsub.s32 $0x3000, v12;
	v12 =	vld [tilespmem:s19+$0x2050];
	v11 =	vadd.f32 $8.705000000e+03, v11;
	v20 =	vmul.f32 v22, v20  }
0x76b: {  	v26 =	vmul.f32 v26, v29;
	[tilespmem:v19+s14+$0x0] =	vst.idx.add.f32.msk $0xffff, v9;
	v7 =	vadd.f32 $8.705000000e+03, v7;
	v9 =	vsub.f32 v13, v10  }
0x76c: {  	[tilespmem:v5+s13+$0x0] =	vst.idx.add.f32.msk $0xffff, v1;
	v30 =	vmul.f32 $1.024000000e+03, v6;
	v6 =	vmul.f32 $5.120000000e+02, v6;
	v11 =	vsub.f32 v11, v20  }
0x76d: {  	v62 =	vmul.f32 v36, v60;
	[tilespmem:v5+s14+$0x0] =	vst.idx.add.f32.msk $0xffff, v8;
	v10 =	vadd.f32 $8.705000000e+03, v27;
	v8 =	vsub.f32 v18, v26  }
0x76e: {  	v37 =	vld [tilespmem:s19+$0x6050];
	v30 =	vadd.f32 $8.192000000e+03, v30;
	v6 =	vadd.f32 $8.705000000e+03, v6;
	v35 =	vtrunc.f32 v11  }
0x76f: {  	v22 =	vadd.f32 $8.192000000e+03, v59;
	v33 =	vmul.f32 $1.024000000e+03, v12;
	v35 =	vcvt.f32.s32 v35  }
0x770: {  	v12 =	vmul.f32 $5.120000000e+02, v12;
	v19 =	vmul.f32 v30, v32;
	v20 =	vadd.f32 $8.192000000e+03, v58  }
0x771: {  	[tilespmem:v24+s13+$0x0] =	vst.idx.add.f32.msk $0xffff, v1;
	v22 =	vmul.f32 v22, v34;
	v33 =	vadd.f32 $8.192000000e+03, v33;
	v35 =	vsub.s32 $0x3000, v35  }
0x772: {  	[tilespmem:v57+s13+$0x0] =	vst.idx.add.f32.msk $0xffff, v1;
	v18 =	vtrunc.f32 v9;
	v5 =	vsub.f32 v6, v19;
	v20 =	vmul.f32 v20, v31  }
0x773: {  	[tilespmem:v24+s14+$0x0] =	vst.idx.add.f32.msk $0xffff, v17;
	v12 =	vadd.f32 $8.705000000e+03, v12;
	v6 =	vsub.f32 v25, v22;
	v61 =	vmul.f32 v33, v37  }
0x774: {  	[tilespmem:v14+s13+$0x0] =	vst.idx.add.f32.msk $0xffff, v1;
	v18 =	vcvt.f32.s32 v18;
	v63 =	vtrunc.f32 v5;
	v7 =	vsub.f32 v7, v20  }
0x775: {  	[tilespmem:v14+s14+$0x0] =	vst.idx.add.f32.msk $0xffff, v15;
	v25 =	vtrunc.f32 v6;
	v13 =	vsub.f32 v12, v61;
	v12 =	vsub.f32 v10, v62  }
0x776: {  	v10 =	vsub.s32 $0x3000, v55;
	v17 =	vcvt.f32.s32 v25;
	v20 =	vtrunc.f32 v7;
	[tilespmem:v35+s13+$0x0] =	vst.idx.add.f32.msk $0xffff, v1  }
0x777: {  	v14 =	vtrunc.f32 v13;
	[tilespmem:v35+s14+$0x0] =	vst.idx.add.f32.msk $0xffff, v11;
	v11 =	vtrunc.f32 v8  }
0x778: {  	[tilespmem:v57+s14+$0x0] =	vst.idx.add.f32.msk $0xffff, v16;
	v15 =	vtrunc.f32 v12;
	v19 =	vcvt.f32.s32 v11  }
0x779: {  	s20 =	simm.s32 $0x800;
	s21 =	simm.s32 $0x100;
	s19 =	simm.s32 $0x8;
	[tilespmem:v4+s13+$0x0] =	vst.idx.add.f32.msk $0xffff, v1;
	v16 =	vcvt.f32.s32 v20;
	v11 =	vsub.s32 $0x3000, v18;
	v18 =	vcvt.f32.s32 v63  }
.LBB2_34:
0x77a: {  	s22 =	sand.u32 $0x1000, s21;
	s23 =	sand.u32 $0xC00, s20;
	v19 =	vsub.s32 $0x3000, v19;
	v14 =	vcvt.f32.s32 v14;
	v15 =	vcvt.f32.s32 v15;
	s18 =	sadd.s32 $0x20, s18;
	[tilespmem:v4+s14+$0x0] =	vst.idx.add.f32.msk $0xffff, v2;
	v2 =	vmovc v13  }
0x77b: {  	s19 =	sadd.s32 $0x8, s19;
	v16 =	vsub.s32 $0x3000, v16;
	s22 =	sor.u32 s23, s22;
	s23 =	sand.u32 $0x380, s18;
	v18 =	vsub.s32 $0x3000, v18;
	v17 =	vsub.s32 $0x3000, v17;
	[tilespmem:v10+s13+$0x0] =	vst.idx.add.f32.msk $0xffff, v1  }
0x77c: {  	p1 =	slt.u32 s19, $0x1F8;
	s22 =	sor.u32 s23, s22;
	v4 =	vsub.s32 $0x3000, v14;
	[tilespmem:v10+s14+$0x0] =	vst.idx.add.f32.msk $0xffff, v3;
	v10 =	vsub.s32 $0x3000, v15;
	v3 =	vmov v12  }
0x77d: {  	v12 =	vld [tilespmem:s22+$0x2070]  }
0x77e: {  	v13 =	vld [tilespmem:s22+$0x2000]  }
0x77f: {  	v14 =	vld [tilespmem:s22+$0x2010]  }
0x780: {  	v15 =	vld [tilespmem:s22+$0x2020]  }
0x781: {  	v20 =	vld [tilespmem:s22+$0x6070]  }
0x782: {  	v21 =	vld [tilespmem:s22+$0x2030];
	v22 =	vmul.f32 $1.024000000e+03, v12  }
0x783: {  	v23 =	vmul.f32 $5.120000000e+02, v13;
	v13 =	vmul.f32 $1.024000000e+03, v13;
	v24 =	vld [tilespmem:s22+$0x2040]  }
0x784: {  	v12 =	vmul.f32 $5.120000000e+02, v12;
	v25 =	vmul.f32 $1.024000000e+03, v14;
	v26 =	vld [tilespmem:s22+$0x2050];
	v22 =	vadd.f32 $8.192000000e+03, v22  }
0x785: {  	v14 =	vmul.f32 $5.120000000e+02, v14;
	v13 =	vadd.f32 $8.192000000e+03, v13;
	v27 =	vmul.f32 $1.024000000e+03, v15;
	v28 =	vld [tilespmem:s22+$0x2060]  }
0x786: {  	v12 =	vadd.f32 $8.705000000e+03, v12;
	v29 =	vld [tilespmem:s22+$0x6000];
	v25 =	vadd.f32 $8.192000000e+03, v25;
	v20 =	vmul.f32 v22, v20  }
0x787: {  	v15 =	vmul.f32 $5.120000000e+02, v15;
	v22 =	vld [tilespmem:s22+$0x6010];
	v27 =	vadd.f32 $8.192000000e+03, v27;
	v30 =	vmul.f32 $1.024000000e+03, v21  }
0x788: {  	v21 =	vmul.f32 $5.120000000e+02, v21;
	v31 =	vld [tilespmem:s22+$0x6020];
	v32 =	vmul.f32 $1.024000000e+03, v24;
	v12 =	vsub.f32 v12, v20  }
0x789: {  	v24 =	vmul.f32 $5.120000000e+02, v24;
	v20 =	vld [tilespmem:s22+$0x6030];
	v30 =	vadd.f32 $8.192000000e+03, v30;
	v33 =	vmul.f32 $1.024000000e+03, v26  }
0x78a: {  	v34 =	vld [tilespmem:s22+$0x6040];
	v32 =	vadd.f32 $8.192000000e+03, v32;
	v35 =	vmul.f32 $1.024000000e+03, v28;
	v36 =	vtrunc.f32 v12  }
0x78b: {  	v26 =	vmul.f32 $5.120000000e+02, v26;
	v37 =	vld [tilespmem:s22+$0x6050];
	v33 =	vadd.f32 $8.192000000e+03, v33;
	v36 =	vcvt.f32.s32 v36  }
0x78c: {  	v28 =	vmul.f32 $5.120000000e+02, v28;
	v13 =	vmul.f32 v13, v29;
	v29 =	vld [tilespmem:s22+$0x6060];
	v35 =	vadd.f32 $8.192000000e+03, v35  }
0x78d: {  	v22 =	vmul.f32 v25, v22;
	v25 =	vmul.f32 v27, v31;
	v27 =	vsub.s32 $0x3000, v36;
	[tilespmem:v11+s13+$0x0] =	vst.idx.add.f32.msk $0xffff, v1  }
0x78e: {  	v23 =	vadd.f32 $8.705000000e+03, v23;
	v14 =	vadd.f32 $8.705000000e+03, v14;
	v20 =	vmul.f32 v30, v20;
	[tilespmem:v11+s14+$0x0] =	vst.idx.add.f32.msk $0xffff, v9  }
0x78f: {  	v11 =	vadd.f32 $8.705000000e+03, v15;
	v15 =	vadd.f32 $8.705000000e+03, v21;
	v21 =	vmul.f32 v32, v34;
	[tilespmem:v19+s13+$0x0] =	vst.idx.add.f32.msk $0xffff, v1  }
0x790: {  	v24 =	vadd.f32 $8.705000000e+03, v24;
	v26 =	vadd.f32 $8.705000000e+03, v26;
	v30 =	vmul.f32 v33, v37;
	[tilespmem:v19+s14+$0x0] =	vst.idx.add.f32.msk $0xffff, v8  }
0x791: {  	v9 =	vsub.f32 v23, v13;
	v19 =	vadd.f32 $8.705000000e+03, v28;
	v23 =	vmul.f32 v35, v29;
	[tilespmem:v16+s13+$0x0] =	vst.idx.add.f32.msk $0xffff, v1  }
0x792: {  	v8 =	vsub.f32 v14, v22;
	v11 =	vsub.f32 v11, v25;
	[tilespmem:v27+s13+$0x0] =	vst.idx.add.f32.msk $0xffff, v1  }
0x793: {  	v22 =	vtrunc.f32 v9;
	v15 =	vsub.f32 v15, v20;
	v20 =	vsub.f32 v24, v21;
	[tilespmem:v27+s14+$0x0] =	vst.idx.add.f32.msk $0xffff, v12  }
0x794: {  	v21 =	vtrunc.f32 v8;
	v13 =	vsub.f32 v26, v30;
	v12 =	vsub.f32 v19, v23;
	[tilespmem:v16+s14+$0x0] =	vst.idx.add.f32.msk $0xffff, v7  }
.Ltmp18:
0x795: {  	v23 =	vtrunc.f32 v15;
	v16 =	vtrunc.f32 v11;
	v7 =	vmov v11;
	[tilespmem:v18+s13+$0x0] =	vst.idx.add.f32.msk $0xffff, v1;
	(pc) =	sbr.rel @p1 .LBB2_34-.Ltmp18, $4  }
0x796: {  	v24 =	vtrunc.f32 v20;
	v14 =	vtrunc.f32 v13;
	[tilespmem:v18+s14+$0x0] =	vst.idx.add.f32.msk $0xffff, v5;
	v5 =	vmov v15  }
0x797: {  	v11 =	vcvt.f32.s32 v22;
	v15 =	vtrunc.f32 v12;
	[tilespmem:v17+s13+$0x0] =	vst.idx.add.f32.msk $0xffff, v1  }
0x798: {  	v19 =	vcvt.f32.s32 v21;
	v16 =	vcvt.f32.s32 v16;
	[tilespmem:v17+s14+$0x0] =	vst.idx.add.f32.msk $0xffff, v6;
	v6 =	vmov v20  }
0x799: {  	s20 =	sadd.s32 $0x400, s20;
	s21 =	sadd.s32 $0x80, s21;
	v11 =	vsub.s32 $0x3000, v11;
	v18 =	vcvt.f32.s32 v23;
	v17 =	vcvt.f32.s32 v24;
	[tilespmem:v4+s13+$0x0] =	vst.idx.add.f32.msk $0xffff, v1  }
0x79a: {  	_ =	sdelay $0x3  }
0x79b: {  	v19 =	vsub.s32 $0x3000, v19;
	[tilespmem:v4+s14+$0x0] =	vst.idx.add.f32.msk $0xffff, v2  }
0x79c: {  	[tilespmem:v10+s13+$0x0] =	vst.idx.add.f32.msk $0xffff, v1;
	v2 =	vsub.s32 $0x3000, v16  }
0x79d: {  	[tilespmem:v11+s13+$0x0] =	vst.idx.add.f32.msk $0xffff, v1  }
0x79e: {  	[tilespmem:v10+s14+$0x0] =	vst.idx.add.f32.msk $0xffff, v3  }
0x79f: {  	v3 =	vsub.s32 $0x3000, v18;
	[tilespmem:v11+s14+$0x0] =	vst.idx.add.f32.msk $0xffff, v9  }
0x7a0: {  	v62 =	vsub.s32 $0x3000, v17;
	[tilespmem:v19+s13+$0x0] =	vst.idx.add.f32.msk $0xffff, v1  }
0x7a1: {  	v61 =	vcvt.f32.s32 v14;
	[tilespmem:v2+s13+$0x0] =	vst.idx.add.f32.msk $0xffff, v1  }
0x7a2: {  	[tilespmem:v19+s14+$0x0] =	vst.idx.add.f32.msk $0xffff, v8  }
0x7a3: {  	v63 =	vcvt.f32.s32 v15;
	v4 =	vsub.s32 $0x3000, v61;
	[tilespmem:v2+s14+$0x0] =	vst.idx.add.f32.msk $0xffff, v7  }
0x7a4: {  	[tilespmem:v3+s13+$0x0] =	vst.idx.add.f32.msk $0xffff, v1  }
0x7a5: {  	v2 =	vsub.s32 $0x3000, v63;
	[tilespmem:v62+s13+$0x0] =	vst.idx.add.f32.msk $0xffff, v1  }
0x7a6: {  	[tilespmem:v3+s14+$0x0] =	vst.idx.add.f32.msk $0xffff, v5  }
0x7a7: {  	[tilespmem:v62+s14+$0x0] =	vst.idx.add.f32.msk $0xffff, v6  }
0x7a8: {  	[tilespmem:v4+s13+$0x0] =	vst.idx.add.f32.msk $0xffff, v1  }
0x7a9: {  	[tilespmem:v4+s14+$0x0] =	vst.idx.add.f32.msk $0xffff, v13  }
0x7aa: {  	[tilespmem:v2+s13+$0x0] =	vst.idx.add.f32.msk $0xffff, v1  }
0x7ab: {  	[tilespmem:v2+s14+$0x0] =	vst.idx.add.f32.msk $0xffff, v12  }
0x7ac: {  	[spmem:s4] =	stream.linear.scatter [tilespmem:s13], [sflag:$0x3], $0x1000, $0x38;
	[tilespmem:$0x1A080] =	vst v63  }
0x7ad: {  	_ =	swait.ge [sflag:s16], $0x1000  }
0x7ae: {  	[sflag:s16] =	ssyncset.done $0x0  }
0x7af: {  	s0 =	simm.s32 $0xA000;
	[sflag:s16] =	ssyncadd.s32 $0xFFFFF000  }
0x7b0: {  	[spmem:s6] =	stream.linear.scatter [tilespmem:s0], [sflag:$0x3], $0x2000, $0x38;
	[tilespmem:$0x1A080] =	vst v63  }
0x7b1: {  	_ =	swait.ge [sflag:s16], $0x2000  }
0x7b2: {  	[sflag:s16] =	ssyncset.done $0x0  }
0x7b3: {  	[sflag:s16] =	ssyncadd.s32 $0xFFFFE000  }
0x7b4: {  	[spmem:s7] =	stream.linear.scatter [tilespmem:s14], [sflag:$0x3], $0x1000, $0x38;
	[tilespmem:$0x1A080] =	vst v63  }
0x7b5: {  	_ =	swait.ge [sflag:s16], $0x1000  }
0x7b6: {  	[sflag:s16] =	ssyncset.done $0x0  }
0x7b7: {  	s23 =	simm.s32 $0xE000;
	[sflag:s16] =	ssyncadd.s32 $0xFFFFF000  }
0x7b8: {  	[spmem:s8] =	stream.linear.scatter [tilespmem:s23], [sflag:$0x3], $0x1000, $0x38;
	[tilespmem:$0x1A080] =	vst v63  }
.Ltmp19:
0x7b9: {  	_ =	swait.ge [sflag:s16], $0x1000;
	(pc) =	sbr.rel @p0 .LBB2_41-.Ltmp19, $3  }
0x7ba: {  	[sflag:s16] =	ssyncset.done $0x0  }
0x7bb: {  	[sflag:s16] =	ssyncadd.s32 $0xFFFFF000  }
0x7bc: {  	[bflag:$0x0] =	sbarrier.arrive $0xFFFF;
	_ =	sdelay $0x1  }
0x7bd: {  	s1 =	smov.u32 s4;
	s4 =	smov.u32 s8;
	s8 =	smov.u32 s7  }
0x7be: {  	s7 =	smov.u32 s6;
	s6 =	smov.u32 s5;
	s5 =	smov.u32 s3  }
0x7bf: {  	s3 =	smov.u32 s2;
	s2 =	smov.u32 s31;
	s0 =	smov.u32 s30  }
0x7c0: {  	s31 =	smov.u32 s29;
	s18 =	rddreg [dreg:$0x1d];
	s19 =	simm.s32 $0x10000  }
0x7c1: {  	[tilespmem:s19], [sflag:$0x3] =	stream.linear.gather [spmem:s18], $0x5000, $0x38;
	[tilespmem:$0x1A080] =	vst v63  }
0x7c2: {  	s30 =	smov.u32 s28;
	s29 =	smov.u32 s26;
	_ =	swait.ge [sflag:s16], $0x5000  }
0x7c3: {  	s26 =	smov.u32 s24;
	s24 =	simm.s32 $0x0;
	[sflag:s16] =	ssyncset.done $0x0  }
0x7c4: {  	s28 =	smov.u32 s25;
	s25 =	sand.u32 $0x1FF0, s24;
	[sflag:s16] =	ssyncadd.s32 $0xFFFFB000  }
0x7c5: {  	v2 =	vld [tilespmem:s25+$0xA000]  }
0x7c6: {  	v4 =	vimm.f32 $0.0e+00;
	s18 =	simm.s32 $0x10;
	v3 =	vld [tilespmem:s25+$0x11000]  }
.LBB2_37:
0x7c7: {  	p1 =	sne.s32 s18, $0x1FF0  }
.Ltmp20:
0x7c8: {  	_ = 	snop;
	(pc) =	sbr.rel @p1 .LBB2_37-.Ltmp20, $4  }
0x7c9: {  	_ = 	snop  }
0x7ca: {  	s19 =	sand.u32 $0x1FF0, s18;
	v4 =	vadd.f32 v2, v4  }
0x7cb: {  	v2 =	vld [tilespmem:s19+$0xA000]  }
0x7cc: {  	s18 =	sadd.s32 $0x10, s18;
	v4 =	vadd.f32 v3, v4;
	v3 =	vld [tilespmem:s19+$0x11000]  }
0x7cd: {  	s18 =	simm.s32 $0x10000  }
0x7ce: {  	s20 =	simm.s32 $0xA000;
	v5 =	vld [tilespmem:s18+$0x0]  }
0x7cf: {  	s19 =	simm.s32 $0x0;
	v6 =	vld [tilespmem:s20+$0xFFFFE000]  }
0x7d0: {  	s24 =	sand.u32 $0xFF0, s19;
	v8 =	vld [tilespmem:s20+$0x0]  }
0x7d1: {  	v7 =	vld [tilespmem:s24+$0x11000];
	_ =	sdelay $0x1  }
0x7d2: {  	v2 =	vadd.f32 v2, v4;
	_ =	sdelay $0x1  }
0x7d3: {  	s21 =	simm.s32 $0xA010;
	v2 =	vadd.f32 v3, v2  }
0x7d4: {  	v10 =	vld [tilespmem:s21+$0xFFFFE000];
	v3 =	vadd.f32 v5, v6;
	v4 =	vadd.f32 v7, v8  }
0x7d5: {  	s22 =	simm.s32 $0xE010;
	v12 =	vld [tilespmem:s21+$0x0]  }
0x7d6: {  	s25 =	simm.s32 $0xE000;
	v14 =	vld [tilespmem:s22+$0xFFFFE000];
	(xrf2) =	vadd.scan.msk.f32 $0xffff, v2;
	v5 =	vadd.f32 v4, v3  }
0x7d7: {  	v6 =	vld [tilespmem:s25+$0x0];
	(xrf2) =	vadd.scan.msk.f32 $0xffff, v4  }
0x7d8: {  	v2 =	vld [tilespmem:s25+$0xFFFFE000];
	(xrf2) =	vadd.scan.msk.f32 $0xffff, v5  }
0x7d9: {  	v7 =	vld [tilespmem:s24+$0x14000]  }
0x7da: {  	s19 =	simm.s32 $0x10010;
	s20 =	simm.s32 $0x10;
	v8 =	vld [tilespmem:s24+$0x13000]  }
0x7db: {  	v9 =	vld [tilespmem:s19+$0x0];
	s19 =	sand.u32 $0xFF0, s20  }
0x7dc: {  	v11 =	vld [tilespmem:s19+$0x11000]  }
0x7dd: {  	v17 =	vld [tilespmem:s19+$0x13000]  }
0x7de: {  	v6 =	vadd.f32 v7, v6;
	v7 =	vld [tilespmem:s22+$0x0]  }
0x7df: {  	v2 =	vadd.f32 v8, v2;
	v8 =	vld [tilespmem:s19+$0x14000]  }
0x7e0: {  	v13, _, _ =	vpop (xrf2)  }
0x7e1: {  	v15, _, _ =	vpop (xrf2)  }
0x7e2: {  	v9 =	vadd.f32 v9, v10;
	v16, _, _ =	vpop (xrf2)  }
0x7e3: {  	s24 =	simm.s32 $0xE020;
	v18 =	vadd.f32 v11, v12;
	(v2sf) =	vpush v16, $0xF  }
0x7e4: {  	s25 =	simm.s32 $0x20;
	v11 =	vld [tilespmem:s24+$0xFFFFE000];
	v7 =	vadd.f32 v8, v7;
	v8 =	vadd.f32 v17, v14  }
0x7e5: {  	s18 =	sand.u32 $0xFF0, s25;
	v19 =	vld [tilespmem:s24+$0x0];
	v12 =	vadd.f32 v18, v9  }
0x7e6: {  	s19 =	simm.f32 $0.0e+00;
	v6 =	vadd.f32 v6, v2;
	(xrf2) =	vadd.scan.msk.f32 $0xffff, v18;
	v2 =	vbroadcast v13, $0xF;
	v13 =	vld [tilespmem:s18+$0x14000];
	v7 =	vadd.f32 v7, v8  }
0x7e7: {  	(xrf2) =	vadd.scan.msk.f32 $0xffff, v12;
	v8 =	vld [tilespmem:s18+$0x13000];
	v16 =	vadd.f32 s19, v16;
	(v2sf) =	vpush v15, $0xF  }
0x7e8: {  	s23 =	simm.s32 $0x10020;
	v3 =	vmul.f32 $-8.193000000e+03, v3;
	v9 =	vmul.f32 $-8.193000000e+03, v9  }
0x7e9: {  	v10 =	vld [tilespmem:s23+$0x0];
	v17 =	vmax.f32 v5, $1.000000000e+00;
	v15 =	vadd.f32 s19, v15;
	v21 =	vadd.f32 v16, v2  }
0x7ea: {  	s21 =	simm.s32 $0xA020;
	v20 =	vld [tilespmem:s18+$0x11000];
	v6 =	vadd.f32 v3, v6;
	(erf) = vrcp.f32 v17;
	v7 =	vadd.f32 v9, v7  }
0x7eb: {  	v14 =	vld [tilespmem:s21+$0xFFFFE000];
	v9 =	vmax.f32 v12, $1.000000000e+00;
	v5 =	vsub.f32 v16, v5;
	v21 =	vsub.f32 v21, v15  }
0x7ec: {  	v17 =	vld [tilespmem:s21+$0x0];
	(erf) = vrcp.f32 v9;
	v9 =	vadd.f32 v13, v19;
	v11 =	vadd.f32 v8, v11  }
0x7ed: {  	v23 =	vsub.f32 v15, v4;
	v22 =	vadd.f32 v5, v2;
	v13 =	vmax.f32 v21, $1.000000000e+00  }
0x7ee: {  	s24 =	simm.s32 $0x30  }
0x7ef: {  	v6 =	vsub.f32 v6, v4;
	s21 =	sand.u32 $0xFF0, s24;
	v4 =	vsub.f32 v22, v23  }
0x7f0: {  	s23 =	simm.s32 $0xE030;
	v24 =	vld [tilespmem:s21+$0x13000];
	v10 =	vadd.f32 v10, v14;
	(erf) = vrcp.f32 v13;
	v13, _, _ =	vpop (xrf2)  }
0x7f1: {  	v19 =	vld [tilespmem:s23+$0xFFFFE000];
	v9 =	vadd.f32 v9, v11;
	v8 =	vmax.f32 v4, $1.000000000e+00;
	v4 =	vadd.f32 v20, v17;
	v11, _, _ =	vpop (xrf2)  }
0x7f2: {  	vm0 =	vgt.f32 v16, $0.0e+00;
	v16 =	vld [tilespmem:s23+$0x0];
	(erf) = vrcp.f32 v8;
	s25 =	spop (v2sf);
	(v2sf) =	vpush v11, $0xF  }
0x7f3: {  	s22 =	simm.s32 $0x10030;
	v17 =	vld [tilespmem:s21+$0x14000];
	v8 =	vmul.f32 $1.953125000e-03, v6;
	v6 =	vmul.f32 $-8.193000000e+03, v10;
	v10 =	vadd.f32 v4, v10  }
0x7f4: {  	s20 =	simm.s32 $0xA030;
	v3 =	vimm.f32 $0.0e+00;
	v14 =	vld [tilespmem:s22+$0x0];
	(xrf2) =	vadd.scan.msk.f32 $0xffff, v4;
	(v2sf) =	vpush v13, $0xF  }
0x7f5: {  	v7 =	vsub.f32 v7, v18;
	vm2 =	vmmov vm0;
	vm1 =	vgt.f32 v5, $0.0e+00;
	v20 =	vld [tilespmem:s20+$0xFFFFE000];
	(xrf2) =	vadd.scan.msk.f32 $0xffff, v10;
	s18 =	sadd.f32 s25, s19  }
0x7f6: {  	v15 =	vsub.f32 v2, v15;
	v5 =	vadd.f32 v6, v9;
	v6 =	vmax.f32 v10, $1.000000000e+00;
	s22 =	spop (v2sf)  }
0x7f7: {  	v25 =	vld [tilespmem:s20+$0x0];
	v23 =	vsub.f32 v2, v23;
	(erf) = vrcp.f32 v6;
	s19 =	sadd.f32 s22, s19;
	v22 =	vadd.f32 s18, v11  }
0x7f8: {  	vm3 =	vmmov vm1;
	v21 =	vld [tilespmem:s21+$0x11000];
	v19 =	vadd.f32 v24, v19;
	v16 =	vadd.f32 v17, v16;
	v11 =	vpop (erf)  }
0x7f9: {  	v9 =	vmul.f32 $1.953125000e-03, v7;
	v6 =	vpop (erf);
	v26 =	vsub.f32 v22, v12;
	v12 =	vadd.f32 s19, v13  }
0x7fa: {  	v17 =	vadd.f32 v14, v20;
	vm0 =	vgt.f32 v22, $0.0e+00;
	v7 =	vadd.f32 v22, v2;
	v62 =	vpop (erf)  }
0x7fb: {  	v14 =	vpop (erf);
	vm1 =	vgt.f32 v26, $0.0e+00;
	v22 =	vadd.f32 v26, v2;
	v13 =	vsub.f32 v12, v18  }
0x7fc: {  	v18 =	vmul.f32 v62, v15;
	v63 =	vsub.f32 v7, v12;
	v23 =	vmul.f32 v14, v23  }
0x7fd: {  	v7 =	vadd.f32 v21, v25;
	v14 =	vmul.f32 $-8.193000000e+03, v17;
	v20 =	vsub.f32 v22, v13  }
0x7fe: {  	s23 =	simm.s32 $0x10040;
	s21 =	simm.s32 $0x40;
	s22 =	simm.s32 $0xE040;
	v15, _, _ =	vpop (xrf2);
	v22 =	vmax.f32 v63, $1.000000000e+00;
	v18 =	vsub.f32 $1.000000000e+00, v18;
	v21 =	vsub.f32 $1.000000000e+00, v23  }
.LBB2_39:
0x7ff: {  	v23 =	vld [tilespmem:s23+$0x0];
	s24 =	sand.u32 $0xFF0, s21;
	p1 =	sne.s32 s21, $0xFF0;
	s21 =	sadd.s32 $0x10, s21;
	v16 =	vadd.f32 v16, v19;
	v19, _, _ =	vpop (xrf2);
	v20 =	vmax.f32 v20, $1.000000000e+00;
	(erf) = vrcp.f32 v22  }
0x800: {  	v22 =	vld [tilespmem:s22+$0xFFFFE000];
	(xrf2) =	vadd.scan.msk.f32 $0xffff, v7;
	v24 =	vpop (erf);
	(v2sf) =	vpush v19, $0xF;
	(erf) = vrcp.f32 v20;
	v20 =	vnsel vm3, $0x0, v21  }
0x801: {  	v17 =	vadd.f32 v7, v17;
	s20 =	sadd.s32 $0x10, s20;
	v18 =	vnsel vm2, $0x0, v18;
	v25 =	vmul.f32 v8, v11;
	v11 =	vmovc v6;
	v21 =	vld [tilespmem:s22+$0x0];
	s25 =	spop (v2sf);
	v6 =	vmovc v24  }
0x802: {  	v8 =	vmovc v9;
	vm2 =	vmmov vm0;
	v18 =	vsub.f32 v18, v20;
	v24 =	vld [tilespmem:s24+$0x14000];
	(v2sf) =	vpush v15, $0xF;
	s18 =	sadd.f32 s25, s18  }
0x803: {  	v26 =	vsub.f32 v5, v4;
	v9 =	vmax.f32 v17, $1.000000000e+00;
	v5 =	vadd.f32 v14, v16;
	v20 =	vld [tilespmem:s20+$0xFFFFE000];
	(xrf2) =	vadd.scan.msk.f32 $0xffff, v17;
	s25 =	spop (v2sf)  }
0x804: {  	vm3 =	vmmov vm1;
	v16 =	vmul.f32 v18, v25;
	v27 =	vld [tilespmem:s24+$0x11000];
	v14 =	vadd.f32 s18, v19;
	s19 =	sadd.f32 s25, s19  }
0x805: {  	v25 =	vsub.f32 v2, v13;
	v19 =	vsub.f32 v2, v12;
	v18 =	vld [tilespmem:s24+$0x13000];
	(erf) = vrcp.f32 v9  }
0x806: {  	v3 =	vadd.f32 v16, v3;
	v28 =	vld [tilespmem:s20+$0x0];
	v13 =	vsub.f32 v14, v10;
	vm0 =	vgt.f32 v14, $0.0e+00;
	v10 =	vmovc v17  }
0x807: {  	v9 =	vmul.f32 $1.953125000e-03, v26;
	v12 =	vadd.f32 s19, v15;
	v16 =	vadd.f32 v24, v21  }
.Ltmp21:
0x808: {  	v14 =	vadd.f32 v14, v2;
	vm1 =	vgt.f32 v13, $0.0e+00;
	v21 =	vadd.f32 v13, v2;
	v15 =	vpop (erf);
	(pc) =	sbr.rel @p1 .LBB2_39-.Ltmp21, $4  }
0x809: {  	v17 =	vadd.f32 v23, v20;
	v13 =	vsub.f32 v12, v4;
	v23 =	vmul.f32 v15, v19;
	v4 =	vpop (erf)  }
0x80a: {  	v19 =	vadd.f32 v18, v22;
	v15, _, _ =	vpop (xrf2);
	v18 =	vsub.f32 v14, v12;
	v24 =	vmul.f32 v4, v25  }
0x80b: {  	v14 =	vmul.f32 $-8.193000000e+03, v17;
	v20 =	vsub.f32 v21, v13;
	v4 =	vmovc v7;
	v7 =	vadd.f32 v27, v28  }
0x80c: {  	s23 =	sadd.s32 $0x10, s23;
	s22 =	sadd.s32 $0x10, s22;
	v22 =	vmax.f32 v18, $1.000000000e+00;
	v18 =	vsub.f32 $1.000000000e+00, v23;
	v21 =	vsub.f32 $1.000000000e+00, v24  }
.Ltmp22:
0x80d: {  	_ = 	snop;
	(pc) =	sbr.rel .LBB2_40-.Ltmp22, $1  }
0x80e: {  	_ =	sdelay $0x3  }
.LBB2_42:
0x80f: {  	_ =	sfence.sel $0x180000  }
0x810: {  	[bflag:$0x0] =	sbarrier.arrive $0xFFFF  }
0x811: {  	_ =	strace $0x90000047  }
0x812: {  	s0 =	stileid.u32;
	[bflag:$0x2] =	sbarrier.arrive $0xFFFF  }
0x813: {  	p0 =	sne.s32 s0, $0x0;
	s0 =	rddreg [dreg:$0x4]  }
0x814: {  	s0 =	sadd.s32 @!p0 $0x100000, s0  }
0x815: {  	[sflag:s0] =	ssyncadd.tile.s32 @!p0 $0x1;
	_ =	shalt  }
.Lfunc_end2:
_tile_overlayer_lowered:
.L_overlay_start_2:
0x816: {  	(tag) =	ssettag $0x2  }
0x817: {  	s0 =	rddreg [dreg:$0x0];
	s2 =	stileid.u32  }
0x818: {  	s1 =	rddreg [dreg:$0x1];
	p0 =	sne.s32 s2, $0x0  }
0x819: {  	s3 =	rddreg [dreg:$0x2];
	[bflag:$0x3] =	sbarrier.arrive $0xFFFF;
	s2 =	simm.s32 @!p0 $0x1C03  }
0x81a: {  	[timem:s3], [sflag:s2] =	dma.local @!p0 [hbm:s0], s1  }
0x81b: {  	s0 =	simm.s32 @!p0 $0x3  }
0x81c: {  	_ =	swait.ge @!p0 [sflag:s0], s1  }
0x81d: {  	s1 =	ssub.s32 @!p0 $0x0, s1;
	[sflag:s0] =	ssyncset.done @!p0 $0x0  }
0x81e: {  	[sflag:s0] =	ssyncadd.s32 @!p0 s1  }
0x81f: {  	[bflag:$0x3] =	sbarrier.arrive $0xFFFF  }
0x820: {  	_ =	shalt  }

</sc_bundles>
